<compile_context>
chip_gen: v7x
topology: tpu7x:2x2x1
jax: 0.10.2.dev20260603
libtpu: 0.0.44.dev20260713+nightly
codegen_flags: <defaults>
</compile_context>

<pallas_src>
import jax
import jax.numpy as jnp
from jax import lax
from jax.experimental import pallas as pl
from jax.experimental.pallas import tpu as pltpu
from jax.experimental.pallas import tpu_sc as plsc

VOCAB = 100000
EMBED_DIM = 64
BATCH = 4096
HIST = 50
LSH_WEIGHT_SIZE = VOCAB * EMBED_DIM

NUM_CORES = 2
NUM_SUBCORES = 16
NUM_WORKERS = NUM_CORES * NUM_SUBCORES
LANES = 16
VPR = EMBED_DIM // LANES

P1_PER_TILE = VOCAB * EMBED_DIM // NUM_WORKERS
P1_CHUNK = 25000
P1_CHUNKS = P1_PER_TILE // P1_CHUNK

BAGS_PER_WORKER = BATCH // NUM_WORKERS
CHUNK_BAGS = 16
NUM_CHUNKS = BAGS_PER_WORKER // CHUNK_BAGS
CHUNK_ROWS = CHUNK_BAGS * HIST


def _p1_body(mh_hbm, w_hbm, vt_hbm, midx0, midx1, wval0, wval1,
             sem_m, sem_g, sem_s):
    wid = lax.axis_index("s") * NUM_CORES + lax.axis_index("c")
    base = wid * P1_PER_TILE
    midx = (midx0, midx1)
    wval = (wval0, wval1)

    def start_mload(c, buf):
        off = base + (c % P1_CHUNKS) * P1_CHUNK
        pltpu.make_async_copy(mh_hbm.at[pl.ds(off, P1_CHUNK)], buf,
                              sem_m).start()

    def start_store(c, buf):
        off = base + c * P1_CHUNK
        pltpu.make_async_copy(buf, vt_hbm.at[pl.ds(off, P1_CHUNK)],
                              sem_s).start()

    start_mload(0, midx[0])

    def superstep(s, _):
        for p in range(2):
            c = s * 2 + p
            q = 1 - p
            pltpu.make_async_copy(mh_hbm.at[pl.ds(base, P1_CHUNK)], midx[p],
                                  sem_m).wait()
            start_mload(c + 1, midx[q])
            @pl.when(c >= 2)
            def _():
                pltpu.make_async_copy(wval[p],
                                      vt_hbm.at[pl.ds(base, P1_CHUNK)],
                                      sem_s).wait()
            pltpu.async_copy(w_hbm.at[midx[p]], wval[p], sem_g).wait()
            start_store(c, wval[p])
        return 0

    lax.fori_loop(0, P1_CHUNKS // 2, superstep, 0)

    pltpu.make_async_copy(mh_hbm.at[pl.ds(base, P1_CHUNK)], midx[0],
                          sem_m).wait()
    for p in range(2):
        pltpu.make_async_copy(wval[p], vt_hbm.at[pl.ds(base, P1_CHUNK)],
                              sem_s).wait()


def _p2_body(idx_hbm, vt_hbm, out_hbm, idx_v, vals0, vals1, out_v, sem_r):
    wid = lax.axis_index("s") * NUM_CORES + lax.axis_index("c")
    base_bag = wid * BAGS_PER_WORKER
    vals = (vals0, vals1)

    pltpu.sync_copy(idx_hbm.at[pl.ds(base_bag * HIST, BAGS_PER_WORKER * HIST)],
                    idx_v)

    def start_gather(c, buf):
        off = (c % NUM_CHUNKS) * CHUNK_ROWS
        pltpu.make_async_copy(
            vt_hbm.at[idx_v.at[pl.ds(off, CHUNK_ROWS)]], buf, sem_r).start()

    def wait_gather(buf):
        pltpu.make_async_copy(
            vt_hbm.at[idx_v.at[pl.ds(0, CHUNK_ROWS)]], buf, sem_r).wait()

    def reduce_chunk(c, vbuf):
        def bag_body(i, _):
            rbase = i * HIST
            obase = c * CHUNK_BAGS + i
            for d in range(VPR):
                acc = vbuf[rbase, pl.ds(d * LANES, LANES)]
                for h in range(1, HIST):
                    acc = acc + vbuf[rbase + h, pl.ds(d * LANES, LANES)]
                out_v[obase, pl.ds(d * LANES, LANES)] = acc
            return 0
        lax.fori_loop(0, CHUNK_BAGS, bag_body, 0)

    start_gather(0, vals[0])

    def superstep(s, _):
        for p in range(2):
            c = s * 2 + p
            q = 1 - p
            wait_gather(vals[p])
            start_gather(c + 1, vals[q])
            reduce_chunk(c, vals[p])
        return 0

    lax.fori_loop(0, NUM_CHUNKS // 2, superstep, 0)

    wait_gather(vals[0])

    pltpu.sync_copy(out_v, out_hbm.at[pl.ds(base_bag, BAGS_PER_WORKER)])


@jax.jit
def kernel(indices, minhash_table, hashed_weight):
    mesh = plsc.VectorSubcoreMesh(core_axis_name="c", subcore_axis_name="s",
                                  num_cores=NUM_CORES,
                                  num_subcores=NUM_SUBCORES)
    params = pltpu.CompilerParams(use_tc_tiling_on_sc=False)

    build_vt = pl.kernel(
        _p1_body,
        out_type=jax.ShapeDtypeStruct((VOCAB * EMBED_DIM,), jnp.float32),
        mesh=mesh,
        compiler_params=params,
        scratch_types=[
            pltpu.VMEM((P1_CHUNK,), jnp.int32),
            pltpu.VMEM((P1_CHUNK,), jnp.int32),
            pltpu.VMEM((P1_CHUNK,), jnp.float32),
            pltpu.VMEM((P1_CHUNK,), jnp.float32),
            pltpu.SemaphoreType.DMA,
            pltpu.SemaphoreType.DMA,
            pltpu.SemaphoreType.DMA,
        ],
    )
    bag_reduce = pl.kernel(
        _p2_body,
        out_type=jax.ShapeDtypeStruct((BATCH, EMBED_DIM), jnp.float32),
        mesh=mesh,
        compiler_params=params,
        scratch_types=[
            pltpu.VMEM((BAGS_PER_WORKER * HIST,), jnp.int32),
            pltpu.VMEM((CHUNK_ROWS, EMBED_DIM), jnp.float32),
            pltpu.VMEM((CHUNK_ROWS, EMBED_DIM), jnp.float32),
            pltpu.VMEM((BAGS_PER_WORKER, EMBED_DIM), jnp.float32),
            pltpu.SemaphoreType.DMA,
        ],
    )

    vt = build_vt(minhash_table.reshape(-1), hashed_weight)
    return bag_reduce(indices.reshape(-1), vt.reshape(VOCAB, EMBED_DIM))

# --- scband reference (transcript-rebuilt; emitter-appended) ---
"""Pipeline reference for scband-lsh-embedding-bag-67843303407820 (READ-ONLY COPY).

The authoritative reference and input builder live on the scoring server;
editing this copy changes nothing except your own understanding.
"""

import jax, jax.numpy as jnp
import numpy as np

VOCAB = 100000
EMBED_DIM = 64
BATCH = 4096
HIST = 50
# compression = 1.0 -> lsh_weight_size = ceil(VOCAB * EMBED_DIM * 1.0)
LSH_WEIGHT_SIZE = VOCAB * EMBED_DIM


def setup_inputs(seed: int = 0) -> dict:
    key = jax.random.key(seed)
    k1, k2, k3 = jax.random.split(key, 3)
    # forward arg: 2D bag of indices (offsets=None path in the torch module)
    indices = jax.random.randint(k1, (BATCH, HIST), 0, VOCAB, dtype=jnp.int32)
    # buffer: min-hash table (long, values arbitrary; module takes them mod lsh_weight_size)
    minhash_table = jax.random.randint(k2, (VOCAB, EMBED_DIM), 0, LSH_WEIGHT_SIZE, dtype=jnp.int32)
    # learned parameter: 1D hashed weight of size lsh_weight_size
    hashed_weight = jax.random.normal(k3, (LSH_WEIGHT_SIZE,), dtype=jnp.float32)
    return {"indices": indices, "minhash_table": minhash_table, "hashed_weight": hashed_weight}


def reference(indices, minhash_table, hashed_weight):
    # 2D indices -> offsets = arange(0, B*L, L); each row is one bag of length HIST
    flat = indices.reshape(-1)  # [B*L]
    # gather min-hash rows per index, then mod into the compressed weight space
    lsh_weight_index = jnp.take(minhash_table, flat, axis=0) % LSH_WEIGHT_SIZE  # [B*L, D]
    # gather scalar weights to form per-index embedding vectors
    indices_embedding_vectors = jnp.take(hashed_weight, lsh_weight_index, axis=0)  # [B*L, D]
    # offsets2bag for the fixed-length 2D case is simply position // HIST
    offsets2bag = jnp.repeat(jnp.arange(BATCH, dtype=jnp.int32), HIST)  # [B*L]
    # mode == 'sum': scatter-add per-index vectors into their bag
    result = jax.ops.segment_sum(indices_embedding_vectors, offsets2bag, num_segments=BATCH)  # [B, D]
    return result

if __name__ == "__main__":
    import jax
    _d = setup_inputs()
    print(jax.jit(kernel)(*tuple(_d.values())))

</pallas_src>

<mosaic_0001>
#map = affine_map<(d0, d1) -> (0)>
module attributes {stable_mosaic.version = 14 : i64} {
  func.func @_p1_body(%arg0: i32, %arg1: i32, %arg2: memref<6400000xi32, #tpu.memory_space<hbm>>, %arg3: memref<6400000xf32, #tpu.memory_space<hbm>>, %arg4: memref<6400000xf32, #tpu.memory_space<hbm>>, %arg5: memref<25000xi32, #tpu.memory_space<vmem>>, %arg6: memref<25000xi32, #tpu.memory_space<vmem>>, %arg7: memref<25000xf32, #tpu.memory_space<vmem>>, %arg8: memref<25000xf32, #tpu.memory_space<vmem>>, %arg9: memref<!tpu.dma_semaphore, #tpu.memory_space<semaphore_mem>>, %arg10: memref<!tpu.dma_semaphore, #tpu.memory_space<semaphore_mem>>, %arg11: memref<!tpu.dma_semaphore, #tpu.memory_space<semaphore_mem>>) attributes {dimension_semantics = [#tpu.dimension_semantics<core_parallel>, #tpu.dimension_semantics<subcore_parallel>], iteration_bounds = array<i64: 2, 16>, scalar_prefetch = 0 : i64, scratch_operands = 7 : i64, tpu.core_type = #tpu.core_type<sc_vector_subcore>, window_params = [{transform_indices = #map}, {transform_indices = #map}, {transform_indices = #map}]} {
    %mul3A = arith.constant 2 : i32
    %mul3A_0 = arith.muli %arg1, %mul3A : i32
    %add3A = arith.addi %mul3A_0, %arg0 : i32
    %mul3A_1 = arith.constant 200000 : i32
    %mul3A_2 = arith.muli %add3A, %mul3A_1 : i32
    %add3A_3 = arith.constant 0 : i32
    %add3A_4 = arith.addi %mul3A_2, %add3A_3 : i32
    %dma_start3A = tpu.memref_slice %arg2[%add3A_4] : memref<6400000xi32, #tpu.memory_space<hbm>> -> memref<25000xi32, #tpu.memory_space<hbm>>
    %dma_start3A_5 = tpu.memref_slice %arg2[%add3A_4] : memref<6400000xi32, #tpu.memory_space<hbm>> -> memref<25000xi32, #tpu.memory_space<hbm>>
    tpu.enqueue_dma source(%dma_start3A_5 : memref<25000xi32, #tpu.memory_space<hbm>>) target(%arg5 : memref<25000xi32, #tpu.memory_space<vmem>>) target_semaphore(%arg9 : memref<!tpu.dma_semaphore, #tpu.memory_space<semaphore_mem>>)
    %scan3A = arith.constant 0 : i32
    %scan3A_6 = arith.constant 0 : i32
    %scan3A_7 = arith.constant 4 : i32
    %scan3A_8 = arith.addi %scan3A_6, %scan3A_7 : i32
    %scan3A_9 = arith.constant 1 : i32
    %scan3A_10 = scf.for %scan3A_17 = %scan3A_6 to %scan3A_8 step %scan3A_9 iter_args(%scan3A_18 = %scan3A) -> (i32)  : i32 {
      %mul3A_19 = arith.constant 2 : i32
      %mul3A_20 = arith.muli %scan3A_17, %mul3A_19 : i32
      %add3A_21 = arith.constant 0 : i32
      %add3A_22 = arith.addi %mul3A_20, %add3A_21 : i32
      %dma_wait3A_23 = tpu.memref_slice %arg2[%mul3A_2] : memref<6400000xi32, #tpu.memory_space<hbm>> -> memref<25000xi32, #tpu.memory_space<hbm>>
      %dma_wait3A_24 = tpu.memref_slice %arg2[%mul3A_2] : memref<6400000xi32, #tpu.memory_space<hbm>> -> memref<25000xi32, #tpu.memory_space<hbm>>
      tpu.wait_dma2 semaphore(%arg9 : memref<!tpu.dma_semaphore, #tpu.memory_space<semaphore_mem>>) src(%dma_wait3A_24 : memref<25000xi32, #tpu.memory_space<hbm>>) dst(%arg5 : memref<25000xi32, #tpu.memory_space<vmem>>)
      %add3A_25 = arith.constant 1 : i32
      %add3A_26 = arith.addi %add3A_22, %add3A_25 : i32
      %jit3A = arith.constant 8 : i32
      %eq3A = arith.constant 0 : i32
      %eq3A_27 = arith.cmpi eq, %jit3A, %eq3A : i32
      %jit3A_28 = arith.constant 1 : i32
      %select_n3A = arith.select %eq3A_27, %jit3A_28, %jit3A : i32
      %rem3A = arith.remsi %add3A_26, %select_n3A : i32
      %ne3A = arith.constant 0 : i32
      %ne3A_29 = arith.cmpi ne, %rem3A, %ne3A : i32
      %lt3A = arith.constant 0 : i32
      %lt3A_30 = arith.cmpi slt, %rem3A, %lt3A : i32
      %lt3A_31 = arith.constant 0 : i32
      %lt3A_32 = arith.cmpi slt, %select_n3A, %lt3A_31 : i32
      %ne3A_33 = arith.xori %lt3A_30, %lt3A_32 : i1
      %and3A = arith.andi %ne3A_33, %ne3A_29 : i1
      %add3A_34 = arith.addi %rem3A, %select_n3A : i32
      %select_n3A_35 = arith.select %and3A, %add3A_34, %rem3A : i32
      %mul3A_36 = arith.constant 25000 : i32
      %mul3A_37 = arith.muli %select_n3A_35, %mul3A_36 : i32
      %add3A_38 = arith.addi %mul3A_2, %mul3A_37 : i32
      %dma_start3A_39 = tpu.memref_slice %arg2[%add3A_38] : memref<6400000xi32, #tpu.memory_space<hbm>> -> memref<25000xi32, #tpu.memory_space<hbm>>
      %dma_start3A_40 = tpu.memref_slice %arg2[%add3A_38] : memref<6400000xi32, #tpu.memory_space<hbm>> -> memref<25000xi32, #tpu.memory_space<hbm>>
      tpu.enqueue_dma source(%dma_start3A_40 : memref<25000xi32, #tpu.memory_space<hbm>>) target(%arg6 : memref<25000xi32, #tpu.memory_space<vmem>>) target_semaphore(%arg9 : memref<!tpu.dma_semaphore, #tpu.memory_space<semaphore_mem>>)
      %ge3A = arith.constant 2 : i32
      %ge3A_41 = arith.cmpi sge, %add3A_22, %ge3A : i32
      %convert_element_type3A = arith.extui %ge3A_41 : i1 to i32
      %cond3A = arith.constant 0 : i32
      %cond3A_42 = arith.cmpi ne, %convert_element_type3A, %cond3A : i32
      scf.if %cond3A_42 {
        %dma_wait3A_96 = tpu.memref_slice %arg4[%mul3A_2] : memref<6400000xf32, #tpu.memory_space<hbm>> -> memref<25000xf32, #tpu.memory_space<hbm>>
        %dma_wait3A_97 = tpu.memref_slice %arg4[%mul3A_2] : memref<6400000xf32, #tpu.memory_space<hbm>> -> memref<25000xf32, #tpu.memory_space<hbm>>
        tpu.wait_dma2 semaphore(%arg11 : memref<!tpu.dma_semaphore, #tpu.memory_space<semaphore_mem>>) src(%arg7 : memref<25000xf32, #tpu.memory_space<vmem>>) dst(%dma_wait3A_97 : memref<25000xf32, #tpu.memory_space<hbm>>)
      } else {
      }
      %dma_start3A_43 = arith.constant 0 : i32
      %dma_start3A_44 = tpu.memref_slice %arg3[%dma_start3A_43] : memref<6400000xf32, #tpu.memory_space<hbm>> -> memref<6400000xf32, #tpu.memory_space<hbm>>
      tpu.enqueue_indirect_dma source(%dma_start3A_44 : memref<6400000xf32, #tpu.memory_space<hbm>>) target(%arg7 : memref<25000xf32, #tpu.memory_space<vmem>>) offsets(%arg5 : memref<25000xi32, #tpu.memory_space<vmem>>) semaphore(%arg10 : memref<!tpu.dma_semaphore, #tpu.memory_space<semaphore_mem>>)
      %dma_wait3A_45 = arith.constant 0 : i32
      %dma_wait3A_46 = tpu.memref_slice %arg3[%dma_wait3A_45] : memref<6400000xf32, #tpu.memory_space<hbm>> -> memref<6400000xf32, #tpu.memory_space<hbm>>
      tpu.wait_indirect_dma semaphore(%arg10 : memref<!tpu.dma_semaphore, #tpu.memory_space<semaphore_mem>>) src(%dma_wait3A_46 : memref<6400000xf32, #tpu.memory_space<hbm>>) dst(%arg7 : memref<25000xf32, #tpu.memory_space<vmem>>)
      %mul3A_47 = arith.constant 25000 : i32
      %mul3A_48 = arith.muli %add3A_22, %mul3A_47 : i32
      %add3A_49 = arith.addi %mul3A_2, %mul3A_48 : i32
      %dma_start3A_50 = tpu.memref_slice %arg4[%add3A_49] : memref<6400000xf32, #tpu.memory_space<hbm>> -> memref<25000xf32, #tpu.memory_space<hbm>>
      %dma_start3A_51 = tpu.memref_slice %arg4[%add3A_49] : memref<6400000xf32, #tpu.memory_space<hbm>> -> memref<25000xf32, #tpu.memory_space<hbm>>
      tpu.enqueue_dma source(%arg7 : memref<25000xf32, #tpu.memory_space<vmem>>) target(%dma_start3A_51 : memref<25000xf32, #tpu.memory_space<hbm>>) target_semaphore(%arg11 : memref<!tpu.dma_semaphore, #tpu.memory_space<semaphore_mem>>)
      %mul3A_52 = arith.constant 2 : i32
      %mul3A_53 = arith.muli %scan3A_17, %mul3A_52 : i32
      %add3A_54 = arith.constant 1 : i32
      %add3A_55 = arith.addi %mul3A_53, %add3A_54 : i32
      %dma_wait3A_56 = tpu.memref_slice %arg2[%mul3A_2] : memref<6400000xi32, #tpu.memory_space<hbm>> -> memref<25000xi32, #tpu.memory_space<hbm>>
      %dma_wait3A_57 = tpu.memref_slice %arg2[%mul3A_2] : memref<6400000xi32, #tpu.memory_space<hbm>> -> memref<25000xi32, #tpu.memory_space<hbm>>
      tpu.wait_dma2 semaphore(%arg9 : memref<!tpu.dma_semaphore, #tpu.memory_space<semaphore_mem>>) src(%dma_wait3A_57 : memref<25000xi32, #tpu.memory_space<hbm>>) dst(%arg6 : memref<25000xi32, #tpu.memory_space<vmem>>)
      %add3A_58 = arith.constant 1 : i32
      %add3A_59 = arith.addi %add3A_55, %add3A_58 : i32
      %jit3A_60 = arith.constant 8 : i32
      %eq3A_61 = arith.constant 0 : i32
      %eq3A_62 = arith.cmpi eq, %jit3A_60, %eq3A_61 : i32
      %jit3A_63 = arith.constant 1 : i32
      %select_n3A_64 = arith.select %eq3A_62, %jit3A_63, %jit3A_60 : i32
      %rem3A_65 = arith.remsi %add3A_59, %select_n3A_64 : i32
      %ne3A_66 = arith.constant 0 : i32
      %ne3A_67 = arith.cmpi ne, %rem3A_65, %ne3A_66 : i32
      %lt3A_68 = arith.constant 0 : i32
      %lt3A_69 = arith.cmpi slt, %rem3A_65, %lt3A_68 : i32
      %lt3A_70 = arith.constant 0 : i32
      %lt3A_71 = arith.cmpi slt, %select_n3A_64, %lt3A_70 : i32
      %ne3A_72 = arith.xori %lt3A_69, %lt3A_71 : i1
      %and3A_73 = arith.andi %ne3A_72, %ne3A_67 : i1
      %add3A_74 = arith.addi %rem3A_65, %select_n3A_64 : i32
      %select_n3A_75 = arith.select %and3A_73, %add3A_74, %rem3A_65 : i32
      %mul3A_76 = arith.constant 25000 : i32
      %mul3A_77 = arith.muli %select_n3A_75, %mul3A_76 : i32
      %add3A_78 = arith.addi %mul3A_2, %mul3A_77 : i32
      %dma_start3A_79 = tpu.memref_slice %arg2[%add3A_78] : memref<6400000xi32, #tpu.memory_space<hbm>> -> memref<25000xi32, #tpu.memory_space<hbm>>
      %dma_start3A_80 = tpu.memref_slice %arg2[%add3A_78] : memref<6400000xi32, #tpu.memory_space<hbm>> -> memref<25000xi32, #tpu.memory_space<hbm>>
      tpu.enqueue_dma source(%dma_start3A_80 : memref<25000xi32, #tpu.memory_space<hbm>>) target(%arg5 : memref<25000xi32, #tpu.memory_space<vmem>>) target_semaphore(%arg9 : memref<!tpu.dma_semaphore, #tpu.memory_space<semaphore_mem>>)
      %ge3A_81 = arith.constant 2 : i32
      %ge3A_82 = arith.cmpi sge, %add3A_55, %ge3A_81 : i32
      %convert_element_type3A_83 = arith.extui %ge3A_82 : i1 to i32
      %cond3A_84 = arith.constant 0 : i32
      %cond3A_85 = arith.cmpi ne, %convert_element_type3A_83, %cond3A_84 : i32
      scf.if %cond3A_85 {
        %dma_wait3A_96 = tpu.memref_slice %arg4[%mul3A_2] : memref<6400000xf32, #tpu.memory_space<hbm>> -> memref<25000xf32, #tpu.memory_space<hbm>>
        %dma_wait3A_97 = tpu.memref_slice %arg4[%mul3A_2] : memref<6400000xf32, #tpu.memory_space<hbm>> -> memref<25000xf32, #tpu.memory_space<hbm>>
        tpu.wait_dma2 semaphore(%arg11 : memref<!tpu.dma_semaphore, #tpu.memory_space<semaphore_mem>>) src(%arg8 : memref<25000xf32, #tpu.memory_space<vmem>>) dst(%dma_wait3A_97 : memref<25000xf32, #tpu.memory_space<hbm>>)
      } else {
      }
      %dma_start3A_86 = arith.constant 0 : i32
      %dma_start3A_87 = tpu.memref_slice %arg3[%dma_start3A_86] : memref<6400000xf32, #tpu.memory_space<hbm>> -> memref<6400000xf32, #tpu.memory_space<hbm>>
      tpu.enqueue_indirect_dma source(%dma_start3A_87 : memref<6400000xf32, #tpu.memory_space<hbm>>) target(%arg8 : memref<25000xf32, #tpu.memory_space<vmem>>) offsets(%arg6 : memref<25000xi32, #tpu.memory_space<vmem>>) semaphore(%arg10 : memref<!tpu.dma_semaphore, #tpu.memory_space<semaphore_mem>>)
      %dma_wait3A_88 = arith.constant 0 : i32
      %dma_wait3A_89 = tpu.memref_slice %arg3[%dma_wait3A_88] : memref<6400000xf32, #tpu.memory_space<hbm>> -> memref<6400000xf32, #tpu.memory_space<hbm>>
      tpu.wait_indirect_dma semaphore(%arg10 : memref<!tpu.dma_semaphore, #tpu.memory_space<semaphore_mem>>) src(%dma_wait3A_89 : memref<6400000xf32, #tpu.memory_space<hbm>>) dst(%arg8 : memref<25000xf32, #tpu.memory_space<vmem>>)
      %mul3A_90 = arith.constant 25000 : i32
      %mul3A_91 = arith.muli %add3A_55, %mul3A_90 : i32
      %add3A_92 = arith.addi %mul3A_2, %mul3A_91 : i32
      %dma_start3A_93 = tpu.memref_slice %arg4[%add3A_92] : memref<6400000xf32, #tpu.memory_space<hbm>> -> memref<25000xf32, #tpu.memory_space<hbm>>
      %dma_start3A_94 = tpu.memref_slice %arg4[%add3A_92] : memref<6400000xf32, #tpu.memory_space<hbm>> -> memref<25000xf32, #tpu.memory_space<hbm>>
      tpu.enqueue_dma source(%arg8 : memref<25000xf32, #tpu.memory_space<vmem>>) target(%dma_start3A_94 : memref<25000xf32, #tpu.memory_space<hbm>>) target_semaphore(%arg11 : memref<!tpu.dma_semaphore, #tpu.memory_space<semaphore_mem>>)
      %scan3A_95 = arith.constant 0 : i32
      scf.yield %scan3A_95 : i32
    }
    %scan3A_11 = arith.constant 4 : i32
    %dma_wait3A = tpu.memref_slice %arg2[%mul3A_2] : memref<6400000xi32, #tpu.memory_space<hbm>> -> memref<25000xi32, #tpu.memory_space<hbm>>
    %dma_wait3A_12 = tpu.memref_slice %arg2[%mul3A_2] : memref<6400000xi32, #tpu.memory_space<hbm>> -> memref<25000xi32, #tpu.memory_space<hbm>>
    tpu.wait_dma2 semaphore(%arg9 : memref<!tpu.dma_semaphore, #tpu.memory_space<semaphore_mem>>) src(%dma_wait3A_12 : memref<25000xi32, #tpu.memory_space<hbm>>) dst(%arg5 : memref<25000xi32, #tpu.memory_space<vmem>>)
    %dma_wait3A_13 = tpu.memref_slice %arg4[%mul3A_2] : memref<6400000xf32, #tpu.memory_space<hbm>> -> memref<25000xf32, #tpu.memory_space<hbm>>
    %dma_wait3A_14 = tpu.memref_slice %arg4[%mul3A_2] : memref<6400000xf32, #tpu.memory_space<hbm>> -> memref<25000xf32, #tpu.memory_space<hbm>>
    tpu.wait_dma2 semaphore(%arg11 : memref<!tpu.dma_semaphore, #tpu.memory_space<semaphore_mem>>) src(%arg7 : memref<25000xf32, #tpu.memory_space<vmem>>) dst(%dma_wait3A_14 : memref<25000xf32, #tpu.memory_space<hbm>>)
    %dma_wait3A_15 = tpu.memref_slice %arg4[%mul3A_2] : memref<6400000xf32, #tpu.memory_space<hbm>> -> memref<25000xf32, #tpu.memory_space<hbm>>
    %dma_wait3A_16 = tpu.memref_slice %arg4[%mul3A_2] : memref<6400000xf32, #tpu.memory_space<hbm>> -> memref<25000xf32, #tpu.memory_space<hbm>>
    tpu.wait_dma2 semaphore(%arg11 : memref<!tpu.dma_semaphore, #tpu.memory_space<semaphore_mem>>) src(%arg8 : memref<25000xf32, #tpu.memory_space<vmem>>) dst(%dma_wait3A_16 : memref<25000xf32, #tpu.memory_space<hbm>>)
    return
  }
}

#map = affine_map<(d0, d1) -> (0)>
#map1 = affine_map<(d0, d1) -> (0, 0)>
module attributes {stable_mosaic.version = 14 : i64} {
  func.func @_p2_body(%arg0: i32, %arg1: i32, %arg2: memref<204800xi32, #tpu.memory_space<hbm>>, %arg3: memref<100000x64xf32, #tpu.memory_space<hbm>>, %arg4: memref<4096x64xf32, #tpu.memory_space<hbm>>, %arg5: memref<6400xi32, #tpu.memory_space<vmem>>, %arg6: memref<800x64xf32, #tpu.memory_space<vmem>>, %arg7: memref<800x64xf32, #tpu.memory_space<vmem>>, %arg8: memref<128x64xf32, #tpu.memory_space<vmem>>, %arg9: memref<!tpu.dma_semaphore, #tpu.memory_space<semaphore_mem>>) attributes {dimension_semantics = [#tpu.dimension_semantics<core_parallel>, #tpu.dimension_semantics<subcore_parallel>], iteration_bounds = array<i64: 2, 16>, scalar_prefetch = 0 : i64, scratch_operands = 5 : i64, tpu.core_type = #tpu.core_type<sc_vector_subcore>, window_params = [{transform_indices = #map}, {transform_indices = #map1}, {transform_indices = #map1}]} {
    %mul3A = arith.constant 2 : i32
    %mul3A_0 = arith.muli %arg1, %mul3A : i32
    %add3A = arith.addi %mul3A_0, %arg0 : i32
    %mul3A_1 = arith.constant 128 : i32
    %mul3A_2 = arith.muli %add3A, %mul3A_1 : i32
    %mul3A_3 = arith.constant 50 : i32
    %mul3A_4 = arith.muli %mul3A_2, %mul3A_3 : i32
    "tpu.region"() ({
      %run_scoped3A = tpu.sem_alloc : memref<!tpu.dma_semaphore, #tpu.memory_space<semaphore_mem>>
      %dma_start3A_19 = tpu.memref_slice %arg2[%mul3A_4] : memref<204800xi32, #tpu.memory_space<hbm>> -> memref<6400xi32, #tpu.memory_space<hbm>>
      %dma_start3A_20 = tpu.memref_slice %arg2[%mul3A_4] : memref<204800xi32, #tpu.memory_space<hbm>> -> memref<6400xi32, #tpu.memory_space<hbm>>
      tpu.enqueue_dma source(%dma_start3A_20 : memref<6400xi32, #tpu.memory_space<hbm>>) target(%arg5 : memref<6400xi32, #tpu.memory_space<vmem>>) target_semaphore(%run_scoped3A : memref<!tpu.dma_semaphore, #tpu.memory_space<semaphore_mem>>)
      %dma_wait3A_21 = tpu.memref_slice %arg2[%mul3A_4] : memref<204800xi32, #tpu.memory_space<hbm>> -> memref<6400xi32, #tpu.memory_space<hbm>>
      %dma_wait3A_22 = tpu.memref_slice %arg2[%mul3A_4] : memref<204800xi32, #tpu.memory_space<hbm>> -> memref<6400xi32, #tpu.memory_space<hbm>>
      tpu.wait_dma2 semaphore(%run_scoped3A : memref<!tpu.dma_semaphore, #tpu.memory_space<semaphore_mem>>) src(%dma_wait3A_22 : memref<6400xi32, #tpu.memory_space<hbm>>) dst(%arg5 : memref<6400xi32, #tpu.memory_space<vmem>>)
      tpu.yield
    }) : () -> ()
    %dma_start3A = arith.constant 0 : i32
    %dma_start3A_5 = tpu.memref_slice %arg5[%dma_start3A] : memref<6400xi32, #tpu.memory_space<vmem>> -> memref<800xi32, #tpu.memory_space<vmem>>
    %dma_start3A_6 = arith.constant 0 : i32
    %dma_start3A_7 = arith.constant 0 : i32
    %dma_start3A_8 = tpu.memref_slice %arg3[%dma_start3A_6, %dma_start3A_7] : memref<100000x64xf32, #tpu.memory_space<hbm>> -> memref<100000x64xf32, #tpu.memory_space<hbm>>
    tpu.enqueue_indirect_dma source(%dma_start3A_8 : memref<100000x64xf32, #tpu.memory_space<hbm>>) target(%arg6 : memref<800x64xf32, #tpu.memory_space<vmem>>) offsets(%dma_start3A_5 : memref<800xi32, #tpu.memory_space<vmem>>) semaphore(%arg9 : memref<!tpu.dma_semaphore, #tpu.memory_space<semaphore_mem>>)
    %scan3A = arith.constant 0 : i32
    %scan3A_9 = arith.constant 0 : i32
    %scan3A_10 = arith.constant 4 : i32
    %scan3A_11 = arith.addi %scan3A_9, %scan3A_10 : i32
    %scan3A_12 = arith.constant 1 : i32
    %scan3A_13 = scf.for %scan3A_19 = %scan3A_9 to %scan3A_11 step %scan3A_12 iter_args(%scan3A_20 = %scan3A) -> (i32)  : i32 {
      %mul3A_21 = arith.constant 2 : i32
      %mul3A_22 = arith.muli %scan3A_19, %mul3A_21 : i32
      %add3A_23 = arith.constant 0 : i32
      %add3A_24 = arith.addi %mul3A_22, %add3A_23 : i32
      %dma_wait3A_25 = arith.constant 0 : i32
      %dma_wait3A_26 = tpu.memref_slice %arg5[%dma_wait3A_25] : memref<6400xi32, #tpu.memory_space<vmem>> -> memref<800xi32, #tpu.memory_space<vmem>>
      %dma_wait3A_27 = arith.constant 0 : i32
      %dma_wait3A_28 = arith.constant 0 : i32
      %dma_wait3A_29 = tpu.memref_slice %arg3[%dma_wait3A_27, %dma_wait3A_28] : memref<100000x64xf32, #tpu.memory_space<hbm>> -> memref<100000x64xf32, #tpu.memory_space<hbm>>
      tpu.wait_indirect_dma semaphore(%arg9 : memref<!tpu.dma_semaphore, #tpu.memory_space<semaphore_mem>>) src(%dma_wait3A_29 : memref<100000x64xf32, #tpu.memory_space<hbm>>) dst(%arg6 : memref<800x64xf32, #tpu.memory_space<vmem>>)
      %add3A_30 = arith.constant 1 : i32
      %add3A_31 = arith.addi %add3A_24, %add3A_30 : i32
      %jit3A = arith.constant 8 : i32
      %eq3A = arith.constant 0 : i32
      %eq3A_32 = arith.cmpi eq, %jit3A, %eq3A : i32
      %jit3A_33 = arith.constant 1 : i32
      %select_n3A = arith.select %eq3A_32, %jit3A_33, %jit3A : i32
      %rem3A = arith.remsi %add3A_31, %select_n3A : i32
      %ne3A = arith.constant 0 : i32
      %ne3A_34 = arith.cmpi ne, %rem3A, %ne3A : i32
      %lt3A = arith.constant 0 : i32
      %lt3A_35 = arith.cmpi slt, %rem3A, %lt3A : i32
      %lt3A_36 = arith.constant 0 : i32
      %lt3A_37 = arith.cmpi slt, %select_n3A, %lt3A_36 : i32
      %ne3A_38 = arith.xori %lt3A_35, %lt3A_37 : i1
      %and3A = arith.andi %ne3A_38, %ne3A_34 : i1
      %add3A_39 = arith.addi %rem3A, %select_n3A : i32
      %select_n3A_40 = arith.select %and3A, %add3A_39, %rem3A : i32
      %mul3A_41 = arith.constant 800 : i32
      %mul3A_42 = arith.muli %select_n3A_40, %mul3A_41 : i32
      %dma_start3A_43 = tpu.memref_slice %arg5[%mul3A_42] : memref<6400xi32, #tpu.memory_space<vmem>> -> memref<800xi32, #tpu.memory_space<vmem>>
      %dma_start3A_44 = arith.constant 0 : i32
      %dma_start3A_45 = arith.constant 0 : i32
      %dma_start3A_46 = tpu.memref_slice %arg3[%dma_start3A_44, %dma_start3A_45] : memref<100000x64xf32, #tpu.memory_space<hbm>> -> memref<100000x64xf32, #tpu.memory_space<hbm>>
      tpu.enqueue_indirect_dma source(%dma_start3A_46 : memref<100000x64xf32, #tpu.memory_space<hbm>>) target(%arg7 : memref<800x64xf32, #tpu.memory_space<vmem>>) offsets(%dma_start3A_43 : memref<800xi32, #tpu.memory_space<vmem>>) semaphore(%arg9 : memref<!tpu.dma_semaphore, #tpu.memory_space<semaphore_mem>>)
      %scan3A_47 = arith.constant 0 : i32
      %scan3A_48 = arith.constant 0 : i32
      %scan3A_49 = arith.constant 16 : i32
      %scan3A_50 = arith.addi %scan3A_48, %scan3A_49 : i32
      %scan3A_51 = arith.constant 1 : i32
      %scan3A_52 = scf.for %scan3A_95 = %scan3A_48 to %scan3A_50 step %scan3A_51 iter_args(%scan3A_96 = %scan3A_47) -> (i32)  : i32 {
        %mul3A_97 = arith.constant 50 : i32
        %mul3A_98 = arith.muli %scan3A_95, %mul3A_97 : i32
        %mul3A_99 = arith.constant 16 : i32
        %mul3A_100 = arith.muli %add3A_24, %mul3A_99 : i32
        %add3A_101 = arith.addi %mul3A_100, %scan3A_95 : i32
        %get3A = arith.index_cast %mul3A_98 : i32 to index
        %get3A_102 = arith.constant 0 : index
        %get3A_103 = tpu.vector_load %arg6[%get3A, %get3A_102] {strides = array<i32>} : memref<800x64xf32, #tpu.memory_space<vmem>>, vector<1x16xf32>,
        %get3A_104 = vector.shape_cast %get3A_103 : vector<1x16xf32> to vector<16xf32>
        %add3A_105 = arith.constant 1 : i32
        %add3A_106 = arith.addi %mul3A_98, %add3A_105 : i32
        %get3A_107 = arith.index_cast %add3A_106 : i32 to index
        %get3A_108 = arith.constant 0 : index
        %get3A_109 = tpu.vector_load %arg6[%get3A_107, %get3A_108] {strides = array<i32>} : memref<800x64xf32, #tpu.memory_space<vmem>>, vector<1x16xf32>,
        %get3A_110 = vector.shape_cast %get3A_109 : vector<1x16xf32> to vector<16xf32>
        %add3A_111 = arith.addf %get3A_104, %get3A_110 : vector<16xf32>
        %add3A_112 = arith.constant 2 : i32
        %add3A_113 = arith.addi %mul3A_98, %add3A_112 : i32
        %get3A_114 = arith.index_cast %add3A_113 : i32 to index
        %get3A_115 = arith.constant 0 : index
        %get3A_116 = tpu.vector_load %arg6[%get3A_114, %get3A_115] {strides = array<i32>} : memref<800x64xf32, #tpu.memory_space<vmem>>, vector<1x16xf32>,
        %get3A_117 = vector.shape_cast %get3A_116 : vector<1x16xf32> to vector<16xf32>
        %add3A_118 = arith.addf %add3A_111, %get3A_117 : vector<16xf32>
        %add3A_119 = arith.constant 3 : i32
        %add3A_120 = arith.addi %mul3A_98, %add3A_119 : i32
        %get3A_121 = arith.index_cast %add3A_120 : i32 to index
        %get3A_122 = arith.constant 0 : index
        %get3A_123 = tpu.vector_load %arg6[%get3A_121, %get3A_122] {strides = array<i32>} : memref<800x64xf32, #tpu.memory_space<vmem>>, vector<1x16xf32>,
        %get3A_124 = vector.shape_cast %get3A_123 : vector<1x16xf32> to vector<16xf32>
        %add3A_125 = arith.addf %add3A_118, %get3A_124 : vector<16xf32>
        %add3A_126 = arith.constant 4 : i32
        %add3A_127 = arith.addi %mul3A_98, %add3A_126 : i32
        %get3A_128 = arith.index_cast %add3A_127 : i32 to index
        %get3A_129 = arith.constant 0 : index
        %get3A_130 = tpu.vector_load %arg6[%get3A_128, %get3A_129] {strides = array<i32>} : memref<800x64xf32, #tpu.memory_space<vmem>>, vector<1x16xf32>,
        %get3A_131 = vector.shape_cast %get3A_130 : vector<1x16xf32> to vector<16xf32>
        %add3A_132 = arith.addf %add3A_125, %get3A_131 : vector<16xf32>
        %add3A_133 = arith.constant 5 : i32
        %add3A_134 = arith.addi %mul3A_98, %add3A_133 : i32
        %get3A_135 = arith.index_cast %add3A_134 : i32 to index
        %get3A_136 = arith.constant 0 : index
        %get3A_137 = tpu.vector_load %arg6[%get3A_135, %get3A_136] {strides = array<i32>} : memref<800x64xf32, #tpu.memory_space<vmem>>, vector<1x16xf32>,
        %get3A_138 = vector.shape_cast %get3A_137 : vector<1x16xf32> to vector<16xf32>
        %add3A_139 = arith.addf %add3A_132, %get3A_138 : vector<16xf32>
        %add3A_140 = arith.constant 6 : i32
        %add3A_141 = arith.addi %mul3A_98, %add3A_140 : i32
        %get3A_142 = arith.index_cast %add3A_141 : i32 to index
        %get3A_143 = arith.constant 0 : index
        %get3A_144 = tpu.vector_load %arg6[%get3A_142, %get3A_143] {strides = array<i32>} : memref<800x64xf32, #tpu.memory_space<vmem>>, vector<1x16xf32>,
        %get3A_145 = vector.shape_cast %get3A_144 : vector<1x16xf32> to vector<16xf32>
        %add3A_146 = arith.addf %add3A_139, %get3A_145 : vector<16xf32>
        %add3A_147 = arith.constant 7 : i32
        %add3A_148 = arith.addi %mul3A_98, %add3A_147 : i32
        %get3A_149 = arith.index_cast %add3A_148 : i32 to index
        %get3A_150 = arith.constant 0 : index
        %get3A_151 = tpu.vector_load %arg6[%get3A_149, %get3A_150] {strides = array<i32>} : memref<800x64xf32, #tpu.memory_space<vmem>>, vector<1x16xf32>,
        %get3A_152 = vector.shape_cast %get3A_151 : vector<1x16xf32> to vector<16xf32>
        %add3A_153 = arith.addf %add3A_146, %get3A_152 : vector<16xf32>
        %add3A_154 = arith.constant 8 : i32
        %add3A_155 = arith.addi %mul3A_98, %add3A_154 : i32
        %get3A_156 = arith.index_cast %add3A_155 : i32 to index
        %get3A_157 = arith.constant 0 : index
        %get3A_158 = tpu.vector_load %arg6[%get3A_156, %get3A_157] {strides = array<i32>} : memref<800x64xf32, #tpu.memory_space<vmem>>, vector<1x16xf32>,
        %get3A_159 = vector.shape_cast %get3A_158 : vector<1x16xf32> to vector<16xf32>
        %add3A_160 = arith.addf %add3A_153, %get3A_159 : vector<16xf32>
        %add3A_161 = arith.constant 9 : i32
        %add3A_162 = arith.addi %mul3A_98, %add3A_161 : i32
        %get3A_163 = arith.index_cast %add3A_162 : i32 to index
        %get3A_164 = arith.constant 0 : index
        %get3A_165 = tpu.vector_load %arg6[%get3A_163, %get3A_164] {strides = array<i32>} : memref<800x64xf32, #tpu.memory_space<vmem>>, vector<1x16xf32>,
        %get3A_166 = vector.shape_cast %get3A_165 : vector<1x16xf32> to vector<16xf32>
        %add3A_167 = arith.addf %add3A_160, %get3A_166 : vector<16xf32>
        %add3A_168 = arith.constant 10 : i32
        %add3A_169 = arith.addi %mul3A_98, %add3A_168 : i32
        %get3A_170 = arith.index_cast %add3A_169 : i32 to index
        %get3A_171 = arith.constant 0 : index
        %get3A_172 = tpu.vector_load %arg6[%get3A_170, %get3A_171] {strides = array<i32>} : memref<800x64xf32, #tpu.memory_space<vmem>>, vector<1x16xf32>,
        %get3A_173 = vector.shape_cast %get3A_172 : vector<1x16xf32> to vector<16xf32>
        %add3A_174 = arith.addf %add3A_167, %get3A_173 : vector<16xf32>
        %add3A_175 = arith.constant 11 : i32
        %add3A_176 = arith.addi %mul3A_98, %add3A_175 : i32
        %get3A_177 = arith.index_cast %add3A_176 : i32 to index
        %get3A_178 = arith.constant 0 : index
        %get3A_179 = tpu.vector_load %arg6[%get3A_177, %get3A_178] {strides = array<i32>} : memref<800x64xf32, #tpu.memory_space<vmem>>, vector<1x16xf32>,
        %get3A_180 = vector.shape_cast %get3A_179 : vector<1x16xf32> to vector<16xf32>
        %add3A_181 = arith.addf %add3A_174, %get3A_180 : vector<16xf32>
        %add3A_182 = arith.constant 12 : i32
        %add3A_183 = arith.addi %mul3A_98, %add3A_182 : i32
        %get3A_184 = arith.index_cast %add3A_183 : i32 to index
        %get3A_185 = arith.constant 0 : index
        %get3A_186 = tpu.vector_load %arg6[%get3A_184, %get3A_185] {strides = array<i32>} : memref<800x64xf32, #tpu.memory_space<vmem>>, vector<1x16xf32>,
        %get3A_187 = vector.shape_cast %get3A_186 : vector<1x16xf32> to vector<16xf32>
        %add3A_188 = arith.addf %add3A_181, %get3A_187 : vector<16xf32>
        %add3A_189 = arith.constant 13 : i32
        %add3A_190 = arith.addi %mul3A_98, %add3A_189 : i32
        %get3A_191 = arith.index_cast %add3A_190 : i32 to index
        %get3A_192 = arith.constant 0 : index
        %get3A_193 = tpu.vector_load %arg6[%get3A_191, %get3A_192] {strides = array<i32>} : memref<800x64xf32, #tpu.memory_space<vmem>>, vector<1x16xf32>,
        %get3A_194 = vector.shape_cast %get3A_193 : vector<1x16xf32> to vector<16xf32>
        %add3A_195 = arith.addf %add3A_188, %get3A_194 : vector<16xf32>
        %add3A_196 = arith.constant 14 : i32
        %add3A_197 = arith.addi %mul3A_98, %add3A_196 : i32
        %get3A_198 = arith.index_cast %add3A_197 : i32 to index
        %get3A_199 = arith.constant 0 : index
        %get3A_200 = tpu.vector_load %arg6[%get3A_198, %get3A_199] {strides = array<i32>} : memref<800x64xf32, #tpu.memory_space<vmem>>, vector<1x16xf32>,
        %get3A_201 = vector.shape_cast %get3A_200 : vector<1x16xf32> to vector<16xf32>
        %add3A_202 = arith.addf %add3A_195, %get3A_201 : vector<16xf32>
        %add3A_203 = arith.constant 15 : i32
        %add3A_204 = arith.addi %mul3A_98, %add3A_203 : i32
        %get3A_205 = arith.index_cast %add3A_204 : i32 to index
        %get3A_206 = arith.constant 0 : index
        %get3A_207 = tpu.vector_load %arg6[%get3A_205, %get3A_206] {strides = array<i32>} : memref<800x64xf32, #tpu.memory_space<vmem>>, vector<1x16xf32>,
        %get3A_208 = vector.shape_cast %get3A_207 : vector<1x16xf32> to vector<16xf32>
        %add3A_209 = arith.addf %add3A_202, %get3A_208 : vector<16xf32>
        %add3A_210 = arith.constant 16 : i32
        %add3A_211 = arith.addi %mul3A_98, %add3A_210 : i32
        %get3A_212 = arith.index_cast %add3A_211 : i32 to index
        %get3A_213 = arith.constant 0 : index
        %get3A_214 = tpu.vector_load %arg6[%get3A_212, %get3A_213] {strides = array<i32>} : memref<800x64xf32, #tpu.memory_space<vmem>>, vector<1x16xf32>,
        %get3A_215 = vector.shape_cast %get3A_214 : vector<1x16xf32> to vector<16xf32>
        %add3A_216 = arith.addf %add3A_209, %get3A_215 : vector<16xf32>
        %add3A_217 = arith.constant 17 : i32
        %add3A_218 = arith.addi %mul3A_98, %add3A_217 : i32
        %get3A_219 = arith.index_cast %add3A_218 : i32 to index
        %get3A_220 = arith.constant 0 : index
        %get3A_221 = tpu.vector_load %arg6[%get3A_219, %get3A_220] {strides = array<i32>} : memref<800x64xf32, #tpu.memory_space<vmem>>, vector<1x16xf32>,
        %get3A_222 = vector.shape_cast %get3A_221 : vector<1x16xf32> to vector<16xf32>
        %add3A_223 = arith.addf %add3A_216, %get3A_222 : vector<16xf32>
        %add3A_224 = arith.constant 18 : i32
        %add3A_225 = arith.addi %mul3A_98, %add3A_224 : i32
        %get3A_226 = arith.index_cast %add3A_225 : i32 to index
        %get3A_227 = arith.constant 0 : index
        %get3A_228 = tpu.vector_load %arg6[%get3A_226, %get3A_227] {strides = array<i32>} : memref<800x64xf32, #tpu.memory_space<vmem>>, vector<1x16xf32>,
        %get3A_229 = vector.shape_cast %get3A_228 : vector<1x16xf32> to vector<16xf32>
        %add3A_230 = arith.addf %add3A_223, %get3A_229 : vector<16xf32>
        %add3A_231 = arith.constant 19 : i32
        %add3A_232 = arith.addi %mul3A_98, %add3A_231 : i32
        %get3A_233 = arith.index_cast %add3A_232 : i32 to index
        %get3A_234 = arith.constant 0 : index
        %get3A_235 = tpu.vector_load %arg6[%get3A_233, %get3A_234] {strides = array<i32>} : memref<800x64xf32, #tpu.memory_space<vmem>>, vector<1x16xf32>,
        %get3A_236 = vector.shape_cast %get3A_235 : vector<1x16xf32> to vector<16xf32>
        %add3A_237 = arith.addf %add3A_230, %get3A_236 : vector<16xf32>
        %add3A_238 = arith.constant 20 : i32
        %add3A_239 = arith.addi %mul3A_98, %add3A_238 : i32
        %get3A_240 = arith.index_cast %add3A_239 : i32 to index
        %get3A_241 = arith.constant 0 : index
        %get3A_242 = tpu.vector_load %arg6[%get3A_240, %get3A_241] {strides = array<i32>} : memref<800x64xf32, #tpu.memory_space<vmem>>, vector<1x16xf32>,
        %get3A_243 = vector.shape_cast %get3A_242 : vector<1x16xf32> to vector<16xf32>
        %add3A_244 = arith.addf %add3A_237, %get3A_243 : vector<16xf32>
        %add3A_245 = arith.constant 21 : i32
        %add3A_246 = arith.addi %mul3A_98, %add3A_245 : i32
        %get3A_247 = arith.index_cast %add3A_246 : i32 to index
        %get3A_248 = arith.constant 0 : index
        %get3A_249 = tpu.vector_load %arg6[%get3A_247, %get3A_248] {strides = array<i32>} : memref<800x64xf32, #tpu.memory_space<vmem>>, vector<1x16xf32>,
        %get3A_250 = vector.shape_cast %get3A_249 : vector<1x16xf32> to vector<16xf32>
        %add3A_251 = arith.addf %add3A_244, %get3A_250 : vector<16xf32>
        %add3A_252 = arith.constant 22 : i32
        %add3A_253 = arith.addi %mul3A_98, %add3A_252 : i32
        %get3A_254 = arith.index_cast %add3A_253 : i32 to index
        %get3A_255 = arith.constant 0 : index
        %get3A_256 = tpu.vector_load %arg6[%get3A_254, %get3A_255] {strides = array<i32>} : memref<800x64xf32, #tpu.memory_space<vmem>>, vector<1x16xf32>,
        %get3A_257 = vector.shape_cast %get3A_256 : vector<1x16xf32> to vector<16xf32>
        %add3A_258 = arith.addf %add3A_251, %get3A_257 : vector<16xf32>
        %add3A_259 = arith.constant 23 : i32
        %add3A_260 = arith.addi %mul3A_98, %add3A_259 : i32
        %get3A_261 = arith.index_cast %add3A_260 : i32 to index
        %get3A_262 = arith.constant 0 : index
        %get3A_263 = tpu.vector_load %arg6[%get3A_261, %get3A_262] {strides = array<i32>} : memref<800x64xf32, #tpu.memory_space<vmem>>, vector<1x16xf32>,
        %get3A_264 = vector.shape_cast %get3A_263 : vector<1x16xf32> to vector<16xf32>
        %add3A_265 = arith.addf %add3A_258, %get3A_264 : vector<16xf32>
        %add3A_266 = arith.constant 24 : i32
        %add3A_267 = arith.addi %mul3A_98, %add3A_266 : i32
        %get3A_268 = arith.index_cast %add3A_267 : i32 to index
        %get3A_269 = arith.constant 0 : index
        %get3A_270 = tpu.vector_load %arg6[%get3A_268, %get3A_269] {strides = array<i32>} : memref<800x64xf32, #tpu.memory_space<vmem>>, vector<1x16xf32>,
        %get3A_271 = vector.shape_cast %get3A_270 : vector<1x16xf32> to vector<16xf32>
        %add3A_272 = arith.addf %add3A_265, %get3A_271 : vector<16xf32>
        %add3A_273 = arith.constant 25 : i32
        %add3A_274 = arith.addi %mul3A_98, %add3A_273 : i32
        %get3A_275 = arith.index_cast %add3A_274 : i32 to index
        %get3A_276 = arith.constant 0 : index
        %get3A_277 = tpu.vector_load %arg6[%get3A_275, %get3A_276] {strides = array<i32>} : memref<800x64xf32, #tpu.memory_space<vmem>>, vector<1x16xf32>,
        %get3A_278 = vector.shape_cast %get3A_277 : vector<1x16xf32> to vector<16xf32>
        %add3A_279 = arith.addf %add3A_272, %get3A_278 : vector<16xf32>
        %add3A_280 = arith.constant 26 : i32
        %add3A_281 = arith.addi %mul3A_98, %add3A_280 : i32
        %get3A_282 = arith.index_cast %add3A_281 : i32 to index
        %get3A_283 = arith.constant 0 : index
        %get3A_284 = tpu.vector_load %arg6[%get3A_282, %get3A_283] {strides = array<i32>} : memref<800x64xf32, #tpu.memory_space<vmem>>, vector<1x16xf32>,
        %get3A_285 = vector.shape_cast %get3A_284 : vector<1x16xf32> to vector<16xf32>
        %add3A_286 = arith.addf %add3A_279, %get3A_285 : vector<16xf32>
        %add3A_287 = arith.constant 27 : i32
        %add3A_288 = arith.addi %mul3A_98, %add3A_287 : i32
        %get3A_289 = arith.index_cast %add3A_288 : i32 to index
        %get3A_290 = arith.constant 0 : index
        %get3A_291 = tpu.vector_load %arg6[%get3A_289, %get3A_290] {strides = array<i32>} : memref<800x64xf32, #tpu.memory_space<vmem>>, vector<1x16xf32>,
        %get3A_292 = vector.shape_cast %get3A_291 : vector<1x16xf32> to vector<16xf32>
        %add3A_293 = arith.addf %add3A_286, %get3A_292 : vector<16xf32>
        %add3A_294 = arith.constant 28 : i32
        %add3A_295 = arith.addi %mul3A_98, %add3A_294 : i32
        %get3A_296 = arith.index_cast %add3A_295 : i32 to index
        %get3A_297 = arith.constant 0 : index
        %get3A_298 = tpu.vector_load %arg6[%get3A_296, %get3A_297] {strides = array<i32>} : memref<800x64xf32, #tpu.memory_space<vmem>>, vector<1x16xf32>,
        %get3A_299 = vector.shape_cast %get3A_298 : vector<1x16xf32> to vector<16xf32>
        %add3A_300 = arith.addf %add3A_293, %get3A_299 : vector<16xf32>
        %add3A_301 = arith.constant 29 : i32
        %add3A_302 = arith.addi %mul3A_98, %add3A_301 : i32
        %get3A_303 = arith.index_cast %add3A_302 : i32 to index
        %get3A_304 = arith.constant 0 : index
        %get3A_305 = tpu.vector_load %arg6[%get3A_303, %get3A_304] {strides = array<i32>} : memref<800x64xf32, #tpu.memory_space<vmem>>, vector<1x16xf32>,
        %get3A_306 = vector.shape_cast %get3A_305 : vector<1x16xf32> to vector<16xf32>
        %add3A_307 = arith.addf %add3A_300, %get3A_306 : vector<16xf32>
        %add3A_308 = arith.constant 30 : i32
        %add3A_309 = arith.addi %mul3A_98, %add3A_308 : i32
        %get3A_310 = arith.index_cast %add3A_309 : i32 to index
        %get3A_311 = arith.constant 0 : index
        %get3A_312 = tpu.vector_load %arg6[%get3A_310, %get3A_311] {strides = array<i32>} : memref<800x64xf32, #tpu.memory_space<vmem>>, vector<1x16xf32>,
        %get3A_313 = vector.shape_cast %get3A_312 : vector<1x16xf32> to vector<16xf32>
        %add3A_314 = arith.addf %add3A_307, %get3A_313 : vector<16xf32>
        %add3A_315 = arith.constant 31 : i32
        %add3A_316 = arith.addi %mul3A_98, %add3A_315 : i32
        %get3A_317 = arith.index_cast %add3A_316 : i32 to index
        %get3A_318 = arith.constant 0 : index
        %get3A_319 = tpu.vector_load %arg6[%get3A_317, %get3A_318] {strides = array<i32>} : memref<800x64xf32, #tpu.memory_space<vmem>>, vector<1x16xf32>,
        %get3A_320 = vector.shape_cast %get3A_319 : vector<1x16xf32> to vector<16xf32>
        %add3A_321 = arith.addf %add3A_314, %get3A_320 : vector<16xf32>
        %add3A_322 = arith.constant 32 : i32
        %add3A_323 = arith.addi %mul3A_98, %add3A_322 : i32
        %get3A_324 = arith.index_cast %add3A_323 : i32 to index
        %get3A_325 = arith.constant 0 : index
        %get3A_326 = tpu.vector_load %arg6[%get3A_324, %get3A_325] {strides = array<i32>} : memref<800x64xf32, #tpu.memory_space<vmem>>, vector<1x16xf32>,
        %get3A_327 = vector.shape_cast %get3A_326 : vector<1x16xf32> to vector<16xf32>
        %add3A_328 = arith.addf %add3A_321, %get3A_327 : vector<16xf32>
        %add3A_329 = arith.constant 33 : i32
        %add3A_330 = arith.addi %mul3A_98, %add3A_329 : i32
        %get3A_331 = arith.index_cast %add3A_330 : i32 to index
        %get3A_332 = arith.constant 0 : index
        %get3A_333 = tpu.vector_load %arg6[%get3A_331, %get3A_332] {strides = array<i32>} : memref<800x64xf32, #tpu.memory_space<vmem>>, vector<1x16xf32>,
        %get3A_334 = vector.shape_cast %get3A_333 : vector<1x16xf32> to vector<16xf32>
        %add3A_335 = arith.addf %add3A_328, %get3A_334 : vector<16xf32>
        %add3A_336 = arith.constant 34 : i32
        %add3A_337 = arith.addi %mul3A_98, %add3A_336 : i32
        %get3A_338 = arith.index_cast %add3A_337 : i32 to index
        %get3A_339 = arith.constant 0 : index
        %get3A_340 = tpu.vector_load %arg6[%get3A_338, %get3A_339] {strides = array<i32>} : memref<800x64xf32, #tpu.memory_space<vmem>>, vector<1x16xf32>,
        %get3A_341 = vector.shape_cast %get3A_340 : vector<1x16xf32> to vector<16xf32>
        %add3A_342 = arith.addf %add3A_335, %get3A_341 : vector<16xf32>
        %add3A_343 = arith.constant 35 : i32
        %add3A_344 = arith.addi %mul3A_98, %add3A_343 : i32
        %get3A_345 = arith.index_cast %add3A_344 : i32 to index
        %get3A_346 = arith.constant 0 : index
        %get3A_347 = tpu.vector_load %arg6[%get3A_345, %get3A_346] {strides = array<i32>} : memref<800x64xf32, #tpu.memory_space<vmem>>, vector<1x16xf32>,
        %get3A_348 = vector.shape_cast %get3A_347 : vector<1x16xf32> to vector<16xf32>
        %add3A_349 = arith.addf %add3A_342, %get3A_348 : vector<16xf32>
        %add3A_350 = arith.constant 36 : i32
        %add3A_351 = arith.addi %mul3A_98, %add3A_350 : i32
        %get3A_352 = arith.index_cast %add3A_351 : i32 to index
        %get3A_353 = arith.constant 0 : index
        %get3A_354 = tpu.vector_load %arg6[%get3A_352, %get3A_353] {strides = array<i32>} : memref<800x64xf32, #tpu.memory_space<vmem>>, vector<1x16xf32>,
        %get3A_355 = vector.shape_cast %get3A_354 : vector<1x16xf32> to vector<16xf32>
        %add3A_356 = arith.addf %add3A_349, %get3A_355 : vector<16xf32>
        %add3A_357 = arith.constant 37 : i32
        %add3A_358 = arith.addi %mul3A_98, %add3A_357 : i32
        %get3A_359 = arith.index_cast %add3A_358 : i32 to index
        %get3A_360 = arith.constant 0 : index
        %get3A_361 = tpu.vector_load %arg6[%get3A_359, %get3A_360] {strides = array<i32>} : memref<800x64xf32, #tpu.memory_space<vmem>>, vector<1x16xf32>,
        %get3A_362 = vector.shape_cast %get3A_361 : vector<1x16xf32> to vector<16xf32>
        %add3A_363 = arith.addf %add3A_356, %get3A_362 : vector<16xf32>
        %add3A_364 = arith.constant 38 : i32
        %add3A_365 = arith.addi %mul3A_98, %add3A_364 : i32
        %get3A_366 = arith.index_cast %add3A_365 : i32 to index
        %get3A_367 = arith.constant 0 : index
        %get3A_368 = tpu.vector_load %arg6[%get3A_366, %get3A_367] {strides = array<i32>} : memref<800x64xf32, #tpu.memory_space<vmem>>, vector<1x16xf32>,
        %get3A_369 = vector.shape_cast %get3A_368 : vector<1x16xf32> to vector<16xf32>
        %add3A_370 = arith.addf %add3A_363, %get3A_369 : vector<16xf32>
        %add3A_371 = arith.constant 39 : i32
        %add3A_372 = arith.addi %mul3A_98, %add3A_371 : i32
        %get3A_373 = arith.index_cast %add3A_372 : i32 to index
        %get3A_374 = arith.constant 0 : index
        %get3A_375 = tpu.vector_load %arg6[%get3A_373, %get3A_374] {strides = array<i32>} : memref<800x64xf32, #tpu.memory_space<vmem>>, vector<1x16xf32>,
        %get3A_376 = vector.shape_cast %get3A_375 : vector<1x16xf32> to vector<16xf32>
        %add3A_377 = arith.addf %add3A_370, %get3A_376 : vector<16xf32>
        %add3A_378 = arith.constant 40 : i32
        %add3A_379 = arith.addi %mul3A_98, %add3A_378 : i32
        %get3A_380 = arith.index_cast %add3A_379 : i32 to index
        %get3A_381 = arith.constant 0 : index
        %get3A_382 = tpu.vector_load %arg6[%get3A_380, %get3A_381] {strides = array<i32>} : memref<800x64xf32, #tpu.memory_space<vmem>>, vector<1x16xf32>,
        %get3A_383 = vector.shape_cast %get3A_382 : vector<1x16xf32> to vector<16xf32>
        %add3A_384 = arith.addf %add3A_377, %get3A_383 : vector<16xf32>
        %add3A_385 = arith.constant 41 : i32
        %add3A_386 = arith.addi %mul3A_98, %add3A_385 : i32
        %get3A_387 = arith.index_cast %add3A_386 : i32 to index
        %get3A_388 = arith.constant 0 : index
        %get3A_389 = tpu.vector_load %arg6[%get3A_387, %get3A_388] {strides = array<i32>} : memref<800x64xf32, #tpu.memory_space<vmem>>, vector<1x16xf32>,
        %get3A_390 = vector.shape_cast %get3A_389 : vector<1x16xf32> to vector<16xf32>
        %add3A_391 = arith.addf %add3A_384, %get3A_390 : vector<16xf32>
        %add3A_392 = arith.constant 42 : i32
        %add3A_393 = arith.addi %mul3A_98, %add3A_392 : i32
        %get3A_394 = arith.index_cast %add3A_393 : i32 to index
        %get3A_395 = arith.constant 0 : index
        %get3A_396 = tpu.vector_load %arg6[%get3A_394, %get3A_395] {strides = array<i32>} : memref<800x64xf32, #tpu.memory_space<vmem>>, vector<1x16xf32>,
        %get3A_397 = vector.shape_cast %get3A_396 : vector<1x16xf32> to vector<16xf32>
        %add3A_398 = arith.addf %add3A_391, %get3A_397 : vector<16xf32>
        %add3A_399 = arith.constant 43 : i32
        %add3A_400 = arith.addi %mul3A_98, %add3A_399 : i32
        %get3A_401 = arith.index_cast %add3A_400 : i32 to index
        %get3A_402 = arith.constant 0 : index
        %get3A_403 = tpu.vector_load %arg6[%get3A_401, %get3A_402] {strides = array<i32>} : memref<800x64xf32, #tpu.memory_space<vmem>>, vector<1x16xf32>,
        %get3A_404 = vector.shape_cast %get3A_403 : vector<1x16xf32> to vector<16xf32>
        %add3A_405 = arith.addf %add3A_398, %get3A_404 : vector<16xf32>
        %add3A_406 = arith.constant 44 : i32
        %add3A_407 = arith.addi %mul3A_98, %add3A_406 : i32
        %get3A_408 = arith.index_cast %add3A_407 : i32 to index
        %get3A_409 = arith.constant 0 : index
        %get3A_410 = tpu.vector_load %arg6[%get3A_408, %get3A_409] {strides = array<i32>} : memref<800x64xf32, #tpu.memory_space<vmem>>, vector<1x16xf32>,
        %get3A_411 = vector.shape_cast %get3A_410 : vector<1x16xf32> to vector<16xf32>
        %add3A_412 = arith.addf %add3A_405, %get3A_411 : vector<16xf32>
        %add3A_413 = arith.constant 45 : i32
        %add3A_414 = arith.addi %mul3A_98, %add3A_413 : i32
        %get3A_415 = arith.index_cast %add3A_414 : i32 to index
        %get3A_416 = arith.constant 0 : index
        %get3A_417 = tpu.vector_load %arg6[%get3A_415, %get3A_416] {strides = array<i32>} : memref<800x64xf32, #tpu.memory_space<vmem>>, vector<1x16xf32>,
        %get3A_418 = vector.shape_cast %get3A_417 : vector<1x16xf32> to vector<16xf32>
        %add3A_419 = arith.addf %add3A_412, %get3A_418 : vector<16xf32>
        %add3A_420 = arith.constant 46 : i32
        %add3A_421 = arith.addi %mul3A_98, %add3A_420 : i32
        %get3A_422 = arith.index_cast %add3A_421 : i32 to index
        %get3A_423 = arith.constant 0 : index
        %get3A_424 = tpu.vector_load %arg6[%get3A_422, %get3A_423] {strides = array<i32>} : memref<800x64xf32, #tpu.memory_space<vmem>>, vector<1x16xf32>,
        %get3A_425 = vector.shape_cast %get3A_424 : vector<1x16xf32> to vector<16xf32>
        %add3A_426 = arith.addf %add3A_419, %get3A_425 : vector<16xf32>
        %add3A_427 = arith.constant 47 : i32
        %add3A_428 = arith.addi %mul3A_98, %add3A_427 : i32
        %get3A_429 = arith.index_cast %add3A_428 : i32 to index
        %get3A_430 = arith.constant 0 : index
        %get3A_431 = tpu.vector_load %arg6[%get3A_429, %get3A_430] {strides = array<i32>} : memref<800x64xf32, #tpu.memory_space<vmem>>, vector<1x16xf32>,
        %get3A_432 = vector.shape_cast %get3A_431 : vector<1x16xf32> to vector<16xf32>
        %add3A_433 = arith.addf %add3A_426, %get3A_432 : vector<16xf32>
        %add3A_434 = arith.constant 48 : i32
        %add3A_435 = arith.addi %mul3A_98, %add3A_434 : i32
        %get3A_436 = arith.index_cast %add3A_435 : i32 to index
        %get3A_437 = arith.constant 0 : index
        %get3A_438 = tpu.vector_load %arg6[%get3A_436, %get3A_437] {strides = array<i32>} : memref<800x64xf32, #tpu.memory_space<vmem>>, vector<1x16xf32>,
        %get3A_439 = vector.shape_cast %get3A_438 : vector<1x16xf32> to vector<16xf32>
        %add3A_440 = arith.addf %add3A_433, %get3A_439 : vector<16xf32>
        %add3A_441 = arith.constant 49 : i32
        %add3A_442 = arith.addi %mul3A_98, %add3A_441 : i32
        %get3A_443 = arith.index_cast %add3A_442 : i32 to index
        %get3A_444 = arith.constant 0 : index
        %get3A_445 = tpu.vector_load %arg6[%get3A_443, %get3A_444] {strides = array<i32>} : memref<800x64xf32, #tpu.memory_space<vmem>>, vector<1x16xf32>,
        %get3A_446 = vector.shape_cast %get3A_445 : vector<1x16xf32> to vector<16xf32>
        %add3A_447 = arith.addf %add3A_440, %get3A_446 : vector<16xf32>
        %swap3A = arith.index_cast %add3A_101 : i32 to index
        %swap3A_448 = arith.constant 0 : index
        %swap3A_449 = tpu.vector_load %arg8[%swap3A, %swap3A_448] {strides = array<i32>} : memref<128x64xf32, #tpu.memory_space<vmem>>, vector<1x16xf32>,
        %swap3A_450 = vector.shape_cast %swap3A_449 : vector<1x16xf32> to vector<16xf32>
        %swap3A_451 = vector.shape_cast %add3A_447 : vector<16xf32> to vector<1x16xf32>
        tpu.vector_store %arg8[%swap3A, %swap3A_448], %swap3A_451 {strides = array<i32>} : memref<128x64xf32, #tpu.memory_space<vmem>>, vector<1x16xf32>,
        %get3A_452 = arith.index_cast %mul3A_98 : i32 to index
        %get3A_453 = arith.constant 16 : index
        %get3A_454 = tpu.vector_load %arg6[%get3A_452, %get3A_453] {strides = array<i32>} : memref<800x64xf32, #tpu.memory_space<vmem>>, vector<1x16xf32>,
        %get3A_455 = vector.shape_cast %get3A_454 : vector<1x16xf32> to vector<16xf32>
        %add3A_456 = arith.constant 1 : i32
        %add3A_457 = arith.addi %mul3A_98, %add3A_456 : i32
        %get3A_458 = arith.index_cast %add3A_457 : i32 to index
        %get3A_459 = arith.constant 16 : index
        %get3A_460 = tpu.vector_load %arg6[%get3A_458, %get3A_459] {strides = array<i32>} : memref<800x64xf32, #tpu.memory_space<vmem>>, vector<1x16xf32>,
        %get3A_461 = vector.shape_cast %get3A_460 : vector<1x16xf32> to vector<16xf32>
        %add3A_462 = arith.addf %get3A_455, %get3A_461 : vector<16xf32>
        %add3A_463 = arith.constant 2 : i32
        %add3A_464 = arith.addi %mul3A_98, %add3A_463 : i32
        %get3A_465 = arith.index_cast %add3A_464 : i32 to index
        %get3A_466 = arith.constant 16 : index
        %get3A_467 = tpu.vector_load %arg6[%get3A_465, %get3A_466] {strides = array<i32>} : memref<800x64xf32, #tpu.memory_space<vmem>>, vector<1x16xf32>,
        %get3A_468 = vector.shape_cast %get3A_467 : vector<1x16xf32> to vector<16xf32>
        %add3A_469 = arith.addf %add3A_462, %get3A_468 : vector<16xf32>
        %add3A_470 = arith.constant 3 : i32
        %add3A_471 = arith.addi %mul3A_98, %add3A_470 : i32
        %get3A_472 = arith.index_cast %add3A_471 : i32 to index
        %get3A_473 = arith.constant 16 : index
        %get3A_474 = tpu.vector_load %arg6[%get3A_472, %get3A_473] {strides = array<i32>} : memref<800x64xf32, #tpu.memory_space<vmem>>, vector<1x16xf32>,
        %get3A_475 = vector.shape_cast %get3A_474 : vector<1x16xf32> to vector<16xf32>
        %add3A_476 = arith.addf %add3A_469, %get3A_475 : vector<16xf32>
        %add3A_477 = arith.constant 4 : i32
        %add3A_478 = arith.addi %mul3A_98, %add3A_477 : i32
        %get3A_479 = arith.index_cast %add3A_478 : i32 to index
        %get3A_480 = arith.constant 16 : index
        %get3A_481 = tpu.vector_load %arg6[%get3A_479, %get3A_480] {strides = array<i32>} : memref<800x64xf32, #tpu.memory_space<vmem>>, vector<1x16xf32>,
        %get3A_482 = vector.shape_cast %get3A_481 : vector<1x16xf32> to vector<16xf32>
        %add3A_483 = arith.addf %add3A_476, %get3A_482 : vector<16xf32>
        %add3A_484 = arith.constant 5 : i32
        %add3A_485 = arith.addi %mul3A_98, %add3A_484 : i32
        %get3A_486 = arith.index_cast %add3A_485 : i32 to index
        %get3A_487 = arith.constant 16 : index
        %get3A_488 = tpu.vector_load %arg6[%get3A_486, %get3A_487] {strides = array<i32>} : memref<800x64xf32, #tpu.memory_space<vmem>>, vector<1x16xf32>,
        %get3A_489 = vector.shape_cast %get3A_488 : vector<1x16xf32> to vector<16xf32>
        %add3A_490 = arith.addf %add3A_483, %get3A_489 : vector<16xf32>
        %add3A_491 = arith.constant 6 : i32
        %add3A_492 = arith.addi %mul3A_98, %add3A_491 : i32
        %get3A_493 = arith.index_cast %add3A_492 : i32 to index
        %get3A_494 = arith.constant 16 : index
        %get3A_495 = tpu.vector_load %arg6[%get3A_493, %get3A_494] {strides = array<i32>} : memref<800x64xf32, #tpu.memory_space<vmem>>, vector<1x16xf32>,
        %get3A_496 = vector.shape_cast %get3A_495 : vector<1x16xf32> to vector<16xf32>
        %add3A_497 = arith.addf %add3A_490, %get3A_496 : vector<16xf32>
        %add3A_498 = arith.constant 7 : i32
        %add3A_499 = arith.addi %mul3A_98, %add3A_498 : i32
        %get3A_500 = arith.index_cast %add3A_499 : i32 to index
        %get3A_501 = arith.constant 16 : index
        %get3A_502 = tpu.vector_load %arg6[%get3A_500, %get3A_501] {strides = array<i32>} : memref<800x64xf32, #tpu.memory_space<vmem>>, vector<1x16xf32>,
        %get3A_503 = vector.shape_cast %get3A_502 : vector<1x16xf32> to vector<16xf32>
        %add3A_504 = arith.addf %add3A_497, %get3A_503 : vector<16xf32>
        %add3A_505 = arith.constant 8 : i32
        %add3A_506 = arith.addi %mul3A_98, %add3A_505 : i32
        %get3A_507 = arith.index_cast %add3A_506 : i32 to index
        %get3A_508 = arith.constant 16 : index
        %get3A_509 = tpu.vector_load %arg6[%get3A_507, %get3A_508] {strides = array<i32>} : memref<800x64xf32, #tpu.memory_space<vmem>>, vector<1x16xf32>,
        %get3A_510 = vector.shape_cast %get3A_509 : vector<1x16xf32> to vector<16xf32>
        %add3A_511 = arith.addf %add3A_504, %get3A_510 : vector<16xf32>
        %add3A_512 = arith.constant 9 : i32
        %add3A_513 = arith.addi %mul3A_98, %add3A_512 : i32
        %get3A_514 = arith.index_cast %add3A_513 : i32 to index
        %get3A_515 = arith.constant 16 : index
        %get3A_516 = tpu.vector_load %arg6[%get3A_514, %get3A_515] {strides = array<i32>} : memref<800x64xf32, #tpu.memory_space<vmem>>, vector<1x16xf32>,
        %get3A_517 = vector.shape_cast %get3A_516 : vector<1x16xf32> to vector<16xf32>
        %add3A_518 = arith.addf %add3A_511, %get3A_517 : vector<16xf32>
        %add3A_519 = arith.constant 10 : i32
        %add3A_520 = arith.addi %mul3A_98, %add3A_519 : i32
        %get3A_521 = arith.index_cast %add3A_520 : i32 to index
        %get3A_522 = arith.constant 16 : index
        %get3A_523 = tpu.vector_load %arg6[%get3A_521, %get3A_522] {strides = array<i32>} : memref<800x64xf32, #tpu.memory_space<vmem>>, vector<1x16xf32>,
        %get3A_524 = vector.shape_cast %get3A_523 : vector<1x16xf32> to vector<16xf32>
        %add3A_525 = arith.addf %add3A_518, %get3A_524 : vector<16xf32>
        %add3A_526 = arith.constant 11 : i32
        %add3A_527 = arith.addi %mul3A_98, %add3A_526 : i32
        %get3A_528 = arith.index_cast %add3A_527 : i32 to index
        %get3A_529 = arith.constant 16 : index
        %get3A_530 = tpu.vector_load %arg6[%get3A_528, %get3A_529] {strides = array<i32>} : memref<800x64xf32, #tpu.memory_space<vmem>>, vector<1x16xf32>,
        %get3A_531 = vector.shape_cast %get3A_530 : vector<1x16xf32> to vector<16xf32>
        %add3A_532 = arith.addf %add3A_525, %get3A_531 : vector<16xf32>
        %add3A_533 = arith.constant 12 : i32
        %add3A_534 = arith.addi %mul3A_98, %add3A_533 : i32
        %get3A_535 = arith.index_cast %add3A_534 : i32 to index
        %get3A_536 = arith.constant 16 : index
        %get3A_537 = tpu.vector_load %arg6[%get3A_535, %get3A_536] {strides = array<i32>} : memref<800x64xf32, #tpu.memory_space<vmem>>, vector<1x16xf32>,
        %get3A_538 = vector.shape_cast %get3A_537 : vector<1x16xf32> to vector<16xf32>
        %add3A_539 = arith.addf %add3A_532, %get3A_538 : vector<16xf32>
        %add3A_540 = arith.constant 13 : i32
        %add3A_541 = arith.addi %mul3A_98, %add3A_540 : i32
        %get3A_542 = arith.index_cast %add3A_541 : i32 to index
        %get3A_543 = arith.constant 16 : index
        %get3A_544 = tpu.vector_load %arg6[%get3A_542, %get3A_543] {strides = array<i32>} : memref<800x64xf32, #tpu.memory_space<vmem>>, vector<1x16xf32>,
        %get3A_545 = vector.shape_cast %get3A_544 : vector<1x16xf32> to vector<16xf32>
        %add3A_546 = arith.addf %add3A_539, %get3A_545 : vector<16xf32>
        %add3A_547 = arith.constant 14 : i32
        %add3A_548 = arith.addi %mul3A_98, %add3A_547 : i32
        %get3A_549 = arith.index_cast %add3A_548 : i32 to index
        %get3A_550 = arith.constant 16 : index
        %get3A_551 = tpu.vector_load %arg6[%get3A_549, %get3A_550] {strides = array<i32>} : memref<800x64xf32, #tpu.memory_space<vmem>>, vector<1x16xf32>,
        %get3A_552 = vector.shape_cast %get3A_551 : vector<1x16xf32> to vector<16xf32>
        %add3A_553 = arith.addf %add3A_546, %get3A_552 : vector<16xf32>
        %add3A_554 = arith.constant 15 : i32
        %add3A_555 = arith.addi %mul3A_98, %add3A_554 : i32
        %get3A_556 = arith.index_cast %add3A_555 : i32 to index
        %get3A_557 = arith.constant 16 : index
        %get3A_558 = tpu.vector_load %arg6[%get3A_556, %get3A_557] {strides = array<i32>} : memref<800x64xf32, #tpu.memory_space<vmem>>, vector<1x16xf32>,
        %get3A_559 = vector.shape_cast %get3A_558 : vector<1x16xf32> to vector<16xf32>
        %add3A_560 = arith.addf %add3A_553, %get3A_559 : vector<16xf32>
        %add3A_561 = arith.constant 16 : i32
        %add3A_562 = arith.addi %mul3A_98, %add3A_561 : i32
        %get3A_563 = arith.index_cast %add3A_562 : i32 to index
        %get3A_564 = arith.constant 16 : index
        %get3A_565 = tpu.vector_load %arg6[%get3A_563, %get3A_564] {strides = array<i32>} : memref<800x64xf32, #tpu.memory_space<vmem>>, vector<1x16xf32>,
        %get3A_566 = vector.shape_cast %get3A_565 : vector<1x16xf32> to vector<16xf32>
        %add3A_567 = arith.addf %add3A_560, %get3A_566 : vector<16xf32>
        %add3A_568 = arith.constant 17 : i32
        %add3A_569 = arith.addi %mul3A_98, %add3A_568 : i32
        %get3A_570 = arith.index_cast %add3A_569 : i32 to index
        %get3A_571 = arith.constant 16 : index
        %get3A_572 = tpu.vector_load %arg6[%get3A_570, %get3A_571] {strides = array<i32>} : memref<800x64xf32, #tpu.memory_space<vmem>>, vector<1x16xf32>,
        %get3A_573 = vector.shape_cast %get3A_572 : vector<1x16xf32> to vector<16xf32>
        %add3A_574 = arith.addf %add3A_567, %get3A_573 : vector<16xf32>
        %add3A_575 = arith.constant 18 : i32
        %add3A_576 = arith.addi %mul3A_98, %add3A_575 : i32
        %get3A_577 = arith.index_cast %add3A_576 : i32 to index
        %get3A_578 = arith.constant 16 : index
        %get3A_579 = tpu.vector_load %arg6[%get3A_577, %get3A_578] {strides = array<i32>} : memref<800x64xf32, #tpu.memory_space<vmem>>, vector<1x16xf32>,
        %get3A_580 = vector.shape_cast %get3A_579 : vector<1x16xf32> to vector<16xf32>
        %add3A_581 = arith.addf %add3A_574, %get3A_580 : vector<16xf32>
        %add3A_582 = arith.constant 19 : i32
        %add3A_583 = arith.addi %mul3A_98, %add3A_582 : i32
        %get3A_584 = arith.index_cast %add3A_583 : i32 to index
        %get3A_585 = arith.constant 16 : index
        %get3A_586 = tpu.vector_load %arg6[%get3A_584, %get3A_585] {strides = array<i32>} : memref<800x64xf32, #tpu.memory_space<vmem>>, vector<1x16xf32>,
        %get3A_587 = vector.shape_cast %get3A_586 : vector<1x16xf32> to vector<16xf32>
        %add3A_588 = arith.addf %add3A_581, %get3A_587 : vector<16xf32>
        %add3A_589 = arith.constant 20 : i32
        %add3A_590 = arith.addi %mul3A_98, %add3A_589 : i32
        %get3A_591 = arith.index_cast %add3A_590 : i32 to index
        %get3A_592 = arith.constant 16 : index
        %get3A_593 = tpu.vector_load %arg6[%get3A_591, %get3A_592] {strides = array<i32>} : memref<800x64xf32, #tpu.memory_space<vmem>>, vector<1x16xf32>,
        %get3A_594 = vector.shape_cast %get3A_593 : vector<1x16xf32> to vector<16xf32>
        %add3A_595 = arith.addf %add3A_588, %get3A_594 : vector<16xf32>
        %add3A_596 = arith.constant 21 : i32
        %add3A_597 = arith.addi %mul3A_98, %add3A_596 : i32
        %get3A_598 = arith.index_cast %add3A_597 : i32 to index
        %get3A_599 = arith.constant 16 : index
        %get3A_600 = tpu.vector_load %arg6[%get3A_598, %get3A_599] {strides = array<i32>} : memref<800x64xf32, #tpu.memory_space<vmem>>, vector<1x16xf32>,
        %get3A_601 = vector.shape_cast %get3A_600 : vector<1x16xf32> to vector<16xf32>
        %add3A_602 = arith.addf %add3A_595, %get3A_601 : vector<16xf32>
        %add3A_603 = arith.constant 22 : i32
        %add3A_604 = arith.addi %mul3A_98, %add3A_603 : i32
        %get3A_605 = arith.index_cast %add3A_604 : i32 to index
        %get3A_606 = arith.constant 16 : index
        %get3A_607 = tpu.vector_load %arg6[%get3A_605, %get3A_606] {strides = array<i32>} : memref<800x64xf32, #tpu.memory_space<vmem>>, vector<1x16xf32>,
        %get3A_608 = vector.shape_cast %get3A_607 : vector<1x16xf32> to vector<16xf32>
        %add3A_609 = arith.addf %add3A_602, %get3A_608 : vector<16xf32>
        %add3A_610 = arith.constant 23 : i32
        %add3A_611 = arith.addi %mul3A_98, %add3A_610 : i32
        %get3A_612 = arith.index_cast %add3A_611 : i32 to index
        %get3A_613 = arith.constant 16 : index
        %get3A_614 = tpu.vector_load %arg6[%get3A_612, %get3A_613] {strides = array<i32>} : memref<800x64xf32, #tpu.memory_space<vmem>>, vector<1x16xf32>,
        %get3A_615 = vector.shape_cast %get3A_614 : vector<1x16xf32> to vector<16xf32>
        %add3A_616 = arith.addf %add3A_609, %get3A_615 : vector<16xf32>
        %add3A_617 = arith.constant 24 : i32
        %add3A_618 = arith.addi %mul3A_98, %add3A_617 : i32
        %get3A_619 = arith.index_cast %add3A_618 : i32 to index
        %get3A_620 = arith.constant 16 : index
        %get3A_621 = tpu.vector_load %arg6[%get3A_619, %get3A_620] {strides = array<i32>} : memref<800x64xf32, #tpu.memory_space<vmem>>, vector<1x16xf32>,
        %get3A_622 = vector.shape_cast %get3A_621 : vector<1x16xf32> to vector<16xf32>
        %add3A_623 = arith.addf %add3A_616, %get3A_622 : vector<16xf32>
        %add3A_624 = arith.constant 25 : i32
        %add3A_625 = arith.addi %mul3A_98, %add3A_624 : i32
        %get3A_626 = arith.index_cast %add3A_625 : i32 to index
        %get3A_627 = arith.constant 16 : index
        %get3A_628 = tpu.vector_load %arg6[%get3A_626, %get3A_627] {strides = array<i32>} : memref<800x64xf32, #tpu.memory_space<vmem>>, vector<1x16xf32>,
        %get3A_629 = vector.shape_cast %get3A_628 : vector<1x16xf32> to vector<16xf32>
        %add3A_630 = arith.addf %add3A_623, %get3A_629 : vector<16xf32>
        %add3A_631 = arith.constant 26 : i32
        %add3A_632 = arith.addi %mul3A_98, %add3A_631 : i32
        %get3A_633 = arith.index_cast %add3A_632 : i32 to index
        %get3A_634 = arith.constant 16 : index
        %get3A_635 = tpu.vector_load %arg6[%get3A_633, %get3A_634] {strides = array<i32>} : memref<800x64xf32, #tpu.memory_space<vmem>>, vector<1x16xf32>,
        %get3A_636 = vector.shape_cast %get3A_635 : vector<1x16xf32> to vector<16xf32>
        %add3A_637 = arith.addf %add3A_630, %get3A_636 : vector<16xf32>
        %add3A_638 = arith.constant 27 : i32
        %add3A_639 = arith.addi %mul3A_98, %add3A_638 : i32
        %get3A_640 = arith.index_cast %add3A_639 : i32 to index
        %get3A_641 = arith.constant 16 : index
        %get3A_642 = tpu.vector_load %arg6[%get3A_640, %get3A_641] {strides = array<i32>} : memref<800x64xf32, #tpu.memory_space<vmem>>, vector<1x16xf32>,
        %get3A_643 = vector.shape_cast %get3A_642 : vector<1x16xf32> to vector<16xf32>
        %add3A_644 = arith.addf %add3A_637, %get3A_643 : vector<16xf32>
        %add3A_645 = arith.constant 28 : i32
        %add3A_646 = arith.addi %mul3A_98, %add3A_645 : i32
        %get3A_647 = arith.index_cast %add3A_646 : i32 to index
        %get3A_648 = arith.constant 16 : index
        %get3A_649 = tpu.vector_load %arg6[%get3A_647, %get3A_648] {strides = array<i32>} : memref<800x64xf32, #tpu.memory_space<vmem>>, vector<1x16xf32>,
        %get3A_650 = vector.shape_cast %get3A_649 : vector<1x16xf32> to vector<16xf32>
        %add3A_651 = arith.addf %add3A_644, %get3A_650 : vector<16xf32>
        %add3A_652 = arith.constant 29 : i32
        %add3A_653 = arith.addi %mul3A_98, %add3A_652 : i32
        %get3A_654 = arith.index_cast %add3A_653 : i32 to index
        %get3A_655 = arith.constant 16 : index
        %get3A_656 = tpu.vector_load %arg6[%get3A_654, %get3A_655] {strides = array<i32>} : memref<800x64xf32, #tpu.memory_space<vmem>>, vector<1x16xf32>,
        %get3A_657 = vector.shape_cast %get3A_656 : vector<1x16xf32> to vector<16xf32>
        %add3A_658 = arith.addf %add3A_651, %get3A_657 : vector<16xf32>
        %add3A_659 = arith.constant 30 : i32
        %add3A_660 = arith.addi %mul3A_98, %add3A_659 : i32
        %get3A_661 = arith.index_cast %add3A_660 : i32 to index
        %get3A_662 = arith.constant 16 : index
        %get3A_663 = tpu.vector_load %arg6[%get3A_661, %get3A_662] {strides = array<i32>} : memref<800x64xf32, #tpu.memory_space<vmem>>, vector<1x16xf32>,
        %get3A_664 = vector.shape_cast %get3A_663 : vector<1x16xf32> to vector<16xf32>
        %add3A_665 = arith.addf %add3A_658, %get3A_664 : vector<16xf32>
        %add3A_666 = arith.constant 31 : i32
        %add3A_667 = arith.addi %mul3A_98, %add3A_666 : i32
        %get3A_668 = arith.index_cast %add3A_667 : i32 to index
        %get3A_669 = arith.constant 16 : index
        %get3A_670 = tpu.vector_load %arg6[%get3A_668, %get3A_669] {strides = array<i32>} : memref<800x64xf32, #tpu.memory_space<vmem>>, vector<1x16xf32>,
        %get3A_671 = vector.shape_cast %get3A_670 : vector<1x16xf32> to vector<16xf32>
        %add3A_672 = arith.addf %add3A_665, %get3A_671 : vector<16xf32>
        %add3A_673 = arith.constant 32 : i32
        %add3A_674 = arith.addi %mul3A_98, %add3A_673 : i32
        %get3A_675 = arith.index_cast %add3A_674 : i32 to index
        %get3A_676 = arith.constant 16 : index
        %get3A_677 = tpu.vector_load %arg6[%get3A_675, %get3A_676] {strides = array<i32>} : memref<800x64xf32, #tpu.memory_space<vmem>>, vector<1x16xf32>,
        %get3A_678 = vector.shape_cast %get3A_677 : vector<1x16xf32> to vector<16xf32>
        %add3A_679 = arith.addf %add3A_672, %get3A_678 : vector<16xf32>
        %add3A_680 = arith.constant 33 : i32
        %add3A_681 = arith.addi %mul3A_98, %add3A_680 : i32
        %get3A_682 = arith.index_cast %add3A_681 : i32 to index
        %get3A_683 = arith.constant 16 : index
        %get3A_684 = tpu.vector_load %arg6[%get3A_682, %get3A_683] {strides = array<i32>} : memref<800x64xf32, #tpu.memory_space<vmem>>, vector<1x16xf32>,
        %get3A_685 = vector.shape_cast %get3A_684 : vector<1x16xf32> to vector<16xf32>
        %add3A_686 = arith.addf %add3A_679, %get3A_685 : vector<16xf32>
        %add3A_687 = arith.constant 34 : i32
        %add3A_688 = arith.addi %mul3A_98, %add3A_687 : i32
        %get3A_689 = arith.index_cast %add3A_688 : i32 to index
        %get3A_690 = arith.constant 16 : index
        %get3A_691 = tpu.vector_load %arg6[%get3A_689, %get3A_690] {strides = array<i32>} : memref<800x64xf32, #tpu.memory_space<vmem>>, vector<1x16xf32>,
        %get3A_692 = vector.shape_cast %get3A_691 : vector<1x16xf32> to vector<16xf32>
        %add3A_693 = arith.addf %add3A_686, %get3A_692 : vector<16xf32>
        %add3A_694 = arith.constant 35 : i32
        %add3A_695 = arith.addi %mul3A_98, %add3A_694 : i32
        %get3A_696 = arith.index_cast %add3A_695 : i32 to index
        %get3A_697 = arith.constant 16 : index
        %get3A_698 = tpu.vector_load %arg6[%get3A_696, %get3A_697] {strides = array<i32>} : memref<800x64xf32, #tpu.memory_space<vmem>>, vector<1x16xf32>,
        %get3A_699 = vector.shape_cast %get3A_698 : vector<1x16xf32> to vector<16xf32>
        %add3A_700 = arith.addf %add3A_693, %get3A_699 : vector<16xf32>
        %add3A_701 = arith.constant 36 : i32
        %add3A_702 = arith.addi %mul3A_98, %add3A_701 : i32
        %get3A_703 = arith.index_cast %add3A_702 : i32 to index
        %get3A_704 = arith.constant 16 : index
        %get3A_705 = tpu.vector_load %arg6[%get3A_703, %get3A_704] {strides = array<i32>} : memref<800x64xf32, #tpu.memory_space<vmem>>, vector<1x16xf32>,
        %get3A_706 = vector.shape_cast %get3A_705 : vector<1x16xf32> to vector<16xf32>
        %add3A_707 = arith.addf %add3A_700, %get3A_706 : vector<16xf32>
        %add3A_708 = arith.constant 37 : i32
        %add3A_709 = arith.addi %mul3A_98, %add3A_708 : i32
        %get3A_710 = arith.index_cast %add3A_709 : i32 to index
        %get3A_711 = arith.constant 16 : index
        %get3A_712 = tpu.vector_load %arg6[%get3A_710, %get3A_711] {strides = array<i32>} : memref<800x64xf32, #tpu.memory_space<vmem>>, vector<1x16xf32>,
        %get3A_713 = vector.shape_cast %get3A_712 : vector<1x16xf32> to vector<16xf32>
        %add3A_714 = arith.addf %add3A_707, %get3A_713 : vector<16xf32>
        %add3A_715 = arith.constant 38 : i32
        %add3A_716 = arith.addi %mul3A_98, %add3A_715 : i32
        %get3A_717 = arith.index_cast %add3A_716 : i32 to index
        %get3A_718 = arith.constant 16 : index
        %get3A_719 = tpu.vector_load %arg6[%get3A_717, %get3A_718] {strides = array<i32>} : memref<800x64xf32, #tpu.memory_space<vmem>>, vector<1x16xf32>,
        %get3A_720 = vector.shape_cast %get3A_719 : vector<1x16xf32> to vector<16xf32>
        %add3A_721 = arith.addf %add3A_714, %get3A_720 : vector<16xf32>
        %add3A_722 = arith.constant 39 : i32
        %add3A_723 = arith.addi %mul3A_98, %add3A_722 : i32
        %get3A_724 = arith.index_cast %add3A_723 : i32 to index
        %get3A_725 = arith.constant 16 : index
        %get3A_726 = tpu.vector_load %arg6[%get3A_724, %get3A_725] {strides = array<i32>} : memref<800x64xf32, #tpu.memory_space<vmem>>, vector<1x16xf32>,
        %get3A_727 = vector.shape_cast %get3A_726 : vector<1x16xf32> to vector<16xf32>
        %add3A_728 = arith.addf %add3A_721, %get3A_727 : vector<16xf32>
        %add3A_729 = arith.constant 40 : i32
        %add3A_730 = arith.addi %mul3A_98, %add3A_729 : i32
        %get3A_731 = arith.index_cast %add3A_730 : i32 to index
        %get3A_732 = arith.constant 16 : index
        %get3A_733 = tpu.vector_load %arg6[%get3A_731, %get3A_732] {strides = array<i32>} : memref<800x64xf32, #tpu.memory_space<vmem>>, vector<1x16xf32>,
        %get3A_734 = vector.shape_cast %get3A_733 : vector<1x16xf32> to vector<16xf32>
        %add3A_735 = arith.addf %add3A_728, %get3A_734 : vector<16xf32>
        %add3A_736 = arith.constant 41 : i32
        %add3A_737 = arith.addi %mul3A_98, %add3A_736 : i32
        %get3A_738 = arith.index_cast %add3A_737 : i32 to index
        %get3A_739 = arith.constant 16 : index
        %get3A_740 = tpu.vector_load %arg6[%get3A_738, %get3A_739] {strides = array<i32>} : memref<800x64xf32, #tpu.memory_space<vmem>>, vector<1x16xf32>,
        %get3A_741 = vector.shape_cast %get3A_740 : vector<1x16xf32> to vector<16xf32>
        %add3A_742 = arith.addf %add3A_735, %get3A_741 : vector<16xf32>
        %add3A_743 = arith.constant 42 : i32
        %add3A_744 = arith.addi %mul3A_98, %add3A_743 : i32
        %get3A_745 = arith.index_cast %add3A_744 : i32 to index
        %get3A_746 = arith.constant 16 : index
        %get3A_747 = tpu.vector_load %arg6[%get3A_745, %get3A_746] {strides = array<i32>} : memref<800x64xf32, #tpu.memory_space<vmem>>, vector<1x16xf32>,
        %get3A_748 = vector.shape_cast %get3A_747 : vector<1x16xf32> to vector<16xf32>
        %add3A_749 = arith.addf %add3A_742, %get3A_748 : vector<16xf32>
        %add3A_750 = arith.constant 43 : i32
        %add3A_751 = arith.addi %mul3A_98, %add3A_750 : i32
        %get3A_752 = arith.index_cast %add3A_751 : i32 to index
        %get3A_753 = arith.constant 16 : index
        %get3A_754 = tpu.vector_load %arg6[%get3A_752, %get3A_753] {strides = array<i32>} : memref<800x64xf32, #tpu.memory_space<vmem>>, vector<1x16xf32>,
        %get3A_755 = vector.shape_cast %get3A_754 : vector<1x16xf32> to vector<16xf32>
        %add3A_756 = arith.addf %add3A_749, %get3A_755 : vector<16xf32>
        %add3A_757 = arith.constant 44 : i32
        %add3A_758 = arith.addi %mul3A_98, %add3A_757 : i32
        %get3A_759 = arith.index_cast %add3A_758 : i32 to index
        %get3A_760 = arith.constant 16 : index
        %get3A_761 = tpu.vector_load %arg6[%get3A_759, %get3A_760] {strides = array<i32>} : memref<800x64xf32, #tpu.memory_space<vmem>>, vector<1x16xf32>,
        %get3A_762 = vector.shape_cast %get3A_761 : vector<1x16xf32> to vector<16xf32>
        %add3A_763 = arith.addf %add3A_756, %get3A_762 : vector<16xf32>
        %add3A_764 = arith.constant 45 : i32
        %add3A_765 = arith.addi %mul3A_98, %add3A_764 : i32
        %get3A_766 = arith.index_cast %add3A_765 : i32 to index
        %get3A_767 = arith.constant 16 : index
        %get3A_768 = tpu.vector_load %arg6[%get3A_766, %get3A_767] {strides = array<i32>} : memref<800x64xf32, #tpu.memory_space<vmem>>, vector<1x16xf32>,
        %get3A_769 = vector.shape_cast %get3A_768 : vector<1x16xf32> to vector<16xf32>
        %add3A_770 = arith.addf %add3A_763, %get3A_769 : vector<16xf32>
        %add3A_771 = arith.constant 46 : i32
        %add3A_772 = arith.addi %mul3A_98, %add3A_771 : i32
        %get3A_773 = arith.index_cast %add3A_772 : i32 to index
        %get3A_774 = arith.constant 16 : index
        %get3A_775 = tpu.vector_load %arg6[%get3A_773, %get3A_774] {strides = array<i32>} : memref<800x64xf32, #tpu.memory_space<vmem>>, vector<1x16xf32>,
        %get3A_776 = vector.shape_cast %get3A_775 : vector<1x16xf32> to vector<16xf32>
        %add3A_777 = arith.addf %add3A_770, %get3A_776 : vector<16xf32>
        %add3A_778 = arith.constant 47 : i32
        %add3A_779 = arith.addi %mul3A_98, %add3A_778 : i32
        %get3A_780 = arith.index_cast %add3A_779 : i32 to index
        %get3A_781 = arith.constant 16 : index
        %get3A_782 = tpu.vector_load %arg6[%get3A_780, %get3A_781] {strides = array<i32>} : memref<800x64xf32, #tpu.memory_space<vmem>>, vector<1x16xf32>,
        %get3A_783 = vector.shape_cast %get3A_782 : vector<1x16xf32> to vector<16xf32>
        %add3A_784 = arith.addf %add3A_777, %get3A_783 : vector<16xf32>
        %add3A_785 = arith.constant 48 : i32
        %add3A_786 = arith.addi %mul3A_98, %add3A_785 : i32
        %get3A_787 = arith.index_cast %add3A_786 : i32 to index
        %get3A_788 = arith.constant 16 : index
        %get3A_789 = tpu.vector_load %arg6[%get3A_787, %get3A_788] {strides = array<i32>} : memref<800x64xf32, #tpu.memory_space<vmem>>, vector<1x16xf32>,
        %get3A_790 = vector.shape_cast %get3A_789 : vector<1x16xf32> to vector<16xf32>
        %add3A_791 = arith.addf %add3A_784, %get3A_790 : vector<16xf32>
        %add3A_792 = arith.constant 49 : i32
        %add3A_793 = arith.addi %mul3A_98, %add3A_792 : i32
        %get3A_794 = arith.index_cast %add3A_793 : i32 to index
        %get3A_795 = arith.constant 16 : index
        %get3A_796 = tpu.vector_load %arg6[%get3A_794, %get3A_795] {strides = array<i32>} : memref<800x64xf32, #tpu.memory_space<vmem>>, vector<1x16xf32>,
        %get3A_797 = vector.shape_cast %get3A_796 : vector<1x16xf32> to vector<16xf32>
        %add3A_798 = arith.addf %add3A_791, %get3A_797 : vector<16xf32>
        %swap3A_799 = arith.index_cast %add3A_101 : i32 to index
        %swap3A_800 = arith.constant 16 : index
        %swap3A_801 = tpu.vector_load %arg8[%swap3A_799, %swap3A_800] {strides = array<i32>} : memref<128x64xf32, #tpu.memory_space<vmem>>, vector<1x16xf32>,
        %swap3A_802 = vector.shape_cast %swap3A_801 : vector<1x16xf32> to vector<16xf32>
        %swap3A_803 = vector.shape_cast %add3A_798 : vector<16xf32> to vector<1x16xf32>
        tpu.vector_store %arg8[%swap3A_799, %swap3A_800], %swap3A_803 {strides = array<i32>} : memref<128x64xf32, #tpu.memory_space<vmem>>, vector<1x16xf32>,
        %get3A_804 = arith.index_cast %mul3A_98 : i32 to index
        %get3A_805 = arith.constant 32 : index
        %get3A_806 = tpu.vector_load %arg6[%get3A_804, %get3A_805] {strides = array<i32>} : memref<800x64xf32, #tpu.memory_space<vmem>>, vector<1x16xf32>,
        %get3A_807 = vector.shape_cast %get3A_806 : vector<1x16xf32> to vector<16xf32>
        %add3A_808 = arith.constant 1 : i32
        %add3A_809 = arith.addi %mul3A_98, %add3A_808 : i32
        %get3A_810 = arith.index_cast %add3A_809 : i32 to index
        %get3A_811 = arith.constant 32 : index
        %get3A_812 = tpu.vector_load %arg6[%get3A_810, %get3A_811] {strides = array<i32>} : memref<800x64xf32, #tpu.memory_space<vmem>>, vector<1x16xf32>,
        %get3A_813 = vector.shape_cast %get3A_812 : vector<1x16xf32> to vector<16xf32>
        %add3A_814 = arith.addf %get3A_807, %get3A_813 : vector<16xf32>
        %add3A_815 = arith.constant 2 : i32
        %add3A_816 = arith.addi %mul3A_98, %add3A_815 : i32
        %get3A_817 = arith.index_cast %add3A_816 : i32 to index
        %get3A_818 = arith.constant 32 : index
        %get3A_819 = tpu.vector_load %arg6[%get3A_817, %get3A_818] {strides = array<i32>} : memref<800x64xf32, #tpu.memory_space<vmem>>, vector<1x16xf32>,
        %get3A_820 = vector.shape_cast %get3A_819 : vector<1x16xf32> to vector<16xf32>
        %add3A_821 = arith.addf %add3A_814, %get3A_820 : vector<16xf32>
        %add3A_822 = arith.constant 3 : i32
        %add3A_823 = arith.addi %mul3A_98, %add3A_822 : i32
        %get3A_824 = arith.index_cast %add3A_823 : i32 to index
        %get3A_825 = arith.constant 32 : index
        %get3A_826 = tpu.vector_load %arg6[%get3A_824, %get3A_825] {strides = array<i32>} : memref<800x64xf32, #tpu.memory_space<vmem>>, vector<1x16xf32>,
        %get3A_827 = vector.shape_cast %get3A_826 : vector<1x16xf32> to vector<16xf32>
        %add3A_828 = arith.addf %add3A_821, %get3A_827 : vector<16xf32>
        %add3A_829 = arith.constant 4 : i32
        %add3A_830 = arith.addi %mul3A_98, %add3A_829 : i32
        %get3A_831 = arith.index_cast %add3A_830 : i32 to index
        %get3A_832 = arith.constant 32 : index
        %get3A_833 = tpu.vector_load %arg6[%get3A_831, %get3A_832] {strides = array<i32>} : memref<800x64xf32, #tpu.memory_space<vmem>>, vector<1x16xf32>,
        %get3A_834 = vector.shape_cast %get3A_833 : vector<1x16xf32> to vector<16xf32>
        %add3A_835 = arith.addf %add3A_828, %get3A_834 : vector<16xf32>
        %add3A_836 = arith.constant 5 : i32
        %add3A_837 = arith.addi %mul3A_98, %add3A_836 : i32
        %get3A_838 = arith.index_cast %add3A_837 : i32 to index
        %get3A_839 = arith.constant 32 : index
        %get3A_840 = tpu.vector_load %arg6[%get3A_838, %get3A_839] {strides = array<i32>} : memref<800x64xf32, #tpu.memory_space<vmem>>, vector<1x16xf32>,
        %get3A_841 = vector.shape_cast %get3A_840 : vector<1x16xf32> to vector<16xf32>
        %add3A_842 = arith.addf %add3A_835, %get3A_841 : vector<16xf32>
        %add3A_843 = arith.constant 6 : i32
        %add3A_844 = arith.addi %mul3A_98, %add3A_843 : i32
        %get3A_845 = arith.index_cast %add3A_844 : i32 to index
        %get3A_846 = arith.constant 32 : index
        %get3A_847 = tpu.vector_load %arg6[%get3A_845, %get3A_846] {strides = array<i32>} : memref<800x64xf32, #tpu.memory_space<vmem>>, vector<1x16xf32>,
        %get3A_848 = vector.shape_cast %get3A_847 : vector<1x16xf32> to vector<16xf32>
        %add3A_849 = arith.addf %add3A_842, %get3A_848 : vector<16xf32>
        %add3A_850 = arith.constant 7 : i32
        %add3A_851 = arith.addi %mul3A_98, %add3A_850 : i32
        %get3A_852 = arith.index_cast %add3A_851 : i32 to index
        %get3A_853 = arith.constant 32 : index
        %get3A_854 = tpu.vector_load %arg6[%get3A_852, %get3A_853] {strides = array<i32>} : memref<800x64xf32, #tpu.memory_space<vmem>>, vector<1x16xf32>,
        %get3A_855 = vector.shape_cast %get3A_854 : vector<1x16xf32> to vector<16xf32>
        %add3A_856 = arith.addf %add3A_849, %get3A_855 : vector<16xf32>
        %add3A_857 = arith.constant 8 : i32
        %add3A_858 = arith.addi %mul3A_98, %add3A_857 : i32
        %get3A_859 = arith.index_cast %add3A_858 : i32 to index
        %get3A_860 = arith.constant 32 : index
        %get3A_861 = tpu.vector_load %arg6[%get3A_859, %get3A_860] {strides = array<i32>} : memref<800x64xf32, #tpu.memory_space<vmem>>, vector<1x16xf32>,
        %get3A_862 = vector.shape_cast %get3A_861 : vector<1x16xf32> to vector<16xf32>
        %add3A_863 = arith.addf %add3A_856, %get3A_862 : vector<16xf32>
        %add3A_864 = arith.constant 9 : i32
        %add3A_865 = arith.addi %mul3A_98, %add3A_864 : i32
        %get3A_866 = arith.index_cast %add3A_865 : i32 to index
        %get3A_867 = arith.constant 32 : index
        %get3A_868 = tpu.vector_load %arg6[%get3A_866, %get3A_867] {strides = array<i32>} : memref<800x64xf32, #tpu.memory_space<vmem>>, vector<1x16xf32>,
        %get3A_869 = vector.shape_cast %get3A_868 : vector<1x16xf32> to vector<16xf32>
        %add3A_870 = arith.addf %add3A_863, %get3A_869 : vector<16xf32>
        %add3A_871 = arith.constant 10 : i32
        %add3A_872 = arith.addi %mul3A_98, %add3A_871 : i32
        %get3A_873 = arith.index_cast %add3A_872 : i32 to index
        %get3A_874 = arith.constant 32 : index
        %get3A_875 = tpu.vector_load %arg6[%get3A_873, %get3A_874] {strides = array<i32>} : memref<800x64xf32, #tpu.memory_space<vmem>>, vector<1x16xf32>,
        %get3A_876 = vector.shape_cast %get3A_875 : vector<1x16xf32> to vector<16xf32>
        %add3A_877 = arith.addf %add3A_870, %get3A_876 : vector<16xf32>
        %add3A_878 = arith.constant 11 : i32
        %add3A_879 = arith.addi %mul3A_98, %add3A_878 : i32
        %get3A_880 = arith.index_cast %add3A_879 : i32 to index
        %get3A_881 = arith.constant 32 : index
        %get3A_882 = tpu.vector_load %arg6[%get3A_880, %get3A_881] {strides = array<i32>} : memref<800x64xf32, #tpu.memory_space<vmem>>, vector<1x16xf32>,
        %get3A_883 = vector.shape_cast %get3A_882 : vector<1x16xf32> to vector<16xf32>
        %add3A_884 = arith.addf %add3A_877, %get3A_883 : vector<16xf32>
        %add3A_885 = arith.constant 12 : i32
        %add3A_886 = arith.addi %mul3A_98, %add3A_885 : i32
        %get3A_887 = arith.index_cast %add3A_886 : i32 to index
        %get3A_888 = arith.constant 32 : index
        %get3A_889 = tpu.vector_load %arg6[%get3A_887, %get3A_888] {strides = array<i32>} : memref<800x64xf32, #tpu.memory_space<vmem>>, vector<1x16xf32>,
        %get3A_890 = vector.shape_cast %get3A_889 : vector<1x16xf32> to vector<16xf32>
        %add3A_891 = arith.addf %add3A_884, %get3A_890 : vector<16xf32>
        %add3A_892 = arith.constant 13 : i32
        %add3A_893 = arith.addi %mul3A_98, %add3A_892 : i32
        %get3A_894 = arith.index_cast %add3A_893 : i32 to index
        %get3A_895 = arith.constant 32 : index
        %get3A_896 = tpu.vector_load %arg6[%get3A_894, %get3A_895] {strides = array<i32>} : memref<800x64xf32, #tpu.memory_space<vmem>>, vector<1x16xf32>,
        %get3A_897 = vector.shape_cast %get3A_896 : vector<1x16xf32> to vector<16xf32>
        %add3A_898 = arith.addf %add3A_891, %get3A_897 : vector<16xf32>
        %add3A_899 = arith.constant 14 : i32
        %add3A_900 = arith.addi %mul3A_98, %add3A_899 : i32
        %get3A_901 = arith.index_cast %add3A_900 : i32 to index
        %get3A_902 = arith.constant 32 : index
        %get3A_903 = tpu.vector_load %arg6[%get3A_901, %get3A_902] {strides = array<i32>} : memref<800x64xf32, #tpu.memory_space<vmem>>, vector<1x16xf32>,
        %get3A_904 = vector.shape_cast %get3A_903 : vector<1x16xf32> to vector<16xf32>
        %add3A_905 = arith.addf %add3A_898, %get3A_904 : vector<16xf32>
        %add3A_906 = arith.constant 15 : i32
        %add3A_907 = arith.addi %mul3A_98, %add3A_906 : i32
        %get3A_908 = arith.index_cast %add3A_907 : i32 to index
        %get3A_909 = arith.constant 32 : index
        %get3A_910 = tpu.vector_load %arg6[%get3A_908, %get3A_909] {strides = array<i32>} : memref<800x64xf32, #tpu.memory_space<vmem>>, vector<1x16xf32>,
        %get3A_911 = vector.shape_cast %get3A_910 : vector<1x16xf32> to vector<16xf32>
        %add3A_912 = arith.addf %add3A_905, %get3A_911 : vector<16xf32>
        %add3A_913 = arith.constant 16 : i32
        %add3A_914 = arith.addi %mul3A_98, %add3A_913 : i32
        %get3A_915 = arith.index_cast %add3A_914 : i32 to index
        %get3A_916 = arith.constant 32 : index
        %get3A_917 = tpu.vector_load %arg6[%get3A_915, %get3A_916] {strides = array<i32>} : memref<800x64xf32, #tpu.memory_space<vmem>>, vector<1x16xf32>,
        %get3A_918 = vector.shape_cast %get3A_917 : vector<1x16xf32> to vector<16xf32>
        %add3A_919 = arith.addf %add3A_912, %get3A_918 : vector<16xf32>
        %add3A_920 = arith.constant 17 : i32
        %add3A_921 = arith.addi %mul3A_98, %add3A_920 : i32
        %get3A_922 = arith.index_cast %add3A_921 : i32 to index
        %get3A_923 = arith.constant 32 : index
        %get3A_924 = tpu.vector_load %arg6[%get3A_922, %get3A_923] {strides = array<i32>} : memref<800x64xf32, #tpu.memory_space<vmem>>, vector<1x16xf32>,
        %get3A_925 = vector.shape_cast %get3A_924 : vector<1x16xf32> to vector<16xf32>
        %add3A_926 = arith.addf %add3A_919, %get3A_925 : vector<16xf32>
        %add3A_927 = arith.constant 18 : i32
        %add3A_928 = arith.addi %mul3A_98, %add3A_927 : i32
        %get3A_929 = arith.index_cast %add3A_928 : i32 to index
        %get3A_930 = arith.constant 32 : index
        %get3A_931 = tpu.vector_load %arg6[%get3A_929, %get3A_930] {strides = array<i32>} : memref<800x64xf32, #tpu.memory_space<vmem>>, vector<1x16xf32>,
        %get3A_932 = vector.shape_cast %get3A_931 : vector<1x16xf32> to vector<16xf32>
        %add3A_933 = arith.addf %add3A_926, %get3A_932 : vector<16xf32>
        %add3A_934 = arith.constant 19 : i32
        %add3A_935 = arith.addi %mul3A_98, %add3A_934 : i32
        %get3A_936 = arith.index_cast %add3A_935 : i32 to index
        %get3A_937 = arith.constant 32 : index
        %get3A_938 = tpu.vector_load %arg6[%get3A_936, %get3A_937] {strides = array<i32>} : memref<800x64xf32, #tpu.memory_space<vmem>>, vector<1x16xf32>,
        %get3A_939 = vector.shape_cast %get3A_938 : vector<1x16xf32> to vector<16xf32>
        %add3A_940 = arith.addf %add3A_933, %get3A_939 : vector<16xf32>
        %add3A_941 = arith.constant 20 : i32
        %add3A_942 = arith.addi %mul3A_98, %add3A_941 : i32
        %get3A_943 = arith.index_cast %add3A_942 : i32 to index
        %get3A_944 = arith.constant 32 : index
        %get3A_945 = tpu.vector_load %arg6[%get3A_943, %get3A_944] {strides = array<i32>} : memref<800x64xf32, #tpu.memory_space<vmem>>, vector<1x16xf32>,
        %get3A_946 = vector.shape_cast %get3A_945 : vector<1x16xf32> to vector<16xf32>
        %add3A_947 = arith.addf %add3A_940, %get3A_946 : vector<16xf32>
        %add3A_948 = arith.constant 21 : i32
        %add3A_949 = arith.addi %mul3A_98, %add3A_948 : i32
        %get3A_950 = arith.index_cast %add3A_949 : i32 to index
        %get3A_951 = arith.constant 32 : index
        %get3A_952 = tpu.vector_load %arg6[%get3A_950, %get3A_951] {strides = array<i32>} : memref<800x64xf32, #tpu.memory_space<vmem>>, vector<1x16xf32>,
        %get3A_953 = vector.shape_cast %get3A_952 : vector<1x16xf32> to vector<16xf32>
        %add3A_954 = arith.addf %add3A_947, %get3A_953 : vector<16xf32>
        %add3A_955 = arith.constant 22 : i32
        %add3A_956 = arith.addi %mul3A_98, %add3A_955 : i32
        %get3A_957 = arith.index_cast %add3A_956 : i32 to index
        %get3A_958 = arith.constant 32 : index
        %get3A_959 = tpu.vector_load %arg6[%get3A_957, %get3A_958] {strides = array<i32>} : memref<800x64xf32, #tpu.memory_space<vmem>>, vector<1x16xf32>,
        %get3A_960 = vector.shape_cast %get3A_959 : vector<1x16xf32> to vector<16xf32>
        %add3A_961 = arith.addf %add3A_954, %get3A_960 : vector<16xf32>
        %add3A_962 = arith.constant 23 : i32
        %add3A_963 = arith.addi %mul3A_98, %add3A_962 : i32
        %get3A_964 = arith.index_cast %add3A_963 : i32 to index
        %get3A_965 = arith.constant 32 : index
        %get3A_966 = tpu.vector_load %arg6[%get3A_964, %get3A_965] {strides = array<i32>} : memref<800x64xf32, #tpu.memory_space<vmem>>, vector<1x16xf32>,
        %get3A_967 = vector.shape_cast %get3A_966 : vector<1x16xf32> to vector<16xf32>
        %add3A_968 = arith.addf %add3A_961, %get3A_967 : vector<16xf32>
        %add3A_969 = arith.constant 24 : i32
        %add3A_970 = arith.addi %mul3A_98, %add3A_969 : i32
        %get3A_971 = arith.index_cast %add3A_970 : i32 to index
        %get3A_972 = arith.constant 32 : index
        %get3A_973 = tpu.vector_load %arg6[%get3A_971, %get3A_972] {strides = array<i32>} : memref<800x64xf32, #tpu.memory_space<vmem>>, vector<1x16xf32>,
        %get3A_974 = vector.shape_cast %get3A_973 : vector<1x16xf32> to vector<16xf32>
        %add3A_975 = arith.addf %add3A_968, %get3A_974 : vector<16xf32>
        %add3A_976 = arith.constant 25 : i32
        %add3A_977 = arith.addi %mul3A_98, %add3A_976 : i32
        %get3A_978 = arith.index_cast %add3A_977 : i32 to index
        %get3A_979 = arith.constant 32 : index
        %get3A_980 = tpu.vector_load %arg6[%get3A_978, %get3A_979] {strides = array<i32>} : memref<800x64xf32, #tpu.memory_space<vmem>>, vector<1x16xf32>,
        %get3A_981 = vector.shape_cast %get3A_980 : vector<1x16xf32> to vector<16xf32>
        %add3A_982 = arith.addf %add3A_975, %get3A_981 : vector<16xf32>
        %add3A_983 = arith.constant 26 : i32
        %add3A_984 = arith.addi %mul3A_98, %add3A_983 : i32
        %get3A_985 = arith.index_cast %add3A_984 : i32 to index
        %get3A_986 = arith.constant 32 : index
        %get3A_987 = tpu.vector_load %arg6[%get3A_985, %get3A_986] {strides = array<i32>} : memref<800x64xf32, #tpu.memory_space<vmem>>, vector<1x16xf32>,
        %get3A_988 = vector.shape_cast %get3A_987 : vector<1x16xf32> to vector<16xf32>
        %add3A_989 = arith.addf %add3A_982, %get3A_988 : vector<16xf32>
        %add3A_990 = arith.constant 27 : i32
        %add3A_991 = arith.addi %mul3A_98, %add3A_990 : i32
        %get3A_992 = arith.index_cast %add3A_991 : i32 to index
        %get3A_993 = arith.constant 32 : index
        %get3A_994 = tpu.vector_load %arg6[%get3A_992, %get3A_993] {strides = array<i32>} : memref<800x64xf32, #tpu.memory_space<vmem>>, vector<1x16xf32>,
        %get3A_995 = vector.shape_cast %get3A_994 : vector<1x16xf32> to vector<16xf32>
        %add3A_996 = arith.addf %add3A_989, %get3A_995 : vector<16xf32>
        %add3A_997 = arith.constant 28 : i32
        %add3A_998 = arith.addi %mul3A_98, %add3A_997 : i32
        %get3A_999 = arith.index_cast %add3A_998 : i32 to index
        %get3A_1000 = arith.constant 32 : index
        %get3A_1001 = tpu.vector_load %arg6[%get3A_999, %get3A_1000] {strides = array<i32>} : memref<800x64xf32, #tpu.memory_space<vmem>>, vector<1x16xf32>,
        %get3A_1002 = vector.shape_cast %get3A_1001 : vector<1x16xf32> to vector<16xf32>
        %add3A_1003 = arith.addf %add3A_996, %get3A_1002 : vector<16xf32>
        %add3A_1004 = arith.constant 29 : i32
        %add3A_1005 = arith.addi %mul3A_98, %add3A_1004 : i32
        %get3A_1006 = arith.index_cast %add3A_1005 : i32 to index
        %get3A_1007 = arith.constant 32 : index
        %get3A_1008 = tpu.vector_load %arg6[%get3A_1006, %get3A_1007] {strides = array<i32>} : memref<800x64xf32, #tpu.memory_space<vmem>>, vector<1x16xf32>,
        %get3A_1009 = vector.shape_cast %get3A_1008 : vector<1x16xf32> to vector<16xf32>
        %add3A_1010 = arith.addf %add3A_1003, %get3A_1009 : vector<16xf32>
        %add3A_1011 = arith.constant 30 : i32
        %add3A_1012 = arith.addi %mul3A_98, %add3A_1011 : i32
        %get3A_1013 = arith.index_cast %add3A_1012 : i32 to index
        %get3A_1014 = arith.constant 32 : index
        %get3A_1015 = tpu.vector_load %arg6[%get3A_1013, %get3A_1014] {strides = array<i32>} : memref<800x64xf32, #tpu.memory_space<vmem>>, vector<1x16xf32>,
        %get3A_1016 = vector.shape_cast %get3A_1015 : vector<1x16xf32> to vector<16xf32>
        %add3A_1017 = arith.addf %add3A_1010, %get3A_1016 : vector<16xf32>
        %add3A_1018 = arith.constant 31 : i32
        %add3A_1019 = arith.addi %mul3A_98, %add3A_1018 : i32
        %get3A_1020 = arith.index_cast %add3A_1019 : i32 to index
        %get3A_1021 = arith.constant 32 : index
        %get3A_1022 = tpu.vector_load %arg6[%get3A_1020, %get3A_1021] {strides = array<i32>} : memref<800x64xf32, #tpu.memory_space<vmem>>, vector<1x16xf32>,
        %get3A_1023 = vector.shape_cast %get3A_1022 : vector<1x16xf32> to vector<16xf32>
        %add3A_1024 = arith.addf %add3A_1017, %get3A_1023 : vector<16xf32>
        %add3A_1025 = arith.constant 32 : i32
        %add3A_1026 = arith.addi %mul3A_98, %add3A_1025 : i32
        %get3A_1027 = arith.index_cast %add3A_1026 : i32 to index
        %get3A_1028 = arith.constant 32 : index
        %get3A_1029 = tpu.vector_load %arg6[%get3A_1027, %get3A_1028] {strides = array<i32>} : memref<800x64xf32, #tpu.memory_space<vmem>>, vector<1x16xf32>,
        %get3A_1030 = vector.shape_cast %get3A_1029 : vector<1x16xf32> to vector<16xf32>
        %add3A_1031 = arith.addf %add3A_1024, %get3A_1030 : vector<16xf32>
        %add3A_1032 = arith.constant 33 : i32
        %add3A_1033 = arith.addi %mul3A_98, %add3A_1032 : i32
        %get3A_1034 = arith.index_cast %add3A_1033 : i32 to index
        %get3A_1035 = arith.constant 32 : index
        %get3A_1036 = tpu.vector_load %arg6[%get3A_1034, %get3A_1035] {strides = array<i32>} : memref<800x64xf32, #tpu.memory_space<vmem>>, vector<1x16xf32>,
        %get3A_1037 = vector.shape_cast %get3A_1036 : vector<1x16xf32> to vector<16xf32>
        %add3A_1038 = arith.addf %add3A_1031, %get3A_1037 : vector<16xf32>
        %add3A_1039 = arith.constant 34 : i32
        %add3A_1040 = arith.addi %mul3A_98, %add3A_1039 : i32
        %get3A_1041 = arith.index_cast %add3A_1040 : i32 to index
        %get3A_1042 = arith.constant 32 : index
        %get3A_1043 = tpu.vector_load %arg6[%get3A_1041, %get3A_1042] {strides = array<i32>} : memref<800x64xf32, #tpu.memory_space<vmem>>, vector<1x16xf32>,
        %get3A_1044 = vector.shape_cast %get3A_1043 : vector<1x16xf32> to vector<16xf32>
        %add3A_1045 = arith.addf %add3A_1038, %get3A_1044 : vector<16xf32>
        %add3A_1046 = arith.constant 35 : i32
        %add3A_1047 = arith.addi %mul3A_98, %add3A_1046 : i32
        %get3A_1048 = arith.index_cast %add3A_1047 : i32 to index
        %get3A_1049 = arith.constant 32 : index
        %get3A_1050 = tpu.vector_load %arg6[%get3A_1048, %get3A_1049] {strides = array<i32>} : memref<800x64xf32, #tpu.memory_space<vmem>>, vector<1x16xf32>,
        %get3A_1051 = vector.shape_cast %get3A_1050 : vector<1x16xf32> to vector<16xf32>
        %add3A_1052 = arith.addf %add3A_1045, %get3A_1051 : vector<16xf32>
        %add3A_1053 = arith.constant 36 : i32
        %add3A_1054 = arith.addi %mul3A_98, %add3A_1053 : i32
        %get3A_1055 = arith.index_cast %add3A_1054 : i32 to index
        %get3A_1056 = arith.constant 32 : index
        %get3A_1057 = tpu.vector_load %arg6[%get3A_1055, %get3A_1056] {strides = array<i32>} : memref<800x64xf32, #tpu.memory_space<vmem>>, vector<1x16xf32>,
        %get3A_1058 = vector.shape_cast %get3A_1057 : vector<1x16xf32> to vector<16xf32>
        %add3A_1059 = arith.addf %add3A_1052, %get3A_1058 : vector<16xf32>
        %add3A_1060 = arith.constant 37 : i32
        %add3A_1061 = arith.addi %mul3A_98, %add3A_1060 : i32
        %get3A_1062 = arith.index_cast %add3A_1061 : i32 to index
        %get3A_1063 = arith.constant 32 : index
        %get3A_1064 = tpu.vector_load %arg6[%get3A_1062, %get3A_1063] {strides = array<i32>} : memref<800x64xf32, #tpu.memory_space<vmem>>, vector<1x16xf32>,
        %get3A_1065 = vector.shape_cast %get3A_1064 : vector<1x16xf32> to vector<16xf32>
        %add3A_1066 = arith.addf %add3A_1059, %get3A_1065 : vector<16xf32>
        %add3A_1067 = arith.constant 38 : i32
        %add3A_1068 = arith.addi %mul3A_98, %add3A_1067 : i32
        %get3A_1069 = arith.index_cast %add3A_1068 : i32 to index
        %get3A_1070 = arith.constant 32 : index
        %get3A_1071 = tpu.vector_load %arg6[%get3A_1069, %get3A_1070] {strides = array<i32>} : memref<800x64xf32, #tpu.memory_space<vmem>>, vector<1x16xf32>,
        %get3A_1072 = vector.shape_cast %get3A_1071 : vector<1x16xf32> to vector<16xf32>
        %add3A_1073 = arith.addf %add3A_1066, %get3A_1072 : vector<16xf32>
        %add3A_1074 = arith.constant 39 : i32
        %add3A_1075 = arith.addi %mul3A_98, %add3A_1074 : i32
        %get3A_1076 = arith.index_cast %add3A_1075 : i32 to index
        %get3A_1077 = arith.constant 32 : index
        %get3A_1078 = tpu.vector_load %arg6[%get3A_1076, %get3A_1077] {strides = array<i32>} : memref<800x64xf32, #tpu.memory_space<vmem>>, vector<1x16xf32>,
        %get3A_1079 = vector.shape_cast %get3A_1078 : vector<1x16xf32> to vector<16xf32>
        %add3A_1080 = arith.addf %add3A_1073, %get3A_1079 : vector<16xf32>
        %add3A_1081 = arith.constant 40 : i32
        %add3A_1082 = arith.addi %mul3A_98, %add3A_1081 : i32
        %get3A_1083 = arith.index_cast %add3A_1082 : i32 to index
        %get3A_1084 = arith.constant 32 : index
        %get3A_1085 = tpu.vector_load %arg6[%get3A_1083, %get3A_1084] {strides = array<i32>} : memref<800x64xf32, #tpu.memory_space<vmem>>, vector<1x16xf32>,
        %get3A_1086 = vector.shape_cast %get3A_1085 : vector<1x16xf32> to vector<16xf32>
        %add3A_1087 = arith.addf %add3A_1080, %get3A_1086 : vector<16xf32>
        %add3A_1088 = arith.constant 41 : i32
        %add3A_1089 = arith.addi %mul3A_98, %add3A_1088 : i32
        %get3A_1090 = arith.index_cast %add3A_1089 : i32 to index
        %get3A_1091 = arith.constant 32 : index
        %get3A_1092 = tpu.vector_load %arg6[%get3A_1090, %get3A_1091] {strides = array<i32>} : memref<800x64xf32, #tpu.memory_space<vmem>>, vector<1x16xf32>,
        %get3A_1093 = vector.shape_cast %get3A_1092 : vector<1x16xf32> to vector<16xf32>
        %add3A_1094 = arith.addf %add3A_1087, %get3A_1093 : vector<16xf32>
        %add3A_1095 = arith.constant 42 : i32
        %add3A_1096 = arith.addi %mul3A_98, %add3A_1095 : i32
        %get3A_1097 = arith.index_cast %add3A_1096 : i32 to index
        %get3A_1098 = arith.constant 32 : index
        %get3A_1099 = tpu.vector_load %arg6[%get3A_1097, %get3A_1098] {strides = array<i32>} : memref<800x64xf32, #tpu.memory_space<vmem>>, vector<1x16xf32>,
        %get3A_1100 = vector.shape_cast %get3A_1099 : vector<1x16xf32> to vector<16xf32>
        %add3A_1101 = arith.addf %add3A_1094, %get3A_1100 : vector<16xf32>
        %add3A_1102 = arith.constant 43 : i32
        %add3A_1103 = arith.addi %mul3A_98, %add3A_1102 : i32
        %get3A_1104 = arith.index_cast %add3A_1103 : i32 to index
        %get3A_1105 = arith.constant 32 : index
        %get3A_1106 = tpu.vector_load %arg6[%get3A_1104, %get3A_1105] {strides = array<i32>} : memref<800x64xf32, #tpu.memory_space<vmem>>, vector<1x16xf32>,
        %get3A_1107 = vector.shape_cast %get3A_1106 : vector<1x16xf32> to vector<16xf32>
        %add3A_1108 = arith.addf %add3A_1101, %get3A_1107 : vector<16xf32>
        %add3A_1109 = arith.constant 44 : i32
        %add3A_1110 = arith.addi %mul3A_98, %add3A_1109 : i32
        %get3A_1111 = arith.index_cast %add3A_1110 : i32 to index
        %get3A_1112 = arith.constant 32 : index
        %get3A_1113 = tpu.vector_load %arg6[%get3A_1111, %get3A_1112] {strides = array<i32>} : memref<800x64xf32, #tpu.memory_space<vmem>>, vector<1x16xf32>,
        %get3A_1114 = vector.shape_cast %get3A_1113 : vector<1x16xf32> to vector<16xf32>
        %add3A_1115 = arith.addf %add3A_1108, %get3A_1114 : vector<16xf32>
        %add3A_1116 = arith.constant 45 : i32
        %add3A_1117 = arith.addi %mul3A_98, %add3A_1116 : i32
        %get3A_1118 = arith.index_cast %add3A_1117 : i32 to index
        %get3A_1119 = arith.constant 32 : index
        %get3A_1120 = tpu.vector_load %arg6[%get3A_1118, %get3A_1119] {strides = array<i32>} : memref<800x64xf32, #tpu.memory_space<vmem>>, vector<1x16xf32>,
        %get3A_1121 = vector.shape_cast %get3A_1120 : vector<1x16xf32> to vector<16xf32>
        %add3A_1122 = arith.addf %add3A_1115, %get3A_1121 : vector<16xf32>
        %add3A_1123 = arith.constant 46 : i32
        %add3A_1124 = arith.addi %mul3A_98, %add3A_1123 : i32
        %get3A_1125 = arith.index_cast %add3A_1124 : i32 to index
        %get3A_1126 = arith.constant 32 : index
        %get3A_1127 = tpu.vector_load %arg6[%get3A_1125, %get3A_1126] {strides = array<i32>} : memref<800x64xf32, #tpu.memory_space<vmem>>, vector<1x16xf32>,
        %get3A_1128 = vector.shape_cast %get3A_1127 : vector<1x16xf32> to vector<16xf32>
        %add3A_1129 = arith.addf %add3A_1122, %get3A_1128 : vector<16xf32>
        %add3A_1130 = arith.constant 47 : i32
        %add3A_1131 = arith.addi %mul3A_98, %add3A_1130 : i32
        %get3A_1132 = arith.index_cast %add3A_1131 : i32 to index
        %get3A_1133 = arith.constant 32 : index
        %get3A_1134 = tpu.vector_load %arg6[%get3A_1132, %get3A_1133] {strides = array<i32>} : memref<800x64xf32, #tpu.memory_space<vmem>>, vector<1x16xf32>,
        %get3A_1135 = vector.shape_cast %get3A_1134 : vector<1x16xf32> to vector<16xf32>
        %add3A_1136 = arith.addf %add3A_1129, %get3A_1135 : vector<16xf32>
        %add3A_1137 = arith.constant 48 : i32
        %add3A_1138 = arith.addi %mul3A_98, %add3A_1137 : i32
        %get3A_1139 = arith.index_cast %add3A_1138 : i32 to index
        %get3A_1140 = arith.constant 32 : index
        %get3A_1141 = tpu.vector_load %arg6[%get3A_1139, %get3A_1140] {strides = array<i32>} : memref<800x64xf32, #tpu.memory_space<vmem>>, vector<1x16xf32>,
        %get3A_1142 = vector.shape_cast %get3A_1141 : vector<1x16xf32> to vector<16xf32>
        %add3A_1143 = arith.addf %add3A_1136, %get3A_1142 : vector<16xf32>
        %add3A_1144 = arith.constant 49 : i32
        %add3A_1145 = arith.addi %mul3A_98, %add3A_1144 : i32
        %get3A_1146 = arith.index_cast %add3A_1145 : i32 to index
        %get3A_1147 = arith.constant 32 : index
        %get3A_1148 = tpu.vector_load %arg6[%get3A_1146, %get3A_1147] {strides = array<i32>} : memref<800x64xf32, #tpu.memory_space<vmem>>, vector<1x16xf32>,
        %get3A_1149 = vector.shape_cast %get3A_1148 : vector<1x16xf32> to vector<16xf32>
        %add3A_1150 = arith.addf %add3A_1143, %get3A_1149 : vector<16xf32>
        %swap3A_1151 = arith.index_cast %add3A_101 : i32 to index
        %swap3A_1152 = arith.constant 32 : index
        %swap3A_1153 = tpu.vector_load %arg8[%swap3A_1151, %swap3A_1152] {strides = array<i32>} : memref<128x64xf32, #tpu.memory_space<vmem>>, vector<1x16xf32>,
        %swap3A_1154 = vector.shape_cast %swap3A_1153 : vector<1x16xf32> to vector<16xf32>
        %swap3A_1155 = vector.shape_cast %add3A_1150 : vector<16xf32> to vector<1x16xf32>
        tpu.vector_store %arg8[%swap3A_1151, %swap3A_1152], %swap3A_1155 {strides = array<i32>} : memref<128x64xf32, #tpu.memory_space<vmem>>, vector<1x16xf32>,
        %get3A_1156 = arith.index_cast %mul3A_98 : i32 to index
        %get3A_1157 = arith.constant 48 : index
        %get3A_1158 = tpu.vector_load %arg6[%get3A_1156, %get3A_1157] {strides = array<i32>} : memref<800x64xf32, #tpu.memory_space<vmem>>, vector<1x16xf32>,
        %get3A_1159 = vector.shape_cast %get3A_1158 : vector<1x16xf32> to vector<16xf32>
        %add3A_1160 = arith.constant 1 : i32
        %add3A_1161 = arith.addi %mul3A_98, %add3A_1160 : i32
        %get3A_1162 = arith.index_cast %add3A_1161 : i32 to index
        %get3A_1163 = arith.constant 48 : index
        %get3A_1164 = tpu.vector_load %arg6[%get3A_1162, %get3A_1163] {strides = array<i32>} : memref<800x64xf32, #tpu.memory_space<vmem>>, vector<1x16xf32>,
        %get3A_1165 = vector.shape_cast %get3A_1164 : vector<1x16xf32> to vector<16xf32>
        %add3A_1166 = arith.addf %get3A_1159, %get3A_1165 : vector<16xf32>
        %add3A_1167 = arith.constant 2 : i32
        %add3A_1168 = arith.addi %mul3A_98, %add3A_1167 : i32
        %get3A_1169 = arith.index_cast %add3A_1168 : i32 to index
        %get3A_1170 = arith.constant 48 : index
        %get3A_1171 = tpu.vector_load %arg6[%get3A_1169, %get3A_1170] {strides = array<i32>} : memref<800x64xf32, #tpu.memory_space<vmem>>, vector<1x16xf32>,
        %get3A_1172 = vector.shape_cast %get3A_1171 : vector<1x16xf32> to vector<16xf32>
        %add3A_1173 = arith.addf %add3A_1166, %get3A_1172 : vector<16xf32>
        %add3A_1174 = arith.constant 3 : i32
        %add3A_1175 = arith.addi %mul3A_98, %add3A_1174 : i32
        %get3A_1176 = arith.index_cast %add3A_1175 : i32 to index
        %get3A_1177 = arith.constant 48 : index
        %get3A_1178 = tpu.vector_load %arg6[%get3A_1176, %get3A_1177] {strides = array<i32>} : memref<800x64xf32, #tpu.memory_space<vmem>>, vector<1x16xf32>,
        %get3A_1179 = vector.shape_cast %get3A_1178 : vector<1x16xf32> to vector<16xf32>
        %add3A_1180 = arith.addf %add3A_1173, %get3A_1179 : vector<16xf32>
        %add3A_1181 = arith.constant 4 : i32
        %add3A_1182 = arith.addi %mul3A_98, %add3A_1181 : i32
        %get3A_1183 = arith.index_cast %add3A_1182 : i32 to index
        %get3A_1184 = arith.constant 48 : index
        %get3A_1185 = tpu.vector_load %arg6[%get3A_1183, %get3A_1184] {strides = array<i32>} : memref<800x64xf32, #tpu.memory_space<vmem>>, vector<1x16xf32>,
        %get3A_1186 = vector.shape_cast %get3A_1185 : vector<1x16xf32> to vector<16xf32>
        %add3A_1187 = arith.addf %add3A_1180, %get3A_1186 : vector<16xf32>
        %add3A_1188 = arith.constant 5 : i32
        %add3A_1189 = arith.addi %mul3A_98, %add3A_1188 : i32
        %get3A_1190 = arith.index_cast %add3A_1189 : i32 to index
        %get3A_1191 = arith.constant 48 : index
        %get3A_1192 = tpu.vector_load %arg6[%get3A_1190, %get3A_1191] {strides = array<i32>} : memref<800x64xf32, #tpu.memory_space<vmem>>, vector<1x16xf32>,
        %get3A_1193 = vector.shape_cast %get3A_1192 : vector<1x16xf32> to vector<16xf32>
        %add3A_1194 = arith.addf %add3A_1187, %get3A_1193 : vector<16xf32>
        %add3A_1195 = arith.constant 6 : i32
        %add3A_1196 = arith.addi %mul3A_98, %add3A_1195 : i32
        %get3A_1197 = arith.index_cast %add3A_1196 : i32 to index
        %get3A_1198 = arith.constant 48 : index
        %get3A_1199 = tpu.vector_load %arg6[%get3A_1197, %get3A_1198] {strides = array<i32>} : memref<800x64xf32, #tpu.memory_space<vmem>>, vector<1x16xf32>,
        %get3A_1200 = vector.shape_cast %get3A_1199 : vector<1x16xf32> to vector<16xf32>
        %add3A_1201 = arith.addf %add3A_1194, %get3A_1200 : vector<16xf32>
        %add3A_1202 = arith.constant 7 : i32
        %add3A_1203 = arith.addi %mul3A_98, %add3A_1202 : i32
        %get3A_1204 = arith.index_cast %add3A_1203 : i32 to index
        %get3A_1205 = arith.constant 48 : index
        %get3A_1206 = tpu.vector_load %arg6[%get3A_1204, %get3A_1205] {strides = array<i32>} : memref<800x64xf32, #tpu.memory_space<vmem>>, vector<1x16xf32>,
        %get3A_1207 = vector.shape_cast %get3A_1206 : vector<1x16xf32> to vector<16xf32>
        %add3A_1208 = arith.addf %add3A_1201, %get3A_1207 : vector<16xf32>
        %add3A_1209 = arith.constant 8 : i32
        %add3A_1210 = arith.addi %mul3A_98, %add3A_1209 : i32
        %get3A_1211 = arith.index_cast %add3A_1210 : i32 to index
        %get3A_1212 = arith.constant 48 : index
        %get3A_1213 = tpu.vector_load %arg6[%get3A_1211, %get3A_1212] {strides = array<i32>} : memref<800x64xf32, #tpu.memory_space<vmem>>, vector<1x16xf32>,
        %get3A_1214 = vector.shape_cast %get3A_1213 : vector<1x16xf32> to vector<16xf32>
        %add3A_1215 = arith.addf %add3A_1208, %get3A_1214 : vector<16xf32>
        %add3A_1216 = arith.constant 9 : i32
        %add3A_1217 = arith.addi %mul3A_98, %add3A_1216 : i32
        %get3A_1218 = arith.index_cast %add3A_1217 : i32 to index
        %get3A_1219 = arith.constant 48 : index
        %get3A_1220 = tpu.vector_load %arg6[%get3A_1218, %get3A_1219] {strides = array<i32>} : memref<800x64xf32, #tpu.memory_space<vmem>>, vector<1x16xf32>,
        %get3A_1221 = vector.shape_cast %get3A_1220 : vector<1x16xf32> to vector<16xf32>
        %add3A_1222 = arith.addf %add3A_1215, %get3A_1221 : vector<16xf32>
        %add3A_1223 = arith.constant 10 : i32
        %add3A_1224 = arith.addi %mul3A_98, %add3A_1223 : i32
        %get3A_1225 = arith.index_cast %add3A_1224 : i32 to index
        %get3A_1226 = arith.constant 48 : index
        %get3A_1227 = tpu.vector_load %arg6[%get3A_1225, %get3A_1226] {strides = array<i32>} : memref<800x64xf32, #tpu.memory_space<vmem>>, vector<1x16xf32>,
        %get3A_1228 = vector.shape_cast %get3A_1227 : vector<1x16xf32> to vector<16xf32>
        %add3A_1229 = arith.addf %add3A_1222, %get3A_1228 : vector<16xf32>
        %add3A_1230 = arith.constant 11 : i32
        %add3A_1231 = arith.addi %mul3A_98, %add3A_1230 : i32
        %get3A_1232 = arith.index_cast %add3A_1231 : i32 to index
        %get3A_1233 = arith.constant 48 : index
        %get3A_1234 = tpu.vector_load %arg6[%get3A_1232, %get3A_1233] {strides = array<i32>} : memref<800x64xf32, #tpu.memory_space<vmem>>, vector<1x16xf32>,
        %get3A_1235 = vector.shape_cast %get3A_1234 : vector<1x16xf32> to vector<16xf32>
        %add3A_1236 = arith.addf %add3A_1229, %get3A_1235 : vector<16xf32>
        %add3A_1237 = arith.constant 12 : i32
        %add3A_1238 = arith.addi %mul3A_98, %add3A_1237 : i32
        %get3A_1239 = arith.index_cast %add3A_1238 : i32 to index
        %get3A_1240 = arith.constant 48 : index
        %get3A_1241 = tpu.vector_load %arg6[%get3A_1239, %get3A_1240] {strides = array<i32>} : memref<800x64xf32, #tpu.memory_space<vmem>>, vector<1x16xf32>,
        %get3A_1242 = vector.shape_cast %get3A_1241 : vector<1x16xf32> to vector<16xf32>
        %add3A_1243 = arith.addf %add3A_1236, %get3A_1242 : vector<16xf32>
        %add3A_1244 = arith.constant 13 : i32
        %add3A_1245 = arith.addi %mul3A_98, %add3A_1244 : i32
        %get3A_1246 = arith.index_cast %add3A_1245 : i32 to index
        %get3A_1247 = arith.constant 48 : index
        %get3A_1248 = tpu.vector_load %arg6[%get3A_1246, %get3A_1247] {strides = array<i32>} : memref<800x64xf32, #tpu.memory_space<vmem>>, vector<1x16xf32>,
        %get3A_1249 = vector.shape_cast %get3A_1248 : vector<1x16xf32> to vector<16xf32>
        %add3A_1250 = arith.addf %add3A_1243, %get3A_1249 : vector<16xf32>
        %add3A_1251 = arith.constant 14 : i32
        %add3A_1252 = arith.addi %mul3A_98, %add3A_1251 : i32
        %get3A_1253 = arith.index_cast %add3A_1252 : i32 to index
        %get3A_1254 = arith.constant 48 : index
        %get3A_1255 = tpu.vector_load %arg6[%get3A_1253, %get3A_1254] {strides = array<i32>} : memref<800x64xf32, #tpu.memory_space<vmem>>, vector<1x16xf32>,
        %get3A_1256 = vector.shape_cast %get3A_1255 : vector<1x16xf32> to vector<16xf32>
        %add3A_1257 = arith.addf %add3A_1250, %get3A_1256 : vector<16xf32>
        %add3A_1258 = arith.constant 15 : i32
        %add3A_1259 = arith.addi %mul3A_98, %add3A_1258 : i32
        %get3A_1260 = arith.index_cast %add3A_1259 : i32 to index
        %get3A_1261 = arith.constant 48 : index
        %get3A_1262 = tpu.vector_load %arg6[%get3A_1260, %get3A_1261] {strides = array<i32>} : memref<800x64xf32, #tpu.memory_space<vmem>>, vector<1x16xf32>,
        %get3A_1263 = vector.shape_cast %get3A_1262 : vector<1x16xf32> to vector<16xf32>
        %add3A_1264 = arith.addf %add3A_1257, %get3A_1263 : vector<16xf32>
        %add3A_1265 = arith.constant 16 : i32
        %add3A_1266 = arith.addi %mul3A_98, %add3A_1265 : i32
        %get3A_1267 = arith.index_cast %add3A_1266 : i32 to index
        %get3A_1268 = arith.constant 48 : index
        %get3A_1269 = tpu.vector_load %arg6[%get3A_1267, %get3A_1268] {strides = array<i32>} : memref<800x64xf32, #tpu.memory_space<vmem>>, vector<1x16xf32>,
        %get3A_1270 = vector.shape_cast %get3A_1269 : vector<1x16xf32> to vector<16xf32>
        %add3A_1271 = arith.addf %add3A_1264, %get3A_1270 : vector<16xf32>
        %add3A_1272 = arith.constant 17 : i32
        %add3A_1273 = arith.addi %mul3A_98, %add3A_1272 : i32
        %get3A_1274 = arith.index_cast %add3A_1273 : i32 to index
        %get3A_1275 = arith.constant 48 : index
        %get3A_1276 = tpu.vector_load %arg6[%get3A_1274, %get3A_1275] {strides = array<i32>} : memref<800x64xf32, #tpu.memory_space<vmem>>, vector<1x16xf32>,
        %get3A_1277 = vector.shape_cast %get3A_1276 : vector<1x16xf32> to vector<16xf32>
        %add3A_1278 = arith.addf %add3A_1271, %get3A_1277 : vector<16xf32>
        %add3A_1279 = arith.constant 18 : i32
        %add3A_1280 = arith.addi %mul3A_98, %add3A_1279 : i32
        %get3A_1281 = arith.index_cast %add3A_1280 : i32 to index
        %get3A_1282 = arith.constant 48 : index
        %get3A_1283 = tpu.vector_load %arg6[%get3A_1281, %get3A_1282] {strides = array<i32>} : memref<800x64xf32, #tpu.memory_space<vmem>>, vector<1x16xf32>,
        %get3A_1284 = vector.shape_cast %get3A_1283 : vector<1x16xf32> to vector<16xf32>
        %add3A_1285 = arith.addf %add3A_1278, %get3A_1284 : vector<16xf32>
        %add3A_1286 = arith.constant 19 : i32
        %add3A_1287 = arith.addi %mul3A_98, %add3A_1286 : i32
        %get3A_1288 = arith.index_cast %add3A_1287 : i32 to index
        %get3A_1289 = arith.constant 48 : index
        %get3A_1290 = tpu.vector_load %arg6[%get3A_1288, %get3A_1289] {strides = array<i32>} : memref<800x64xf32, #tpu.memory_space<vmem>>, vector<1x16xf32>,
        %get3A_1291 = vector.shape_cast %get3A_1290 : vector<1x16xf32> to vector<16xf32>
        %add3A_1292 = arith.addf %add3A_1285, %get3A_1291 : vector<16xf32>
        %add3A_1293 = arith.constant 20 : i32
        %add3A_1294 = arith.addi %mul3A_98, %add3A_1293 : i32
        %get3A_1295 = arith.index_cast %add3A_1294 : i32 to index
        %get3A_1296 = arith.constant 48 : index
        %get3A_1297 = tpu.vector_load %arg6[%get3A_1295, %get3A_1296] {strides = array<i32>} : memref<800x64xf32, #tpu.memory_space<vmem>>, vector<1x16xf32>,
        %get3A_1298 = vector.shape_cast %get3A_1297 : vector<1x16xf32> to vector<16xf32>
        %add3A_1299 = arith.addf %add3A_1292, %get3A_1298 : vector<16xf32>
        %add3A_1300 = arith.constant 21 : i32
        %add3A_1301 = arith.addi %mul3A_98, %add3A_1300 : i32
        %get3A_1302 = arith.index_cast %add3A_1301 : i32 to index
        %get3A_1303 = arith.constant 48 : index
        %get3A_1304 = tpu.vector_load %arg6[%get3A_1302, %get3A_1303] {strides = array<i32>} : memref<800x64xf32, #tpu.memory_space<vmem>>, vector<1x16xf32>,
        %get3A_1305 = vector.shape_cast %get3A_1304 : vector<1x16xf32> to vector<16xf32>
        %add3A_1306 = arith.addf %add3A_1299, %get3A_1305 : vector<16xf32>
        %add3A_1307 = arith.constant 22 : i32
        %add3A_1308 = arith.addi %mul3A_98, %add3A_1307 : i32
        %get3A_1309 = arith.index_cast %add3A_1308 : i32 to index
        %get3A_1310 = arith.constant 48 : index
        %get3A_1311 = tpu.vector_load %arg6[%get3A_1309, %get3A_1310] {strides = array<i32>} : memref<800x64xf32, #tpu.memory_space<vmem>>, vector<1x16xf32>,
        %get3A_1312 = vector.shape_cast %get3A_1311 : vector<1x16xf32> to vector<16xf32>
        %add3A_1313 = arith.addf %add3A_1306, %get3A_1312 : vector<16xf32>
        %add3A_1314 = arith.constant 23 : i32
        %add3A_1315 = arith.addi %mul3A_98, %add3A_1314 : i32
        %get3A_1316 = arith.index_cast %add3A_1315 : i32 to index
        %get3A_1317 = arith.constant 48 : index
        %get3A_1318 = tpu.vector_load %arg6[%get3A_1316, %get3A_1317] {strides = array<i32>} : memref<800x64xf32, #tpu.memory_space<vmem>>, vector<1x16xf32>,
        %get3A_1319 = vector.shape_cast %get3A_1318 : vector<1x16xf32> to vector<16xf32>
        %add3A_1320 = arith.addf %add3A_1313, %get3A_1319 : vector<16xf32>
        %add3A_1321 = arith.constant 24 : i32
        %add3A_1322 = arith.addi %mul3A_98, %add3A_1321 : i32
        %get3A_1323 = arith.index_cast %add3A_1322 : i32 to index
        %get3A_1324 = arith.constant 48 : index
        %get3A_1325 = tpu.vector_load %arg6[%get3A_1323, %get3A_1324] {strides = array<i32>} : memref<800x64xf32, #tpu.memory_space<vmem>>, vector<1x16xf32>,
        %get3A_1326 = vector.shape_cast %get3A_1325 : vector<1x16xf32> to vector<16xf32>
        %add3A_1327 = arith.addf %add3A_1320, %get3A_1326 : vector<16xf32>
        %add3A_1328 = arith.constant 25 : i32
        %add3A_1329 = arith.addi %mul3A_98, %add3A_1328 : i32
        %get3A_1330 = arith.index_cast %add3A_1329 : i32 to index
        %get3A_1331 = arith.constant 48 : index
        %get3A_1332 = tpu.vector_load %arg6[%get3A_1330, %get3A_1331] {strides = array<i32>} : memref<800x64xf32, #tpu.memory_space<vmem>>, vector<1x16xf32>,
        %get3A_1333 = vector.shape_cast %get3A_1332 : vector<1x16xf32> to vector<16xf32>
        %add3A_1334 = arith.addf %add3A_1327, %get3A_1333 : vector<16xf32>
        %add3A_1335 = arith.constant 26 : i32
        %add3A_1336 = arith.addi %mul3A_98, %add3A_1335 : i32
        %get3A_1337 = arith.index_cast %add3A_1336 : i32 to index
        %get3A_1338 = arith.constant 48 : index
        %get3A_1339 = tpu.vector_load %arg6[%get3A_1337, %get3A_1338] {strides = array<i32>} : memref<800x64xf32, #tpu.memory_space<vmem>>, vector<1x16xf32>,
        %get3A_1340 = vector.shape_cast %get3A_1339 : vector<1x16xf32> to vector<16xf32>
        %add3A_1341 = arith.addf %add3A_1334, %get3A_1340 : vector<16xf32>
        %add3A_1342 = arith.constant 27 : i32
        %add3A_1343 = arith.addi %mul3A_98, %add3A_1342 : i32
        %get3A_1344 = arith.index_cast %add3A_1343 : i32 to index
        %get3A_1345 = arith.constant 48 : index
        %get3A_1346 = tpu.vector_load %arg6[%get3A_1344, %get3A_1345] {strides = array<i32>} : memref<800x64xf32, #tpu.memory_space<vmem>>, vector<1x16xf32>,
        %get3A_1347 = vector.shape_cast %get3A_1346 : vector<1x16xf32> to vector<16xf32>
        %add3A_1348 = arith.addf %add3A_1341, %get3A_1347 : vector<16xf32>
        %add3A_1349 = arith.constant 28 : i32
        %add3A_1350 = arith.addi %mul3A_98, %add3A_1349 : i32
        %get3A_1351 = arith.index_cast %add3A_1350 : i32 to index
        %get3A_1352 = arith.constant 48 : index
        %get3A_1353 = tpu.vector_load %arg6[%get3A_1351, %get3A_1352] {strides = array<i32>} : memref<800x64xf32, #tpu.memory_space<vmem>>, vector<1x16xf32>,
        %get3A_1354 = vector.shape_cast %get3A_1353 : vector<1x16xf32> to vector<16xf32>
        %add3A_1355 = arith.addf %add3A_1348, %get3A_1354 : vector<16xf32>
        %add3A_1356 = arith.constant 29 : i32
        %add3A_1357 = arith.addi %mul3A_98, %add3A_1356 : i32
        %get3A_1358 = arith.index_cast %add3A_1357 : i32 to index
        %get3A_1359 = arith.constant 48 : index
        %get3A_1360 = tpu.vector_load %arg6[%get3A_1358, %get3A_1359] {strides = array<i32>} : memref<800x64xf32, #tpu.memory_space<vmem>>, vector<1x16xf32>,
        %get3A_1361 = vector.shape_cast %get3A_1360 : vector<1x16xf32> to vector<16xf32>
        %add3A_1362 = arith.addf %add3A_1355, %get3A_1361 : vector<16xf32>
        %add3A_1363 = arith.constant 30 : i32
        %add3A_1364 = arith.addi %mul3A_98, %add3A_1363 : i32
        %get3A_1365 = arith.index_cast %add3A_1364 : i32 to index
        %get3A_1366 = arith.constant 48 : index
        %get3A_1367 = tpu.vector_load %arg6[%get3A_1365, %get3A_1366] {strides = array<i32>} : memref<800x64xf32, #tpu.memory_space<vmem>>, vector<1x16xf32>,
        %get3A_1368 = vector.shape_cast %get3A_1367 : vector<1x16xf32> to vector<16xf32>
        %add3A_1369 = arith.addf %add3A_1362, %get3A_1368 : vector<16xf32>
        %add3A_1370 = arith.constant 31 : i32
        %add3A_1371 = arith.addi %mul3A_98, %add3A_1370 : i32
        %get3A_1372 = arith.index_cast %add3A_1371 : i32 to index
        %get3A_1373 = arith.constant 48 : index
        %get3A_1374 = tpu.vector_load %arg6[%get3A_1372, %get3A_1373] {strides = array<i32>} : memref<800x64xf32, #tpu.memory_space<vmem>>, vector<1x16xf32>,
        %get3A_1375 = vector.shape_cast %get3A_1374 : vector<1x16xf32> to vector<16xf32>
        %add3A_1376 = arith.addf %add3A_1369, %get3A_1375 : vector<16xf32>
        %add3A_1377 = arith.constant 32 : i32
        %add3A_1378 = arith.addi %mul3A_98, %add3A_1377 : i32
        %get3A_1379 = arith.index_cast %add3A_1378 : i32 to index
        %get3A_1380 = arith.constant 48 : index
        %get3A_1381 = tpu.vector_load %arg6[%get3A_1379, %get3A_1380] {strides = array<i32>} : memref<800x64xf32, #tpu.memory_space<vmem>>, vector<1x16xf32>,
        %get3A_1382 = vector.shape_cast %get3A_1381 : vector<1x16xf32> to vector<16xf32>
        %add3A_1383 = arith.addf %add3A_1376, %get3A_1382 : vector<16xf32>
        %add3A_1384 = arith.constant 33 : i32
        %add3A_1385 = arith.addi %mul3A_98, %add3A_1384 : i32
        %get3A_1386 = arith.index_cast %add3A_1385 : i32 to index
        %get3A_1387 = arith.constant 48 : index
        %get3A_1388 = tpu.vector_load %arg6[%get3A_1386, %get3A_1387] {strides = array<i32>} : memref<800x64xf32, #tpu.memory_space<vmem>>, vector<1x16xf32>,
        %get3A_1389 = vector.shape_cast %get3A_1388 : vector<1x16xf32> to vector<16xf32>
        %add3A_1390 = arith.addf %add3A_1383, %get3A_1389 : vector<16xf32>
        %add3A_1391 = arith.constant 34 : i32
        %add3A_1392 = arith.addi %mul3A_98, %add3A_1391 : i32
        %get3A_1393 = arith.index_cast %add3A_1392 : i32 to index
        %get3A_1394 = arith.constant 48 : index
        %get3A_1395 = tpu.vector_load %arg6[%get3A_1393, %get3A_1394] {strides = array<i32>} : memref<800x64xf32, #tpu.memory_space<vmem>>, vector<1x16xf32>,
        %get3A_1396 = vector.shape_cast %get3A_1395 : vector<1x16xf32> to vector<16xf32>
        %add3A_1397 = arith.addf %add3A_1390, %get3A_1396 : vector<16xf32>
        %add3A_1398 = arith.constant 35 : i32
        %add3A_1399 = arith.addi %mul3A_98, %add3A_1398 : i32
        %get3A_1400 = arith.index_cast %add3A_1399 : i32 to index
        %get3A_1401 = arith.constant 48 : index
        %get3A_1402 = tpu.vector_load %arg6[%get3A_1400, %get3A_1401] {strides = array<i32>} : memref<800x64xf32, #tpu.memory_space<vmem>>, vector<1x16xf32>,
        %get3A_1403 = vector.shape_cast %get3A_1402 : vector<1x16xf32> to vector<16xf32>
        %add3A_1404 = arith.addf %add3A_1397, %get3A_1403 : vector<16xf32>
        %add3A_1405 = arith.constant 36 : i32
        %add3A_1406 = arith.addi %mul3A_98, %add3A_1405 : i32
        %get3A_1407 = arith.index_cast %add3A_1406 : i32 to index
        %get3A_1408 = arith.constant 48 : index
        %get3A_1409 = tpu.vector_load %arg6[%get3A_1407, %get3A_1408] {strides = array<i32>} : memref<800x64xf32, #tpu.memory_space<vmem>>, vector<1x16xf32>,
        %get3A_1410 = vector.shape_cast %get3A_1409 : vector<1x16xf32> to vector<16xf32>
        %add3A_1411 = arith.addf %add3A_1404, %get3A_1410 : vector<16xf32>
        %add3A_1412 = arith.constant 37 : i32
        %add3A_1413 = arith.addi %mul3A_98, %add3A_1412 : i32
        %get3A_1414 = arith.index_cast %add3A_1413 : i32 to index
        %get3A_1415 = arith.constant 48 : index
        %get3A_1416 = tpu.vector_load %arg6[%get3A_1414, %get3A_1415] {strides = array<i32>} : memref<800x64xf32, #tpu.memory_space<vmem>>, vector<1x16xf32>,
        %get3A_1417 = vector.shape_cast %get3A_1416 : vector<1x16xf32> to vector<16xf32>
        %add3A_1418 = arith.addf %add3A_1411, %get3A_1417 : vector<16xf32>
        %add3A_1419 = arith.constant 38 : i32
        %add3A_1420 = arith.addi %mul3A_98, %add3A_1419 : i32
        %get3A_1421 = arith.index_cast %add3A_1420 : i32 to index
        %get3A_1422 = arith.constant 48 : index
        %get3A_1423 = tpu.vector_load %arg6[%get3A_1421, %get3A_1422] {strides = array<i32>} : memref<800x64xf32, #tpu.memory_space<vmem>>, vector<1x16xf32>,
        %get3A_1424 = vector.shape_cast %get3A_1423 : vector<1x16xf32> to vector<16xf32>
        %add3A_1425 = arith.addf %add3A_1418, %get3A_1424 : vector<16xf32>
        %add3A_1426 = arith.constant 39 : i32
        %add3A_1427 = arith.addi %mul3A_98, %add3A_1426 : i32
        %get3A_1428 = arith.index_cast %add3A_1427 : i32 to index
        %get3A_1429 = arith.constant 48 : index
        %get3A_1430 = tpu.vector_load %arg6[%get3A_1428, %get3A_1429] {strides = array<i32>} : memref<800x64xf32, #tpu.memory_space<vmem>>, vector<1x16xf32>,
        %get3A_1431 = vector.shape_cast %get3A_1430 : vector<1x16xf32> to vector<16xf32>
        %add3A_1432 = arith.addf %add3A_1425, %get3A_1431 : vector<16xf32>
        %add3A_1433 = arith.constant 40 : i32
        %add3A_1434 = arith.addi %mul3A_98, %add3A_1433 : i32
        %get3A_1435 = arith.index_cast %add3A_1434 : i32 to index
        %get3A_1436 = arith.constant 48 : index
        %get3A_1437 = tpu.vector_load %arg6[%get3A_1435, %get3A_1436] {strides = array<i32>} : memref<800x64xf32, #tpu.memory_space<vmem>>, vector<1x16xf32>,
        %get3A_1438 = vector.shape_cast %get3A_1437 : vector<1x16xf32> to vector<16xf32>
        %add3A_1439 = arith.addf %add3A_1432, %get3A_1438 : vector<16xf32>
        %add3A_1440 = arith.constant 41 : i32
        %add3A_1441 = arith.addi %mul3A_98, %add3A_1440 : i32
        %get3A_1442 = arith.index_cast %add3A_1441 : i32 to index
        %get3A_1443 = arith.constant 48 : index
        %get3A_1444 = tpu.vector_load %arg6[%get3A_1442, %get3A_1443] {strides = array<i32>} : memref<800x64xf32, #tpu.memory_space<vmem>>, vector<1x16xf32>,
        %get3A_1445 = vector.shape_cast %get3A_1444 : vector<1x16xf32> to vector<16xf32>
        %add3A_1446 = arith.addf %add3A_1439, %get3A_1445 : vector<16xf32>
        %add3A_1447 = arith.constant 42 : i32
        %add3A_1448 = arith.addi %mul3A_98, %add3A_1447 : i32
        %get3A_1449 = arith.index_cast %add3A_1448 : i32 to index
        %get3A_1450 = arith.constant 48 : index
        %get3A_1451 = tpu.vector_load %arg6[%get3A_1449, %get3A_1450] {strides = array<i32>} : memref<800x64xf32, #tpu.memory_space<vmem>>, vector<1x16xf32>,
        %get3A_1452 = vector.shape_cast %get3A_1451 : vector<1x16xf32> to vector<16xf32>
        %add3A_1453 = arith.addf %add3A_1446, %get3A_1452 : vector<16xf32>
        %add3A_1454 = arith.constant 43 : i32
        %add3A_1455 = arith.addi %mul3A_98, %add3A_1454 : i32
        %get3A_1456 = arith.index_cast %add3A_1455 : i32 to index
        %get3A_1457 = arith.constant 48 : index
        %get3A_1458 = tpu.vector_load %arg6[%get3A_1456, %get3A_1457] {strides = array<i32>} : memref<800x64xf32, #tpu.memory_space<vmem>>, vector<1x16xf32>,
        %get3A_1459 = vector.shape_cast %get3A_1458 : vector<1x16xf32> to vector<16xf32>
        %add3A_1460 = arith.addf %add3A_1453, %get3A_1459 : vector<16xf32>
        %add3A_1461 = arith.constant 44 : i32
        %add3A_1462 = arith.addi %mul3A_98, %add3A_1461 : i32
        %get3A_1463 = arith.index_cast %add3A_1462 : i32 to index
        %get3A_1464 = arith.constant 48 : index
        %get3A_1465 = tpu.vector_load %arg6[%get3A_1463, %get3A_1464] {strides = array<i32>} : memref<800x64xf32, #tpu.memory_space<vmem>>, vector<1x16xf32>,
        %get3A_1466 = vector.shape_cast %get3A_1465 : vector<1x16xf32> to vector<16xf32>
        %add3A_1467 = arith.addf %add3A_1460, %get3A_1466 : vector<16xf32>
        %add3A_1468 = arith.constant 45 : i32
        %add3A_1469 = arith.addi %mul3A_98, %add3A_1468 : i32
        %get3A_1470 = arith.index_cast %add3A_1469 : i32 to index
        %get3A_1471 = arith.constant 48 : index
        %get3A_1472 = tpu.vector_load %arg6[%get3A_1470, %get3A_1471] {strides = array<i32>} : memref<800x64xf32, #tpu.memory_space<vmem>>, vector<1x16xf32>,
        %get3A_1473 = vector.shape_cast %get3A_1472 : vector<1x16xf32> to vector<16xf32>
        %add3A_1474 = arith.addf %add3A_1467, %get3A_1473 : vector<16xf32>
        %add3A_1475 = arith.constant 46 : i32
        %add3A_1476 = arith.addi %mul3A_98, %add3A_1475 : i32
        %get3A_1477 = arith.index_cast %add3A_1476 : i32 to index
        %get3A_1478 = arith.constant 48 : index
        %get3A_1479 = tpu.vector_load %arg6[%get3A_1477, %get3A_1478] {strides = array<i32>} : memref<800x64xf32, #tpu.memory_space<vmem>>, vector<1x16xf32>,
        %get3A_1480 = vector.shape_cast %get3A_1479 : vector<1x16xf32> to vector<16xf32>
        %add3A_1481 = arith.addf %add3A_1474, %get3A_1480 : vector<16xf32>
        %add3A_1482 = arith.constant 47 : i32
        %add3A_1483 = arith.addi %mul3A_98, %add3A_1482 : i32
        %get3A_1484 = arith.index_cast %add3A_1483 : i32 to index
        %get3A_1485 = arith.constant 48 : index
        %get3A_1486 = tpu.vector_load %arg6[%get3A_1484, %get3A_1485] {strides = array<i32>} : memref<800x64xf32, #tpu.memory_space<vmem>>, vector<1x16xf32>,
        %get3A_1487 = vector.shape_cast %get3A_1486 : vector<1x16xf32> to vector<16xf32>
        %add3A_1488 = arith.addf %add3A_1481, %get3A_1487 : vector<16xf32>
        %add3A_1489 = arith.constant 48 : i32
        %add3A_1490 = arith.addi %mul3A_98, %add3A_1489 : i32
        %get3A_1491 = arith.index_cast %add3A_1490 : i32 to index
        %get3A_1492 = arith.constant 48 : index
        %get3A_1493 = tpu.vector_load %arg6[%get3A_1491, %get3A_1492] {strides = array<i32>} : memref<800x64xf32, #tpu.memory_space<vmem>>, vector<1x16xf32>,
        %get3A_1494 = vector.shape_cast %get3A_1493 : vector<1x16xf32> to vector<16xf32>
        %add3A_1495 = arith.addf %add3A_1488, %get3A_1494 : vector<16xf32>
        %add3A_1496 = arith.constant 49 : i32
        %add3A_1497 = arith.addi %mul3A_98, %add3A_1496 : i32
        %get3A_1498 = arith.index_cast %add3A_1497 : i32 to index
        %get3A_1499 = arith.constant 48 : index
        %get3A_1500 = tpu.vector_load %arg6[%get3A_1498, %get3A_1499] {strides = array<i32>} : memref<800x64xf32, #tpu.memory_space<vmem>>, vector<1x16xf32>,
        %get3A_1501 = vector.shape_cast %get3A_1500 : vector<1x16xf32> to vector<16xf32>
        %add3A_1502 = arith.addf %add3A_1495, %get3A_1501 : vector<16xf32>
        %swap3A_1503 = arith.index_cast %add3A_101 : i32 to index
        %swap3A_1504 = arith.constant 48 : index
        %swap3A_1505 = tpu.vector_load %arg8[%swap3A_1503, %swap3A_1504] {strides = array<i32>} : memref<128x64xf32, #tpu.memory_space<vmem>>, vector<1x16xf32>,
        %swap3A_1506 = vector.shape_cast %swap3A_1505 : vector<1x16xf32> to vector<16xf32>
        %swap3A_1507 = vector.shape_cast %add3A_1502 : vector<16xf32> to vector<1x16xf32>
        tpu.vector_store %arg8[%swap3A_1503, %swap3A_1504], %swap3A_1507 {strides = array<i32>} : memref<128x64xf32, #tpu.memory_space<vmem>>, vector<1x16xf32>,
        %scan3A_1508 = arith.constant 0 : i32
        scf.yield %scan3A_1508 : i32
      }
      %scan3A_53 = arith.constant 16 : i32
      %mul3A_54 = arith.constant 2 : i32
      %mul3A_55 = arith.muli %scan3A_19, %mul3A_54 : i32
      %add3A_56 = arith.constant 1 : i32
      %add3A_57 = arith.addi %mul3A_55, %add3A_56 : i32
      %dma_wait3A_58 = arith.constant 0 : i32
      %dma_wait3A_59 = tpu.memref_slice %arg5[%dma_wait3A_58] : memref<6400xi32, #tpu.memory_space<vmem>> -> memref<800xi32, #tpu.memory_space<vmem>>
      %dma_wait3A_60 = arith.constant 0 : i32
      %dma_wait3A_61 = arith.constant 0 : i32
      %dma_wait3A_62 = tpu.memref_slice %arg3[%dma_wait3A_60, %dma_wait3A_61] : memref<100000x64xf32, #tpu.memory_space<hbm>> -> memref<100000x64xf32, #tpu.memory_space<hbm>>
      tpu.wait_indirect_dma semaphore(%arg9 : memref<!tpu.dma_semaphore, #tpu.memory_space<semaphore_mem>>) src(%dma_wait3A_62 : memref<100000x64xf32, #tpu.memory_space<hbm>>) dst(%arg7 : memref<800x64xf32, #tpu.memory_space<vmem>>)
      %add3A_63 = arith.constant 1 : i32
      %add3A_64 = arith.addi %add3A_57, %add3A_63 : i32
      %jit3A_65 = arith.constant 8 : i32
      %eq3A_66 = arith.constant 0 : i32
      %eq3A_67 = arith.cmpi eq, %jit3A_65, %eq3A_66 : i32
      %jit3A_68 = arith.constant 1 : i32
      %select_n3A_69 = arith.select %eq3A_67, %jit3A_68, %jit3A_65 : i32
      %rem3A_70 = arith.remsi %add3A_64, %select_n3A_69 : i32
      %ne3A_71 = arith.constant 0 : i32
      %ne3A_72 = arith.cmpi ne, %rem3A_70, %ne3A_71 : i32
      %lt3A_73 = arith.constant 0 : i32
      %lt3A_74 = arith.cmpi slt, %rem3A_70, %lt3A_73 : i32
      %lt3A_75 = arith.constant 0 : i32
      %lt3A_76 = arith.cmpi slt, %select_n3A_69, %lt3A_75 : i32
      %ne3A_77 = arith.xori %lt3A_74, %lt3A_76 : i1
      %and3A_78 = arith.andi %ne3A_77, %ne3A_72 : i1
      %add3A_79 = arith.addi %rem3A_70, %select_n3A_69 : i32
      %select_n3A_80 = arith.select %and3A_78, %add3A_79, %rem3A_70 : i32
      %mul3A_81 = arith.constant 800 : i32
      %mul3A_82 = arith.muli %select_n3A_80, %mul3A_81 : i32
      %dma_start3A_83 = tpu.memref_slice %arg5[%mul3A_82] : memref<6400xi32, #tpu.memory_space<vmem>> -> memref<800xi32, #tpu.memory_space<vmem>>
      %dma_start3A_84 = arith.constant 0 : i32
      %dma_start3A_85 = arith.constant 0 : i32
      %dma_start3A_86 = tpu.memref_slice %arg3[%dma_start3A_84, %dma_start3A_85] : memref<100000x64xf32, #tpu.memory_space<hbm>> -> memref<100000x64xf32, #tpu.memory_space<hbm>>
      tpu.enqueue_indirect_dma source(%dma_start3A_86 : memref<100000x64xf32, #tpu.memory_space<hbm>>) target(%arg6 : memref<800x64xf32, #tpu.memory_space<vmem>>) offsets(%dma_start3A_83 : memref<800xi32, #tpu.memory_space<vmem>>) semaphore(%arg9 : memref<!tpu.dma_semaphore, #tpu.memory_space<semaphore_mem>>)
      %scan3A_87 = arith.constant 0 : i32
      %scan3A_88 = arith.constant 0 : i32
      %scan3A_89 = arith.constant 16 : i32
      %scan3A_90 = arith.addi %scan3A_88, %scan3A_89 : i32
      %scan3A_91 = arith.constant 1 : i32
      %scan3A_92 = scf.for %scan3A_95 = %scan3A_88 to %scan3A_90 step %scan3A_91 iter_args(%scan3A_96 = %scan3A_87) -> (i32)  : i32 {
        %mul3A_97 = arith.constant 50 : i32
        %mul3A_98 = arith.muli %scan3A_95, %mul3A_97 : i32
        %mul3A_99 = arith.constant 16 : i32
        %mul3A_100 = arith.muli %add3A_57, %mul3A_99 : i32
        %add3A_101 = arith.addi %mul3A_100, %scan3A_95 : i32
        %get3A = arith.index_cast %mul3A_98 : i32 to index
        %get3A_102 = arith.constant 0 : index
        %get3A_103 = tpu.vector_load %arg7[%get3A, %get3A_102] {strides = array<i32>} : memref<800x64xf32, #tpu.memory_space<vmem>>, vector<1x16xf32>,
        %get3A_104 = vector.shape_cast %get3A_103 : vector<1x16xf32> to vector<16xf32>
        %add3A_105 = arith.constant 1 : i32
        %add3A_106 = arith.addi %mul3A_98, %add3A_105 : i32
        %get3A_107 = arith.index_cast %add3A_106 : i32 to index
        %get3A_108 = arith.constant 0 : index
        %get3A_109 = tpu.vector_load %arg7[%get3A_107, %get3A_108] {strides = array<i32>} : memref<800x64xf32, #tpu.memory_space<vmem>>, vector<1x16xf32>,
        %get3A_110 = vector.shape_cast %get3A_109 : vector<1x16xf32> to vector<16xf32>
        %add3A_111 = arith.addf %get3A_104, %get3A_110 : vector<16xf32>
        %add3A_112 = arith.constant 2 : i32
        %add3A_113 = arith.addi %mul3A_98, %add3A_112 : i32
        %get3A_114 = arith.index_cast %add3A_113 : i32 to index
        %get3A_115 = arith.constant 0 : index
        %get3A_116 = tpu.vector_load %arg7[%get3A_114, %get3A_115] {strides = array<i32>} : memref<800x64xf32, #tpu.memory_space<vmem>>, vector<1x16xf32>,
        %get3A_117 = vector.shape_cast %get3A_116 : vector<1x16xf32> to vector<16xf32>
        %add3A_118 = arith.addf %add3A_111, %get3A_117 : vector<16xf32>
        %add3A_119 = arith.constant 3 : i32
        %add3A_120 = arith.addi %mul3A_98, %add3A_119 : i32
        %get3A_121 = arith.index_cast %add3A_120 : i32 to index
        %get3A_122 = arith.constant 0 : index
        %get3A_123 = tpu.vector_load %arg7[%get3A_121, %get3A_122] {strides = array<i32>} : memref<800x64xf32, #tpu.memory_space<vmem>>, vector<1x16xf32>,
        %get3A_124 = vector.shape_cast %get3A_123 : vector<1x16xf32> to vector<16xf32>
        %add3A_125 = arith.addf %add3A_118, %get3A_124 : vector<16xf32>
        %add3A_126 = arith.constant 4 : i32
        %add3A_127 = arith.addi %mul3A_98, %add3A_126 : i32
        %get3A_128 = arith.index_cast %add3A_127 : i32 to index
        %get3A_129 = arith.constant 0 : index
        %get3A_130 = tpu.vector_load %arg7[%get3A_128, %get3A_129] {strides = array<i32>} : memref<800x64xf32, #tpu.memory_space<vmem>>, vector<1x16xf32>,
        %get3A_131 = vector.shape_cast %get3A_130 : vector<1x16xf32> to vector<16xf32>
        %add3A_132 = arith.addf %add3A_125, %get3A_131 : vector<16xf32>
        %add3A_133 = arith.constant 5 : i32
        %add3A_134 = arith.addi %mul3A_98, %add3A_133 : i32
        %get3A_135 = arith.index_cast %add3A_134 : i32 to index
        %get3A_136 = arith.constant 0 : index
        %get3A_137 = tpu.vector_load %arg7[%get3A_135, %get3A_136] {strides = array<i32>} : memref<800x64xf32, #tpu.memory_space<vmem>>, vector<1x16xf32>,
        %get3A_138 = vector.shape_cast %get3A_137 : vector<1x16xf32> to vector<16xf32>
        %add3A_139 = arith.addf %add3A_132, %get3A_138 : vector<16xf32>
        %add3A_140 = arith.constant 6 : i32
        %add3A_141 = arith.addi %mul3A_98, %add3A_140 : i32
        %get3A_142 = arith.index_cast %add3A_141 : i32 to index
        %get3A_143 = arith.constant 0 : index
        %get3A_144 = tpu.vector_load %arg7[%get3A_142, %get3A_143] {strides = array<i32>} : memref<800x64xf32, #tpu.memory_space<vmem>>, vector<1x16xf32>,
        %get3A_145 = vector.shape_cast %get3A_144 : vector<1x16xf32> to vector<16xf32>
        %add3A_146 = arith.addf %add3A_139, %get3A_145 : vector<16xf32>
        %add3A_147 = arith.constant 7 : i32
        %add3A_148 = arith.addi %mul3A_98, %add3A_147 : i32
        %get3A_149 = arith.index_cast %add3A_148 : i32 to index
        %get3A_150 = arith.constant 0 : index
        %get3A_151 = tpu.vector_load %arg7[%get3A_149, %get3A_150] {strides = array<i32>} : memref<800x64xf32, #tpu.memory_space<vmem>>, vector<1x16xf32>,
        %get3A_152 = vector.shape_cast %get3A_151 : vector<1x16xf32> to vector<16xf32>
        %add3A_153 = arith.addf %add3A_146, %get3A_152 : vector<16xf32>
        %add3A_154 = arith.constant 8 : i32
        %add3A_155 = arith.addi %mul3A_98, %add3A_154 : i32
        %get3A_156 = arith.index_cast %add3A_155 : i32 to index
        %get3A_157 = arith.constant 0 : index
        %get3A_158 = tpu.vector_load %arg7[%get3A_156, %get3A_157] {strides = array<i32>} : memref<800x64xf32, #tpu.memory_space<vmem>>, vector<1x16xf32>,
        %get3A_159 = vector.shape_cast %get3A_158 : vector<1x16xf32> to vector<16xf32>
        %add3A_160 = arith.addf %add3A_153, %get3A_159 : vector<16xf32>
        %add3A_161 = arith.constant 9 : i32
        %add3A_162 = arith.addi %mul3A_98, %add3A_161 : i32
        %get3A_163 = arith.index_cast %add3A_162 : i32 to index
        %get3A_164 = arith.constant 0 : index
        %get3A_165 = tpu.vector_load %arg7[%get3A_163, %get3A_164] {strides = array<i32>} : memref<800x64xf32, #tpu.memory_space<vmem>>, vector<1x16xf32>,
        %get3A_166 = vector.shape_cast %get3A_165 : vector<1x16xf32> to vector<16xf32>
        %add3A_167 = arith.addf %add3A_160, %get3A_166 : vector<16xf32>
        %add3A_168 = arith.constant 10 : i32
        %add3A_169 = arith.addi %mul3A_98, %add3A_168 : i32
        %get3A_170 = arith.index_cast %add3A_169 : i32 to index
        %get3A_171 = arith.constant 0 : index
        %get3A_172 = tpu.vector_load %arg7[%get3A_170, %get3A_171] {strides = array<i32>} : memref<800x64xf32, #tpu.memory_space<vmem>>, vector<1x16xf32>,
        %get3A_173 = vector.shape_cast %get3A_172 : vector<1x16xf32> to vector<16xf32>
        %add3A_174 = arith.addf %add3A_167, %get3A_173 : vector<16xf32>
        %add3A_175 = arith.constant 11 : i32
        %add3A_176 = arith.addi %mul3A_98, %add3A_175 : i32
        %get3A_177 = arith.index_cast %add3A_176 : i32 to index
        %get3A_178 = arith.constant 0 : index
        %get3A_179 = tpu.vector_load %arg7[%get3A_177, %get3A_178] {strides = array<i32>} : memref<800x64xf32, #tpu.memory_space<vmem>>, vector<1x16xf32>,
        %get3A_180 = vector.shape_cast %get3A_179 : vector<1x16xf32> to vector<16xf32>
        %add3A_181 = arith.addf %add3A_174, %get3A_180 : vector<16xf32>
        %add3A_182 = arith.constant 12 : i32
        %add3A_183 = arith.addi %mul3A_98, %add3A_182 : i32
        %get3A_184 = arith.index_cast %add3A_183 : i32 to index
        %get3A_185 = arith.constant 0 : index
        %get3A_186 = tpu.vector_load %arg7[%get3A_184, %get3A_185] {strides = array<i32>} : memref<800x64xf32, #tpu.memory_space<vmem>>, vector<1x16xf32>,
        %get3A_187 = vector.shape_cast %get3A_186 : vector<1x16xf32> to vector<16xf32>
        %add3A_188 = arith.addf %add3A_181, %get3A_187 : vector<16xf32>
        %add3A_189 = arith.constant 13 : i32
        %add3A_190 = arith.addi %mul3A_98, %add3A_189 : i32
        %get3A_191 = arith.index_cast %add3A_190 : i32 to index
        %get3A_192 = arith.constant 0 : index
        %get3A_193 = tpu.vector_load %arg7[%get3A_191, %get3A_192] {strides = array<i32>} : memref<800x64xf32, #tpu.memory_space<vmem>>, vector<1x16xf32>,
        %get3A_194 = vector.shape_cast %get3A_193 : vector<1x16xf32> to vector<16xf32>
        %add3A_195 = arith.addf %add3A_188, %get3A_194 : vector<16xf32>
        %add3A_196 = arith.constant 14 : i32
        %add3A_197 = arith.addi %mul3A_98, %add3A_196 : i32
        %get3A_198 = arith.index_cast %add3A_197 : i32 to index
        %get3A_199 = arith.constant 0 : index
        %get3A_200 = tpu.vector_load %arg7[%get3A_198, %get3A_199] {strides = array<i32>} : memref<800x64xf32, #tpu.memory_space<vmem>>, vector<1x16xf32>,
        %get3A_201 = vector.shape_cast %get3A_200 : vector<1x16xf32> to vector<16xf32>
        %add3A_202 = arith.addf %add3A_195, %get3A_201 : vector<16xf32>
        %add3A_203 = arith.constant 15 : i32
        %add3A_204 = arith.addi %mul3A_98, %add3A_203 : i32
        %get3A_205 = arith.index_cast %add3A_204 : i32 to index
        %get3A_206 = arith.constant 0 : index
        %get3A_207 = tpu.vector_load %arg7[%get3A_205, %get3A_206] {strides = array<i32>} : memref<800x64xf32, #tpu.memory_space<vmem>>, vector<1x16xf32>,
        %get3A_208 = vector.shape_cast %get3A_207 : vector<1x16xf32> to vector<16xf32>
        %add3A_209 = arith.addf %add3A_202, %get3A_208 : vector<16xf32>
        %add3A_210 = arith.constant 16 : i32
        %add3A_211 = arith.addi %mul3A_98, %add3A_210 : i32
        %get3A_212 = arith.index_cast %add3A_211 : i32 to index
        %get3A_213 = arith.constant 0 : index
        %get3A_214 = tpu.vector_load %arg7[%get3A_212, %get3A_213] {strides = array<i32>} : memref<800x64xf32, #tpu.memory_space<vmem>>, vector<1x16xf32>,
        %get3A_215 = vector.shape_cast %get3A_214 : vector<1x16xf32> to vector<16xf32>
        %add3A_216 = arith.addf %add3A_209, %get3A_215 : vector<16xf32>
        %add3A_217 = arith.constant 17 : i32
        %add3A_218 = arith.addi %mul3A_98, %add3A_217 : i32
        %get3A_219 = arith.index_cast %add3A_218 : i32 to index
        %get3A_220 = arith.constant 0 : index
        %get3A_221 = tpu.vector_load %arg7[%get3A_219, %get3A_220] {strides = array<i32>} : memref<800x64xf32, #tpu.memory_space<vmem>>, vector<1x16xf32>,
        %get3A_222 = vector.shape_cast %get3A_221 : vector<1x16xf32> to vector<16xf32>
        %add3A_223 = arith.addf %add3A_216, %get3A_222 : vector<16xf32>
        %add3A_224 = arith.constant 18 : i32
        %add3A_225 = arith.addi %mul3A_98, %add3A_224 : i32
        %get3A_226 = arith.index_cast %add3A_225 : i32 to index
        %get3A_227 = arith.constant 0 : index
        %get3A_228 = tpu.vector_load %arg7[%get3A_226, %get3A_227] {strides = array<i32>} : memref<800x64xf32, #tpu.memory_space<vmem>>, vector<1x16xf32>,
        %get3A_229 = vector.shape_cast %get3A_228 : vector<1x16xf32> to vector<16xf32>
        %add3A_230 = arith.addf %add3A_223, %get3A_229 : vector<16xf32>
        %add3A_231 = arith.constant 19 : i32
        %add3A_232 = arith.addi %mul3A_98, %add3A_231 : i32
        %get3A_233 = arith.index_cast %add3A_232 : i32 to index
        %get3A_234 = arith.constant 0 : index
        %get3A_235 = tpu.vector_load %arg7[%get3A_233, %get3A_234] {strides = array<i32>} : memref<800x64xf32, #tpu.memory_space<vmem>>, vector<1x16xf32>,
        %get3A_236 = vector.shape_cast %get3A_235 : vector<1x16xf32> to vector<16xf32>
        %add3A_237 = arith.addf %add3A_230, %get3A_236 : vector<16xf32>
        %add3A_238 = arith.constant 20 : i32
        %add3A_239 = arith.addi %mul3A_98, %add3A_238 : i32
        %get3A_240 = arith.index_cast %add3A_239 : i32 to index
        %get3A_241 = arith.constant 0 : index
        %get3A_242 = tpu.vector_load %arg7[%get3A_240, %get3A_241] {strides = array<i32>} : memref<800x64xf32, #tpu.memory_space<vmem>>, vector<1x16xf32>,
        %get3A_243 = vector.shape_cast %get3A_242 : vector<1x16xf32> to vector<16xf32>
        %add3A_244 = arith.addf %add3A_237, %get3A_243 : vector<16xf32>
        %add3A_245 = arith.constant 21 : i32
        %add3A_246 = arith.addi %mul3A_98, %add3A_245 : i32
        %get3A_247 = arith.index_cast %add3A_246 : i32 to index
        %get3A_248 = arith.constant 0 : index
        %get3A_249 = tpu.vector_load %arg7[%get3A_247, %get3A_248] {strides = array<i32>} : memref<800x64xf32, #tpu.memory_space<vmem>>, vector<1x16xf32>,
        %get3A_250 = vector.shape_cast %get3A_249 : vector<1x16xf32> to vector<16xf32>
        %add3A_251 = arith.addf %add3A_244, %get3A_250 : vector<16xf32>
        %add3A_252 = arith.constant 22 : i32
        %add3A_253 = arith.addi %mul3A_98, %add3A_252 : i32
        %get3A_254 = arith.index_cast %add3A_253 : i32 to index
        %get3A_255 = arith.constant 0 : index
        %get3A_256 = tpu.vector_load %arg7[%get3A_254, %get3A_255] {strides = array<i32>} : memref<800x64xf32, #tpu.memory_space<vmem>>, vector<1x16xf32>,
        %get3A_257 = vector.shape_cast %get3A_256 : vector<1x16xf32> to vector<16xf32>
        %add3A_258 = arith.addf %add3A_251, %get3A_257 : vector<16xf32>
        %add3A_259 = arith.constant 23 : i32
        %add3A_260 = arith.addi %mul3A_98, %add3A_259 : i32
        %get3A_261 = arith.index_cast %add3A_260 : i32 to index
        %get3A_262 = arith.constant 0 : index
        %get3A_263 = tpu.vector_load %arg7[%get3A_261, %get3A_262] {strides = array<i32>} : memref<800x64xf32, #tpu.memory_space<vmem>>, vector<1x16xf32>,
        %get3A_264 = vector.shape_cast %get3A_263 : vector<1x16xf32> to vector<16xf32>
        %add3A_265 = arith.addf %add3A_258, %get3A_264 : vector<16xf32>
        %add3A_266 = arith.constant 24 : i32
        %add3A_267 = arith.addi %mul3A_98, %add3A_266 : i32
        %get3A_268 = arith.index_cast %add3A_267 : i32 to index
        %get3A_269 = arith.constant 0 : index
        %get3A_270 = tpu.vector_load %arg7[%get3A_268, %get3A_269] {strides = array<i32>} : memref<800x64xf32, #tpu.memory_space<vmem>>, vector<1x16xf32>,
        %get3A_271 = vector.shape_cast %get3A_270 : vector<1x16xf32> to vector<16xf32>
        %add3A_272 = arith.addf %add3A_265, %get3A_271 : vector<16xf32>
        %add3A_273 = arith.constant 25 : i32
        %add3A_274 = arith.addi %mul3A_98, %add3A_273 : i32
        %get3A_275 = arith.index_cast %add3A_274 : i32 to index
        %get3A_276 = arith.constant 0 : index
        %get3A_277 = tpu.vector_load %arg7[%get3A_275, %get3A_276] {strides = array<i32>} : memref<800x64xf32, #tpu.memory_space<vmem>>, vector<1x16xf32>,
        %get3A_278 = vector.shape_cast %get3A_277 : vector<1x16xf32> to vector<16xf32>
        %add3A_279 = arith.addf %add3A_272, %get3A_278 : vector<16xf32>
        %add3A_280 = arith.constant 26 : i32
        %add3A_281 = arith.addi %mul3A_98, %add3A_280 : i32
        %get3A_282 = arith.index_cast %add3A_281 : i32 to index
        %get3A_283 = arith.constant 0 : index
        %get3A_284 = tpu.vector_load %arg7[%get3A_282, %get3A_283] {strides = array<i32>} : memref<800x64xf32, #tpu.memory_space<vmem>>, vector<1x16xf32>,
        %get3A_285 = vector.shape_cast %get3A_284 : vector<1x16xf32> to vector<16xf32>
        %add3A_286 = arith.addf %add3A_279, %get3A_285 : vector<16xf32>
        %add3A_287 = arith.constant 27 : i32
        %add3A_288 = arith.addi %mul3A_98, %add3A_287 : i32
        %get3A_289 = arith.index_cast %add3A_288 : i32 to index
        %get3A_290 = arith.constant 0 : index
        %get3A_291 = tpu.vector_load %arg7[%get3A_289, %get3A_290] {strides = array<i32>} : memref<800x64xf32, #tpu.memory_space<vmem>>, vector<1x16xf32>,
        %get3A_292 = vector.shape_cast %get3A_291 : vector<1x16xf32> to vector<16xf32>
        %add3A_293 = arith.addf %add3A_286, %get3A_292 : vector<16xf32>
        %add3A_294 = arith.constant 28 : i32
        %add3A_295 = arith.addi %mul3A_98, %add3A_294 : i32
        %get3A_296 = arith.index_cast %add3A_295 : i32 to index
        %get3A_297 = arith.constant 0 : index
        %get3A_298 = tpu.vector_load %arg7[%get3A_296, %get3A_297] {strides = array<i32>} : memref<800x64xf32, #tpu.memory_space<vmem>>, vector<1x16xf32>,
        %get3A_299 = vector.shape_cast %get3A_298 : vector<1x16xf32> to vector<16xf32>
        %add3A_300 = arith.addf %add3A_293, %get3A_299 : vector<16xf32>
        %add3A_301 = arith.constant 29 : i32
        %add3A_302 = arith.addi %mul3A_98, %add3A_301 : i32
        %get3A_303 = arith.index_cast %add3A_302 : i32 to index
        %get3A_304 = arith.constant 0 : index
        %get3A_305 = tpu.vector_load %arg7[%get3A_303, %get3A_304] {strides = array<i32>} : memref<800x64xf32, #tpu.memory_space<vmem>>, vector<1x16xf32>,
        %get3A_306 = vector.shape_cast %get3A_305 : vector<1x16xf32> to vector<16xf32>
        %add3A_307 = arith.addf %add3A_300, %get3A_306 : vector<16xf32>
        %add3A_308 = arith.constant 30 : i32
        %add3A_309 = arith.addi %mul3A_98, %add3A_308 : i32
        %get3A_310 = arith.index_cast %add3A_309 : i32 to index
        %get3A_311 = arith.constant 0 : index
        %get3A_312 = tpu.vector_load %arg7[%get3A_310, %get3A_311] {strides = array<i32>} : memref<800x64xf32, #tpu.memory_space<vmem>>, vector<1x16xf32>,
        %get3A_313 = vector.shape_cast %get3A_312 : vector<1x16xf32> to vector<16xf32>
        %add3A_314 = arith.addf %add3A_307, %get3A_313 : vector<16xf32>
        %add3A_315 = arith.constant 31 : i32
        %add3A_316 = arith.addi %mul3A_98, %add3A_315 : i32
        %get3A_317 = arith.index_cast %add3A_316 : i32 to index
        %get3A_318 = arith.constant 0 : index
        %get3A_319 = tpu.vector_load %arg7[%get3A_317, %get3A_318] {strides = array<i32>} : memref<800x64xf32, #tpu.memory_space<vmem>>, vector<1x16xf32>,
        %get3A_320 = vector.shape_cast %get3A_319 : vector<1x16xf32> to vector<16xf32>
        %add3A_321 = arith.addf %add3A_314, %get3A_320 : vector<16xf32>
        %add3A_322 = arith.constant 32 : i32
        %add3A_323 = arith.addi %mul3A_98, %add3A_322 : i32
        %get3A_324 = arith.index_cast %add3A_323 : i32 to index
        %get3A_325 = arith.constant 0 : index
        %get3A_326 = tpu.vector_load %arg7[%get3A_324, %get3A_325] {strides = array<i32>} : memref<800x64xf32, #tpu.memory_space<vmem>>, vector<1x16xf32>,
        %get3A_327 = vector.shape_cast %get3A_326 : vector<1x16xf32> to vector<16xf32>
        %add3A_328 = arith.addf %add3A_321, %get3A_327 : vector<16xf32>
        %add3A_329 = arith.constant 33 : i32
        %add3A_330 = arith.addi %mul3A_98, %add3A_329 : i32
        %get3A_331 = arith.index_cast %add3A_330 : i32 to index
        %get3A_332 = arith.constant 0 : index
        %get3A_333 = tpu.vector_load %arg7[%get3A_331, %get3A_332] {strides = array<i32>} : memref<800x64xf32, #tpu.memory_space<vmem>>, vector<1x16xf32>,
        %get3A_334 = vector.shape_cast %get3A_333 : vector<1x16xf32> to vector<16xf32>
        %add3A_335 = arith.addf %add3A_328, %get3A_334 : vector<16xf32>
        %add3A_336 = arith.constant 34 : i32
        %add3A_337 = arith.addi %mul3A_98, %add3A_336 : i32
        %get3A_338 = arith.index_cast %add3A_337 : i32 to index
        %get3A_339 = arith.constant 0 : index
        %get3A_340 = tpu.vector_load %arg7[%get3A_338, %get3A_339] {strides = array<i32>} : memref<800x64xf32, #tpu.memory_space<vmem>>, vector<1x16xf32>,
        %get3A_341 = vector.shape_cast %get3A_340 : vector<1x16xf32> to vector<16xf32>
        %add3A_342 = arith.addf %add3A_335, %get3A_341 : vector<16xf32>
        %add3A_343 = arith.constant 35 : i32
        %add3A_344 = arith.addi %mul3A_98, %add3A_343 : i32
        %get3A_345 = arith.index_cast %add3A_344 : i32 to index
        %get3A_346 = arith.constant 0 : index
        %get3A_347 = tpu.vector_load %arg7[%get3A_345, %get3A_346] {strides = array<i32>} : memref<800x64xf32, #tpu.memory_space<vmem>>, vector<1x16xf32>,
        %get3A_348 = vector.shape_cast %get3A_347 : vector<1x16xf32> to vector<16xf32>
        %add3A_349 = arith.addf %add3A_342, %get3A_348 : vector<16xf32>
        %add3A_350 = arith.constant 36 : i32
        %add3A_351 = arith.addi %mul3A_98, %add3A_350 : i32
        %get3A_352 = arith.index_cast %add3A_351 : i32 to index
        %get3A_353 = arith.constant 0 : index
        %get3A_354 = tpu.vector_load %arg7[%get3A_352, %get3A_353] {strides = array<i32>} : memref<800x64xf32, #tpu.memory_space<vmem>>, vector<1x16xf32>,
        %get3A_355 = vector.shape_cast %get3A_354 : vector<1x16xf32> to vector<16xf32>
        %add3A_356 = arith.addf %add3A_349, %get3A_355 : vector<16xf32>
        %add3A_357 = arith.constant 37 : i32
        %add3A_358 = arith.addi %mul3A_98, %add3A_357 : i32
        %get3A_359 = arith.index_cast %add3A_358 : i32 to index
        %get3A_360 = arith.constant 0 : index
        %get3A_361 = tpu.vector_load %arg7[%get3A_359, %get3A_360] {strides = array<i32>} : memref<800x64xf32, #tpu.memory_space<vmem>>, vector<1x16xf32>,
        %get3A_362 = vector.shape_cast %get3A_361 : vector<1x16xf32> to vector<16xf32>
        %add3A_363 = arith.addf %add3A_356, %get3A_362 : vector<16xf32>
        %add3A_364 = arith.constant 38 : i32
        %add3A_365 = arith.addi %mul3A_98, %add3A_364 : i32
        %get3A_366 = arith.index_cast %add3A_365 : i32 to index
        %get3A_367 = arith.constant 0 : index
        %get3A_368 = tpu.vector_load %arg7[%get3A_366, %get3A_367] {strides = array<i32>} : memref<800x64xf32, #tpu.memory_space<vmem>>, vector<1x16xf32>,
        %get3A_369 = vector.shape_cast %get3A_368 : vector<1x16xf32> to vector<16xf32>
        %add3A_370 = arith.addf %add3A_363, %get3A_369 : vector<16xf32>
        %add3A_371 = arith.constant 39 : i32
        %add3A_372 = arith.addi %mul3A_98, %add3A_371 : i32
        %get3A_373 = arith.index_cast %add3A_372 : i32 to index
        %get3A_374 = arith.constant 0 : index
        %get3A_375 = tpu.vector_load %arg7[%get3A_373, %get3A_374] {strides = array<i32>} : memref<800x64xf32, #tpu.memory_space<vmem>>, vector<1x16xf32>,
        %get3A_376 = vector.shape_cast %get3A_375 : vector<1x16xf32> to vector<16xf32>
        %add3A_377 = arith.addf %add3A_370, %get3A_376 : vector<16xf32>
        %add3A_378 = arith.constant 40 : i32
        %add3A_379 = arith.addi %mul3A_98, %add3A_378 : i32
        %get3A_380 = arith.index_cast %add3A_379 : i32 to index
        %get3A_381 = arith.constant 0 : index
        %get3A_382 = tpu.vector_load %arg7[%get3A_380, %get3A_381] {strides = array<i32>} : memref<800x64xf32, #tpu.memory_space<vmem>>, vector<1x16xf32>,
        %get3A_383 = vector.shape_cast %get3A_382 : vector<1x16xf32> to vector<16xf32>
        %add3A_384 = arith.addf %add3A_377, %get3A_383 : vector<16xf32>
        %add3A_385 = arith.constant 41 : i32
        %add3A_386 = arith.addi %mul3A_98, %add3A_385 : i32
        %get3A_387 = arith.index_cast %add3A_386 : i32 to index
        %get3A_388 = arith.constant 0 : index
        %get3A_389 = tpu.vector_load %arg7[%get3A_387, %get3A_388] {strides = array<i32>} : memref<800x64xf32, #tpu.memory_space<vmem>>, vector<1x16xf32>,
        %get3A_390 = vector.shape_cast %get3A_389 : vector<1x16xf32> to vector<16xf32>
        %add3A_391 = arith.addf %add3A_384, %get3A_390 : vector<16xf32>
        %add3A_392 = arith.constant 42 : i32
        %add3A_393 = arith.addi %mul3A_98, %add3A_392 : i32
        %get3A_394 = arith.index_cast %add3A_393 : i32 to index
        %get3A_395 = arith.constant 0 : index
        %get3A_396 = tpu.vector_load %arg7[%get3A_394, %get3A_395] {strides = array<i32>} : memref<800x64xf32, #tpu.memory_space<vmem>>, vector<1x16xf32>,
        %get3A_397 = vector.shape_cast %get3A_396 : vector<1x16xf32> to vector<16xf32>
        %add3A_398 = arith.addf %add3A_391, %get3A_397 : vector<16xf32>
        %add3A_399 = arith.constant 43 : i32
        %add3A_400 = arith.addi %mul3A_98, %add3A_399 : i32
        %get3A_401 = arith.index_cast %add3A_400 : i32 to index
        %get3A_402 = arith.constant 0 : index
        %get3A_403 = tpu.vector_load %arg7[%get3A_401, %get3A_402] {strides = array<i32>} : memref<800x64xf32, #tpu.memory_space<vmem>>, vector<1x16xf32>,
        %get3A_404 = vector.shape_cast %get3A_403 : vector<1x16xf32> to vector<16xf32>
        %add3A_405 = arith.addf %add3A_398, %get3A_404 : vector<16xf32>
        %add3A_406 = arith.constant 44 : i32
        %add3A_407 = arith.addi %mul3A_98, %add3A_406 : i32
        %get3A_408 = arith.index_cast %add3A_407 : i32 to index
        %get3A_409 = arith.constant 0 : index
        %get3A_410 = tpu.vector_load %arg7[%get3A_408, %get3A_409] {strides = array<i32>} : memref<800x64xf32, #tpu.memory_space<vmem>>, vector<1x16xf32>,
        %get3A_411 = vector.shape_cast %get3A_410 : vector<1x16xf32> to vector<16xf32>
        %add3A_412 = arith.addf %add3A_405, %get3A_411 : vector<16xf32>
        %add3A_413 = arith.constant 45 : i32
        %add3A_414 = arith.addi %mul3A_98, %add3A_413 : i32
        %get3A_415 = arith.index_cast %add3A_414 : i32 to index
        %get3A_416 = arith.constant 0 : index
        %get3A_417 = tpu.vector_load %arg7[%get3A_415, %get3A_416] {strides = array<i32>} : memref<800x64xf32, #tpu.memory_space<vmem>>, vector<1x16xf32>,
        %get3A_418 = vector.shape_cast %get3A_417 : vector<1x16xf32> to vector<16xf32>
        %add3A_419 = arith.addf %add3A_412, %get3A_418 : vector<16xf32>
        %add3A_420 = arith.constant 46 : i32
        %add3A_421 = arith.addi %mul3A_98, %add3A_420 : i32
        %get3A_422 = arith.index_cast %add3A_421 : i32 to index
        %get3A_423 = arith.constant 0 : index
        %get3A_424 = tpu.vector_load %arg7[%get3A_422, %get3A_423] {strides = array<i32>} : memref<800x64xf32, #tpu.memory_space<vmem>>, vector<1x16xf32>,
        %get3A_425 = vector.shape_cast %get3A_424 : vector<1x16xf32> to vector<16xf32>
        %add3A_426 = arith.addf %add3A_419, %get3A_425 : vector<16xf32>
        %add3A_427 = arith.constant 47 : i32
        %add3A_428 = arith.addi %mul3A_98, %add3A_427 : i32
        %get3A_429 = arith.index_cast %add3A_428 : i32 to index
        %get3A_430 = arith.constant 0 : index
        %get3A_431 = tpu.vector_load %arg7[%get3A_429, %get3A_430] {strides = array<i32>} : memref<800x64xf32, #tpu.memory_space<vmem>>, vector<1x16xf32>,
        %get3A_432 = vector.shape_cast %get3A_431 : vector<1x16xf32> to vector<16xf32>
        %add3A_433 = arith.addf %add3A_426, %get3A_432 : vector<16xf32>
        %add3A_434 = arith.constant 48 : i32
        %add3A_435 = arith.addi %mul3A_98, %add3A_434 : i32
        %get3A_436 = arith.index_cast %add3A_435 : i32 to index
        %get3A_437 = arith.constant 0 : index
        %get3A_438 = tpu.vector_load %arg7[%get3A_436, %get3A_437] {strides = array<i32>} : memref<800x64xf32, #tpu.memory_space<vmem>>, vector<1x16xf32>,
        %get3A_439 = vector.shape_cast %get3A_438 : vector<1x16xf32> to vector<16xf32>
        %add3A_440 = arith.addf %add3A_433, %get3A_439 : vector<16xf32>
        %add3A_441 = arith.constant 49 : i32
        %add3A_442 = arith.addi %mul3A_98, %add3A_441 : i32
        %get3A_443 = arith.index_cast %add3A_442 : i32 to index
        %get3A_444 = arith.constant 0 : index
        %get3A_445 = tpu.vector_load %arg7[%get3A_443, %get3A_444] {strides = array<i32>} : memref<800x64xf32, #tpu.memory_space<vmem>>, vector<1x16xf32>,
        %get3A_446 = vector.shape_cast %get3A_445 : vector<1x16xf32> to vector<16xf32>
        %add3A_447 = arith.addf %add3A_440, %get3A_446 : vector<16xf32>
        %swap3A = arith.index_cast %add3A_101 : i32 to index
        %swap3A_448 = arith.constant 0 : index
        %swap3A_449 = tpu.vector_load %arg8[%swap3A, %swap3A_448] {strides = array<i32>} : memref<128x64xf32, #tpu.memory_space<vmem>>, vector<1x16xf32>,
        %swap3A_450 = vector.shape_cast %swap3A_449 : vector<1x16xf32> to vector<16xf32>
        %swap3A_451 = vector.shape_cast %add3A_447 : vector<16xf32> to vector<1x16xf32>
        tpu.vector_store %arg8[%swap3A, %swap3A_448], %swap3A_451 {strides = array<i32>} : memref<128x64xf32, #tpu.memory_space<vmem>>, vector<1x16xf32>,
        %get3A_452 = arith.index_cast %mul3A_98 : i32 to index
        %get3A_453 = arith.constant 16 : index
        %get3A_454 = tpu.vector_load %arg7[%get3A_452, %get3A_453] {strides = array<i32>} : memref<800x64xf32, #tpu.memory_space<vmem>>, vector<1x16xf32>,
        %get3A_455 = vector.shape_cast %get3A_454 : vector<1x16xf32> to vector<16xf32>
        %add3A_456 = arith.constant 1 : i32
        %add3A_457 = arith.addi %mul3A_98, %add3A_456 : i32
        %get3A_458 = arith.index_cast %add3A_457 : i32 to index
        %get3A_459 = arith.constant 16 : index
        %get3A_460 = tpu.vector_load %arg7[%get3A_458, %get3A_459] {strides = array<i32>} : memref<800x64xf32, #tpu.memory_space<vmem>>, vector<1x16xf32>,
        %get3A_461 = vector.shape_cast %get3A_460 : vector<1x16xf32> to vector<16xf32>
        %add3A_462 = arith.addf %get3A_455, %get3A_461 : vector<16xf32>
        %add3A_463 = arith.constant 2 : i32
        %add3A_464 = arith.addi %mul3A_98, %add3A_463 : i32
        %get3A_465 = arith.index_cast %add3A_464 : i32 to index
        %get3A_466 = arith.constant 16 : index
        %get3A_467 = tpu.vector_load %arg7[%get3A_465, %get3A_466] {strides = array<i32>} : memref<800x64xf32, #tpu.memory_space<vmem>>, vector<1x16xf32>,
        %get3A_468 = vector.shape_cast %get3A_467 : vector<1x16xf32> to vector<16xf32>
        %add3A_469 = arith.addf %add3A_462, %get3A_468 : vector<16xf32>
        %add3A_470 = arith.constant 3 : i32
        %add3A_471 = arith.addi %mul3A_98, %add3A_470 : i32
        %get3A_472 = arith.index_cast %add3A_471 : i32 to index
        %get3A_473 = arith.constant 16 : index
        %get3A_474 = tpu.vector_load %arg7[%get3A_472, %get3A_473] {strides = array<i32>} : memref<800x64xf32, #tpu.memory_space<vmem>>, vector<1x16xf32>,
        %get3A_475 = vector.shape_cast %get3A_474 : vector<1x16xf32> to vector<16xf32>
        %add3A_476 = arith.addf %add3A_469, %get3A_475 : vector<16xf32>
        %add3A_477 = arith.constant 4 : i32
        %add3A_478 = arith.addi %mul3A_98, %add3A_477 : i32
        %get3A_479 = arith.index_cast %add3A_478 : i32 to index
        %get3A_480 = arith.constant 16 : index
        %get3A_481 = tpu.vector_load %arg7[%get3A_479, %get3A_480] {strides = array<i32>} : memref<800x64xf32, #tpu.memory_space<vmem>>, vector<1x16xf32>,
        %get3A_482 = vector.shape_cast %get3A_481 : vector<1x16xf32> to vector<16xf32>
        %add3A_483 = arith.addf %add3A_476, %get3A_482 : vector<16xf32>
        %add3A_484 = arith.constant 5 : i32
        %add3A_485 = arith.addi %mul3A_98, %add3A_484 : i32
        %get3A_486 = arith.index_cast %add3A_485 : i32 to index
        %get3A_487 = arith.constant 16 : index
        %get3A_488 = tpu.vector_load %arg7[%get3A_486, %get3A_487] {strides = array<i32>} : memref<800x64xf32, #tpu.memory_space<vmem>>, vector<1x16xf32>,
        %get3A_489 = vector.shape_cast %get3A_488 : vector<1x16xf32> to vector<16xf32>
        %add3A_490 = arith.addf %add3A_483, %get3A_489 : vector<16xf32>
        %add3A_491 = arith.constant 6 : i32
        %add3A_492 = arith.addi %mul3A_98, %add3A_491 : i32
        %get3A_493 = arith.index_cast %add3A_492 : i32 to index
        %get3A_494 = arith.constant 16 : index
        %get3A_495 = tpu.vector_load %arg7[%get3A_493, %get3A_494] {strides = array<i32>} : memref<800x64xf32, #tpu.memory_space<vmem>>, vector<1x16xf32>,
        %get3A_496 = vector.shape_cast %get3A_495 : vector<1x16xf32> to vector<16xf32>
        %add3A_497 = arith.addf %add3A_490, %get3A_496 : vector<16xf32>
        %add3A_498 = arith.constant 7 : i32
        %add3A_499 = arith.addi %mul3A_98, %add3A_498 : i32
        %get3A_500 = arith.index_cast %add3A_499 : i32 to index
        %get3A_501 = arith.constant 16 : index
        %get3A_502 = tpu.vector_load %arg7[%get3A_500, %get3A_501] {strides = array<i32>} : memref<800x64xf32, #tpu.memory_space<vmem>>, vector<1x16xf32>,
        %get3A_503 = vector.shape_cast %get3A_502 : vector<1x16xf32> to vector<16xf32>
        %add3A_504 = arith.addf %add3A_497, %get3A_503 : vector<16xf32>
        %add3A_505 = arith.constant 8 : i32
        %add3A_506 = arith.addi %mul3A_98, %add3A_505 : i32
        %get3A_507 = arith.index_cast %add3A_506 : i32 to index
        %get3A_508 = arith.constant 16 : index
        %get3A_509 = tpu.vector_load %arg7[%get3A_507, %get3A_508] {strides = array<i32>} : memref<800x64xf32, #tpu.memory_space<vmem>>, vector<1x16xf32>,
        %get3A_510 = vector.shape_cast %get3A_509 : vector<1x16xf32> to vector<16xf32>
        %add3A_511 = arith.addf %add3A_504, %get3A_510 : vector<16xf32>
        %add3A_512 = arith.constant 9 : i32
        %add3A_513 = arith.addi %mul3A_98, %add3A_512 : i32
        %get3A_514 = arith.index_cast %add3A_513 : i32 to index
        %get3A_515 = arith.constant 16 : index
        %get3A_516 = tpu.vector_load %arg7[%get3A_514, %get3A_515] {strides = array<i32>} : memref<800x64xf32, #tpu.memory_space<vmem>>, vector<1x16xf32>,
        %get3A_517 = vector.shape_cast %get3A_516 : vector<1x16xf32> to vector<16xf32>
        %add3A_518 = arith.addf %add3A_511, %get3A_517 : vector<16xf32>
        %add3A_519 = arith.constant 10 : i32
        %add3A_520 = arith.addi %mul3A_98, %add3A_519 : i32
        %get3A_521 = arith.index_cast %add3A_520 : i32 to index
        %get3A_522 = arith.constant 16 : index
        %get3A_523 = tpu.vector_load %arg7[%get3A_521, %get3A_522] {strides = array<i32>} : memref<800x64xf32, #tpu.memory_space<vmem>>, vector<1x16xf32>,
        %get3A_524 = vector.shape_cast %get3A_523 : vector<1x16xf32> to vector<16xf32>
        %add3A_525 = arith.addf %add3A_518, %get3A_524 : vector<16xf32>
        %add3A_526 = arith.constant 11 : i32
        %add3A_527 = arith.addi %mul3A_98, %add3A_526 : i32
        %get3A_528 = arith.index_cast %add3A_527 : i32 to index
        %get3A_529 = arith.constant 16 : index
        %get3A_530 = tpu.vector_load %arg7[%get3A_528, %get3A_529] {strides = array<i32>} : memref<800x64xf32, #tpu.memory_space<vmem>>, vector<1x16xf32>,
        %get3A_531 = vector.shape_cast %get3A_530 : vector<1x16xf32> to vector<16xf32>
        %add3A_532 = arith.addf %add3A_525, %get3A_531 : vector<16xf32>
        %add3A_533 = arith.constant 12 : i32
        %add3A_534 = arith.addi %mul3A_98, %add3A_533 : i32
        %get3A_535 = arith.index_cast %add3A_534 : i32 to index
        %get3A_536 = arith.constant 16 : index
        %get3A_537 = tpu.vector_load %arg7[%get3A_535, %get3A_536] {strides = array<i32>} : memref<800x64xf32, #tpu.memory_space<vmem>>, vector<1x16xf32>,
        %get3A_538 = vector.shape_cast %get3A_537 : vector<1x16xf32> to vector<16xf32>
        %add3A_539 = arith.addf %add3A_532, %get3A_538 : vector<16xf32>
        %add3A_540 = arith.constant 13 : i32
        %add3A_541 = arith.addi %mul3A_98, %add3A_540 : i32
        %get3A_542 = arith.index_cast %add3A_541 : i32 to index
        %get3A_543 = arith.constant 16 : index
        %get3A_544 = tpu.vector_load %arg7[%get3A_542, %get3A_543] {strides = array<i32>} : memref<800x64xf32, #tpu.memory_space<vmem>>, vector<1x16xf32>,
        %get3A_545 = vector.shape_cast %get3A_544 : vector<1x16xf32> to vector<16xf32>
        %add3A_546 = arith.addf %add3A_539, %get3A_545 : vector<16xf32>
        %add3A_547 = arith.constant 14 : i32
        %add3A_548 = arith.addi %mul3A_98, %add3A_547 : i32
        %get3A_549 = arith.index_cast %add3A_548 : i32 to index
        %get3A_550 = arith.constant 16 : index
        %get3A_551 = tpu.vector_load %arg7[%get3A_549, %get3A_550] {strides = array<i32>} : memref<800x64xf32, #tpu.memory_space<vmem>>, vector<1x16xf32>,
        %get3A_552 = vector.shape_cast %get3A_551 : vector<1x16xf32> to vector<16xf32>
        %add3A_553 = arith.addf %add3A_546, %get3A_552 : vector<16xf32>
        %add3A_554 = arith.constant 15 : i32
        %add3A_555 = arith.addi %mul3A_98, %add3A_554 : i32
        %get3A_556 = arith.index_cast %add3A_555 : i32 to index
        %get3A_557 = arith.constant 16 : index
        %get3A_558 = tpu.vector_load %arg7[%get3A_556, %get3A_557] {strides = array<i32>} : memref<800x64xf32, #tpu.memory_space<vmem>>, vector<1x16xf32>,
        %get3A_559 = vector.shape_cast %get3A_558 : vector<1x16xf32> to vector<16xf32>
        %add3A_560 = arith.addf %add3A_553, %get3A_559 : vector<16xf32>
        %add3A_561 = arith.constant 16 : i32
        %add3A_562 = arith.addi %mul3A_98, %add3A_561 : i32
        %get3A_563 = arith.index_cast %add3A_562 : i32 to index
        %get3A_564 = arith.constant 16 : index
        %get3A_565 = tpu.vector_load %arg7[%get3A_563, %get3A_564] {strides = array<i32>} : memref<800x64xf32, #tpu.memory_space<vmem>>, vector<1x16xf32>,
        %get3A_566 = vector.shape_cast %get3A_565 : vector<1x16xf32> to vector<16xf32>
        %add3A_567 = arith.addf %add3A_560, %get3A_566 : vector<16xf32>
        %add3A_568 = arith.constant 17 : i32
        %add3A_569 = arith.addi %mul3A_98, %add3A_568 : i32
        %get3A_570 = arith.index_cast %add3A_569 : i32 to index
        %get3A_571 = arith.constant 16 : index
        %get3A_572 = tpu.vector_load %arg7[%get3A_570, %get3A_571] {strides = array<i32>} : memref<800x64xf32, #tpu.memory_space<vmem>>, vector<1x16xf32>,
        %get3A_573 = vector.shape_cast %get3A_572 : vector<1x16xf32> to vector<16xf32>
        %add3A_574 = arith.addf %add3A_567, %get3A_573 : vector<16xf32>
        %add3A_575 = arith.constant 18 : i32
        %add3A_576 = arith.addi %mul3A_98, %add3A_575 : i32
        %get3A_577 = arith.index_cast %add3A_576 : i32 to index
        %get3A_578 = arith.constant 16 : index
        %get3A_579 = tpu.vector_load %arg7[%get3A_577, %get3A_578] {strides = array<i32>} : memref<800x64xf32, #tpu.memory_space<vmem>>, vector<1x16xf32>,
        %get3A_580 = vector.shape_cast %get3A_579 : vector<1x16xf32> to vector<16xf32>
        %add3A_581 = arith.addf %add3A_574, %get3A_580 : vector<16xf32>
        %add3A_582 = arith.constant 19 : i32
        %add3A_583 = arith.addi %mul3A_98, %add3A_582 : i32
        %get3A_584 = arith.index_cast %add3A_583 : i32 to index
        %get3A_585 = arith.constant 16 : index
        %get3A_586 = tpu.vector_load %arg7[%get3A_584, %get3A_585] {strides = array<i32>} : memref<800x64xf32, #tpu.memory_space<vmem>>, vector<1x16xf32>,
        %get3A_587 = vector.shape_cast %get3A_586 : vector<1x16xf32> to vector<16xf32>
        %add3A_588 = arith.addf %add3A_581, %get3A_587 : vector<16xf32>
        %add3A_589 = arith.constant 20 : i32
        %add3A_590 = arith.addi %mul3A_98, %add3A_589 : i32
        %get3A_591 = arith.index_cast %add3A_590 : i32 to index
        %get3A_592 = arith.constant 16 : index
        %get3A_593 = tpu.vector_load %arg7[%get3A_591, %get3A_592] {strides = array<i32>} : memref<800x64xf32, #tpu.memory_space<vmem>>, vector<1x16xf32>,
        %get3A_594 = vector.shape_cast %get3A_593 : vector<1x16xf32> to vector<16xf32>
        %add3A_595 = arith.addf %add3A_588, %get3A_594 : vector<16xf32>
        %add3A_596 = arith.constant 21 : i32
        %add3A_597 = arith.addi %mul3A_98, %add3A_596 : i32
        %get3A_598 = arith.index_cast %add3A_597 : i32 to index
        %get3A_599 = arith.constant 16 : index
        %get3A_600 = tpu.vector_load %arg7[%get3A_598, %get3A_599] {strides = array<i32>} : memref<800x64xf32, #tpu.memory_space<vmem>>, vector<1x16xf32>,
        %get3A_601 = vector.shape_cast %get3A_600 : vector<1x16xf32> to vector<16xf32>
        %add3A_602 = arith.addf %add3A_595, %get3A_601 : vector<16xf32>
        %add3A_603 = arith.constant 22 : i32
        %add3A_604 = arith.addi %mul3A_98, %add3A_603 : i32
        %get3A_605 = arith.index_cast %add3A_604 : i32 to index
        %get3A_606 = arith.constant 16 : index
        %get3A_607 = tpu.vector_load %arg7[%get3A_605, %get3A_606] {strides = array<i32>} : memref<800x64xf32, #tpu.memory_space<vmem>>, vector<1x16xf32>,
        %get3A_608 = vector.shape_cast %get3A_607 : vector<1x16xf32> to vector<16xf32>
        %add3A_609 = arith.addf %add3A_602, %get3A_608 : vector<16xf32>
        %add3A_610 = arith.constant 23 : i32
        %add3A_611 = arith.addi %mul3A_98, %add3A_610 : i32
        %get3A_612 = arith.index_cast %add3A_611 : i32 to index
        %get3A_613 = arith.constant 16 : index
        %get3A_614 = tpu.vector_load %arg7[%get3A_612, %get3A_613] {strides = array<i32>} : memref<800x64xf32, #tpu.memory_space<vmem>>, vector<1x16xf32>,
        %get3A_615 = vector.shape_cast %get3A_614 : vector<1x16xf32> to vector<16xf32>
        %add3A_616 = arith.addf %add3A_609, %get3A_615 : vector<16xf32>
        %add3A_617 = arith.constant 24 : i32
        %add3A_618 = arith.addi %mul3A_98, %add3A_617 : i32
        %get3A_619 = arith.index_cast %add3A_618 : i32 to index
        %get3A_620 = arith.constant 16 : index
        %get3A_621 = tpu.vector_load %arg7[%get3A_619, %get3A_620] {strides = array<i32>} : memref<800x64xf32, #tpu.memory_space<vmem>>, vector<1x16xf32>,
        %get3A_622 = vector.shape_cast %get3A_621 : vector<1x16xf32> to vector<16xf32>
        %add3A_623 = arith.addf %add3A_616, %get3A_622 : vector<16xf32>
        %add3A_624 = arith.constant 25 : i32
        %add3A_625 = arith.addi %mul3A_98, %add3A_624 : i32
        %get3A_626 = arith.index_cast %add3A_625 : i32 to index
        %get3A_627 = arith.constant 16 : index
        %get3A_628 = tpu.vector_load %arg7[%get3A_626, %get3A_627] {strides = array<i32>} : memref<800x64xf32, #tpu.memory_space<vmem>>, vector<1x16xf32>,
        %get3A_629 = vector.shape_cast %get3A_628 : vector<1x16xf32> to vector<16xf32>
        %add3A_630 = arith.addf %add3A_623, %get3A_629 : vector<16xf32>
        %add3A_631 = arith.constant 26 : i32
        %add3A_632 = arith.addi %mul3A_98, %add3A_631 : i32
        %get3A_633 = arith.index_cast %add3A_632 : i32 to index
        %get3A_634 = arith.constant 16 : index
        %get3A_635 = tpu.vector_load %arg7[%get3A_633, %get3A_634] {strides = array<i32>} : memref<800x64xf32, #tpu.memory_space<vmem>>, vector<1x16xf32>,
        %get3A_636 = vector.shape_cast %get3A_635 : vector<1x16xf32> to vector<16xf32>
        %add3A_637 = arith.addf %add3A_630, %get3A_636 : vector<16xf32>
        %add3A_638 = arith.constant 27 : i32
        %add3A_639 = arith.addi %mul3A_98, %add3A_638 : i32
        %get3A_640 = arith.index_cast %add3A_639 : i32 to index
        %get3A_641 = arith.constant 16 : index
        %get3A_642 = tpu.vector_load %arg7[%get3A_640, %get3A_641] {strides = array<i32>} : memref<800x64xf32, #tpu.memory_space<vmem>>, vector<1x16xf32>,
        %get3A_643 = vector.shape_cast %get3A_642 : vector<1x16xf32> to vector<16xf32>
        %add3A_644 = arith.addf %add3A_637, %get3A_643 : vector<16xf32>
        %add3A_645 = arith.constant 28 : i32
        %add3A_646 = arith.addi %mul3A_98, %add3A_645 : i32
        %get3A_647 = arith.index_cast %add3A_646 : i32 to index
        %get3A_648 = arith.constant 16 : index
        %get3A_649 = tpu.vector_load %arg7[%get3A_647, %get3A_648] {strides = array<i32>} : memref<800x64xf32, #tpu.memory_space<vmem>>, vector<1x16xf32>,
        %get3A_650 = vector.shape_cast %get3A_649 : vector<1x16xf32> to vector<16xf32>
        %add3A_651 = arith.addf %add3A_644, %get3A_650 : vector<16xf32>
        %add3A_652 = arith.constant 29 : i32
        %add3A_653 = arith.addi %mul3A_98, %add3A_652 : i32
        %get3A_654 = arith.index_cast %add3A_653 : i32 to index
        %get3A_655 = arith.constant 16 : index
        %get3A_656 = tpu.vector_load %arg7[%get3A_654, %get3A_655] {strides = array<i32>} : memref<800x64xf32, #tpu.memory_space<vmem>>, vector<1x16xf32>,
        %get3A_657 = vector.shape_cast %get3A_656 : vector<1x16xf32> to vector<16xf32>
        %add3A_658 = arith.addf %add3A_651, %get3A_657 : vector<16xf32>
        %add3A_659 = arith.constant 30 : i32
        %add3A_660 = arith.addi %mul3A_98, %add3A_659 : i32
        %get3A_661 = arith.index_cast %add3A_660 : i32 to index
        %get3A_662 = arith.constant 16 : index
        %get3A_663 = tpu.vector_load %arg7[%get3A_661, %get3A_662] {strides = array<i32>} : memref<800x64xf32, #tpu.memory_space<vmem>>, vector<1x16xf32>,
        %get3A_664 = vector.shape_cast %get3A_663 : vector<1x16xf32> to vector<16xf32>
        %add3A_665 = arith.addf %add3A_658, %get3A_664 : vector<16xf32>
        %add3A_666 = arith.constant 31 : i32
        %add3A_667 = arith.addi %mul3A_98, %add3A_666 : i32
        %get3A_668 = arith.index_cast %add3A_667 : i32 to index
        %get3A_669 = arith.constant 16 : index
        %get3A_670 = tpu.vector_load %arg7[%get3A_668, %get3A_669] {strides = array<i32>} : memref<800x64xf32, #tpu.memory_space<vmem>>, vector<1x16xf32>,
        %get3A_671 = vector.shape_cast %get3A_670 : vector<1x16xf32> to vector<16xf32>
        %add3A_672 = arith.addf %add3A_665, %get3A_671 : vector<16xf32>
        %add3A_673 = arith.constant 32 : i32
        %add3A_674 = arith.addi %mul3A_98, %add3A_673 : i32
        %get3A_675 = arith.index_cast %add3A_674 : i32 to index
        %get3A_676 = arith.constant 16 : index
        %get3A_677 = tpu.vector_load %arg7[%get3A_675, %get3A_676] {strides = array<i32>} : memref<800x64xf32, #tpu.memory_space<vmem>>, vector<1x16xf32>,
        %get3A_678 = vector.shape_cast %get3A_677 : vector<1x16xf32> to vector<16xf32>
        %add3A_679 = arith.addf %add3A_672, %get3A_678 : vector<16xf32>
        %add3A_680 = arith.constant 33 : i32
        %add3A_681 = arith.addi %mul3A_98, %add3A_680 : i32
        %get3A_682 = arith.index_cast %add3A_681 : i32 to index
        %get3A_683 = arith.constant 16 : index
        %get3A_684 = tpu.vector_load %arg7[%get3A_682, %get3A_683] {strides = array<i32>} : memref<800x64xf32, #tpu.memory_space<vmem>>, vector<1x16xf32>,
        %get3A_685 = vector.shape_cast %get3A_684 : vector<1x16xf32> to vector<16xf32>
        %add3A_686 = arith.addf %add3A_679, %get3A_685 : vector<16xf32>
        %add3A_687 = arith.constant 34 : i32
        %add3A_688 = arith.addi %mul3A_98, %add3A_687 : i32
        %get3A_689 = arith.index_cast %add3A_688 : i32 to index
        %get3A_690 = arith.constant 16 : index
        %get3A_691 = tpu.vector_load %arg7[%get3A_689, %get3A_690] {strides = array<i32>} : memref<800x64xf32, #tpu.memory_space<vmem>>, vector<1x16xf32>,
        %get3A_692 = vector.shape_cast %get3A_691 : vector<1x16xf32> to vector<16xf32>
        %add3A_693 = arith.addf %add3A_686, %get3A_692 : vector<16xf32>
        %add3A_694 = arith.constant 35 : i32
        %add3A_695 = arith.addi %mul3A_98, %add3A_694 : i32
        %get3A_696 = arith.index_cast %add3A_695 : i32 to index
        %get3A_697 = arith.constant 16 : index
        %get3A_698 = tpu.vector_load %arg7[%get3A_696, %get3A_697] {strides = array<i32>} : memref<800x64xf32, #tpu.memory_space<vmem>>, vector<1x16xf32>,
        %get3A_699 = vector.shape_cast %get3A_698 : vector<1x16xf32> to vector<16xf32>
        %add3A_700 = arith.addf %add3A_693, %get3A_699 : vector<16xf32>
        %add3A_701 = arith.constant 36 : i32
        %add3A_702 = arith.addi %mul3A_98, %add3A_701 : i32
        %get3A_703 = arith.index_cast %add3A_702 : i32 to index
        %get3A_704 = arith.constant 16 : index
        %get3A_705 = tpu.vector_load %arg7[%get3A_703, %get3A_704] {strides = array<i32>} : memref<800x64xf32, #tpu.memory_space<vmem>>, vector<1x16xf32>,
        %get3A_706 = vector.shape_cast %get3A_705 : vector<1x16xf32> to vector<16xf32>
        %add3A_707 = arith.addf %add3A_700, %get3A_706 : vector<16xf32>
        %add3A_708 = arith.constant 37 : i32
        %add3A_709 = arith.addi %mul3A_98, %add3A_708 : i32
        %get3A_710 = arith.index_cast %add3A_709 : i32 to index
        %get3A_711 = arith.constant 16 : index
        %get3A_712 = tpu.vector_load %arg7[%get3A_710, %get3A_711] {strides = array<i32>} : memref<800x64xf32, #tpu.memory_space<vmem>>, vector<1x16xf32>,
        %get3A_713 = vector.shape_cast %get3A_712 : vector<1x16xf32> to vector<16xf32>
        %add3A_714 = arith.addf %add3A_707, %get3A_713 : vector<16xf32>
        %add3A_715 = arith.constant 38 : i32
        %add3A_716 = arith.addi %mul3A_98, %add3A_715 : i32
        %get3A_717 = arith.index_cast %add3A_716 : i32 to index
        %get3A_718 = arith.constant 16 : index
        %get3A_719 = tpu.vector_load %arg7[%get3A_717, %get3A_718] {strides = array<i32>} : memref<800x64xf32, #tpu.memory_space<vmem>>, vector<1x16xf32>,
        %get3A_720 = vector.shape_cast %get3A_719 : vector<1x16xf32> to vector<16xf32>
        %add3A_721 = arith.addf %add3A_714, %get3A_720 : vector<16xf32>
        %add3A_722 = arith.constant 39 : i32
        %add3A_723 = arith.addi %mul3A_98, %add3A_722 : i32
        %get3A_724 = arith.index_cast %add3A_723 : i32 to index
        %get3A_725 = arith.constant 16 : index
        %get3A_726 = tpu.vector_load %arg7[%get3A_724, %get3A_725] {strides = array<i32>} : memref<800x64xf32, #tpu.memory_space<vmem>>, vector<1x16xf32>,
        %get3A_727 = vector.shape_cast %get3A_726 : vector<1x16xf32> to vector<16xf32>
        %add3A_728 = arith.addf %add3A_721, %get3A_727 : vector<16xf32>
        %add3A_729 = arith.constant 40 : i32
        %add3A_730 = arith.addi %mul3A_98, %add3A_729 : i32
        %get3A_731 = arith.index_cast %add3A_730 : i32 to index
        %get3A_732 = arith.constant 16 : index
        %get3A_733 = tpu.vector_load %arg7[%get3A_731, %get3A_732] {strides = array<i32>} : memref<800x64xf32, #tpu.memory_space<vmem>>, vector<1x16xf32>,
        %get3A_734 = vector.shape_cast %get3A_733 : vector<1x16xf32> to vector<16xf32>
        %add3A_735 = arith.addf %add3A_728, %get3A_734 : vector<16xf32>
        %add3A_736 = arith.constant 41 : i32
        %add3A_737 = arith.addi %mul3A_98, %add3A_736 : i32
        %get3A_738 = arith.index_cast %add3A_737 : i32 to index
        %get3A_739 = arith.constant 16 : index
        %get3A_740 = tpu.vector_load %arg7[%get3A_738, %get3A_739] {strides = array<i32>} : memref<800x64xf32, #tpu.memory_space<vmem>>, vector<1x16xf32>,
        %get3A_741 = vector.shape_cast %get3A_740 : vector<1x16xf32> to vector<16xf32>
        %add3A_742 = arith.addf %add3A_735, %get3A_741 : vector<16xf32>
        %add3A_743 = arith.constant 42 : i32
        %add3A_744 = arith.addi %mul3A_98, %add3A_743 : i32
        %get3A_745 = arith.index_cast %add3A_744 : i32 to index
        %get3A_746 = arith.constant 16 : index
        %get3A_747 = tpu.vector_load %arg7[%get3A_745, %get3A_746] {strides = array<i32>} : memref<800x64xf32, #tpu.memory_space<vmem>>, vector<1x16xf32>,
        %get3A_748 = vector.shape_cast %get3A_747 : vector<1x16xf32> to vector<16xf32>
        %add3A_749 = arith.addf %add3A_742, %get3A_748 : vector<16xf32>
        %add3A_750 = arith.constant 43 : i32
        %add3A_751 = arith.addi %mul3A_98, %add3A_750 : i32
        %get3A_752 = arith.index_cast %add3A_751 : i32 to index
        %get3A_753 = arith.constant 16 : index
        %get3A_754 = tpu.vector_load %arg7[%get3A_752, %get3A_753] {strides = array<i32>} : memref<800x64xf32, #tpu.memory_space<vmem>>, vector<1x16xf32>,
        %get3A_755 = vector.shape_cast %get3A_754 : vector<1x16xf32> to vector<16xf32>
        %add3A_756 = arith.addf %add3A_749, %get3A_755 : vector<16xf32>
        %add3A_757 = arith.constant 44 : i32
        %add3A_758 = arith.addi %mul3A_98, %add3A_757 : i32
        %get3A_759 = arith.index_cast %add3A_758 : i32 to index
        %get3A_760 = arith.constant 16 : index
        %get3A_761 = tpu.vector_load %arg7[%get3A_759, %get3A_760] {strides = array<i32>} : memref<800x64xf32, #tpu.memory_space<vmem>>, vector<1x16xf32>,
        %get3A_762 = vector.shape_cast %get3A_761 : vector<1x16xf32> to vector<16xf32>
        %add3A_763 = arith.addf %add3A_756, %get3A_762 : vector<16xf32>
        %add3A_764 = arith.constant 45 : i32
        %add3A_765 = arith.addi %mul3A_98, %add3A_764 : i32
        %get3A_766 = arith.index_cast %add3A_765 : i32 to index
        %get3A_767 = arith.constant 16 : index
        %get3A_768 = tpu.vector_load %arg7[%get3A_766, %get3A_767] {strides = array<i32>} : memref<800x64xf32, #tpu.memory_space<vmem>>, vector<1x16xf32>,
        %get3A_769 = vector.shape_cast %get3A_768 : vector<1x16xf32> to vector<16xf32>
        %add3A_770 = arith.addf %add3A_763, %get3A_769 : vector<16xf32>
        %add3A_771 = arith.constant 46 : i32
        %add3A_772 = arith.addi %mul3A_98, %add3A_771 : i32
        %get3A_773 = arith.index_cast %add3A_772 : i32 to index
        %get3A_774 = arith.constant 16 : index
        %get3A_775 = tpu.vector_load %arg7[%get3A_773, %get3A_774] {strides = array<i32>} : memref<800x64xf32, #tpu.memory_space<vmem>>, vector<1x16xf32>,
        %get3A_776 = vector.shape_cast %get3A_775 : vector<1x16xf32> to vector<16xf32>
        %add3A_777 = arith.addf %add3A_770, %get3A_776 : vector<16xf32>
        %add3A_778 = arith.constant 47 : i32
        %add3A_779 = arith.addi %mul3A_98, %add3A_778 : i32
        %get3A_780 = arith.index_cast %add3A_779 : i32 to index
        %get3A_781 = arith.constant 16 : index
        %get3A_782 = tpu.vector_load %arg7[%get3A_780, %get3A_781] {strides = array<i32>} : memref<800x64xf32, #tpu.memory_space<vmem>>, vector<1x16xf32>,
        %get3A_783 = vector.shape_cast %get3A_782 : vector<1x16xf32> to vector<16xf32>
        %add3A_784 = arith.addf %add3A_777, %get3A_783 : vector<16xf32>
        %add3A_785 = arith.constant 48 : i32
        %add3A_786 = arith.addi %mul3A_98, %add3A_785 : i32
        %get3A_787 = arith.index_cast %add3A_786 : i32 to index
        %get3A_788 = arith.constant 16 : index
        %get3A_789 = tpu.vector_load %arg7[%get3A_787, %get3A_788] {strides = array<i32>} : memref<800x64xf32, #tpu.memory_space<vmem>>, vector<1x16xf32>,
        %get3A_790 = vector.shape_cast %get3A_789 : vector<1x16xf32> to vector<16xf32>
        %add3A_791 = arith.addf %add3A_784, %get3A_790 : vector<16xf32>
        %add3A_792 = arith.constant 49 : i32
        %add3A_793 = arith.addi %mul3A_98, %add3A_792 : i32
        %get3A_794 = arith.index_cast %add3A_793 : i32 to index
        %get3A_795 = arith.constant 16 : index
        %get3A_796 = tpu.vector_load %arg7[%get3A_794, %get3A_795] {strides = array<i32>} : memref<800x64xf32, #tpu.memory_space<vmem>>, vector<1x16xf32>,
        %get3A_797 = vector.shape_cast %get3A_796 : vector<1x16xf32> to vector<16xf32>
        %add3A_798 = arith.addf %add3A_791, %get3A_797 : vector<16xf32>
        %swap3A_799 = arith.index_cast %add3A_101 : i32 to index
        %swap3A_800 = arith.constant 16 : index
        %swap3A_801 = tpu.vector_load %arg8[%swap3A_799, %swap3A_800] {strides = array<i32>} : memref<128x64xf32, #tpu.memory_space<vmem>>, vector<1x16xf32>,
        %swap3A_802 = vector.shape_cast %swap3A_801 : vector<1x16xf32> to vector<16xf32>
        %swap3A_803 = vector.shape_cast %add3A_798 : vector<16xf32> to vector<1x16xf32>
        tpu.vector_store %arg8[%swap3A_799, %swap3A_800], %swap3A_803 {strides = array<i32>} : memref<128x64xf32, #tpu.memory_space<vmem>>, vector<1x16xf32>,
        %get3A_804 = arith.index_cast %mul3A_98 : i32 to index
        %get3A_805 = arith.constant 32 : index
        %get3A_806 = tpu.vector_load %arg7[%get3A_804, %get3A_805] {strides = array<i32>} : memref<800x64xf32, #tpu.memory_space<vmem>>, vector<1x16xf32>,
        %get3A_807 = vector.shape_cast %get3A_806 : vector<1x16xf32> to vector<16xf32>
        %add3A_808 = arith.constant 1 : i32
        %add3A_809 = arith.addi %mul3A_98, %add3A_808 : i32
        %get3A_810 = arith.index_cast %add3A_809 : i32 to index
        %get3A_811 = arith.constant 32 : index
        %get3A_812 = tpu.vector_load %arg7[%get3A_810, %get3A_811] {strides = array<i32>} : memref<800x64xf32, #tpu.memory_space<vmem>>, vector<1x16xf32>,
        %get3A_813 = vector.shape_cast %get3A_812 : vector<1x16xf32> to vector<16xf32>
        %add3A_814 = arith.addf %get3A_807, %get3A_813 : vector<16xf32>
        %add3A_815 = arith.constant 2 : i32
        %add3A_816 = arith.addi %mul3A_98, %add3A_815 : i32
        %get3A_817 = arith.index_cast %add3A_816 : i32 to index
        %get3A_818 = arith.constant 32 : index
        %get3A_819 = tpu.vector_load %arg7[%get3A_817, %get3A_818] {strides = array<i32>} : memref<800x64xf32, #tpu.memory_space<vmem>>, vector<1x16xf32>,
        %get3A_820 = vector.shape_cast %get3A_819 : vector<1x16xf32> to vector<16xf32>
        %add3A_821 = arith.addf %add3A_814, %get3A_820 : vector<16xf32>
        %add3A_822 = arith.constant 3 : i32
        %add3A_823 = arith.addi %mul3A_98, %add3A_822 : i32
        %get3A_824 = arith.index_cast %add3A_823 : i32 to index
        %get3A_825 = arith.constant 32 : index
        %get3A_826 = tpu.vector_load %arg7[%get3A_824, %get3A_825] {strides = array<i32>} : memref<800x64xf32, #tpu.memory_space<vmem>>, vector<1x16xf32>,
        %get3A_827 = vector.shape_cast %get3A_826 : vector<1x16xf32> to vector<16xf32>
        %add3A_828 = arith.addf %add3A_821, %get3A_827 : vector<16xf32>
        %add3A_829 = arith.constant 4 : i32
        %add3A_830 = arith.addi %mul3A_98, %add3A_829 : i32
        %get3A_831 = arith.index_cast %add3A_830 : i32 to index
        %get3A_832 = arith.constant 32 : index
        %get3A_833 = tpu.vector_load %arg7[%get3A_831, %get3A_832] {strides = array<i32>} : memref<800x64xf32, #tpu.memory_space<vmem>>, vector<1x16xf32>,
        %get3A_834 = vector.shape_cast %get3A_833 : vector<1x16xf32> to vector<16xf32>
        %add3A_835 = arith.addf %add3A_828, %get3A_834 : vector<16xf32>
        %add3A_836 = arith.constant 5 : i32
        %add3A_837 = arith.addi %mul3A_98, %add3A_836 : i32
        %get3A_838 = arith.index_cast %add3A_837 : i32 to index
        %get3A_839 = arith.constant 32 : index
        %get3A_840 = tpu.vector_load %arg7[%get3A_838, %get3A_839] {strides = array<i32>} : memref<800x64xf32, #tpu.memory_space<vmem>>, vector<1x16xf32>,
        %get3A_841 = vector.shape_cast %get3A_840 : vector<1x16xf32> to vector<16xf32>
        %add3A_842 = arith.addf %add3A_835, %get3A_841 : vector<16xf32>
        %add3A_843 = arith.constant 6 : i32
        %add3A_844 = arith.addi %mul3A_98, %add3A_843 : i32
        %get3A_845 = arith.index_cast %add3A_844 : i32 to index
        %get3A_846 = arith.constant 32 : index
        %get3A_847 = tpu.vector_load %arg7[%get3A_845, %get3A_846] {strides = array<i32>} : memref<800x64xf32, #tpu.memory_space<vmem>>, vector<1x16xf32>,
        %get3A_848 = vector.shape_cast %get3A_847 : vector<1x16xf32> to vector<16xf32>
        %add3A_849 = arith.addf %add3A_842, %get3A_848 : vector<16xf32>
        %add3A_850 = arith.constant 7 : i32
        %add3A_851 = arith.addi %mul3A_98, %add3A_850 : i32
        %get3A_852 = arith.index_cast %add3A_851 : i32 to index
        %get3A_853 = arith.constant 32 : index
        %get3A_854 = tpu.vector_load %arg7[%get3A_852, %get3A_853] {strides = array<i32>} : memref<800x64xf32, #tpu.memory_space<vmem>>, vector<1x16xf32>,
        %get3A_855 = vector.shape_cast %get3A_854 : vector<1x16xf32> to vector<16xf32>
        %add3A_856 = arith.addf %add3A_849, %get3A_855 : vector<16xf32>
        %add3A_857 = arith.constant 8 : i32
        %add3A_858 = arith.addi %mul3A_98, %add3A_857 : i32
        %get3A_859 = arith.index_cast %add3A_858 : i32 to index
        %get3A_860 = arith.constant 32 : index
        %get3A_861 = tpu.vector_load %arg7[%get3A_859, %get3A_860] {strides = array<i32>} : memref<800x64xf32, #tpu.memory_space<vmem>>, vector<1x16xf32>,
        %get3A_862 = vector.shape_cast %get3A_861 : vector<1x16xf32> to vector<16xf32>
        %add3A_863 = arith.addf %add3A_856, %get3A_862 : vector<16xf32>
        %add3A_864 = arith.constant 9 : i32
        %add3A_865 = arith.addi %mul3A_98, %add3A_864 : i32
        %get3A_866 = arith.index_cast %add3A_865 : i32 to index
        %get3A_867 = arith.constant 32 : index
        %get3A_868 = tpu.vector_load %arg7[%get3A_866, %get3A_867] {strides = array<i32>} : memref<800x64xf32, #tpu.memory_space<vmem>>, vector<1x16xf32>,
        %get3A_869 = vector.shape_cast %get3A_868 : vector<1x16xf32> to vector<16xf32>
        %add3A_870 = arith.addf %add3A_863, %get3A_869 : vector<16xf32>
        %add3A_871 = arith.constant 10 : i32
        %add3A_872 = arith.addi %mul3A_98, %add3A_871 : i32
        %get3A_873 = arith.index_cast %add3A_872 : i32 to index
        %get3A_874 = arith.constant 32 : index
        %get3A_875 = tpu.vector_load %arg7[%get3A_873, %get3A_874] {strides = array<i32>} : memref<800x64xf32, #tpu.memory_space<vmem>>, vector<1x16xf32>,
        %get3A_876 = vector.shape_cast %get3A_875 : vector<1x16xf32> to vector<16xf32>
        %add3A_877 = arith.addf %add3A_870, %get3A_876 : vector<16xf32>
        %add3A_878 = arith.constant 11 : i32
        %add3A_879 = arith.addi %mul3A_98, %add3A_878 : i32
        %get3A_880 = arith.index_cast %add3A_879 : i32 to index
        %get3A_881 = arith.constant 32 : index
        %get3A_882 = tpu.vector_load %arg7[%get3A_880, %get3A_881] {strides = array<i32>} : memref<800x64xf32, #tpu.memory_space<vmem>>, vector<1x16xf32>,
        %get3A_883 = vector.shape_cast %get3A_882 : vector<1x16xf32> to vector<16xf32>
        %add3A_884 = arith.addf %add3A_877, %get3A_883 : vector<16xf32>
        %add3A_885 = arith.constant 12 : i32
        %add3A_886 = arith.addi %mul3A_98, %add3A_885 : i32
        %get3A_887 = arith.index_cast %add3A_886 : i32 to index
        %get3A_888 = arith.constant 32 : index
        %get3A_889 = tpu.vector_load %arg7[%get3A_887, %get3A_888] {strides = array<i32>} : memref<800x64xf32, #tpu.memory_space<vmem>>, vector<1x16xf32>,
        %get3A_890 = vector.shape_cast %get3A_889 : vector<1x16xf32> to vector<16xf32>
        %add3A_891 = arith.addf %add3A_884, %get3A_890 : vector<16xf32>
        %add3A_892 = arith.constant 13 : i32
        %add3A_893 = arith.addi %mul3A_98, %add3A_892 : i32
        %get3A_894 = arith.index_cast %add3A_893 : i32 to index
        %get3A_895 = arith.constant 32 : index
        %get3A_896 = tpu.vector_load %arg7[%get3A_894, %get3A_895] {strides = array<i32>} : memref<800x64xf32, #tpu.memory_space<vmem>>, vector<1x16xf32>,
        %get3A_897 = vector.shape_cast %get3A_896 : vector<1x16xf32> to vector<16xf32>
        %add3A_898 = arith.addf %add3A_891, %get3A_897 : vector<16xf32>
        %add3A_899 = arith.constant 14 : i32
        %add3A_900 = arith.addi %mul3A_98, %add3A_899 : i32
        %get3A_901 = arith.index_cast %add3A_900 : i32 to index
        %get3A_902 = arith.constant 32 : index
        %get3A_903 = tpu.vector_load %arg7[%get3A_901, %get3A_902] {strides = array<i32>} : memref<800x64xf32, #tpu.memory_space<vmem>>, vector<1x16xf32>,
        %get3A_904 = vector.shape_cast %get3A_903 : vector<1x16xf32> to vector<16xf32>
        %add3A_905 = arith.addf %add3A_898, %get3A_904 : vector<16xf32>
        %add3A_906 = arith.constant 15 : i32
        %add3A_907 = arith.addi %mul3A_98, %add3A_906 : i32
        %get3A_908 = arith.index_cast %add3A_907 : i32 to index
        %get3A_909 = arith.constant 32 : index
        %get3A_910 = tpu.vector_load %arg7[%get3A_908, %get3A_909] {strides = array<i32>} : memref<800x64xf32, #tpu.memory_space<vmem>>, vector<1x16xf32>,
        %get3A_911 = vector.shape_cast %get3A_910 : vector<1x16xf32> to vector<16xf32>
        %add3A_912 = arith.addf %add3A_905, %get3A_911 : vector<16xf32>
        %add3A_913 = arith.constant 16 : i32
        %add3A_914 = arith.addi %mul3A_98, %add3A_913 : i32
        %get3A_915 = arith.index_cast %add3A_914 : i32 to index
        %get3A_916 = arith.constant 32 : index
        %get3A_917 = tpu.vector_load %arg7[%get3A_915, %get3A_916] {strides = array<i32>} : memref<800x64xf32, #tpu.memory_space<vmem>>, vector<1x16xf32>,
        %get3A_918 = vector.shape_cast %get3A_917 : vector<1x16xf32> to vector<16xf32>
        %add3A_919 = arith.addf %add3A_912, %get3A_918 : vector<16xf32>
        %add3A_920 = arith.constant 17 : i32
        %add3A_921 = arith.addi %mul3A_98, %add3A_920 : i32
        %get3A_922 = arith.index_cast %add3A_921 : i32 to index
        %get3A_923 = arith.constant 32 : index
        %get3A_924 = tpu.vector_load %arg7[%get3A_922, %get3A_923] {strides = array<i32>} : memref<800x64xf32, #tpu.memory_space<vmem>>, vector<1x16xf32>,
        %get3A_925 = vector.shape_cast %get3A_924 : vector<1x16xf32> to vector<16xf32>
        %add3A_926 = arith.addf %add3A_919, %get3A_925 : vector<16xf32>
        %add3A_927 = arith.constant 18 : i32
        %add3A_928 = arith.addi %mul3A_98, %add3A_927 : i32
        %get3A_929 = arith.index_cast %add3A_928 : i32 to index
        %get3A_930 = arith.constant 32 : index
        %get3A_931 = tpu.vector_load %arg7[%get3A_929, %get3A_930] {strides = array<i32>} : memref<800x64xf32, #tpu.memory_space<vmem>>, vector<1x16xf32>,
        %get3A_932 = vector.shape_cast %get3A_931 : vector<1x16xf32> to vector<16xf32>
        %add3A_933 = arith.addf %add3A_926, %get3A_932 : vector<16xf32>
        %add3A_934 = arith.constant 19 : i32
        %add3A_935 = arith.addi %mul3A_98, %add3A_934 : i32
        %get3A_936 = arith.index_cast %add3A_935 : i32 to index
        %get3A_937 = arith.constant 32 : index
        %get3A_938 = tpu.vector_load %arg7[%get3A_936, %get3A_937] {strides = array<i32>} : memref<800x64xf32, #tpu.memory_space<vmem>>, vector<1x16xf32>,
        %get3A_939 = vector.shape_cast %get3A_938 : vector<1x16xf32> to vector<16xf32>
        %add3A_940 = arith.addf %add3A_933, %get3A_939 : vector<16xf32>
        %add3A_941 = arith.constant 20 : i32
        %add3A_942 = arith.addi %mul3A_98, %add3A_941 : i32
        %get3A_943 = arith.index_cast %add3A_942 : i32 to index
        %get3A_944 = arith.constant 32 : index
        %get3A_945 = tpu.vector_load %arg7[%get3A_943, %get3A_944] {strides = array<i32>} : memref<800x64xf32, #tpu.memory_space<vmem>>, vector<1x16xf32>,
        %get3A_946 = vector.shape_cast %get3A_945 : vector<1x16xf32> to vector<16xf32>
        %add3A_947 = arith.addf %add3A_940, %get3A_946 : vector<16xf32>
        %add3A_948 = arith.constant 21 : i32
        %add3A_949 = arith.addi %mul3A_98, %add3A_948 : i32
        %get3A_950 = arith.index_cast %add3A_949 : i32 to index
        %get3A_951 = arith.constant 32 : index
        %get3A_952 = tpu.vector_load %arg7[%get3A_950, %get3A_951] {strides = array<i32>} : memref<800x64xf32, #tpu.memory_space<vmem>>, vector<1x16xf32>,
        %get3A_953 = vector.shape_cast %get3A_952 : vector<1x16xf32> to vector<16xf32>
        %add3A_954 = arith.addf %add3A_947, %get3A_953 : vector<16xf32>
        %add3A_955 = arith.constant 22 : i32
        %add3A_956 = arith.addi %mul3A_98, %add3A_955 : i32
        %get3A_957 = arith.index_cast %add3A_956 : i32 to index
        %get3A_958 = arith.constant 32 : index
        %get3A_959 = tpu.vector_load %arg7[%get3A_957, %get3A_958] {strides = array<i32>} : memref<800x64xf32, #tpu.memory_space<vmem>>, vector<1x16xf32>,
        %get3A_960 = vector.shape_cast %get3A_959 : vector<1x16xf32> to vector<16xf32>
        %add3A_961 = arith.addf %add3A_954, %get3A_960 : vector<16xf32>
        %add3A_962 = arith.constant 23 : i32
        %add3A_963 = arith.addi %mul3A_98, %add3A_962 : i32
        %get3A_964 = arith.index_cast %add3A_963 : i32 to index
        %get3A_965 = arith.constant 32 : index
        %get3A_966 = tpu.vector_load %arg7[%get3A_964, %get3A_965] {strides = array<i32>} : memref<800x64xf32, #tpu.memory_space<vmem>>, vector<1x16xf32>,
        %get3A_967 = vector.shape_cast %get3A_966 : vector<1x16xf32> to vector<16xf32>
        %add3A_968 = arith.addf %add3A_961, %get3A_967 : vector<16xf32>
        %add3A_969 = arith.constant 24 : i32
        %add3A_970 = arith.addi %mul3A_98, %add3A_969 : i32
        %get3A_971 = arith.index_cast %add3A_970 : i32 to index
        %get3A_972 = arith.constant 32 : index
        %get3A_973 = tpu.vector_load %arg7[%get3A_971, %get3A_972] {strides = array<i32>} : memref<800x64xf32, #tpu.memory_space<vmem>>, vector<1x16xf32>,
        %get3A_974 = vector.shape_cast %get3A_973 : vector<1x16xf32> to vector<16xf32>
        %add3A_975 = arith.addf %add3A_968, %get3A_974 : vector<16xf32>
        %add3A_976 = arith.constant 25 : i32
        %add3A_977 = arith.addi %mul3A_98, %add3A_976 : i32
        %get3A_978 = arith.index_cast %add3A_977 : i32 to index
        %get3A_979 = arith.constant 32 : index
        %get3A_980 = tpu.vector_load %arg7[%get3A_978, %get3A_979] {strides = array<i32>} : memref<800x64xf32, #tpu.memory_space<vmem>>, vector<1x16xf32>,
        %get3A_981 = vector.shape_cast %get3A_980 : vector<1x16xf32> to vector<16xf32>
        %add3A_982 = arith.addf %add3A_975, %get3A_981 : vector<16xf32>
        %add3A_983 = arith.constant 26 : i32
        %add3A_984 = arith.addi %mul3A_98, %add3A_983 : i32
        %get3A_985 = arith.index_cast %add3A_984 : i32 to index
        %get3A_986 = arith.constant 32 : index
        %get3A_987 = tpu.vector_load %arg7[%get3A_985, %get3A_986] {strides = array<i32>} : memref<800x64xf32, #tpu.memory_space<vmem>>, vector<1x16xf32>,
        %get3A_988 = vector.shape_cast %get3A_987 : vector<1x16xf32> to vector<16xf32>
        %add3A_989 = arith.addf %add3A_982, %get3A_988 : vector<16xf32>
        %add3A_990 = arith.constant 27 : i32
        %add3A_991 = arith.addi %mul3A_98, %add3A_990 : i32
        %get3A_992 = arith.index_cast %add3A_991 : i32 to index
        %get3A_993 = arith.constant 32 : index
        %get3A_994 = tpu.vector_load %arg7[%get3A_992, %get3A_993] {strides = array<i32>} : memref<800x64xf32, #tpu.memory_space<vmem>>, vector<1x16xf32>,
        %get3A_995 = vector.shape_cast %get3A_994 : vector<1x16xf32> to vector<16xf32>
        %add3A_996 = arith.addf %add3A_989, %get3A_995 : vector<16xf32>
        %add3A_997 = arith.constant 28 : i32
        %add3A_998 = arith.addi %mul3A_98, %add3A_997 : i32
        %get3A_999 = arith.index_cast %add3A_998 : i32 to index
        %get3A_1000 = arith.constant 32 : index
        %get3A_1001 = tpu.vector_load %arg7[%get3A_999, %get3A_1000] {strides = array<i32>} : memref<800x64xf32, #tpu.memory_space<vmem>>, vector<1x16xf32>,
        %get3A_1002 = vector.shape_cast %get3A_1001 : vector<1x16xf32> to vector<16xf32>
        %add3A_1003 = arith.addf %add3A_996, %get3A_1002 : vector<16xf32>
        %add3A_1004 = arith.constant 29 : i32
        %add3A_1005 = arith.addi %mul3A_98, %add3A_1004 : i32
        %get3A_1006 = arith.index_cast %add3A_1005 : i32 to index
        %get3A_1007 = arith.constant 32 : index
        %get3A_1008 = tpu.vector_load %arg7[%get3A_1006, %get3A_1007] {strides = array<i32>} : memref<800x64xf32, #tpu.memory_space<vmem>>, vector<1x16xf32>,
        %get3A_1009 = vector.shape_cast %get3A_1008 : vector<1x16xf32> to vector<16xf32>
        %add3A_1010 = arith.addf %add3A_1003, %get3A_1009 : vector<16xf32>
        %add3A_1011 = arith.constant 30 : i32
        %add3A_1012 = arith.addi %mul3A_98, %add3A_1011 : i32
        %get3A_1013 = arith.index_cast %add3A_1012 : i32 to index
        %get3A_1014 = arith.constant 32 : index
        %get3A_1015 = tpu.vector_load %arg7[%get3A_1013, %get3A_1014] {strides = array<i32>} : memref<800x64xf32, #tpu.memory_space<vmem>>, vector<1x16xf32>,
        %get3A_1016 = vector.shape_cast %get3A_1015 : vector<1x16xf32> to vector<16xf32>
        %add3A_1017 = arith.addf %add3A_1010, %get3A_1016 : vector<16xf32>
        %add3A_1018 = arith.constant 31 : i32
        %add3A_1019 = arith.addi %mul3A_98, %add3A_1018 : i32
        %get3A_1020 = arith.index_cast %add3A_1019 : i32 to index
        %get3A_1021 = arith.constant 32 : index
        %get3A_1022 = tpu.vector_load %arg7[%get3A_1020, %get3A_1021] {strides = array<i32>} : memref<800x64xf32, #tpu.memory_space<vmem>>, vector<1x16xf32>,
        %get3A_1023 = vector.shape_cast %get3A_1022 : vector<1x16xf32> to vector<16xf32>
        %add3A_1024 = arith.addf %add3A_1017, %get3A_1023 : vector<16xf32>
        %add3A_1025 = arith.constant 32 : i32
        %add3A_1026 = arith.addi %mul3A_98, %add3A_1025 : i32
        %get3A_1027 = arith.index_cast %add3A_1026 : i32 to index
        %get3A_1028 = arith.constant 32 : index
        %get3A_1029 = tpu.vector_load %arg7[%get3A_1027, %get3A_1028] {strides = array<i32>} : memref<800x64xf32, #tpu.memory_space<vmem>>, vector<1x16xf32>,
        %get3A_1030 = vector.shape_cast %get3A_1029 : vector<1x16xf32> to vector<16xf32>
        %add3A_1031 = arith.addf %add3A_1024, %get3A_1030 : vector<16xf32>
        %add3A_1032 = arith.constant 33 : i32
        %add3A_1033 = arith.addi %mul3A_98, %add3A_1032 : i32
        %get3A_1034 = arith.index_cast %add3A_1033 : i32 to index
        %get3A_1035 = arith.constant 32 : index
        %get3A_1036 = tpu.vector_load %arg7[%get3A_1034, %get3A_1035] {strides = array<i32>} : memref<800x64xf32, #tpu.memory_space<vmem>>, vector<1x16xf32>,
        %get3A_1037 = vector.shape_cast %get3A_1036 : vector<1x16xf32> to vector<16xf32>
        %add3A_1038 = arith.addf %add3A_1031, %get3A_1037 : vector<16xf32>
        %add3A_1039 = arith.constant 34 : i32
        %add3A_1040 = arith.addi %mul3A_98, %add3A_1039 : i32
        %get3A_1041 = arith.index_cast %add3A_1040 : i32 to index
        %get3A_1042 = arith.constant 32 : index
        %get3A_1043 = tpu.vector_load %arg7[%get3A_1041, %get3A_1042] {strides = array<i32>} : memref<800x64xf32, #tpu.memory_space<vmem>>, vector<1x16xf32>,
        %get3A_1044 = vector.shape_cast %get3A_1043 : vector<1x16xf32> to vector<16xf32>
        %add3A_1045 = arith.addf %add3A_1038, %get3A_1044 : vector<16xf32>
        %add3A_1046 = arith.constant 35 : i32
        %add3A_1047 = arith.addi %mul3A_98, %add3A_1046 : i32
        %get3A_1048 = arith.index_cast %add3A_1047 : i32 to index
        %get3A_1049 = arith.constant 32 : index
        %get3A_1050 = tpu.vector_load %arg7[%get3A_1048, %get3A_1049] {strides = array<i32>} : memref<800x64xf32, #tpu.memory_space<vmem>>, vector<1x16xf32>,
        %get3A_1051 = vector.shape_cast %get3A_1050 : vector<1x16xf32> to vector<16xf32>
        %add3A_1052 = arith.addf %add3A_1045, %get3A_1051 : vector<16xf32>
        %add3A_1053 = arith.constant 36 : i32
        %add3A_1054 = arith.addi %mul3A_98, %add3A_1053 : i32
        %get3A_1055 = arith.index_cast %add3A_1054 : i32 to index
        %get3A_1056 = arith.constant 32 : index
        %get3A_1057 = tpu.vector_load %arg7[%get3A_1055, %get3A_1056] {strides = array<i32>} : memref<800x64xf32, #tpu.memory_space<vmem>>, vector<1x16xf32>,
        %get3A_1058 = vector.shape_cast %get3A_1057 : vector<1x16xf32> to vector<16xf32>
        %add3A_1059 = arith.addf %add3A_1052, %get3A_1058 : vector<16xf32>
        %add3A_1060 = arith.constant 37 : i32
        %add3A_1061 = arith.addi %mul3A_98, %add3A_1060 : i32
        %get3A_1062 = arith.index_cast %add3A_1061 : i32 to index
        %get3A_1063 = arith.constant 32 : index
        %get3A_1064 = tpu.vector_load %arg7[%get3A_1062, %get3A_1063] {strides = array<i32>} : memref<800x64xf32, #tpu.memory_space<vmem>>, vector<1x16xf32>,
        %get3A_1065 = vector.shape_cast %get3A_1064 : vector<1x16xf32> to vector<16xf32>
        %add3A_1066 = arith.addf %add3A_1059, %get3A_1065 : vector<16xf32>
        %add3A_1067 = arith.constant 38 : i32
        %add3A_1068 = arith.addi %mul3A_98, %add3A_1067 : i32
        %get3A_1069 = arith.index_cast %add3A_1068 : i32 to index
        %get3A_1070 = arith.constant 32 : index
        %get3A_1071 = tpu.vector_load %arg7[%get3A_1069, %get3A_1070] {strides = array<i32>} : memref<800x64xf32, #tpu.memory_space<vmem>>, vector<1x16xf32>,
        %get3A_1072 = vector.shape_cast %get3A_1071 : vector<1x16xf32> to vector<16xf32>
        %add3A_1073 = arith.addf %add3A_1066, %get3A_1072 : vector<16xf32>
        %add3A_1074 = arith.constant 39 : i32
        %add3A_1075 = arith.addi %mul3A_98, %add3A_1074 : i32
        %get3A_1076 = arith.index_cast %add3A_1075 : i32 to index
        %get3A_1077 = arith.constant 32 : index
        %get3A_1078 = tpu.vector_load %arg7[%get3A_1076, %get3A_1077] {strides = array<i32>} : memref<800x64xf32, #tpu.memory_space<vmem>>, vector<1x16xf32>,
        %get3A_1079 = vector.shape_cast %get3A_1078 : vector<1x16xf32> to vector<16xf32>
        %add3A_1080 = arith.addf %add3A_1073, %get3A_1079 : vector<16xf32>
        %add3A_1081 = arith.constant 40 : i32
        %add3A_1082 = arith.addi %mul3A_98, %add3A_1081 : i32
        %get3A_1083 = arith.index_cast %add3A_1082 : i32 to index
        %get3A_1084 = arith.constant 32 : index
        %get3A_1085 = tpu.vector_load %arg7[%get3A_1083, %get3A_1084] {strides = array<i32>} : memref<800x64xf32, #tpu.memory_space<vmem>>, vector<1x16xf32>,
        %get3A_1086 = vector.shape_cast %get3A_1085 : vector<1x16xf32> to vector<16xf32>
        %add3A_1087 = arith.addf %add3A_1080, %get3A_1086 : vector<16xf32>
        %add3A_1088 = arith.constant 41 : i32
        %add3A_1089 = arith.addi %mul3A_98, %add3A_1088 : i32
        %get3A_1090 = arith.index_cast %add3A_1089 : i32 to index
        %get3A_1091 = arith.constant 32 : index
        %get3A_1092 = tpu.vector_load %arg7[%get3A_1090, %get3A_1091] {strides = array<i32>} : memref<800x64xf32, #tpu.memory_space<vmem>>, vector<1x16xf32>,
        %get3A_1093 = vector.shape_cast %get3A_1092 : vector<1x16xf32> to vector<16xf32>
        %add3A_1094 = arith.addf %add3A_1087, %get3A_1093 : vector<16xf32>
        %add3A_1095 = arith.constant 42 : i32
        %add3A_1096 = arith.addi %mul3A_98, %add3A_1095 : i32
        %get3A_1097 = arith.index_cast %add3A_1096 : i32 to index
        %get3A_1098 = arith.constant 32 : index
        %get3A_1099 = tpu.vector_load %arg7[%get3A_1097, %get3A_1098] {strides = array<i32>} : memref<800x64xf32, #tpu.memory_space<vmem>>, vector<1x16xf32>,
        %get3A_1100 = vector.shape_cast %get3A_1099 : vector<1x16xf32> to vector<16xf32>
        %add3A_1101 = arith.addf %add3A_1094, %get3A_1100 : vector<16xf32>
        %add3A_1102 = arith.constant 43 : i32
        %add3A_1103 = arith.addi %mul3A_98, %add3A_1102 : i32
        %get3A_1104 = arith.index_cast %add3A_1103 : i32 to index
        %get3A_1105 = arith.constant 32 : index
        %get3A_1106 = tpu.vector_load %arg7[%get3A_1104, %get3A_1105] {strides = array<i32>} : memref<800x64xf32, #tpu.memory_space<vmem>>, vector<1x16xf32>,
        %get3A_1107 = vector.shape_cast %get3A_1106 : vector<1x16xf32> to vector<16xf32>
        %add3A_1108 = arith.addf %add3A_1101, %get3A_1107 : vector<16xf32>
        %add3A_1109 = arith.constant 44 : i32
        %add3A_1110 = arith.addi %mul3A_98, %add3A_1109 : i32
        %get3A_1111 = arith.index_cast %add3A_1110 : i32 to index
        %get3A_1112 = arith.constant 32 : index
        %get3A_1113 = tpu.vector_load %arg7[%get3A_1111, %get3A_1112] {strides = array<i32>} : memref<800x64xf32, #tpu.memory_space<vmem>>, vector<1x16xf32>,
        %get3A_1114 = vector.shape_cast %get3A_1113 : vector<1x16xf32> to vector<16xf32>
        %add3A_1115 = arith.addf %add3A_1108, %get3A_1114 : vector<16xf32>
        %add3A_1116 = arith.constant 45 : i32
        %add3A_1117 = arith.addi %mul3A_98, %add3A_1116 : i32
        %get3A_1118 = arith.index_cast %add3A_1117 : i32 to index
        %get3A_1119 = arith.constant 32 : index
        %get3A_1120 = tpu.vector_load %arg7[%get3A_1118, %get3A_1119] {strides = array<i32>} : memref<800x64xf32, #tpu.memory_space<vmem>>, vector<1x16xf32>,
        %get3A_1121 = vector.shape_cast %get3A_1120 : vector<1x16xf32> to vector<16xf32>
        %add3A_1122 = arith.addf %add3A_1115, %get3A_1121 : vector<16xf32>
        %add3A_1123 = arith.constant 46 : i32
        %add3A_1124 = arith.addi %mul3A_98, %add3A_1123 : i32
        %get3A_1125 = arith.index_cast %add3A_1124 : i32 to index
        %get3A_1126 = arith.constant 32 : index
        %get3A_1127 = tpu.vector_load %arg7[%get3A_1125, %get3A_1126] {strides = array<i32>} : memref<800x64xf32, #tpu.memory_space<vmem>>, vector<1x16xf32>,
        %get3A_1128 = vector.shape_cast %get3A_1127 : vector<1x16xf32> to vector<16xf32>
        %add3A_1129 = arith.addf %add3A_1122, %get3A_1128 : vector<16xf32>
        %add3A_1130 = arith.constant 47 : i32
        %add3A_1131 = arith.addi %mul3A_98, %add3A_1130 : i32
        %get3A_1132 = arith.index_cast %add3A_1131 : i32 to index
        %get3A_1133 = arith.constant 32 : index
        %get3A_1134 = tpu.vector_load %arg7[%get3A_1132, %get3A_1133] {strides = array<i32>} : memref<800x64xf32, #tpu.memory_space<vmem>>, vector<1x16xf32>,
        %get3A_1135 = vector.shape_cast %get3A_1134 : vector<1x16xf32> to vector<16xf32>
        %add3A_1136 = arith.addf %add3A_1129, %get3A_1135 : vector<16xf32>
        %add3A_1137 = arith.constant 48 : i32
        %add3A_1138 = arith.addi %mul3A_98, %add3A_1137 : i32
        %get3A_1139 = arith.index_cast %add3A_1138 : i32 to index
        %get3A_1140 = arith.constant 32 : index
        %get3A_1141 = tpu.vector_load %arg7[%get3A_1139, %get3A_1140] {strides = array<i32>} : memref<800x64xf32, #tpu.memory_space<vmem>>, vector<1x16xf32>,
        %get3A_1142 = vector.shape_cast %get3A_1141 : vector<1x16xf32> to vector<16xf32>
        %add3A_1143 = arith.addf %add3A_1136, %get3A_1142 : vector<16xf32>
        %add3A_1144 = arith.constant 49 : i32
        %add3A_1145 = arith.addi %mul3A_98, %add3A_1144 : i32
        %get3A_1146 = arith.index_cast %add3A_1145 : i32 to index
        %get3A_1147 = arith.constant 32 : index
        %get3A_1148 = tpu.vector_load %arg7[%get3A_1146, %get3A_1147] {strides = array<i32>} : memref<800x64xf32, #tpu.memory_space<vmem>>, vector<1x16xf32>,
        %get3A_1149 = vector.shape_cast %get3A_1148 : vector<1x16xf32> to vector<16xf32>
        %add3A_1150 = arith.addf %add3A_1143, %get3A_1149 : vector<16xf32>
        %swap3A_1151 = arith.index_cast %add3A_101 : i32 to index
        %swap3A_1152 = arith.constant 32 : index
        %swap3A_1153 = tpu.vector_load %arg8[%swap3A_1151, %swap3A_1152] {strides = array<i32>} : memref<128x64xf32, #tpu.memory_space<vmem>>, vector<1x16xf32>,
        %swap3A_1154 = vector.shape_cast %swap3A_1153 : vector<1x16xf32> to vector<16xf32>
        %swap3A_1155 = vector.shape_cast %add3A_1150 : vector<16xf32> to vector<1x16xf32>
        tpu.vector_store %arg8[%swap3A_1151, %swap3A_1152], %swap3A_1155 {strides = array<i32>} : memref<128x64xf32, #tpu.memory_space<vmem>>, vector<1x16xf32>,
        %get3A_1156 = arith.index_cast %mul3A_98 : i32 to index
        %get3A_1157 = arith.constant 48 : index
        %get3A_1158 = tpu.vector_load %arg7[%get3A_1156, %get3A_1157] {strides = array<i32>} : memref<800x64xf32, #tpu.memory_space<vmem>>, vector<1x16xf32>,
        %get3A_1159 = vector.shape_cast %get3A_1158 : vector<1x16xf32> to vector<16xf32>
        %add3A_1160 = arith.constant 1 : i32
        %add3A_1161 = arith.addi %mul3A_98, %add3A_1160 : i32
        %get3A_1162 = arith.index_cast %add3A_1161 : i32 to index
        %get3A_1163 = arith.constant 48 : index
        %get3A_1164 = tpu.vector_load %arg7[%get3A_1162, %get3A_1163] {strides = array<i32>} : memref<800x64xf32, #tpu.memory_space<vmem>>, vector<1x16xf32>,
        %get3A_1165 = vector.shape_cast %get3A_1164 : vector<1x16xf32> to vector<16xf32>
        %add3A_1166 = arith.addf %get3A_1159, %get3A_1165 : vector<16xf32>
        %add3A_1167 = arith.constant 2 : i32
        %add3A_1168 = arith.addi %mul3A_98, %add3A_1167 : i32
        %get3A_1169 = arith.index_cast %add3A_1168 : i32 to index
        %get3A_1170 = arith.constant 48 : index
        %get3A_1171 = tpu.vector_load %arg7[%get3A_1169, %get3A_1170] {strides = array<i32>} : memref<800x64xf32, #tpu.memory_space<vmem>>, vector<1x16xf32>,
        %get3A_1172 = vector.shape_cast %get3A_1171 : vector<1x16xf32> to vector<16xf32>
        %add3A_1173 = arith.addf %add3A_1166, %get3A_1172 : vector<16xf32>
        %add3A_1174 = arith.constant 3 : i32
        %add3A_1175 = arith.addi %mul3A_98, %add3A_1174 : i32
        %get3A_1176 = arith.index_cast %add3A_1175 : i32 to index
        %get3A_1177 = arith.constant 48 : index
        %get3A_1178 = tpu.vector_load %arg7[%get3A_1176, %get3A_1177] {strides = array<i32>} : memref<800x64xf32, #tpu.memory_space<vmem>>, vector<1x16xf32>,
        %get3A_1179 = vector.shape_cast %get3A_1178 : vector<1x16xf32> to vector<16xf32>
        %add3A_1180 = arith.addf %add3A_1173, %get3A_1179 : vector<16xf32>
        %add3A_1181 = arith.constant 4 : i32
        %add3A_1182 = arith.addi %mul3A_98, %add3A_1181 : i32
        %get3A_1183 = arith.index_cast %add3A_1182 : i32 to index
        %get3A_1184 = arith.constant 48 : index
        %get3A_1185 = tpu.vector_load %arg7[%get3A_1183, %get3A_1184] {strides = array<i32>} : memref<800x64xf32, #tpu.memory_space<vmem>>, vector<1x16xf32>,
        %get3A_1186 = vector.shape_cast %get3A_1185 : vector<1x16xf32> to vector<16xf32>
        %add3A_1187 = arith.addf %add3A_1180, %get3A_1186 : vector<16xf32>
        %add3A_1188 = arith.constant 5 : i32
        %add3A_1189 = arith.addi %mul3A_98, %add3A_1188 : i32
        %get3A_1190 = arith.index_cast %add3A_1189 : i32 to index
        %get3A_1191 = arith.constant 48 : index
        %get3A_1192 = tpu.vector_load %arg7[%get3A_1190, %get3A_1191] {strides = array<i32>} : memref<800x64xf32, #tpu.memory_space<vmem>>, vector<1x16xf32>,
        %get3A_1193 = vector.shape_cast %get3A_1192 : vector<1x16xf32> to vector<16xf32>
        %add3A_1194 = arith.addf %add3A_1187, %get3A_1193 : vector<16xf32>
        %add3A_1195 = arith.constant 6 : i32
        %add3A_1196 = arith.addi %mul3A_98, %add3A_1195 : i32
        %get3A_1197 = arith.index_cast %add3A_1196 : i32 to index
        %get3A_1198 = arith.constant 48 : index
        %get3A_1199 = tpu.vector_load %arg7[%get3A_1197, %get3A_1198] {strides = array<i32>} : memref<800x64xf32, #tpu.memory_space<vmem>>, vector<1x16xf32>,
        %get3A_1200 = vector.shape_cast %get3A_1199 : vector<1x16xf32> to vector<16xf32>
        %add3A_1201 = arith.addf %add3A_1194, %get3A_1200 : vector<16xf32>
        %add3A_1202 = arith.constant 7 : i32
        %add3A_1203 = arith.addi %mul3A_98, %add3A_1202 : i32
        %get3A_1204 = arith.index_cast %add3A_1203 : i32 to index
        %get3A_1205 = arith.constant 48 : index
        %get3A_1206 = tpu.vector_load %arg7[%get3A_1204, %get3A_1205] {strides = array<i32>} : memref<800x64xf32, #tpu.memory_space<vmem>>, vector<1x16xf32>,
        %get3A_1207 = vector.shape_cast %get3A_1206 : vector<1x16xf32> to vector<16xf32>
        %add3A_1208 = arith.addf %add3A_1201, %get3A_1207 : vector<16xf32>
        %add3A_1209 = arith.constant 8 : i32
        %add3A_1210 = arith.addi %mul3A_98, %add3A_1209 : i32
        %get3A_1211 = arith.index_cast %add3A_1210 : i32 to index
        %get3A_1212 = arith.constant 48 : index
        %get3A_1213 = tpu.vector_load %arg7[%get3A_1211, %get3A_1212] {strides = array<i32>} : memref<800x64xf32, #tpu.memory_space<vmem>>, vector<1x16xf32>,
        %get3A_1214 = vector.shape_cast %get3A_1213 : vector<1x16xf32> to vector<16xf32>
        %add3A_1215 = arith.addf %add3A_1208, %get3A_1214 : vector<16xf32>
        %add3A_1216 = arith.constant 9 : i32
        %add3A_1217 = arith.addi %mul3A_98, %add3A_1216 : i32
        %get3A_1218 = arith.index_cast %add3A_1217 : i32 to index
        %get3A_1219 = arith.constant 48 : index
        %get3A_1220 = tpu.vector_load %arg7[%get3A_1218, %get3A_1219] {strides = array<i32>} : memref<800x64xf32, #tpu.memory_space<vmem>>, vector<1x16xf32>,
        %get3A_1221 = vector.shape_cast %get3A_1220 : vector<1x16xf32> to vector<16xf32>
        %add3A_1222 = arith.addf %add3A_1215, %get3A_1221 : vector<16xf32>
        %add3A_1223 = arith.constant 10 : i32
        %add3A_1224 = arith.addi %mul3A_98, %add3A_1223 : i32
        %get3A_1225 = arith.index_cast %add3A_1224 : i32 to index
        %get3A_1226 = arith.constant 48 : index
        %get3A_1227 = tpu.vector_load %arg7[%get3A_1225, %get3A_1226] {strides = array<i32>} : memref<800x64xf32, #tpu.memory_space<vmem>>, vector<1x16xf32>,
        %get3A_1228 = vector.shape_cast %get3A_1227 : vector<1x16xf32> to vector<16xf32>
        %add3A_1229 = arith.addf %add3A_1222, %get3A_1228 : vector<16xf32>
        %add3A_1230 = arith.constant 11 : i32
        %add3A_1231 = arith.addi %mul3A_98, %add3A_1230 : i32
        %get3A_1232 = arith.index_cast %add3A_1231 : i32 to index
        %get3A_1233 = arith.constant 48 : index
        %get3A_1234 = tpu.vector_load %arg7[%get3A_1232, %get3A_1233] {strides = array<i32>} : memref<800x64xf32, #tpu.memory_space<vmem>>, vector<1x16xf32>,
        %get3A_1235 = vector.shape_cast %get3A_1234 : vector<1x16xf32> to vector<16xf32>
        %add3A_1236 = arith.addf %add3A_1229, %get3A_1235 : vector<16xf32>
        %add3A_1237 = arith.constant 12 : i32
        %add3A_1238 = arith.addi %mul3A_98, %add3A_1237 : i32
        %get3A_1239 = arith.index_cast %add3A_1238 : i32 to index
        %get3A_1240 = arith.constant 48 : index
        %get3A_1241 = tpu.vector_load %arg7[%get3A_1239, %get3A_1240] {strides = array<i32>} : memref<800x64xf32, #tpu.memory_space<vmem>>, vector<1x16xf32>,
        %get3A_1242 = vector.shape_cast %get3A_1241 : vector<1x16xf32> to vector<16xf32>
        %add3A_1243 = arith.addf %add3A_1236, %get3A_1242 : vector<16xf32>
        %add3A_1244 = arith.constant 13 : i32
        %add3A_1245 = arith.addi %mul3A_98, %add3A_1244 : i32
        %get3A_1246 = arith.index_cast %add3A_1245 : i32 to index
        %get3A_1247 = arith.constant 48 : index
        %get3A_1248 = tpu.vector_load %arg7[%get3A_1246, %get3A_1247] {strides = array<i32>} : memref<800x64xf32, #tpu.memory_space<vmem>>, vector<1x16xf32>,
        %get3A_1249 = vector.shape_cast %get3A_1248 : vector<1x16xf32> to vector<16xf32>
        %add3A_1250 = arith.addf %add3A_1243, %get3A_1249 : vector<16xf32>
        %add3A_1251 = arith.constant 14 : i32
        %add3A_1252 = arith.addi %mul3A_98, %add3A_1251 : i32
        %get3A_1253 = arith.index_cast %add3A_1252 : i32 to index
        %get3A_1254 = arith.constant 48 : index
        %get3A_1255 = tpu.vector_load %arg7[%get3A_1253, %get3A_1254] {strides = array<i32>} : memref<800x64xf32, #tpu.memory_space<vmem>>, vector<1x16xf32>,
        %get3A_1256 = vector.shape_cast %get3A_1255 : vector<1x16xf32> to vector<16xf32>
        %add3A_1257 = arith.addf %add3A_1250, %get3A_1256 : vector<16xf32>
        %add3A_1258 = arith.constant 15 : i32
        %add3A_1259 = arith.addi %mul3A_98, %add3A_1258 : i32
        %get3A_1260 = arith.index_cast %add3A_1259 : i32 to index
        %get3A_1261 = arith.constant 48 : index
        %get3A_1262 = tpu.vector_load %arg7[%get3A_1260, %get3A_1261] {strides = array<i32>} : memref<800x64xf32, #tpu.memory_space<vmem>>, vector<1x16xf32>,
        %get3A_1263 = vector.shape_cast %get3A_1262 : vector<1x16xf32> to vector<16xf32>
        %add3A_1264 = arith.addf %add3A_1257, %get3A_1263 : vector<16xf32>
        %add3A_1265 = arith.constant 16 : i32
        %add3A_1266 = arith.addi %mul3A_98, %add3A_1265 : i32
        %get3A_1267 = arith.index_cast %add3A_1266 : i32 to index
        %get3A_1268 = arith.constant 48 : index
        %get3A_1269 = tpu.vector_load %arg7[%get3A_1267, %get3A_1268] {strides = array<i32>} : memref<800x64xf32, #tpu.memory_space<vmem>>, vector<1x16xf32>,
        %get3A_1270 = vector.shape_cast %get3A_1269 : vector<1x16xf32> to vector<16xf32>
        %add3A_1271 = arith.addf %add3A_1264, %get3A_1270 : vector<16xf32>
        %add3A_1272 = arith.constant 17 : i32
        %add3A_1273 = arith.addi %mul3A_98, %add3A_1272 : i32
        %get3A_1274 = arith.index_cast %add3A_1273 : i32 to index
        %get3A_1275 = arith.constant 48 : index
        %get3A_1276 = tpu.vector_load %arg7[%get3A_1274, %get3A_1275] {strides = array<i32>} : memref<800x64xf32, #tpu.memory_space<vmem>>, vector<1x16xf32>,
        %get3A_1277 = vector.shape_cast %get3A_1276 : vector<1x16xf32> to vector<16xf32>
        %add3A_1278 = arith.addf %add3A_1271, %get3A_1277 : vector<16xf32>
        %add3A_1279 = arith.constant 18 : i32
        %add3A_1280 = arith.addi %mul3A_98, %add3A_1279 : i32
        %get3A_1281 = arith.index_cast %add3A_1280 : i32 to index
        %get3A_1282 = arith.constant 48 : index
        %get3A_1283 = tpu.vector_load %arg7[%get3A_1281, %get3A_1282] {strides = array<i32>} : memref<800x64xf32, #tpu.memory_space<vmem>>, vector<1x16xf32>,
        %get3A_1284 = vector.shape_cast %get3A_1283 : vector<1x16xf32> to vector<16xf32>
        %add3A_1285 = arith.addf %add3A_1278, %get3A_1284 : vector<16xf32>
        %add3A_1286 = arith.constant 19 : i32
        %add3A_1287 = arith.addi %mul3A_98, %add3A_1286 : i32
        %get3A_1288 = arith.index_cast %add3A_1287 : i32 to index
        %get3A_1289 = arith.constant 48 : index
        %get3A_1290 = tpu.vector_load %arg7[%get3A_1288, %get3A_1289] {strides = array<i32>} : memref<800x64xf32, #tpu.memory_space<vmem>>, vector<1x16xf32>,
        %get3A_1291 = vector.shape_cast %get3A_1290 : vector<1x16xf32> to vector<16xf32>
        %add3A_1292 = arith.addf %add3A_1285, %get3A_1291 : vector<16xf32>
        %add3A_1293 = arith.constant 20 : i32
        %add3A_1294 = arith.addi %mul3A_98, %add3A_1293 : i32
        %get3A_1295 = arith.index_cast %add3A_1294 : i32 to index
        %get3A_1296 = arith.constant 48 : index
        %get3A_1297 = tpu.vector_load %arg7[%get3A_1295, %get3A_1296] {strides = array<i32>} : memref<800x64xf32, #tpu.memory_space<vmem>>, vector<1x16xf32>,
        %get3A_1298 = vector.shape_cast %get3A_1297 : vector<1x16xf32> to vector<16xf32>
        %add3A_1299 = arith.addf %add3A_1292, %get3A_1298 : vector<16xf32>
        %add3A_1300 = arith.constant 21 : i32
        %add3A_1301 = arith.addi %mul3A_98, %add3A_1300 : i32
        %get3A_1302 = arith.index_cast %add3A_1301 : i32 to index
        %get3A_1303 = arith.constant 48 : index
        %get3A_1304 = tpu.vector_load %arg7[%get3A_1302, %get3A_1303] {strides = array<i32>} : memref<800x64xf32, #tpu.memory_space<vmem>>, vector<1x16xf32>,
        %get3A_1305 = vector.shape_cast %get3A_1304 : vector<1x16xf32> to vector<16xf32>
        %add3A_1306 = arith.addf %add3A_1299, %get3A_1305 : vector<16xf32>
        %add3A_1307 = arith.constant 22 : i32
        %add3A_1308 = arith.addi %mul3A_98, %add3A_1307 : i32
        %get3A_1309 = arith.index_cast %add3A_1308 : i32 to index
        %get3A_1310 = arith.constant 48 : index
        %get3A_1311 = tpu.vector_load %arg7[%get3A_1309, %get3A_1310] {strides = array<i32>} : memref<800x64xf32, #tpu.memory_space<vmem>>, vector<1x16xf32>,
        %get3A_1312 = vector.shape_cast %get3A_1311 : vector<1x16xf32> to vector<16xf32>
        %add3A_1313 = arith.addf %add3A_1306, %get3A_1312 : vector<16xf32>
        %add3A_1314 = arith.constant 23 : i32
        %add3A_1315 = arith.addi %mul3A_98, %add3A_1314 : i32
        %get3A_1316 = arith.index_cast %add3A_1315 : i32 to index
        %get3A_1317 = arith.constant 48 : index
        %get3A_1318 = tpu.vector_load %arg7[%get3A_1316, %get3A_1317] {strides = array<i32>} : memref<800x64xf32, #tpu.memory_space<vmem>>, vector<1x16xf32>,
        %get3A_1319 = vector.shape_cast %get3A_1318 : vector<1x16xf32> to vector<16xf32>
        %add3A_1320 = arith.addf %add3A_1313, %get3A_1319 : vector<16xf32>
        %add3A_1321 = arith.constant 24 : i32
        %add3A_1322 = arith.addi %mul3A_98, %add3A_1321 : i32
        %get3A_1323 = arith.index_cast %add3A_1322 : i32 to index
        %get3A_1324 = arith.constant 48 : index
        %get3A_1325 = tpu.vector_load %arg7[%get3A_1323, %get3A_1324] {strides = array<i32>} : memref<800x64xf32, #tpu.memory_space<vmem>>, vector<1x16xf32>,
        %get3A_1326 = vector.shape_cast %get3A_1325 : vector<1x16xf32> to vector<16xf32>
        %add3A_1327 = arith.addf %add3A_1320, %get3A_1326 : vector<16xf32>
        %add3A_1328 = arith.constant 25 : i32
        %add3A_1329 = arith.addi %mul3A_98, %add3A_1328 : i32
        %get3A_1330 = arith.index_cast %add3A_1329 : i32 to index
        %get3A_1331 = arith.constant 48 : index
        %get3A_1332 = tpu.vector_load %arg7[%get3A_1330, %get3A_1331] {strides = array<i32>} : memref<800x64xf32, #tpu.memory_space<vmem>>, vector<1x16xf32>,
        %get3A_1333 = vector.shape_cast %get3A_1332 : vector<1x16xf32> to vector<16xf32>
        %add3A_1334 = arith.addf %add3A_1327, %get3A_1333 : vector<16xf32>
        %add3A_1335 = arith.constant 26 : i32
        %add3A_1336 = arith.addi %mul3A_98, %add3A_1335 : i32
        %get3A_1337 = arith.index_cast %add3A_1336 : i32 to index
        %get3A_1338 = arith.constant 48 : index
        %get3A_1339 = tpu.vector_load %arg7[%get3A_1337, %get3A_1338] {strides = array<i32>} : memref<800x64xf32, #tpu.memory_space<vmem>>, vector<1x16xf32>,
        %get3A_1340 = vector.shape_cast %get3A_1339 : vector<1x16xf32> to vector<16xf32>
        %add3A_1341 = arith.addf %add3A_1334, %get3A_1340 : vector<16xf32>
        %add3A_1342 = arith.constant 27 : i32
        %add3A_1343 = arith.addi %mul3A_98, %add3A_1342 : i32
        %get3A_1344 = arith.index_cast %add3A_1343 : i32 to index
        %get3A_1345 = arith.constant 48 : index
        %get3A_1346 = tpu.vector_load %arg7[%get3A_1344, %get3A_1345] {strides = array<i32>} : memref<800x64xf32, #tpu.memory_space<vmem>>, vector<1x16xf32>,
        %get3A_1347 = vector.shape_cast %get3A_1346 : vector<1x16xf32> to vector<16xf32>
        %add3A_1348 = arith.addf %add3A_1341, %get3A_1347 : vector<16xf32>
        %add3A_1349 = arith.constant 28 : i32
        %add3A_1350 = arith.addi %mul3A_98, %add3A_1349 : i32
        %get3A_1351 = arith.index_cast %add3A_1350 : i32 to index
        %get3A_1352 = arith.constant 48 : index
        %get3A_1353 = tpu.vector_load %arg7[%get3A_1351, %get3A_1352] {strides = array<i32>} : memref<800x64xf32, #tpu.memory_space<vmem>>, vector<1x16xf32>,
        %get3A_1354 = vector.shape_cast %get3A_1353 : vector<1x16xf32> to vector<16xf32>
        %add3A_1355 = arith.addf %add3A_1348, %get3A_1354 : vector<16xf32>
        %add3A_1356 = arith.constant 29 : i32
        %add3A_1357 = arith.addi %mul3A_98, %add3A_1356 : i32
        %get3A_1358 = arith.index_cast %add3A_1357 : i32 to index
        %get3A_1359 = arith.constant 48 : index
        %get3A_1360 = tpu.vector_load %arg7[%get3A_1358, %get3A_1359] {strides = array<i32>} : memref<800x64xf32, #tpu.memory_space<vmem>>, vector<1x16xf32>,
        %get3A_1361 = vector.shape_cast %get3A_1360 : vector<1x16xf32> to vector<16xf32>
        %add3A_1362 = arith.addf %add3A_1355, %get3A_1361 : vector<16xf32>
        %add3A_1363 = arith.constant 30 : i32
        %add3A_1364 = arith.addi %mul3A_98, %add3A_1363 : i32
        %get3A_1365 = arith.index_cast %add3A_1364 : i32 to index
        %get3A_1366 = arith.constant 48 : index
        %get3A_1367 = tpu.vector_load %arg7[%get3A_1365, %get3A_1366] {strides = array<i32>} : memref<800x64xf32, #tpu.memory_space<vmem>>, vector<1x16xf32>,
        %get3A_1368 = vector.shape_cast %get3A_1367 : vector<1x16xf32> to vector<16xf32>
        %add3A_1369 = arith.addf %add3A_1362, %get3A_1368 : vector<16xf32>
        %add3A_1370 = arith.constant 31 : i32
        %add3A_1371 = arith.addi %mul3A_98, %add3A_1370 : i32
        %get3A_1372 = arith.index_cast %add3A_1371 : i32 to index
        %get3A_1373 = arith.constant 48 : index
        %get3A_1374 = tpu.vector_load %arg7[%get3A_1372, %get3A_1373] {strides = array<i32>} : memref<800x64xf32, #tpu.memory_space<vmem>>, vector<1x16xf32>,
        %get3A_1375 = vector.shape_cast %get3A_1374 : vector<1x16xf32> to vector<16xf32>
        %add3A_1376 = arith.addf %add3A_1369, %get3A_1375 : vector<16xf32>
        %add3A_1377 = arith.constant 32 : i32
        %add3A_1378 = arith.addi %mul3A_98, %add3A_1377 : i32
        %get3A_1379 = arith.index_cast %add3A_1378 : i32 to index
        %get3A_1380 = arith.constant 48 : index
        %get3A_1381 = tpu.vector_load %arg7[%get3A_1379, %get3A_1380] {strides = array<i32>} : memref<800x64xf32, #tpu.memory_space<vmem>>, vector<1x16xf32>,
        %get3A_1382 = vector.shape_cast %get3A_1381 : vector<1x16xf32> to vector<16xf32>
        %add3A_1383 = arith.addf %add3A_1376, %get3A_1382 : vector<16xf32>
        %add3A_1384 = arith.constant 33 : i32
        %add3A_1385 = arith.addi %mul3A_98, %add3A_1384 : i32
        %get3A_1386 = arith.index_cast %add3A_1385 : i32 to index
        %get3A_1387 = arith.constant 48 : index
        %get3A_1388 = tpu.vector_load %arg7[%get3A_1386, %get3A_1387] {strides = array<i32>} : memref<800x64xf32, #tpu.memory_space<vmem>>, vector<1x16xf32>,
        %get3A_1389 = vector.shape_cast %get3A_1388 : vector<1x16xf32> to vector<16xf32>
        %add3A_1390 = arith.addf %add3A_1383, %get3A_1389 : vector<16xf32>
        %add3A_1391 = arith.constant 34 : i32
        %add3A_1392 = arith.addi %mul3A_98, %add3A_1391 : i32
        %get3A_1393 = arith.index_cast %add3A_1392 : i32 to index
        %get3A_1394 = arith.constant 48 : index
        %get3A_1395 = tpu.vector_load %arg7[%get3A_1393, %get3A_1394] {strides = array<i32>} : memref<800x64xf32, #tpu.memory_space<vmem>>, vector<1x16xf32>,
        %get3A_1396 = vector.shape_cast %get3A_1395 : vector<1x16xf32> to vector<16xf32>
        %add3A_1397 = arith.addf %add3A_1390, %get3A_1396 : vector<16xf32>
        %add3A_1398 = arith.constant 35 : i32
        %add3A_1399 = arith.addi %mul3A_98, %add3A_1398 : i32
        %get3A_1400 = arith.index_cast %add3A_1399 : i32 to index
        %get3A_1401 = arith.constant 48 : index
        %get3A_1402 = tpu.vector_load %arg7[%get3A_1400, %get3A_1401] {strides = array<i32>} : memref<800x64xf32, #tpu.memory_space<vmem>>, vector<1x16xf32>,
        %get3A_1403 = vector.shape_cast %get3A_1402 : vector<1x16xf32> to vector<16xf32>
        %add3A_1404 = arith.addf %add3A_1397, %get3A_1403 : vector<16xf32>
        %add3A_1405 = arith.constant 36 : i32
        %add3A_1406 = arith.addi %mul3A_98, %add3A_1405 : i32
        %get3A_1407 = arith.index_cast %add3A_1406 : i32 to index
        %get3A_1408 = arith.constant 48 : index
        %get3A_1409 = tpu.vector_load %arg7[%get3A_1407, %get3A_1408] {strides = array<i32>} : memref<800x64xf32, #tpu.memory_space<vmem>>, vector<1x16xf32>,
        %get3A_1410 = vector.shape_cast %get3A_1409 : vector<1x16xf32> to vector<16xf32>
        %add3A_1411 = arith.addf %add3A_1404, %get3A_1410 : vector<16xf32>
        %add3A_1412 = arith.constant 37 : i32
        %add3A_1413 = arith.addi %mul3A_98, %add3A_1412 : i32
        %get3A_1414 = arith.index_cast %add3A_1413 : i32 to index
        %get3A_1415 = arith.constant 48 : index
        %get3A_1416 = tpu.vector_load %arg7[%get3A_1414, %get3A_1415] {strides = array<i32>} : memref<800x64xf32, #tpu.memory_space<vmem>>, vector<1x16xf32>,
        %get3A_1417 = vector.shape_cast %get3A_1416 : vector<1x16xf32> to vector<16xf32>
        %add3A_1418 = arith.addf %add3A_1411, %get3A_1417 : vector<16xf32>
        %add3A_1419 = arith.constant 38 : i32
        %add3A_1420 = arith.addi %mul3A_98, %add3A_1419 : i32
        %get3A_1421 = arith.index_cast %add3A_1420 : i32 to index
        %get3A_1422 = arith.constant 48 : index
        %get3A_1423 = tpu.vector_load %arg7[%get3A_1421, %get3A_1422] {strides = array<i32>} : memref<800x64xf32, #tpu.memory_space<vmem>>, vector<1x16xf32>,
        %get3A_1424 = vector.shape_cast %get3A_1423 : vector<1x16xf32> to vector<16xf32>
        %add3A_1425 = arith.addf %add3A_1418, %get3A_1424 : vector<16xf32>
        %add3A_1426 = arith.constant 39 : i32
        %add3A_1427 = arith.addi %mul3A_98, %add3A_1426 : i32
        %get3A_1428 = arith.index_cast %add3A_1427 : i32 to index
        %get3A_1429 = arith.constant 48 : index
        %get3A_1430 = tpu.vector_load %arg7[%get3A_1428, %get3A_1429] {strides = array<i32>} : memref<800x64xf32, #tpu.memory_space<vmem>>, vector<1x16xf32>,
        %get3A_1431 = vector.shape_cast %get3A_1430 : vector<1x16xf32> to vector<16xf32>
        %add3A_1432 = arith.addf %add3A_1425, %get3A_1431 : vector<16xf32>
        %add3A_1433 = arith.constant 40 : i32
        %add3A_1434 = arith.addi %mul3A_98, %add3A_1433 : i32
        %get3A_1435 = arith.index_cast %add3A_1434 : i32 to index
        %get3A_1436 = arith.constant 48 : index
        %get3A_1437 = tpu.vector_load %arg7[%get3A_1435, %get3A_1436] {strides = array<i32>} : memref<800x64xf32, #tpu.memory_space<vmem>>, vector<1x16xf32>,
        %get3A_1438 = vector.shape_cast %get3A_1437 : vector<1x16xf32> to vector<16xf32>
        %add3A_1439 = arith.addf %add3A_1432, %get3A_1438 : vector<16xf32>
        %add3A_1440 = arith.constant 41 : i32
        %add3A_1441 = arith.addi %mul3A_98, %add3A_1440 : i32
        %get3A_1442 = arith.index_cast %add3A_1441 : i32 to index
        %get3A_1443 = arith.constant 48 : index
        %get3A_1444 = tpu.vector_load %arg7[%get3A_1442, %get3A_1443] {strides = array<i32>} : memref<800x64xf32, #tpu.memory_space<vmem>>, vector<1x16xf32>,
        %get3A_1445 = vector.shape_cast %get3A_1444 : vector<1x16xf32> to vector<16xf32>
        %add3A_1446 = arith.addf %add3A_1439, %get3A_1445 : vector<16xf32>
        %add3A_1447 = arith.constant 42 : i32
        %add3A_1448 = arith.addi %mul3A_98, %add3A_1447 : i32
        %get3A_1449 = arith.index_cast %add3A_1448 : i32 to index
        %get3A_1450 = arith.constant 48 : index
        %get3A_1451 = tpu.vector_load %arg7[%get3A_1449, %get3A_1450] {strides = array<i32>} : memref<800x64xf32, #tpu.memory_space<vmem>>, vector<1x16xf32>,
        %get3A_1452 = vector.shape_cast %get3A_1451 : vector<1x16xf32> to vector<16xf32>
        %add3A_1453 = arith.addf %add3A_1446, %get3A_1452 : vector<16xf32>
        %add3A_1454 = arith.constant 43 : i32
        %add3A_1455 = arith.addi %mul3A_98, %add3A_1454 : i32
        %get3A_1456 = arith.index_cast %add3A_1455 : i32 to index
        %get3A_1457 = arith.constant 48 : index
        %get3A_1458 = tpu.vector_load %arg7[%get3A_1456, %get3A_1457] {strides = array<i32>} : memref<800x64xf32, #tpu.memory_space<vmem>>, vector<1x16xf32>,
        %get3A_1459 = vector.shape_cast %get3A_1458 : vector<1x16xf32> to vector<16xf32>
        %add3A_1460 = arith.addf %add3A_1453, %get3A_1459 : vector<16xf32>
        %add3A_1461 = arith.constant 44 : i32
        %add3A_1462 = arith.addi %mul3A_98, %add3A_1461 : i32
        %get3A_1463 = arith.index_cast %add3A_1462 : i32 to index
        %get3A_1464 = arith.constant 48 : index
        %get3A_1465 = tpu.vector_load %arg7[%get3A_1463, %get3A_1464] {strides = array<i32>} : memref<800x64xf32, #tpu.memory_space<vmem>>, vector<1x16xf32>,
        %get3A_1466 = vector.shape_cast %get3A_1465 : vector<1x16xf32> to vector<16xf32>
        %add3A_1467 = arith.addf %add3A_1460, %get3A_1466 : vector<16xf32>
        %add3A_1468 = arith.constant 45 : i32
        %add3A_1469 = arith.addi %mul3A_98, %add3A_1468 : i32
        %get3A_1470 = arith.index_cast %add3A_1469 : i32 to index
        %get3A_1471 = arith.constant 48 : index
        %get3A_1472 = tpu.vector_load %arg7[%get3A_1470, %get3A_1471] {strides = array<i32>} : memref<800x64xf32, #tpu.memory_space<vmem>>, vector<1x16xf32>,
        %get3A_1473 = vector.shape_cast %get3A_1472 : vector<1x16xf32> to vector<16xf32>
        %add3A_1474 = arith.addf %add3A_1467, %get3A_1473 : vector<16xf32>
        %add3A_1475 = arith.constant 46 : i32
        %add3A_1476 = arith.addi %mul3A_98, %add3A_1475 : i32
        %get3A_1477 = arith.index_cast %add3A_1476 : i32 to index
        %get3A_1478 = arith.constant 48 : index
        %get3A_1479 = tpu.vector_load %arg7[%get3A_1477, %get3A_1478] {strides = array<i32>} : memref<800x64xf32, #tpu.memory_space<vmem>>, vector<1x16xf32>,
        %get3A_1480 = vector.shape_cast %get3A_1479 : vector<1x16xf32> to vector<16xf32>
        %add3A_1481 = arith.addf %add3A_1474, %get3A_1480 : vector<16xf32>
        %add3A_1482 = arith.constant 47 : i32
        %add3A_1483 = arith.addi %mul3A_98, %add3A_1482 : i32
        %get3A_1484 = arith.index_cast %add3A_1483 : i32 to index
        %get3A_1485 = arith.constant 48 : index
        %get3A_1486 = tpu.vector_load %arg7[%get3A_1484, %get3A_1485] {strides = array<i32>} : memref<800x64xf32, #tpu.memory_space<vmem>>, vector<1x16xf32>,
        %get3A_1487 = vector.shape_cast %get3A_1486 : vector<1x16xf32> to vector<16xf32>
        %add3A_1488 = arith.addf %add3A_1481, %get3A_1487 : vector<16xf32>
        %add3A_1489 = arith.constant 48 : i32
        %add3A_1490 = arith.addi %mul3A_98, %add3A_1489 : i32
        %get3A_1491 = arith.index_cast %add3A_1490 : i32 to index
        %get3A_1492 = arith.constant 48 : index
        %get3A_1493 = tpu.vector_load %arg7[%get3A_1491, %get3A_1492] {strides = array<i32>} : memref<800x64xf32, #tpu.memory_space<vmem>>, vector<1x16xf32>,
        %get3A_1494 = vector.shape_cast %get3A_1493 : vector<1x16xf32> to vector<16xf32>
        %add3A_1495 = arith.addf %add3A_1488, %get3A_1494 : vector<16xf32>
        %add3A_1496 = arith.constant 49 : i32
        %add3A_1497 = arith.addi %mul3A_98, %add3A_1496 : i32
        %get3A_1498 = arith.index_cast %add3A_1497 : i32 to index
        %get3A_1499 = arith.constant 48 : index
        %get3A_1500 = tpu.vector_load %arg7[%get3A_1498, %get3A_1499] {strides = array<i32>} : memref<800x64xf32, #tpu.memory_space<vmem>>, vector<1x16xf32>,
        %get3A_1501 = vector.shape_cast %get3A_1500 : vector<1x16xf32> to vector<16xf32>
        %add3A_1502 = arith.addf %add3A_1495, %get3A_1501 : vector<16xf32>
        %swap3A_1503 = arith.index_cast %add3A_101 : i32 to index
        %swap3A_1504 = arith.constant 48 : index
        %swap3A_1505 = tpu.vector_load %arg8[%swap3A_1503, %swap3A_1504] {strides = array<i32>} : memref<128x64xf32, #tpu.memory_space<vmem>>, vector<1x16xf32>,
        %swap3A_1506 = vector.shape_cast %swap3A_1505 : vector<1x16xf32> to vector<16xf32>
        %swap3A_1507 = vector.shape_cast %add3A_1502 : vector<16xf32> to vector<1x16xf32>
        tpu.vector_store %arg8[%swap3A_1503, %swap3A_1504], %swap3A_1507 {strides = array<i32>} : memref<128x64xf32, #tpu.memory_space<vmem>>, vector<1x16xf32>,
        %scan3A_1508 = arith.constant 0 : i32
        scf.yield %scan3A_1508 : i32
      }
      %scan3A_93 = arith.constant 16 : i32
      %scan3A_94 = arith.constant 0 : i32
      scf.yield %scan3A_94 : i32
    }
    %scan3A_14 = arith.constant 4 : i32
    %dma_wait3A = arith.constant 0 : i32
    %dma_wait3A_15 = tpu.memref_slice %arg5[%dma_wait3A] : memref<6400xi32, #tpu.memory_space<vmem>> -> memref<800xi32, #tpu.memory_space<vmem>>
    %dma_wait3A_16 = arith.constant 0 : i32
    %dma_wait3A_17 = arith.constant 0 : i32
    %dma_wait3A_18 = tpu.memref_slice %arg3[%dma_wait3A_16, %dma_wait3A_17] : memref<100000x64xf32, #tpu.memory_space<hbm>> -> memref<100000x64xf32, #tpu.memory_space<hbm>>
    tpu.wait_indirect_dma semaphore(%arg9 : memref<!tpu.dma_semaphore, #tpu.memory_space<semaphore_mem>>) src(%dma_wait3A_18 : memref<100000x64xf32, #tpu.memory_space<hbm>>) dst(%arg6 : memref<800x64xf32, #tpu.memory_space<vmem>>)
    "tpu.region"() ({
      %run_scoped3A = tpu.sem_alloc : memref<!tpu.dma_semaphore, #tpu.memory_space<semaphore_mem>>
      %dma_start3A_19 = arith.constant 0 : i32
      %dma_start3A_20 = tpu.memref_slice %arg4[%mul3A_2, %dma_start3A_19] : memref<4096x64xf32, #tpu.memory_space<hbm>> -> memref<128x64xf32, #tpu.memory_space<hbm>>
      %dma_start3A_21 = arith.constant 0 : i32
      %dma_start3A_22 = tpu.memref_slice %arg4[%mul3A_2, %dma_start3A_21] : memref<4096x64xf32, #tpu.memory_space<hbm>> -> memref<128x64xf32, #tpu.memory_space<hbm>>
      tpu.enqueue_dma source(%arg8 : memref<128x64xf32, #tpu.memory_space<vmem>>) target(%dma_start3A_22 : memref<128x64xf32, #tpu.memory_space<hbm>>) target_semaphore(%run_scoped3A : memref<!tpu.dma_semaphore, #tpu.memory_space<semaphore_mem>>)
      %dma_wait3A_23 = arith.constant 0 : i32
      %dma_wait3A_24 = tpu.memref_slice %arg4[%mul3A_2, %dma_wait3A_23] : memref<4096x64xf32, #tpu.memory_space<hbm>> -> memref<128x64xf32, #tpu.memory_space<hbm>>
      %dma_wait3A_25 = arith.constant 0 : i32
      %dma_wait3A_26 = tpu.memref_slice %arg4[%mul3A_2, %dma_wait3A_25] : memref<4096x64xf32, #tpu.memory_space<hbm>> -> memref<128x64xf32, #tpu.memory_space<hbm>>
      tpu.wait_dma2 semaphore(%run_scoped3A : memref<!tpu.dma_semaphore, #tpu.memory_space<semaphore_mem>>) src(%arg8 : memref<128x64xf32, #tpu.memory_space<vmem>>) dst(%dma_wait3A_26 : memref<128x64xf32, #tpu.memory_space<hbm>>)
      tpu.yield
    }) : () -> ()
    return
  }
}

</mosaic_0001>

<sc_bundles>
// kernel: kernel.4.cloned.1.call-start
scs
__scs_entry_jumppad:
0x0: {  	(pc) =	sbr.rel $0x88, $3  }
0x1: {  	(tag) =	ssettag $0x0;
	lr =	simm.s32 $0x1  }
0x2: {  	[smem:$0x3F9E] =	sst lr;
	_ =	strace $0xD0000000  }
0x3: {  	_ = 	snop  }
0x4: {  	_ = 	snop  }
0x5: {  	_ = 	snop  }
0x6: {  	_ = 	snop  }
0x7: {  	_ = 	snop  }
__scs_overlays_trampoline_lowered:
0x8: {  	[smem:$0x3FAD] =	sst s0  }
0x9: {  	[smem:$0x3FAE] =	sst s1  }
0xa: {  	[smem:$0x3FAF] =	sst s2  }
0xb: {  	[smem:$0x3FB0] =	sst s3  }
0xc: {  	[smem:$0x3FB1] =	sst s4  }
0xd: {  	[smem:$0x3FB2] =	sst s5  }
0xe: {  	[smem:$0x3FB3] =	sst s6  }
0xf: {  	[smem:$0x3FB4] =	sst s7  }
0x10: {  	[smem:$0x3FB5] =	sst s8  }
0x11: {  	[smem:$0x3FB6] =	sst s9;
	s0 =	simm.s32 @!p0 $0x0  }
0x12: {  	s1 =	sld [smem:$0x3F9C];
	s0 =	simm.s32 @p0 $0x1  }
0x13: {  	[smem:$0x3FB7] =	sst s0;
	s0 =	simm.s32 @!p1 $0x0  }
0x14: {  	s2 =	sld [smem:$0x3F9B];
	s0 =	simm.s32 @p1 $0x1  }
0x15: {  	[smem:$0x3FB8] =	sst s0;
	s0 =	simm.s32 @!p2 $0x0  }
0x16: {  	s3 =	sld [smem:$0x3FDB];
	s0 =	simm.s32 @p2 $0x1  }
0x17: {  	s4 =	simm.s32 $0x1BF5;
	[smem:$0x3FBA] =	sst s0  }
0x18: {  	s0 =	sld [smem:$0x3F9D];
	_ =	swait.ge [sflag:s4], $0x0  }
0x19: {  	s7 =	sld [smem:$0x3F9E]  }
0x1a: {  	s8 =	sadd.s32 $0xFFFFE003, lr  }
0x1b: {  	s9 =	sadd.s32 $0xFFFFFEF7, lr;
	s5 =	simm.s32 $0xFFFFFFFF;
	p2 =	slt.u32 s8, $0xFFFFF086  }
0x1c: {  	p1 =	slt.u32 s9, $0xF7A;
	s5 =	simm.s32 @!p2 $0x0  }
0x1d: {  	s5 =	simm.s32 @p1 $0x1;
	p0 =	seq.s32 s7, s2  }
0x1e: {  	s7 =	smul.u32 @!p0 $0xF7A, s2;
	p2 =	seq.s32 @!p0 s5, $0x0  }
0x1f: {  	s9 =	smul.u32 $0xF7A, s1;
	s8 =	simm.s32 @!p0 $0x1BF5;
	p2 =	por !p2, p0  }
0x20: {  	[sflag:s8] =	ssyncset.s32 @!p0 $0xFFFFF086;
	s6 =	sadd.s32 @!p0 s3, s7;
	s7 =	simm.s32 @!p0 $0x108  }
0x21: {  	s3 =	sadd.s32 s3, s9;
	s6 =	sadd.s32 @!p0 $0x88, s6;
	s7 =	simm.s32 @p2 $0x1082  }
0x22: {  	[simem:s7], [sflag:s8] =	dma.local @!p0 [hbm:s6], $0xF7A  }
0x23: {  	s9 =	sor.u32 $0xD0000000, s2;
	s6 =	simm.s32 $0x108;
	_ =	swait.ge @!p0 [sflag:s8], $0x0  }
0x24: {  	s3 =	sadd.s32 $0x88, s3;
	s6 =	simm.s32 @!p1 $0x1082;
	[sflag:s4] =	ssyncset.s32 $0xFFFFF086  }
0x25: {  	[simem:s6], [sflag:s4] =	dma.local [hbm:s3], $0xF7A  }
0x26: {  	[smem:$0x3F9E] =	sst s1;
	(tag) =	ssettag s2;
	_ =	strace s9  }
0x27: {  	s1 =	sld [smem:$0x3FAE]  }
0x28: {  	s2 =	sld [smem:$0x3FAF]  }
0x29: {  	s4 =	sld [smem:$0x3FB1]  }
0x2a: {  	p0 =	seq.s32 s5, $0x0;
	s5 =	sld [smem:$0x3FB2]  }
0x2b: {  	s6 =	sld [smem:$0x3FB3]  }
0x2c: {  	s7 =	sld [smem:$0x3FB4]  }
0x2d: {  	s3 =	simm.s32 $0x108;
	s8 =	sld [smem:$0x3FB5]  }
0x2e: {  	s3 =	simm.s32 @!p0 $0x1082;
	s9 =	sld [smem:$0x3FB6]  }
0x2f: {  	lr =	sadd.s32 s0, s3;
	s0 =	sld [smem:$0x3FAD]  }
0x30: {  	s3 =	sld [smem:$0x3FB0]  }
0x31: {  	[smem:$0x3FB9] =	sst s10  }
0x32: {  	s10 =	sld [smem:$0x3FB7];
	_ =	sdelay $0x3  }
0x33: {  	p0 =	seq.s32 s10, $0x1;
	s10 =	sld [smem:$0x3FB9];
	_ =	sdelay $0x3  }
0x34: {  	[smem:$0x3FB9] =	sst s10  }
0x35: {  	s10 =	sld [smem:$0x3FB8];
	_ =	sdelay $0x3  }
0x36: {  	p1 =	seq.s32 s10, $0x1;
	s10 =	sld [smem:$0x3FB9];
	_ =	sdelay $0x3  }
0x37: {  	[smem:$0x3FB9] =	sst s10  }
0x38: {  	s10 =	sld [smem:$0x3FBA]  }
0x39: {  	_ = 	snop;
	(pc) =	sbr.ind lr, $3  }
0x3a: {  	_ = 	snop  }
0x3b: {  	_ = 	snop  }
0x3c: {  	p2 =	seq.s32 s10, $0x1;
	s10 =	sld [smem:$0x3FB9]  }
0x3d: {  	_ =	shalt  }
0x3e: {  	_ =	shalt  }
0x3f: {  	_ =	shalt  }
0x40: {  	_ =	shalt  }
0x41: {  	_ =	shalt  }
0x42: {  	_ =	shalt  }
0x43: {  	_ =	shalt  }
0x44: {  	_ =	shalt  }
0x45: {  	_ =	shalt  }
0x46: {  	_ =	shalt  }
0x47: {  	_ =	shalt  }
0x48: {  	_ =	shalt  }
0x49: {  	_ =	shalt  }
0x4a: {  	_ =	shalt  }
0x4b: {  	_ =	shalt  }
0x4c: {  	_ =	shalt  }
0x4d: {  	_ =	shalt  }
0x4e: {  	_ =	shalt  }
0x4f: {  	_ =	shalt  }
0x50: {  	_ =	shalt  }
0x51: {  	_ =	shalt  }
0x52: {  	_ =	shalt  }
0x53: {  	_ =	shalt  }
0x54: {  	_ =	shalt  }
0x55: {  	_ =	shalt  }
0x56: {  	_ =	shalt  }
0x57: {  	_ =	shalt  }
0x58: {  	_ =	shalt  }
0x59: {  	_ =	shalt  }
0x5a: {  	_ =	shalt  }
0x5b: {  	_ =	shalt  }
0x5c: {  	_ =	shalt  }
0x5d: {  	_ =	shalt  }
0x5e: {  	_ =	shalt  }
0x5f: {  	_ =	shalt  }
0x60: {  	_ =	shalt  }
0x61: {  	_ =	shalt  }
0x62: {  	_ =	shalt  }
0x63: {  	_ =	shalt  }
0x64: {  	_ =	shalt  }
0x65: {  	_ =	shalt  }
0x66: {  	_ =	shalt  }
0x67: {  	_ =	shalt  }
0x68: {  	_ =	shalt  }
0x69: {  	_ =	shalt  }
0x6a: {  	_ =	shalt  }
0x6b: {  	_ =	shalt  }
0x6c: {  	_ =	shalt  }
0x6d: {  	_ =	shalt  }
0x6e: {  	_ =	shalt  }
0x6f: {  	_ =	shalt  }
0x70: {  	_ =	shalt  }
0x71: {  	_ =	shalt  }
0x72: {  	_ =	shalt  }
0x73: {  	_ =	shalt  }
0x74: {  	_ =	shalt  }
0x75: {  	_ =	shalt  }
0x76: {  	_ =	shalt  }
0x77: {  	_ =	shalt  }
0x78: {  	_ =	shalt  }
0x79: {  	_ =	shalt  }
0x7a: {  	_ =	shalt  }
0x7b: {  	_ =	shalt  }
0x7c: {  	_ =	shalt  }
0x7d: {  	_ =	shalt  }
0x7e: {  	_ =	shalt  }
0x7f: {  	_ =	shalt  }
0x80: {  	_ =	shalt  }
0x81: {  	_ =	shalt  }
0x82: {  	_ =	shalt  }
0x83: {  	_ =	shalt  }
0x84: {  	_ =	shalt  }
0x85: {  	_ =	shalt  }
0x86: {  	_ =	shalt  }
0x87: {  	_ =	shalt  }
.Lfunc_end0:
.L_simem_size_0:
called_computation_lowered:
.L_overlay_start_0:
0x88: {  	s2 =	sld [smem:$0x3FD9]  }
0x89: {  	s3 =	sld [smem:$0x3FFE];
	_ =	sdelay $0x1  }
0x8a: {  	s1 =	srdreg.scid  }
0x8b: {  	s0 =	sand.u32 $0x1, s1  }
0x8c: {  	s17 =	sshll.u32 s0, $0xA;
	s2 =	sadd.s32 s3, s2  }
0x8d: {  	s2 =	sadd.s32 s2, s17  }
0x8e: {  	[smem:$0x3FC5] =	sst s2  }
0x8f: {  	_ = 	snop  }
0x90: {  	s2 =	sld [smem:$0x3FC7];
	(tm) =	ssettm $0x1  }
0x91: {  	s18 =	sld [smem:$0x3FFB];
	_ =	sdelay $0x3  }
0x92: {  	_ =	strace s18  }
0x93: {  	s3 =	sld [smem:$0x3FFC];
	_ =	sdelay $0x3  }
0x94: {  	_ =	strace s3  }
0x95: {  	s3 =	sld [smem:$0x3FFD];
	_ =	sdelay $0x3  }
0x96: {  	_ =	strace s3  }
0x97: {  	_ =	strace $0x8FFFFFFF  }
0x98: {  	s19 =	sld [smem:$0x3FDB];
	_ =	sdelay $0x1  }
0x99: {  	s4 =	simm.s32 $_scs_section_size  }
0x9a: {  	s5 =	simm.s32 $_size__tile_overlayer_lowered;
	s6 =	simm.s32 $_tile_overlayer_lowered  }
0x9b: {  	s22 =	simm.s32 $0x1BFF;
	s21 =	sshll.u32 s6, $0x1;
	s3 =	sadd.s32 s4, s19  }
0x9c: {  	s7 =	simm.s32 $0x0;
	s20 =	sshll.u32 s5, $0x1;
	s5 =	sadd.s32 s21, s3  }
0x9d: {  	[timem:s7], [sflag:s22] =	dma.local [hbm:s5], s20  }
0x9e: {  	_ =	swait.ge [sflag:s22], s20  }
0x9f: {  	s4 =	ssub.s32 $0x0, s20;
	[sflag:s22] =	ssyncset.done $0x0  }
0xa0: {  	[sflag:s22] =	ssyncadd.s32 s4;
	_ =	sdelay $0x1  }
0xa1: {  	s23 =	simm.s32 $0x1B8B  }
0xa2: {  	_ =	swait.ge [sflag:s23], $0x1  }
0xa3: {  	[sflag:s23] =	ssyncset.done $0x0  }
0xa4: {  	s25 =	simm.s32 $0x1B8E;
	s24 =	sld [smem:$0x3FFE];
	[sflag:s23] =	ssyncadd.s32 $0xFFFFFFFF  }
0xa5: {  	s26 =	simm.s32 $execute0_lowered;
	[smem:$0x3FD2] =	sst s25  }
0xa6: {  	s5 =	sshll.u32 s26, $0x1;
	_ =	strace $0x80000046;
	[dreg:$0x1] =	wrdreg $0xFFFFFFFF  }
0xa7: {  	s28 =	simm.s32 $_size_execute0_lowered;
	s3 =	sadd.s32 s3, s5;
	[dreg:$0x0] =	wrdreg $0x0  }
0xa8: {  	s5 =	sshll.u32 s28, $0x1;
	[dreg:$0x2] =	wrdreg s3  }
0xa9: {  	[dreg:$0x3] =	wrdreg s5  }
0xaa: {  	[dreg:$0x4] =	wrdreg $0xC0  }
0xab: {  	_ =	task [dreg:s7], $0x5FFFF  }
0xac: {  	[dreg:$0x1] =	wrdreg $0xFFFFFFFF  }
0xad: {  	[dreg:$0x0] =	wrdreg $0x60  }
0xae: {  	[dreg:$0x2] =	wrdreg s24  }
0xaf: {  	[dreg:$0x3] =	wrdreg s2  }
0xb0: {  	[dreg:$0x4] =	wrdreg $0x9  }
0xb1: {  	_ =	task.clear_ibuf [dreg:s7], $0x5FFFF;
	_ =	strace $0x90000046  }
0xb2: {  	s29 =	simm.s32 $0x9;
	_ =	strace $0x80000048  }
0xb3: {  	_ =	swait.ge [sflag:s29], $0x1  }
0xb4: {  	[sflag:s29] =	ssyncadd.s32 $0xFFFFFFFF  }
0xb5: {  	_ =	strace $0x90000048  }
0xb6: {  	_ =	sfence  }
0xb7: {  	s30 =	sld [smem:$0x0];
	_ =	sdelay $0x2  }
0xb8: {  	s31 =	sshll.u32 s1, $0xD;
	s1 =	sshrl.u32 s1, $0x2  }
0xb9: {  	s3 =	sand.u32 $0x4000, s31;
	s1 =	sadd.s32 s1, s30  }
0xba: {  	s0 =	sor.u32 s3, s0;
	s1 =	sshll.u32 s1, $0x11  }
0xbb: {  	s0 =	sor.u32 s1, s0  }
0xbc: {  	s0 =	sadd.s32 $0x8F2B, s0  }
0xbd: {  	[sflag:s0] =	ssyncadd.remote.s32 $0x1  }
0xbe: {  	_ =	sfence.sel $0xFFFF  }
0xbf: {  	[dreg:$0x0] =	wrdreg $0xFFFFFFFF;
	(pc) =	sbr.abs _section_cstart, $3  }
0xc0: {  	[dreg:$0x1] =	wrdreg $0xFFFFFFFF  }
0xc1: {  	_ =	task.clear_ibuf [dreg:s7], $0x2FFFF;
	_ =	strace $0x9FFFFFFF  }
0xc2: {  	(tm) =	ssettm $0x7FFFFFFF  }
0xc3: {  	_ =	shalt  }
tec
execute0_lowered:
.L_overlay_start_1:
0x0: {  	(tag) =	ssettag $0x1  }
0x1: {  	s1 =	srdreg.scid;
	s0 =	stileid.u32  }
0x2: {  	s26 =	sand.u32 $0x1, s1;
	s30 =	sshll.u32 s0, $0x1  }
0x3: {  	s1 =	sor.u32 s26, s30  }
0x4: {  	s10 =	rddreg [dreg:$0x0];
	s24 =	smul.u32 $0x30D40, s1  }
0x5: {  	s2 =	rddreg [dreg:$0x1];
	s3 =	simm.s32 $0x0;
	s5 =	simm.s32 $0x1  }
0x6: {  	[smem:$0x7FF] =	sst s3;
	s23 =	sadd.s32 $0x187400, s10;
	s21 =	sshrl.u32 s24, $0x3  }
0x7: {  	s1 =	rddreg [dreg:$0x2];
	_ =	strace $0x80000047;
	s4 =	sadd.s32 s23, s21  }
0x8: {  	[tilespmem:s3], [sflag:$0x1] =	stream.linear.gather [hbm4b:s4+s3], $0x61A8, $0x38;
	[tilespmem:$0x186A0] =	vst v63  }
0x9: {  	s6 =	sadd.s32 $0x61A8, s24;
	_ =	swait.ge [sflag:s5], $0x61A8  }
0xa: {  	s13 =	sshrl.u32 s6, $0x3;
	[sflag:s5] =	ssyncset.done $0x0  }
0xb: {  	s7 =	simm.s32 $0x61A8;
	s6 =	sadd.s32 s23, s13;
	[sflag:s5] =	ssyncadd.s32 $0xFFFF9E58  }
0xc: {  	[tilespmem:s7], [sflag:$0x1] =	stream.linear.gather [hbm4b:s6+s3], $0x61A8, $0x38;
	[tilespmem:$0x186A0] =	vst v63  }
0xd: {  	s8 =	simm.s32 $0xC350;
	s9 =	simm.s32 $0x2  }
0xe: {  	[tilespmem:s8], [sflag:$0x2] =	stream.indirect.gather [hbm4b:s2+s7], $0x1, s3, s7, $0xb8;
	[tilespmem:$0x186A0] =	vst v63  }
0xf: {  	_ =	swait.ge [sflag:s9], $0x61A8  }
0x10: {  	s25 =	sadd.s32 $0xA00, s10;
	[sflag:s9] =	ssyncset.done $0x0  }
0x11: {  	s10 =	sadd.s32 s25, s21;
	[sflag:s9] =	ssyncadd.s32 $0xFFFF9E58  }
0x12: {  	[hbm4b:s10+s3] =	stream.linear.scatter [tilespmem:s8], [sflag:$0x3], $0x61A8, $0x38;
	[tilespmem:$0x186A0] =	vst v63  }
0x13: {  	_ =	swait.ge [sflag:s5], $0x61A8  }
0x14: {  	s16 =	sadd.s32 $0x186A, s21;
	[sflag:s5] =	ssyncset.done $0x0  }
0x15: {  	s11 =	sadd.s32 s23, s16;
	[sflag:s5] =	ssyncadd.s32 $0xFFFF9E58  }
0x16: {  	[tilespmem:s3], [sflag:$0x1] =	stream.linear.gather [hbm4b:s11+s3], $0x61A8, $0x38;
	[tilespmem:$0x186A0] =	vst v63  }
0x17: {  	s12 =	simm.s32 $0x124F8  }
0x18: {  	[tilespmem:s12], [sflag:$0x2] =	stream.indirect.gather [hbm4b:s2+s7], $0x1, s7, s7, $0xb8;
	[tilespmem:$0x186A0] =	vst v63  }
0x19: {  	_ =	swait.ge [sflag:s9], $0x61A8  }
0x1a: {  	[sflag:s9] =	ssyncset.done $0x0  }
0x1b: {  	s13 =	sadd.s32 s25, s13;
	[sflag:s9] =	ssyncadd.s32 $0xFFFF9E58  }
0x1c: {  	[hbm4b:s13+s3] =	stream.linear.scatter [tilespmem:s12], [sflag:$0x3], $0x61A8, $0x38;
	[tilespmem:$0x186A0] =	vst v63  }
0x1d: {  	s14 =	sadd.s32 $0x124F8, s24;
	_ =	swait.ge [sflag:s5], $0x61A8  }
0x1e: {  	s18 =	sshrl.u32 s14, $0x3;
	[sflag:s5] =	ssyncset.done $0x0  }
0x1f: {  	s14 =	simm.s32 $0x3;
	s15 =	sadd.s32 s23, s18;
	[sflag:s5] =	ssyncadd.s32 $0xFFFF9E58  }
0x20: {  	[tilespmem:s7], [sflag:$0x1] =	stream.linear.gather [hbm4b:s15+s3], $0x61A8, $0x38;
	[tilespmem:$0x186A0] =	vst v63  }
0x21: {  	_ =	swait.ge [sflag:s14], $0x61A8  }
0x22: {  	[sflag:s14] =	ssyncset.done $0x0  }
0x23: {  	[sflag:s14] =	ssyncadd.s32 $0xFFFF9E58  }
0x24: {  	[tilespmem:s8], [sflag:$0x2] =	stream.indirect.gather [hbm4b:s2+s7], $0x1, s3, s7, $0xb8;
	[tilespmem:$0x186A0] =	vst v63  }
0x25: {  	_ =	swait.ge [sflag:s9], $0x61A8  }
0x26: {  	[sflag:s9] =	ssyncset.done $0x0  }
0x27: {  	s16 =	sadd.s32 s25, s16;
	[sflag:s9] =	ssyncadd.s32 $0xFFFF9E58  }
0x28: {  	[hbm4b:s16+s3] =	stream.linear.scatter [tilespmem:s8], [sflag:$0x3], $0x61A8, $0x38;
	[tilespmem:$0x186A0] =	vst v63  }
0x29: {  	_ =	swait.ge [sflag:s5], $0x61A8  }
0x2a: {  	s20 =	sadd.s32 $0x30D4, s21;
	[sflag:s5] =	ssyncset.done $0x0  }
0x2b: {  	s17 =	sadd.s32 s23, s20;
	[sflag:s5] =	ssyncadd.s32 $0xFFFF9E58  }
0x2c: {  	[tilespmem:s3], [sflag:$0x1] =	stream.linear.gather [hbm4b:s17+s3], $0x61A8, $0x38;
	[tilespmem:$0x186A0] =	vst v63  }
0x2d: {  	_ =	swait.ge [sflag:s14], $0x61A8  }
0x2e: {  	[sflag:s14] =	ssyncset.done $0x0  }
0x2f: {  	[sflag:s14] =	ssyncadd.s32 $0xFFFF9E58  }
0x30: {  	[tilespmem:s12], [sflag:$0x2] =	stream.indirect.gather [hbm4b:s2+s7], $0x1, s7, s7, $0xb8;
	[tilespmem:$0x186A0] =	vst v63  }
0x31: {  	_ =	swait.ge [sflag:s9], $0x61A8  }
0x32: {  	[sflag:s9] =	ssyncset.done $0x0  }
0x33: {  	s18 =	sadd.s32 s25, s18;
	[sflag:s9] =	ssyncadd.s32 $0xFFFF9E58  }
0x34: {  	[hbm4b:s18+s3] =	stream.linear.scatter [tilespmem:s12], [sflag:$0x3], $0x61A8, $0x38;
	[tilespmem:$0x186A0] =	vst v63  }
0x35: {  	s19 =	sadd.s32 $0x1E848, s24;
	_ =	swait.ge [sflag:s5], $0x61A8  }
0x36: {  	s22 =	sshrl.u32 s19, $0x3;
	[sflag:s5] =	ssyncset.done $0x0  }
0x37: {  	s19 =	sadd.s32 s23, s22;
	[sflag:s5] =	ssyncadd.s32 $0xFFFF9E58  }
0x38: {  	[tilespmem:s7], [sflag:$0x1] =	stream.linear.gather [hbm4b:s19+s3], $0x61A8, $0x38;
	[tilespmem:$0x186A0] =	vst v63  }
0x39: {  	_ =	swait.ge [sflag:s14], $0x61A8  }
0x3a: {  	[sflag:s14] =	ssyncset.done $0x0  }
0x3b: {  	[sflag:s14] =	ssyncadd.s32 $0xFFFF9E58  }
0x3c: {  	[tilespmem:s8], [sflag:$0x2] =	stream.indirect.gather [hbm4b:s2+s7], $0x1, s3, s7, $0xb8;
	[tilespmem:$0x186A0] =	vst v63  }
0x3d: {  	_ =	swait.ge [sflag:s9], $0x61A8  }
0x3e: {  	[sflag:s9] =	ssyncset.done $0x0  }
0x3f: {  	s20 =	sadd.s32 s25, s20;
	[sflag:s9] =	ssyncadd.s32 $0xFFFF9E58  }
0x40: {  	[hbm4b:s20+s3] =	stream.linear.scatter [tilespmem:s8], [sflag:$0x3], $0x61A8, $0x38;
	[tilespmem:$0x186A0] =	vst v63  }
0x41: {  	_ =	swait.ge [sflag:s5], $0x61A8  }
0x42: {  	s28 =	sadd.s32 $0x493E, s21;
	[sflag:s5] =	ssyncset.done $0x0  }
0x43: {  	s21 =	sadd.s32 s23, s28;
	[sflag:s5] =	ssyncadd.s32 $0xFFFF9E58  }
0x44: {  	[tilespmem:s3], [sflag:$0x1] =	stream.linear.gather [hbm4b:s21+s3], $0x61A8, $0x38;
	[tilespmem:$0x186A0] =	vst v63  }
0x45: {  	_ =	swait.ge [sflag:s14], $0x61A8  }
0x46: {  	[sflag:s14] =	ssyncset.done $0x0  }
0x47: {  	[sflag:s14] =	ssyncadd.s32 $0xFFFF9E58  }
0x48: {  	[tilespmem:s12], [sflag:$0x2] =	stream.indirect.gather [hbm4b:s2+s7], $0x1, s7, s7, $0xb8;
	[tilespmem:$0x186A0] =	vst v63  }
0x49: {  	_ =	swait.ge [sflag:s9], $0x61A8  }
0x4a: {  	[sflag:s9] =	ssyncset.done $0x0  }
0x4b: {  	s22 =	sadd.s32 s25, s22;
	[sflag:s9] =	ssyncadd.s32 $0xFFFF9E58  }
0x4c: {  	[hbm4b:s22+s3] =	stream.linear.scatter [tilespmem:s12], [sflag:$0x3], $0x61A8, $0x38;
	[tilespmem:$0x186A0] =	vst v63  }
0x4d: {  	s24 =	sadd.s32 $0x2AB98, s24;
	_ =	swait.ge [sflag:s5], $0x61A8  }
0x4e: {  	s29 =	sshrl.u32 s24, $0x3;
	[sflag:s5] =	ssyncset.done $0x0  }
0x4f: {  	s23 =	sadd.s32 s23, s29;
	[sflag:s5] =	ssyncadd.s32 $0xFFFF9E58  }
0x50: {  	[tilespmem:s7], [sflag:$0x1] =	stream.linear.gather [hbm4b:s23+s3], $0x61A8, $0x38;
	[tilespmem:$0x186A0] =	vst v63  }
0x51: {  	_ =	swait.ge [sflag:s14], $0x61A8  }
0x52: {  	[sflag:s14] =	ssyncset.done $0x0  }
0x53: {  	[sflag:s14] =	ssyncadd.s32 $0xFFFF9E58  }
0x54: {  	[tilespmem:s8], [sflag:$0x2] =	stream.indirect.gather [hbm4b:s2+s7], $0x1, s3, s7, $0xb8;
	[tilespmem:$0x186A0] =	vst v63  }
0x55: {  	_ =	swait.ge [sflag:s9], $0x61A8  }
0x56: {  	[sflag:s9] =	ssyncset.done $0x0  }
0x57: {  	s24 =	sadd.s32 s25, s28;
	[sflag:s9] =	ssyncadd.s32 $0xFFFF9E58  }
0x58: {  	[hbm4b:s24+s3] =	stream.linear.scatter [tilespmem:s8], [sflag:$0x3], $0x61A8, $0x38;
	[tilespmem:$0x186A0] =	vst v63  }
0x59: {  	_ =	swait.ge [sflag:s5], $0x61A8  }
0x5a: {  	[sflag:s5] =	ssyncset.done $0x0  }
0x5b: {  	[sflag:s5] =	ssyncadd.s32 $0xFFFF9E58  }
0x5c: {  	[tilespmem:s3], [sflag:$0x1] =	stream.linear.gather [hbm4b:s4+s3], $0x61A8, $0x38;
	[tilespmem:$0x186A0] =	vst v63  }
0x5d: {  	_ =	swait.ge [sflag:s14], $0x61A8  }
0x5e: {  	[sflag:s14] =	ssyncset.done $0x0  }
0x5f: {  	[sflag:s14] =	ssyncadd.s32 $0xFFFF9E58  }
0x60: {  	[tilespmem:s12], [sflag:$0x2] =	stream.indirect.gather [hbm4b:s2+s7], $0x1, s7, s7, $0xb8;
	[tilespmem:$0x186A0] =	vst v63  }
0x61: {  	_ =	swait.ge [sflag:s9], $0x61A8  }
0x62: {  	s26 =	ssub.s32 $0x2, s26;
	[sflag:s9] =	ssyncset.done $0x0  }
0x63: {  	s31 =	sshrl.u32 s26, $0x1;
	s25 =	sadd.s32 s25, s29;
	[sflag:s9] =	ssyncadd.s32 $0xFFFF9E58  }
0x64: {  	[hbm4b:s25+s3] =	stream.linear.scatter [tilespmem:s12], [sflag:$0x3], $0x61A8, $0x38;
	[tilespmem:$0x186A0] =	vst v63  }
0x65: {  	s26 =	ssub.s32 s26, s31;
	_ =	swait.ge [sflag:s5], $0x61A8  }
0x66: {  	s26 =	smax.u32 s26, $0x1;
	[sflag:s5] =	ssyncset.done $0x0  }
0x67: {  	p0 =	sne.s32 s26, $0x1;
	[sflag:s5] =	ssyncadd.s32 $0xFFFF9E58  }
.Ltmp0:
0x68: {  	_ =	swait.ge [sflag:s14], $0x61A8;
	(pc) =	sbr.rel @!p0 .LBB2_2-.Ltmp0, $4  }
0x69: {  	[sflag:s14] =	ssyncset.done $0x0  }
0x6a: {  	[sflag:s14] =	ssyncadd.s32 $0xFFFF9E58  }
0x6b: {  	_ =	swait.ge [sflag:s14], $0x61A8  }
0x6c: {  	s26 =	sadd.s32 $0xFFFFFFFF, s26;
	[sflag:s14] =	ssyncset.done $0x0  }
.LBB2_1:
0x6d: {  	p0 =	sne.s32 s26, $0x1;
	s26 =	sadd.s32 $0xFFFFFFFF, s26;
	[sflag:s14] =	ssyncadd.s32 $0xFFFF9E58  }
0x6e: {  	[tilespmem:s3], [sflag:$0x1] =	stream.linear.gather [hbm4b:s4+s3], $0x61A8, $0x38;
	[tilespmem:$0x186A0] =	vst v63  }
0x6f: {  	_ =	swait.ge [sflag:s5], $0x61A8  }
0x70: {  	[sflag:s5] =	ssyncset.done $0x0  }
0x71: {  	[sflag:s5] =	ssyncadd.s32 $0xFFFF9E58  }
0x72: {  	[tilespmem:s7], [sflag:$0x1] =	stream.linear.gather [hbm4b:s6+s3], $0x61A8, $0x38;
	[tilespmem:$0x186A0] =	vst v63  }
0x73: {  	_ = 	snop  }
0x74: {  	[tilespmem:s8], [sflag:$0x2] =	stream.indirect.gather [hbm4b:s2+s7], $0x1, s3, s7, $0xb8;
	[tilespmem:$0x186A0] =	vst v63  }
0x75: {  	_ =	swait.ge [sflag:s9], $0x61A8  }
0x76: {  	[sflag:s9] =	ssyncset.done $0x0  }
0x77: {  	[sflag:s9] =	ssyncadd.s32 $0xFFFF9E58  }
0x78: {  	[hbm4b:s10+s3] =	stream.linear.scatter [tilespmem:s8], [sflag:$0x3], $0x61A8, $0x38;
	[tilespmem:$0x186A0] =	vst v63  }
0x79: {  	_ =	swait.ge [sflag:s5], $0x61A8  }
0x7a: {  	[sflag:s5] =	ssyncset.done $0x0  }
0x7b: {  	[sflag:s5] =	ssyncadd.s32 $0xFFFF9E58  }
0x7c: {  	[tilespmem:s3], [sflag:$0x1] =	stream.linear.gather [hbm4b:s11+s3], $0x61A8, $0x38;
	[tilespmem:$0x186A0] =	vst v63  }
0x7d: {  	_ = 	snop  }
0x7e: {  	[tilespmem:s12], [sflag:$0x2] =	stream.indirect.gather [hbm4b:s2+s7], $0x1, s7, s7, $0xb8;
	[tilespmem:$0x186A0] =	vst v63  }
0x7f: {  	_ =	swait.ge [sflag:s9], $0x61A8  }
0x80: {  	[sflag:s9] =	ssyncset.done $0x0  }
0x81: {  	[sflag:s9] =	ssyncadd.s32 $0xFFFF9E58  }
0x82: {  	[hbm4b:s13+s3] =	stream.linear.scatter [tilespmem:s12], [sflag:$0x3], $0x61A8, $0x38;
	[tilespmem:$0x186A0] =	vst v63  }
0x83: {  	_ =	swait.ge [sflag:s5], $0x61A8  }
0x84: {  	[sflag:s5] =	ssyncset.done $0x0  }
0x85: {  	[sflag:s5] =	ssyncadd.s32 $0xFFFF9E58  }
0x86: {  	[tilespmem:s7], [sflag:$0x1] =	stream.linear.gather [hbm4b:s15+s3], $0x61A8, $0x38;
	[tilespmem:$0x186A0] =	vst v63  }
0x87: {  	_ =	swait.ge [sflag:s14], $0x61A8  }
0x88: {  	[sflag:s14] =	ssyncset.done $0x0  }
0x89: {  	[sflag:s14] =	ssyncadd.s32 $0xFFFF9E58  }
0x8a: {  	[tilespmem:s8], [sflag:$0x2] =	stream.indirect.gather [hbm4b:s2+s7], $0x1, s3, s7, $0xb8;
	[tilespmem:$0x186A0] =	vst v63  }
0x8b: {  	_ =	swait.ge [sflag:s9], $0x61A8  }
0x8c: {  	[sflag:s9] =	ssyncset.done $0x0  }
0x8d: {  	[sflag:s9] =	ssyncadd.s32 $0xFFFF9E58  }
0x8e: {  	[hbm4b:s16+s3] =	stream.linear.scatter [tilespmem:s8], [sflag:$0x3], $0x61A8, $0x38;
	[tilespmem:$0x186A0] =	vst v63  }
0x8f: {  	_ =	swait.ge [sflag:s5], $0x61A8  }
0x90: {  	[sflag:s5] =	ssyncset.done $0x0  }
0x91: {  	[sflag:s5] =	ssyncadd.s32 $0xFFFF9E58  }
0x92: {  	[tilespmem:s3], [sflag:$0x1] =	stream.linear.gather [hbm4b:s17+s3], $0x61A8, $0x38;
	[tilespmem:$0x186A0] =	vst v63  }
0x93: {  	_ =	swait.ge [sflag:s14], $0x61A8  }
0x94: {  	[sflag:s14] =	ssyncset.done $0x0  }
0x95: {  	[sflag:s14] =	ssyncadd.s32 $0xFFFF9E58  }
0x96: {  	[tilespmem:s12], [sflag:$0x2] =	stream.indirect.gather [hbm4b:s2+s7], $0x1, s7, s7, $0xb8;
	[tilespmem:$0x186A0] =	vst v63  }
0x97: {  	_ =	swait.ge [sflag:s9], $0x61A8  }
0x98: {  	[sflag:s9] =	ssyncset.done $0x0  }
0x99: {  	[sflag:s9] =	ssyncadd.s32 $0xFFFF9E58  }
0x9a: {  	[hbm4b:s18+s3] =	stream.linear.scatter [tilespmem:s12], [sflag:$0x3], $0x61A8, $0x38;
	[tilespmem:$0x186A0] =	vst v63  }
0x9b: {  	_ =	swait.ge [sflag:s5], $0x61A8  }
0x9c: {  	[sflag:s5] =	ssyncset.done $0x0  }
0x9d: {  	[sflag:s5] =	ssyncadd.s32 $0xFFFF9E58  }
0x9e: {  	[tilespmem:s7], [sflag:$0x1] =	stream.linear.gather [hbm4b:s19+s3], $0x61A8, $0x38;
	[tilespmem:$0x186A0] =	vst v63  }
0x9f: {  	_ =	swait.ge [sflag:s14], $0x61A8  }
0xa0: {  	[sflag:s14] =	ssyncset.done $0x0  }
0xa1: {  	[sflag:s14] =	ssyncadd.s32 $0xFFFF9E58  }
0xa2: {  	[tilespmem:s8], [sflag:$0x2] =	stream.indirect.gather [hbm4b:s2+s7], $0x1, s3, s7, $0xb8;
	[tilespmem:$0x186A0] =	vst v63  }
0xa3: {  	_ =	swait.ge [sflag:s9], $0x61A8  }
0xa4: {  	[sflag:s9] =	ssyncset.done $0x0  }
0xa5: {  	[sflag:s9] =	ssyncadd.s32 $0xFFFF9E58  }
0xa6: {  	[hbm4b:s20+s3] =	stream.linear.scatter [tilespmem:s8], [sflag:$0x3], $0x61A8, $0x38;
	[tilespmem:$0x186A0] =	vst v63  }
0xa7: {  	_ =	swait.ge [sflag:s5], $0x61A8  }
0xa8: {  	[sflag:s5] =	ssyncset.done $0x0  }
0xa9: {  	[sflag:s5] =	ssyncadd.s32 $0xFFFF9E58  }
0xaa: {  	[tilespmem:s3], [sflag:$0x1] =	stream.linear.gather [hbm4b:s21+s3], $0x61A8, $0x38;
	[tilespmem:$0x186A0] =	vst v63  }
0xab: {  	_ =	swait.ge [sflag:s14], $0x61A8  }
0xac: {  	[sflag:s14] =	ssyncset.done $0x0  }
0xad: {  	[sflag:s14] =	ssyncadd.s32 $0xFFFF9E58  }
0xae: {  	[tilespmem:s12], [sflag:$0x2] =	stream.indirect.gather [hbm4b:s2+s7], $0x1, s7, s7, $0xb8;
	[tilespmem:$0x186A0] =	vst v63  }
0xaf: {  	_ =	swait.ge [sflag:s9], $0x61A8  }
0xb0: {  	[sflag:s9] =	ssyncset.done $0x0  }
0xb1: {  	[sflag:s9] =	ssyncadd.s32 $0xFFFF9E58  }
0xb2: {  	[hbm4b:s22+s3] =	stream.linear.scatter [tilespmem:s12], [sflag:$0x3], $0x61A8, $0x38;
	[tilespmem:$0x186A0] =	vst v63  }
0xb3: {  	_ =	swait.ge [sflag:s5], $0x61A8  }
0xb4: {  	[sflag:s5] =	ssyncset.done $0x0  }
0xb5: {  	[sflag:s5] =	ssyncadd.s32 $0xFFFF9E58  }
0xb6: {  	[tilespmem:s7], [sflag:$0x1] =	stream.linear.gather [hbm4b:s23+s3], $0x61A8, $0x38;
	[tilespmem:$0x186A0] =	vst v63  }
0xb7: {  	_ =	swait.ge [sflag:s14], $0x61A8  }
0xb8: {  	[sflag:s14] =	ssyncset.done $0x0  }
0xb9: {  	[sflag:s14] =	ssyncadd.s32 $0xFFFF9E58  }
0xba: {  	[tilespmem:s8], [sflag:$0x2] =	stream.indirect.gather [hbm4b:s2+s7], $0x1, s3, s7, $0xb8;
	[tilespmem:$0x186A0] =	vst v63  }
0xbb: {  	_ =	swait.ge [sflag:s9], $0x61A8  }
0xbc: {  	[sflag:s9] =	ssyncset.done $0x0  }
0xbd: {  	[sflag:s9] =	ssyncadd.s32 $0xFFFF9E58  }
0xbe: {  	[hbm4b:s24+s3] =	stream.linear.scatter [tilespmem:s8], [sflag:$0x3], $0x61A8, $0x38;
	[tilespmem:$0x186A0] =	vst v63  }
0xbf: {  	_ =	swait.ge [sflag:s5], $0x61A8  }
0xc0: {  	[sflag:s5] =	ssyncset.done $0x0  }
0xc1: {  	[sflag:s5] =	ssyncadd.s32 $0xFFFF9E58  }
0xc2: {  	[tilespmem:s3], [sflag:$0x1] =	stream.linear.gather [hbm4b:s4+s3], $0x61A8, $0x38;
	[tilespmem:$0x186A0] =	vst v63  }
0xc3: {  	_ =	swait.ge [sflag:s14], $0x61A8  }
0xc4: {  	[sflag:s14] =	ssyncset.done $0x0  }
0xc5: {  	[sflag:s14] =	ssyncadd.s32 $0xFFFF9E58  }
0xc6: {  	[tilespmem:s12], [sflag:$0x2] =	stream.indirect.gather [hbm4b:s2+s7], $0x1, s7, s7, $0xb8;
	[tilespmem:$0x186A0] =	vst v63  }
0xc7: {  	_ =	swait.ge [sflag:s9], $0x61A8  }
0xc8: {  	[sflag:s9] =	ssyncset.done $0x0  }
0xc9: {  	[sflag:s9] =	ssyncadd.s32 $0xFFFF9E58  }
0xca: {  	[hbm4b:s25+s3] =	stream.linear.scatter [tilespmem:s12], [sflag:$0x3], $0x61A8, $0x38;
	[tilespmem:$0x186A0] =	vst v63  }
0xcb: {  	_ =	swait.ge [sflag:s5], $0x61A8  }
0xcc: {  	[sflag:s5] =	ssyncset.done $0x0  }
0xcd: {  	[sflag:s5] =	ssyncadd.s32 $0xFFFF9E58  }
.Ltmp1:
0xce: {  	_ =	swait.ge [sflag:s14], $0x61A8;
	(pc) =	sbr.rel @p0 .LBB2_1-.Ltmp1, $4  }
0xcf: {  	[sflag:s14] =	ssyncset.done $0x0  }
0xd0: {  	[sflag:s14] =	ssyncadd.s32 $0xFFFF9E58  }
0xd1: {  	_ =	swait.ge [sflag:s14], $0x61A8  }
0xd2: {  	[sflag:s14] =	ssyncset.done $0x0  }
.LBB2_2:
0xd3: {  	[sflag:s14] =	ssyncadd.s32 $0xFFFF9E58  }
0xd4: {  	_ =	sfence.sel $0x180000  }
0xd5: {  	[bflag:$0x0] =	sbarrier.arrive $0xFFFF  }
0xd6: {  	p0 =	sne.s32 s0, $0x0;
	_ =	strace $0x90000047  }
0xd7: {  	s0 =	sadd.s32 @!p0 $0x100000, s1;
	[bflag:$0x2] =	sbarrier.arrive $0xFFFF  }
0xd8: {  	[sflag:s0] =	ssyncadd.tile.s32 @!p0 $0x1;
	_ =	shalt  }
.Lfunc_end2:
_tile_overlayer_lowered:
.L_overlay_start_2:
0xd9: {  	(tag) =	ssettag $0x2  }
0xda: {  	s0 =	rddreg [dreg:$0x0];
	s2 =	stileid.u32  }
0xdb: {  	s1 =	rddreg [dreg:$0x1];
	p0 =	sne.s32 s2, $0x0  }
0xdc: {  	s3 =	rddreg [dreg:$0x2];
	[bflag:$0x3] =	sbarrier.arrive $0xFFFF;
	s2 =	simm.s32 @!p0 $0x1C04  }
0xdd: {  	[timem:s3], [sflag:s2] =	dma.local @!p0 [hbm:s0], s1  }
0xde: {  	s0 =	simm.s32 @!p0 $0x4  }
0xdf: {  	_ =	swait.ge @!p0 [sflag:s0], s1  }
0xe0: {  	s1 =	ssub.s32 @!p0 $0x0, s1;
	[sflag:s0] =	ssyncset.done @!p0 $0x0  }
0xe1: {  	[sflag:s0] =	ssyncadd.s32 @!p0 s1  }
0xe2: {  	[bflag:$0x3] =	sbarrier.arrive $0xFFFF  }
0xe3: {  	_ =	shalt  }

// kernel: kernel.7.cloned.1.call-start
scs
__scs_entry_jumppad:
0x0: {  	(pc) =	sbr.rel $0x88, $3  }
0x1: {  	(tag) =	ssettag $0x0;
	lr =	simm.s32 $0x1  }
0x2: {  	[smem:$0x3F9E] =	sst lr;
	_ =	strace $0xD0000000  }
0x3: {  	_ = 	snop  }
0x4: {  	_ = 	snop  }
0x5: {  	_ = 	snop  }
0x6: {  	_ = 	snop  }
0x7: {  	_ = 	snop  }
__scs_overlays_trampoline_lowered:
0x8: {  	[smem:$0x3FAD] =	sst s0  }
0x9: {  	[smem:$0x3FAE] =	sst s1  }
0xa: {  	[smem:$0x3FAF] =	sst s2  }
0xb: {  	[smem:$0x3FB0] =	sst s3  }
0xc: {  	[smem:$0x3FB1] =	sst s4  }
0xd: {  	[smem:$0x3FB2] =	sst s5  }
0xe: {  	[smem:$0x3FB3] =	sst s6  }
0xf: {  	[smem:$0x3FB4] =	sst s7  }
0x10: {  	[smem:$0x3FB5] =	sst s8  }
0x11: {  	[smem:$0x3FB6] =	sst s9;
	s0 =	simm.s32 @!p0 $0x0  }
0x12: {  	s1 =	sld [smem:$0x3F9C];
	s0 =	simm.s32 @p0 $0x1  }
0x13: {  	[smem:$0x3FB7] =	sst s0;
	s0 =	simm.s32 @!p1 $0x0  }
0x14: {  	s2 =	sld [smem:$0x3F9B];
	s0 =	simm.s32 @p1 $0x1  }
0x15: {  	[smem:$0x3FB8] =	sst s0;
	s0 =	simm.s32 @!p2 $0x0  }
0x16: {  	s3 =	sld [smem:$0x3FDB];
	s0 =	simm.s32 @p2 $0x1  }
0x17: {  	s4 =	simm.s32 $0x1BF5;
	[smem:$0x3FBA] =	sst s0  }
0x18: {  	s0 =	sld [smem:$0x3F9D];
	_ =	swait.ge [sflag:s4], $0x0  }
0x19: {  	s7 =	sld [smem:$0x3F9E]  }
0x1a: {  	s8 =	sadd.s32 $0xFFFFE003, lr  }
0x1b: {  	s9 =	sadd.s32 $0xFFFFFEF7, lr;
	s5 =	simm.s32 $0xFFFFFFFF;
	p2 =	slt.u32 s8, $0xFFFFF086  }
0x1c: {  	p1 =	slt.u32 s9, $0xF7A;
	s5 =	simm.s32 @!p2 $0x0  }
0x1d: {  	s5 =	simm.s32 @p1 $0x1;
	p0 =	seq.s32 s7, s2  }
0x1e: {  	s7 =	smul.u32 @!p0 $0xF7A, s2;
	p2 =	seq.s32 @!p0 s5, $0x0  }
0x1f: {  	s9 =	smul.u32 $0xF7A, s1;
	s8 =	simm.s32 @!p0 $0x1BF5;
	p2 =	por !p2, p0  }
0x20: {  	[sflag:s8] =	ssyncset.s32 @!p0 $0xFFFFF086;
	s6 =	sadd.s32 @!p0 s3, s7;
	s7 =	simm.s32 @!p0 $0x108  }
0x21: {  	s3 =	sadd.s32 s3, s9;
	s6 =	sadd.s32 @!p0 $0x88, s6;
	s7 =	simm.s32 @p2 $0x1082  }
0x22: {  	[simem:s7], [sflag:s8] =	dma.local @!p0 [hbm:s6], $0xF7A  }
0x23: {  	s9 =	sor.u32 $0xD0000000, s2;
	s6 =	simm.s32 $0x108;
	_ =	swait.ge @!p0 [sflag:s8], $0x0  }
0x24: {  	s3 =	sadd.s32 $0x88, s3;
	s6 =	simm.s32 @!p1 $0x1082;
	[sflag:s4] =	ssyncset.s32 $0xFFFFF086  }
0x25: {  	[simem:s6], [sflag:s4] =	dma.local [hbm:s3], $0xF7A  }
0x26: {  	[smem:$0x3F9E] =	sst s1;
	(tag) =	ssettag s2;
	_ =	strace s9  }
0x27: {  	s1 =	sld [smem:$0x3FAE]  }
0x28: {  	s2 =	sld [smem:$0x3FAF]  }
0x29: {  	s4 =	sld [smem:$0x3FB1]  }
0x2a: {  	p0 =	seq.s32 s5, $0x0;
	s5 =	sld [smem:$0x3FB2]  }
0x2b: {  	s6 =	sld [smem:$0x3FB3]  }
0x2c: {  	s7 =	sld [smem:$0x3FB4]  }
0x2d: {  	s3 =	simm.s32 $0x108;
	s8 =	sld [smem:$0x3FB5]  }
0x2e: {  	s3 =	simm.s32 @!p0 $0x1082;
	s9 =	sld [smem:$0x3FB6]  }
0x2f: {  	lr =	sadd.s32 s0, s3;
	s0 =	sld [smem:$0x3FAD]  }
0x30: {  	s3 =	sld [smem:$0x3FB0]  }
0x31: {  	[smem:$0x3FB9] =	sst s10  }
0x32: {  	s10 =	sld [smem:$0x3FB7];
	_ =	sdelay $0x3  }
0x33: {  	p0 =	seq.s32 s10, $0x1;
	s10 =	sld [smem:$0x3FB9];
	_ =	sdelay $0x3  }
0x34: {  	[smem:$0x3FB9] =	sst s10  }
0x35: {  	s10 =	sld [smem:$0x3FB8];
	_ =	sdelay $0x3  }
0x36: {  	p1 =	seq.s32 s10, $0x1;
	s10 =	sld [smem:$0x3FB9];
	_ =	sdelay $0x3  }
0x37: {  	[smem:$0x3FB9] =	sst s10  }
0x38: {  	s10 =	sld [smem:$0x3FBA]  }
0x39: {  	_ = 	snop;
	(pc) =	sbr.ind lr, $3  }
0x3a: {  	_ = 	snop  }
0x3b: {  	_ = 	snop  }
0x3c: {  	p2 =	seq.s32 s10, $0x1;
	s10 =	sld [smem:$0x3FB9]  }
0x3d: {  	_ =	shalt  }
0x3e: {  	_ =	shalt  }
0x3f: {  	_ =	shalt  }
0x40: {  	_ =	shalt  }
0x41: {  	_ =	shalt  }
0x42: {  	_ =	shalt  }
0x43: {  	_ =	shalt  }
0x44: {  	_ =	shalt  }
0x45: {  	_ =	shalt  }
0x46: {  	_ =	shalt  }
0x47: {  	_ =	shalt  }
0x48: {  	_ =	shalt  }
0x49: {  	_ =	shalt  }
0x4a: {  	_ =	shalt  }
0x4b: {  	_ =	shalt  }
0x4c: {  	_ =	shalt  }
0x4d: {  	_ =	shalt  }
0x4e: {  	_ =	shalt  }
0x4f: {  	_ =	shalt  }
0x50: {  	_ =	shalt  }
0x51: {  	_ =	shalt  }
0x52: {  	_ =	shalt  }
0x53: {  	_ =	shalt  }
0x54: {  	_ =	shalt  }
0x55: {  	_ =	shalt  }
0x56: {  	_ =	shalt  }
0x57: {  	_ =	shalt  }
0x58: {  	_ =	shalt  }
0x59: {  	_ =	shalt  }
0x5a: {  	_ =	shalt  }
0x5b: {  	_ =	shalt  }
0x5c: {  	_ =	shalt  }
0x5d: {  	_ =	shalt  }
0x5e: {  	_ =	shalt  }
0x5f: {  	_ =	shalt  }
0x60: {  	_ =	shalt  }
0x61: {  	_ =	shalt  }
0x62: {  	_ =	shalt  }
0x63: {  	_ =	shalt  }
0x64: {  	_ =	shalt  }
0x65: {  	_ =	shalt  }
0x66: {  	_ =	shalt  }
0x67: {  	_ =	shalt  }
0x68: {  	_ =	shalt  }
0x69: {  	_ =	shalt  }
0x6a: {  	_ =	shalt  }
0x6b: {  	_ =	shalt  }
0x6c: {  	_ =	shalt  }
0x6d: {  	_ =	shalt  }
0x6e: {  	_ =	shalt  }
0x6f: {  	_ =	shalt  }
0x70: {  	_ =	shalt  }
0x71: {  	_ =	shalt  }
0x72: {  	_ =	shalt  }
0x73: {  	_ =	shalt  }
0x74: {  	_ =	shalt  }
0x75: {  	_ =	shalt  }
0x76: {  	_ =	shalt  }
0x77: {  	_ =	shalt  }
0x78: {  	_ =	shalt  }
0x79: {  	_ =	shalt  }
0x7a: {  	_ =	shalt  }
0x7b: {  	_ =	shalt  }
0x7c: {  	_ =	shalt  }
0x7d: {  	_ =	shalt  }
0x7e: {  	_ =	shalt  }
0x7f: {  	_ =	shalt  }
0x80: {  	_ =	shalt  }
0x81: {  	_ =	shalt  }
0x82: {  	_ =	shalt  }
0x83: {  	_ =	shalt  }
0x84: {  	_ =	shalt  }
0x85: {  	_ =	shalt  }
0x86: {  	_ =	shalt  }
0x87: {  	_ =	shalt  }
.Lfunc_end0:
.L_simem_size_0:
called_computation.1_lowered:
.L_overlay_start_0:
0x88: {  	s2 =	sld [smem:$0x3FD9]  }
0x89: {  	s3 =	sld [smem:$0x3FFE];
	_ =	sdelay $0x1  }
0x8a: {  	s1 =	srdreg.scid  }
0x8b: {  	s0 =	sand.u32 $0x1, s1  }
0x8c: {  	s17 =	sshll.u32 s0, $0xA;
	s2 =	sadd.s32 s3, s2  }
0x8d: {  	s2 =	sadd.s32 s2, s17  }
0x8e: {  	[smem:$0x3FC5] =	sst s2  }
0x8f: {  	_ = 	snop  }
0x90: {  	s2 =	sld [smem:$0x3FD0];
	(tm) =	ssettm $0x1  }
0x91: {  	s18 =	sld [smem:$0x3FFB];
	_ =	sdelay $0x3  }
0x92: {  	_ =	strace s18  }
0x93: {  	s3 =	sld [smem:$0x3FFC];
	_ =	sdelay $0x3  }
0x94: {  	_ =	strace s3  }
0x95: {  	s3 =	sld [smem:$0x3FFD];
	_ =	sdelay $0x3  }
0x96: {  	_ =	strace s3  }
0x97: {  	_ =	strace $0x8FFFFFFF  }
0x98: {  	s19 =	sld [smem:$0x3FDB];
	_ =	sdelay $0x1  }
0x99: {  	s4 =	simm.s32 $_scs_section_size  }
0x9a: {  	s5 =	simm.s32 $_size__tile_overlayer_lowered;
	s6 =	simm.s32 $_tile_overlayer_lowered  }
0x9b: {  	s22 =	simm.s32 $0x1BFF;
	s21 =	sshll.u32 s6, $0x1;
	s3 =	sadd.s32 s4, s19  }
0x9c: {  	s7 =	simm.s32 $0x0;
	s20 =	sshll.u32 s5, $0x1;
	s5 =	sadd.s32 s21, s3  }
0x9d: {  	[timem:s7], [sflag:s22] =	dma.local [hbm:s5], s20  }
0x9e: {  	_ =	swait.ge [sflag:s22], s20  }
0x9f: {  	s4 =	ssub.s32 $0x0, s20;
	[sflag:s22] =	ssyncset.done $0x0  }
0xa0: {  	[sflag:s22] =	ssyncadd.s32 s4;
	_ =	sdelay $0x1  }
0xa1: {  	s23 =	simm.s32 $0x1B8B  }
0xa2: {  	_ =	swait.ge [sflag:s23], $0x1  }
0xa3: {  	[sflag:s23] =	ssyncset.done $0x0  }
0xa4: {  	s25 =	simm.s32 $0x1B8E;
	s24 =	sld [smem:$0x3FFE];
	[sflag:s23] =	ssyncadd.s32 $0xFFFFFFFF  }
0xa5: {  	s26 =	simm.s32 $execute0_lowered;
	[smem:$0x3FD2] =	sst s25  }
0xa6: {  	s5 =	sshll.u32 s26, $0x1;
	_ =	strace $0x80000049;
	[dreg:$0x1] =	wrdreg $0xFFFFFFFF  }
0xa7: {  	s28 =	simm.s32 $_size_execute0_lowered;
	s3 =	sadd.s32 s3, s5;
	[dreg:$0x0] =	wrdreg $0x0  }
0xa8: {  	s5 =	sshll.u32 s28, $0x1;
	[dreg:$0x2] =	wrdreg s3  }
0xa9: {  	[dreg:$0x3] =	wrdreg s5  }
0xaa: {  	[dreg:$0x4] =	wrdreg $0xC0  }
0xab: {  	_ =	task [dreg:s7], $0x5FFFF  }
0xac: {  	[dreg:$0x1] =	wrdreg $0xFFFFFFFF  }
0xad: {  	[dreg:$0x0] =	wrdreg $0x60  }
0xae: {  	[dreg:$0x2] =	wrdreg s24  }
0xaf: {  	[dreg:$0x3] =	wrdreg s2  }
0xb0: {  	[dreg:$0x4] =	wrdreg $0x9  }
0xb1: {  	_ =	task.clear_ibuf [dreg:s7], $0x5FFFF;
	_ =	strace $0x90000049  }
0xb2: {  	s29 =	simm.s32 $0x9;
	_ =	strace $0x8000004B  }
0xb3: {  	_ =	swait.ge [sflag:s29], $0x1  }
0xb4: {  	[sflag:s29] =	ssyncadd.s32 $0xFFFFFFFF  }
0xb5: {  	_ =	strace $0x9000004B  }
0xb6: {  	_ =	sfence  }
0xb7: {  	s30 =	sld [smem:$0x0];
	_ =	sdelay $0x2  }
0xb8: {  	s31 =	sshll.u32 s1, $0xD;
	s1 =	sshrl.u32 s1, $0x2  }
0xb9: {  	s3 =	sand.u32 $0x4000, s31;
	s1 =	sadd.s32 s1, s30  }
0xba: {  	s0 =	sor.u32 s3, s0;
	s1 =	sshll.u32 s1, $0x11  }
0xbb: {  	s0 =	sor.u32 s1, s0  }
0xbc: {  	s0 =	sadd.s32 $0x8F2B, s0  }
0xbd: {  	[sflag:s0] =	ssyncadd.remote.s32 $0x1  }
0xbe: {  	_ =	sfence.sel $0xFFFF  }
0xbf: {  	[dreg:$0x0] =	wrdreg $0xFFFFFFFF;
	(pc) =	sbr.abs _section_cstart, $3  }
0xc0: {  	[dreg:$0x1] =	wrdreg $0xFFFFFFFF  }
0xc1: {  	_ =	task.clear_ibuf [dreg:s7], $0x2FFFF;
	_ =	strace $0x9FFFFFFF  }
0xc2: {  	(tm) =	ssettm $0x7FFFFFFF  }
0xc3: {  	_ =	shalt  }
tec
execute0_lowered:
.L_overlay_start_1:
0x0: {  	(tag) =	ssettag $0x1  }
0x1: {  	s3 =	rddreg [dreg:$0x0];
	s1 =	srdreg.scid  }
0x2: {  	s0 =	stileid.u32;
	s5 =	rddreg [dreg:$0x1]  }
0x3: {  	s2 =	simm.s32 $0x0;
	s9 =	simm.s32 $0x1900;
	s10 =	simm.s32 $0x1  }
0x4: {  	s11 =	simm.s32 $0xE100;
	s12 =	simm.s32 $0x1A900;
	s13 =	simm.s32 $0x0  }
0x5: {  	s4 =	sand.u32 $0x1, s1;
	s6 =	sshll.u32 s0, $0x1;
	s1 =	rddreg [dreg:$0x2]  }
0x6: {  	[smem:$0x7FF] =	sst s2;
	s6 =	sor.u32 s4, s6;
	s4 =	ssub.s32 $0x2, s4  }
0x7: {  	s7 =	smul.u32 $0x320, s6;
	s8 =	sshrl.u32 s4, $0x1;
	s6 =	sshll.u32 s6, $0xA  }
0x8: {  	_ =	strace $0x8000004A;
	s8 =	ssub.s32 s4, s8;
	s5 =	sadd.s32 s5, s6  }
0x9: {  	s7 =	sadd.s32 s7, s3;
	s3 =	sadd.s32 $0xA00, s3;
	s6 =	smax.u32 s8, $0x1  }
0xa: {  	s8 =	simm.s32 $0x320;
	s4 =	sadd.s32 $0xC4000, s7;
	s7 =	simm.s32 $0x2  }
.LBB2_1:
0xb: {  	[tilespmem:s2], [sflag:$0x2] =	stream.linear.gather [hbm4b:s4+s2], $0x1900, $0x38;
	[tilespmem:$0x1C900] =	vst v63  }
0xc: {  	_ =	swait.ge [sflag:s7], $0x1900  }
0xd: {  	[sflag:s7] =	ssyncset.done $0x0  }
0xe: {  	s14 =	simm.s32 $0x0;
	[sflag:s7] =	ssyncadd.s32 $0xFFFFE700  }
0xf: {  	[tilespmem:s9], [sflag:$0x1] =	stream.indirect.gather [hbm4b:s3+s8], $0x40, s2, s8, $0xb8;
	[tilespmem:$0x1C900] =	vst v63  }
.LBB2_2:
0x10: {  	s15 =	sshllo.u32 s14, $0x1  }
0x11: {  	s17 =	simm.s32 $0x0;
	s16 =	smul.u32 $0xC80, s15  }
0x12: {  	_ =	swait.ge [sflag:s10], $0xC800;
	s17 =	smul.u32 $0x3200, s17  }
0x13: {  	[sflag:s10] =	ssyncset.done $0x0  }
0x14: {  	[sflag:s10] =	ssyncadd.s32 $0xFFFF3800;
	s16 =	sshra.s32 s16, $0x2;
	s19 =	sshra.s32 s17, $0x2  }
0x15: {  	[tilespmem:s11], [sflag:$0x1] =	stream.indirect.gather [hbm4b:s3+s8], $0x40, s16, s8, $0xb8;
	[tilespmem:$0x1C900] =	vst v63  }
0x16: {  	v0 =	vld [tilespmem:s19+$0x1900]  }
0x17: {  	v1 =	vld [tilespmem:s19+$0x1940];
	_ =	sdelay $0x1  }
0x18: {  	v2 =	vld [tilespmem:s19+$0x1980];
	_ =	sdelay $0x1  }
0x19: {  	v3 =	vld [tilespmem:s19+$0x19C0]  }
0x1a: {  	v0 =	vadd.f32 v1, v0  }
0x1b: {  	v1 =	vld [tilespmem:s19+$0x1A00]  }
0x1c: {  	v0 =	vadd.f32 v2, v0  }
0x1d: {  	v2 =	vld [tilespmem:s19+$0x1A40]  }
0x1e: {  	v0 =	vadd.f32 v3, v0  }
0x1f: {  	v3 =	vld [tilespmem:s19+$0x1A80]  }
0x20: {  	v0 =	vadd.f32 v1, v0  }
0x21: {  	v1 =	vld [tilespmem:s19+$0x1AC0]  }
0x22: {  	v0 =	vadd.f32 v2, v0  }
0x23: {  	v2 =	vld [tilespmem:s19+$0x1B00]  }
0x24: {  	v0 =	vadd.f32 v3, v0  }
0x25: {  	v3 =	vld [tilespmem:s19+$0x1B40]  }
0x26: {  	v0 =	vadd.f32 v1, v0  }
0x27: {  	v1 =	vld [tilespmem:s19+$0x1B80]  }
0x28: {  	v0 =	vadd.f32 v2, v0  }
0x29: {  	v2 =	vld [tilespmem:s19+$0x1BC0]  }
0x2a: {  	v0 =	vadd.f32 v3, v0  }
0x2b: {  	v3 =	vld [tilespmem:s19+$0x1C00]  }
0x2c: {  	v0 =	vadd.f32 v1, v0  }
0x2d: {  	v1 =	vld [tilespmem:s19+$0x1C40]  }
0x2e: {  	v0 =	vadd.f32 v2, v0  }
0x2f: {  	v2 =	vld [tilespmem:s19+$0x1C80]  }
0x30: {  	v0 =	vadd.f32 v3, v0  }
0x31: {  	v3 =	vld [tilespmem:s19+$0x1CC0]  }
0x32: {  	v0 =	vadd.f32 v1, v0  }
0x33: {  	v1 =	vld [tilespmem:s19+$0x1D00]  }
0x34: {  	v0 =	vadd.f32 v2, v0  }
0x35: {  	v2 =	vld [tilespmem:s19+$0x1D40]  }
0x36: {  	v0 =	vadd.f32 v3, v0  }
0x37: {  	v3 =	vld [tilespmem:s19+$0x1D80]  }
0x38: {  	v0 =	vadd.f32 v1, v0  }
0x39: {  	v1 =	vld [tilespmem:s19+$0x1DC0]  }
0x3a: {  	v0 =	vadd.f32 v2, v0  }
0x3b: {  	v2 =	vld [tilespmem:s19+$0x1E00]  }
0x3c: {  	v0 =	vadd.f32 v3, v0  }
0x3d: {  	v3 =	vld [tilespmem:s19+$0x1E40]  }
0x3e: {  	v0 =	vadd.f32 v1, v0  }
0x3f: {  	v1 =	vld [tilespmem:s19+$0x1E80]  }
0x40: {  	v0 =	vadd.f32 v2, v0  }
0x41: {  	v2 =	vld [tilespmem:s19+$0x1EC0]  }
0x42: {  	v0 =	vadd.f32 v3, v0  }
0x43: {  	v3 =	vld [tilespmem:s19+$0x1F00]  }
0x44: {  	v0 =	vadd.f32 v1, v0  }
0x45: {  	v1 =	vld [tilespmem:s19+$0x1F40]  }
0x46: {  	v0 =	vadd.f32 v2, v0  }
0x47: {  	v2 =	vld [tilespmem:s19+$0x1F80]  }
0x48: {  	v0 =	vadd.f32 v3, v0  }
0x49: {  	v3 =	vld [tilespmem:s19+$0x1FC0]  }
0x4a: {  	v0 =	vadd.f32 v1, v0  }
0x4b: {  	v1 =	vld [tilespmem:s19+$0x2000]  }
0x4c: {  	v0 =	vadd.f32 v2, v0  }
0x4d: {  	v2 =	vld [tilespmem:s19+$0x2040]  }
0x4e: {  	v0 =	vadd.f32 v3, v0  }
0x4f: {  	v3 =	vld [tilespmem:s19+$0x2080]  }
0x50: {  	v0 =	vadd.f32 v1, v0  }
0x51: {  	v1 =	vld [tilespmem:s19+$0x20C0]  }
0x52: {  	v0 =	vadd.f32 v2, v0  }
0x53: {  	v2 =	vld [tilespmem:s19+$0x2100]  }
0x54: {  	v0 =	vadd.f32 v3, v0  }
0x55: {  	v3 =	vld [tilespmem:s19+$0x2140]  }
0x56: {  	v0 =	vadd.f32 v1, v0  }
0x57: {  	v1 =	vld [tilespmem:s19+$0x2180]  }
0x58: {  	v0 =	vadd.f32 v2, v0  }
0x59: {  	v2 =	vld [tilespmem:s19+$0x21C0]  }
0x5a: {  	v0 =	vadd.f32 v3, v0  }
0x5b: {  	v3 =	vld [tilespmem:s19+$0x2200]  }
0x5c: {  	v0 =	vadd.f32 v1, v0  }
0x5d: {  	v1 =	vld [tilespmem:s19+$0x2240]  }
0x5e: {  	v0 =	vadd.f32 v2, v0  }
0x5f: {  	v2 =	vld [tilespmem:s19+$0x2280]  }
0x60: {  	v0 =	vadd.f32 v3, v0  }
0x61: {  	v3 =	vld [tilespmem:s19+$0x22C0]  }
0x62: {  	v0 =	vadd.f32 v1, v0  }
0x63: {  	v1 =	vld [tilespmem:s19+$0x2300]  }
0x64: {  	v0 =	vadd.f32 v2, v0  }
0x65: {  	v2 =	vld [tilespmem:s19+$0x2340]  }
0x66: {  	v0 =	vadd.f32 v3, v0  }
0x67: {  	v3 =	vld [tilespmem:s19+$0x2380]  }
0x68: {  	v0 =	vadd.f32 v1, v0  }
0x69: {  	v1 =	vld [tilespmem:s19+$0x23C0]  }
0x6a: {  	v0 =	vadd.f32 v2, v0  }
0x6b: {  	v2 =	vld [tilespmem:s19+$0x2400]  }
0x6c: {  	v0 =	vadd.f32 v3, v0  }
0x6d: {  	v3 =	vld [tilespmem:s19+$0x2440]  }
0x6e: {  	v0 =	vadd.f32 v1, v0  }
0x6f: {  	v1 =	vld [tilespmem:s19+$0x2480]  }
0x70: {  	v0 =	vadd.f32 v2, v0  }
0x71: {  	v2 =	vld [tilespmem:s19+$0x24C0]  }
0x72: {  	v0 =	vadd.f32 v3, v0  }
0x73: {  	v3 =	vld [tilespmem:s19+$0x2500]  }
0x74: {  	s30 =	sshll.u32 s14, $0xB;
	v0 =	vadd.f32 v1, v0  }
0x75: {  	s16 =	sand.u32 $0x3FFFF800, s30;
	v1 =	vld [tilespmem:s19+$0x2540]  }
0x76: {  	s16 =	sadd.s32 $0x1A900, s16;
	v2 =	vadd.f32 v2, v0  }
0x77: {  	v0 =	vmov s16  }
0x78: {  	v2 =	vadd.f32 v3, v2;
	_ =	sdelay $0x1  }
0x79: {  	s31 =	simm.s32 $0x0;
	v1 =	vadd.f32 v1, v2  }
0x7a: {  	s16 =	sand.u32 $0x3FFFFFC0, s31  }
0x7b: {  	[tilespmem:v0+s16+$0x0 ss:$0x1] =	vst.idx.msk $0xffff, v1  }
0x7c: {  	v1 =	vld [tilespmem:s19+$0x1910]  }
0x7d: {  	v2 =	vld [tilespmem:s19+$0x1950];
	_ =	sdelay $0x1  }
0x7e: {  	v3 =	vld [tilespmem:s19+$0x1990];
	_ =	sdelay $0x1  }
0x7f: {  	v4 =	vld [tilespmem:s19+$0x19D0]  }
0x80: {  	v1 =	vadd.f32 v2, v1  }
0x81: {  	v2 =	vld [tilespmem:s19+$0x1A10]  }
0x82: {  	v1 =	vadd.f32 v3, v1  }
0x83: {  	v3 =	vld [tilespmem:s19+$0x1A50]  }
0x84: {  	v1 =	vadd.f32 v4, v1  }
0x85: {  	v4 =	vld [tilespmem:s19+$0x1A90]  }
0x86: {  	v1 =	vadd.f32 v2, v1  }
0x87: {  	v2 =	vld [tilespmem:s19+$0x1AD0]  }
0x88: {  	v1 =	vadd.f32 v3, v1  }
0x89: {  	v3 =	vld [tilespmem:s19+$0x1B10]  }
0x8a: {  	v1 =	vadd.f32 v4, v1  }
0x8b: {  	v4 =	vld [tilespmem:s19+$0x1B50]  }
0x8c: {  	v1 =	vadd.f32 v2, v1  }
0x8d: {  	v2 =	vld [tilespmem:s19+$0x1B90]  }
0x8e: {  	v1 =	vadd.f32 v3, v1  }
0x8f: {  	v3 =	vld [tilespmem:s19+$0x1BD0]  }
0x90: {  	v1 =	vadd.f32 v4, v1  }
0x91: {  	v4 =	vld [tilespmem:s19+$0x1C10]  }
0x92: {  	v1 =	vadd.f32 v2, v1  }
0x93: {  	v2 =	vld [tilespmem:s19+$0x1C50]  }
0x94: {  	v1 =	vadd.f32 v3, v1  }
0x95: {  	v3 =	vld [tilespmem:s19+$0x1C90]  }
0x96: {  	v1 =	vadd.f32 v4, v1  }
0x97: {  	v4 =	vld [tilespmem:s19+$0x1CD0]  }
0x98: {  	v1 =	vadd.f32 v2, v1  }
0x99: {  	v2 =	vld [tilespmem:s19+$0x1D10]  }
0x9a: {  	v1 =	vadd.f32 v3, v1  }
0x9b: {  	v3 =	vld [tilespmem:s19+$0x1D50]  }
0x9c: {  	v1 =	vadd.f32 v4, v1  }
0x9d: {  	v4 =	vld [tilespmem:s19+$0x1D90]  }
0x9e: {  	v1 =	vadd.f32 v2, v1  }
0x9f: {  	v2 =	vld [tilespmem:s19+$0x1DD0]  }
0xa0: {  	v1 =	vadd.f32 v3, v1  }
0xa1: {  	v3 =	vld [tilespmem:s19+$0x1E10]  }
0xa2: {  	v1 =	vadd.f32 v4, v1  }
0xa3: {  	v4 =	vld [tilespmem:s19+$0x1E50]  }
0xa4: {  	v1 =	vadd.f32 v2, v1  }
0xa5: {  	v2 =	vld [tilespmem:s19+$0x1E90]  }
0xa6: {  	v1 =	vadd.f32 v3, v1  }
0xa7: {  	v3 =	vld [tilespmem:s19+$0x1ED0]  }
0xa8: {  	v1 =	vadd.f32 v4, v1  }
0xa9: {  	v4 =	vld [tilespmem:s19+$0x1F10]  }
0xaa: {  	v1 =	vadd.f32 v2, v1  }
0xab: {  	v2 =	vld [tilespmem:s19+$0x1F50]  }
0xac: {  	v1 =	vadd.f32 v3, v1  }
0xad: {  	v3 =	vld [tilespmem:s19+$0x1F90]  }
0xae: {  	v1 =	vadd.f32 v4, v1  }
0xaf: {  	v4 =	vld [tilespmem:s19+$0x1FD0]  }
0xb0: {  	v1 =	vadd.f32 v2, v1  }
0xb1: {  	v2 =	vld [tilespmem:s19+$0x2010]  }
0xb2: {  	v1 =	vadd.f32 v3, v1  }
0xb3: {  	v3 =	vld [tilespmem:s19+$0x2050]  }
0xb4: {  	v1 =	vadd.f32 v4, v1  }
0xb5: {  	v4 =	vld [tilespmem:s19+$0x2090]  }
0xb6: {  	v1 =	vadd.f32 v2, v1  }
0xb7: {  	v2 =	vld [tilespmem:s19+$0x20D0]  }
0xb8: {  	v1 =	vadd.f32 v3, v1  }
0xb9: {  	v3 =	vld [tilespmem:s19+$0x2110]  }
0xba: {  	v1 =	vadd.f32 v4, v1  }
0xbb: {  	v4 =	vld [tilespmem:s19+$0x2150]  }
0xbc: {  	v1 =	vadd.f32 v2, v1  }
0xbd: {  	v2 =	vld [tilespmem:s19+$0x2190]  }
0xbe: {  	v1 =	vadd.f32 v3, v1  }
0xbf: {  	v3 =	vld [tilespmem:s19+$0x21D0]  }
0xc0: {  	v1 =	vadd.f32 v4, v1  }
0xc1: {  	v4 =	vld [tilespmem:s19+$0x2210]  }
0xc2: {  	v1 =	vadd.f32 v2, v1  }
0xc3: {  	v2 =	vld [tilespmem:s19+$0x2250]  }
0xc4: {  	v1 =	vadd.f32 v3, v1  }
0xc5: {  	v3 =	vld [tilespmem:s19+$0x2290]  }
0xc6: {  	v1 =	vadd.f32 v4, v1  }
0xc7: {  	v4 =	vld [tilespmem:s19+$0x22D0]  }
0xc8: {  	v1 =	vadd.f32 v2, v1  }
0xc9: {  	v2 =	vld [tilespmem:s19+$0x2310]  }
0xca: {  	v1 =	vadd.f32 v3, v1  }
0xcb: {  	v3 =	vld [tilespmem:s19+$0x2350]  }
0xcc: {  	v1 =	vadd.f32 v4, v1  }
0xcd: {  	v4 =	vld [tilespmem:s19+$0x2390]  }
0xce: {  	v1 =	vadd.f32 v2, v1  }
0xcf: {  	v2 =	vld [tilespmem:s19+$0x23D0]  }
0xd0: {  	v1 =	vadd.f32 v3, v1  }
0xd1: {  	v3 =	vld [tilespmem:s19+$0x2410]  }
0xd2: {  	v1 =	vadd.f32 v4, v1  }
0xd3: {  	v4 =	vld [tilespmem:s19+$0x2450]  }
0xd4: {  	v1 =	vadd.f32 v2, v1  }
0xd5: {  	v2 =	vld [tilespmem:s19+$0x2490]  }
0xd6: {  	v1 =	vadd.f32 v3, v1  }
0xd7: {  	v3 =	vld [tilespmem:s19+$0x24D0]  }
0xd8: {  	v1 =	vadd.f32 v4, v1  }
0xd9: {  	v4 =	vld [tilespmem:s19+$0x2510]  }
0xda: {  	v1 =	vadd.f32 v2, v1  }
0xdb: {  	v2 =	vld [tilespmem:s19+$0x2550]  }
0xdc: {  	v1 =	vadd.f32 v3, v1;
	_ =	sdelay $0x1  }
0xdd: {  	v1 =	vadd.f32 v4, v1;
	_ =	sdelay $0x1  }
0xde: {  	v1 =	vadd.f32 v2, v1;
	_ =	sdelay $0x1  }
0xdf: {  	[tilespmem:v0+s16+$0x10 ss:$0x1] =	vst.idx.msk $0xffff, v1  }
0xe0: {  	v1 =	vld [tilespmem:s19+$0x1920]  }
0xe1: {  	v2 =	vld [tilespmem:s19+$0x1960];
	_ =	sdelay $0x1  }
0xe2: {  	v3 =	vld [tilespmem:s19+$0x19A0];
	_ =	sdelay $0x1  }
0xe3: {  	v4 =	vld [tilespmem:s19+$0x19E0]  }
0xe4: {  	v1 =	vadd.f32 v2, v1  }
0xe5: {  	v2 =	vld [tilespmem:s19+$0x1A20]  }
0xe6: {  	v1 =	vadd.f32 v3, v1  }
0xe7: {  	v3 =	vld [tilespmem:s19+$0x1A60]  }
0xe8: {  	v1 =	vadd.f32 v4, v1  }
0xe9: {  	v4 =	vld [tilespmem:s19+$0x1AA0]  }
0xea: {  	v1 =	vadd.f32 v2, v1  }
0xeb: {  	v2 =	vld [tilespmem:s19+$0x1AE0]  }
0xec: {  	v1 =	vadd.f32 v3, v1  }
0xed: {  	v3 =	vld [tilespmem:s19+$0x1B20]  }
0xee: {  	v1 =	vadd.f32 v4, v1  }
0xef: {  	v4 =	vld [tilespmem:s19+$0x1B60]  }
0xf0: {  	v1 =	vadd.f32 v2, v1  }
0xf1: {  	v2 =	vld [tilespmem:s19+$0x1BA0]  }
0xf2: {  	v1 =	vadd.f32 v3, v1  }
0xf3: {  	v3 =	vld [tilespmem:s19+$0x1BE0]  }
0xf4: {  	v1 =	vadd.f32 v4, v1  }
0xf5: {  	v4 =	vld [tilespmem:s19+$0x1C20]  }
0xf6: {  	v1 =	vadd.f32 v2, v1  }
0xf7: {  	v2 =	vld [tilespmem:s19+$0x1C60]  }
0xf8: {  	v1 =	vadd.f32 v3, v1  }
0xf9: {  	v3 =	vld [tilespmem:s19+$0x1CA0]  }
0xfa: {  	v1 =	vadd.f32 v4, v1  }
0xfb: {  	v4 =	vld [tilespmem:s19+$0x1CE0]  }
0xfc: {  	v1 =	vadd.f32 v2, v1  }
0xfd: {  	v2 =	vld [tilespmem:s19+$0x1D20]  }
0xfe: {  	v1 =	vadd.f32 v3, v1  }
0xff: {  	v3 =	vld [tilespmem:s19+$0x1D60]  }
0x100: {  	v1 =	vadd.f32 v4, v1  }
0x101: {  	v4 =	vld [tilespmem:s19+$0x1DA0]  }
0x102: {  	v1 =	vadd.f32 v2, v1  }
0x103: {  	v2 =	vld [tilespmem:s19+$0x1DE0]  }
0x104: {  	v1 =	vadd.f32 v3, v1  }
0x105: {  	v3 =	vld [tilespmem:s19+$0x1E20]  }
0x106: {  	v1 =	vadd.f32 v4, v1  }
0x107: {  	v4 =	vld [tilespmem:s19+$0x1E60]  }
0x108: {  	v1 =	vadd.f32 v2, v1  }
0x109: {  	v2 =	vld [tilespmem:s19+$0x1EA0]  }
0x10a: {  	v1 =	vadd.f32 v3, v1  }
0x10b: {  	v3 =	vld [tilespmem:s19+$0x1EE0]  }
0x10c: {  	v1 =	vadd.f32 v4, v1  }
0x10d: {  	v4 =	vld [tilespmem:s19+$0x1F20]  }
0x10e: {  	v1 =	vadd.f32 v2, v1  }
0x10f: {  	v2 =	vld [tilespmem:s19+$0x1F60]  }
0x110: {  	v1 =	vadd.f32 v3, v1  }
0x111: {  	v3 =	vld [tilespmem:s19+$0x1FA0]  }
0x112: {  	v1 =	vadd.f32 v4, v1  }
0x113: {  	v4 =	vld [tilespmem:s19+$0x1FE0]  }
0x114: {  	v1 =	vadd.f32 v2, v1  }
0x115: {  	v2 =	vld [tilespmem:s19+$0x2020]  }
0x116: {  	v1 =	vadd.f32 v3, v1  }
0x117: {  	v3 =	vld [tilespmem:s19+$0x2060]  }
0x118: {  	v1 =	vadd.f32 v4, v1  }
0x119: {  	v4 =	vld [tilespmem:s19+$0x20A0]  }
0x11a: {  	v1 =	vadd.f32 v2, v1  }
0x11b: {  	v2 =	vld [tilespmem:s19+$0x20E0]  }
0x11c: {  	v1 =	vadd.f32 v3, v1  }
0x11d: {  	v3 =	vld [tilespmem:s19+$0x2120]  }
0x11e: {  	v1 =	vadd.f32 v4, v1  }
0x11f: {  	v4 =	vld [tilespmem:s19+$0x2160]  }
0x120: {  	v1 =	vadd.f32 v2, v1  }
0x121: {  	v2 =	vld [tilespmem:s19+$0x21A0]  }
0x122: {  	v1 =	vadd.f32 v3, v1  }
0x123: {  	v3 =	vld [tilespmem:s19+$0x21E0]  }
0x124: {  	v1 =	vadd.f32 v4, v1  }
0x125: {  	v4 =	vld [tilespmem:s19+$0x2220]  }
0x126: {  	v1 =	vadd.f32 v2, v1  }
0x127: {  	v2 =	vld [tilespmem:s19+$0x2260]  }
0x128: {  	v1 =	vadd.f32 v3, v1  }
0x129: {  	v3 =	vld [tilespmem:s19+$0x22A0]  }
0x12a: {  	v1 =	vadd.f32 v4, v1  }
0x12b: {  	v4 =	vld [tilespmem:s19+$0x22E0]  }
0x12c: {  	v1 =	vadd.f32 v2, v1  }
0x12d: {  	v2 =	vld [tilespmem:s19+$0x2320]  }
0x12e: {  	v1 =	vadd.f32 v3, v1  }
0x12f: {  	v3 =	vld [tilespmem:s19+$0x2360]  }
0x130: {  	v1 =	vadd.f32 v4, v1  }
0x131: {  	v4 =	vld [tilespmem:s19+$0x23A0]  }
0x132: {  	v1 =	vadd.f32 v2, v1  }
0x133: {  	v2 =	vld [tilespmem:s19+$0x23E0]  }
0x134: {  	v1 =	vadd.f32 v3, v1  }
0x135: {  	v3 =	vld [tilespmem:s19+$0x2420]  }
0x136: {  	v1 =	vadd.f32 v4, v1  }
0x137: {  	v4 =	vld [tilespmem:s19+$0x2460]  }
0x138: {  	v1 =	vadd.f32 v2, v1  }
0x139: {  	v2 =	vld [tilespmem:s19+$0x24A0]  }
0x13a: {  	v1 =	vadd.f32 v3, v1  }
0x13b: {  	v3 =	vld [tilespmem:s19+$0x24E0]  }
0x13c: {  	v1 =	vadd.f32 v4, v1  }
0x13d: {  	v4 =	vld [tilespmem:s19+$0x2520]  }
0x13e: {  	v1 =	vadd.f32 v2, v1  }
0x13f: {  	v2 =	vld [tilespmem:s19+$0x2560]  }
0x140: {  	v1 =	vadd.f32 v3, v1;
	_ =	sdelay $0x1  }
0x141: {  	v1 =	vadd.f32 v4, v1;
	_ =	sdelay $0x1  }
0x142: {  	v1 =	vadd.f32 v2, v1;
	_ =	sdelay $0x1  }
0x143: {  	[tilespmem:v0+s16+$0x20 ss:$0x1] =	vst.idx.msk $0xffff, v1  }
0x144: {  	v1 =	vld [tilespmem:s19+$0x1930]  }
0x145: {  	v2 =	vld [tilespmem:s19+$0x1970];
	_ =	sdelay $0x1  }
0x146: {  	v3 =	vld [tilespmem:s19+$0x19B0];
	_ =	sdelay $0x1  }
0x147: {  	v4 =	vld [tilespmem:s19+$0x19F0]  }
0x148: {  	v1 =	vadd.f32 v2, v1  }
0x149: {  	v2 =	vld [tilespmem:s19+$0x1A30]  }
0x14a: {  	v1 =	vadd.f32 v3, v1  }
0x14b: {  	v3 =	vld [tilespmem:s19+$0x1A70]  }
0x14c: {  	v1 =	vadd.f32 v4, v1  }
0x14d: {  	v4 =	vld [tilespmem:s19+$0x1AB0]  }
0x14e: {  	v1 =	vadd.f32 v2, v1  }
0x14f: {  	v2 =	vld [tilespmem:s19+$0x1AF0]  }
0x150: {  	v1 =	vadd.f32 v3, v1  }
0x151: {  	v3 =	vld [tilespmem:s19+$0x1B30]  }
0x152: {  	v1 =	vadd.f32 v4, v1  }
0x153: {  	v4 =	vld [tilespmem:s19+$0x1B70]  }
0x154: {  	v1 =	vadd.f32 v2, v1  }
0x155: {  	v2 =	vld [tilespmem:s19+$0x1BB0]  }
0x156: {  	v1 =	vadd.f32 v3, v1  }
0x157: {  	v3 =	vld [tilespmem:s19+$0x1BF0]  }
0x158: {  	v1 =	vadd.f32 v4, v1  }
0x159: {  	v4 =	vld [tilespmem:s19+$0x1C30]  }
0x15a: {  	v1 =	vadd.f32 v2, v1  }
0x15b: {  	v2 =	vld [tilespmem:s19+$0x1C70]  }
0x15c: {  	v1 =	vadd.f32 v3, v1  }
0x15d: {  	v3 =	vld [tilespmem:s19+$0x1CB0]  }
0x15e: {  	v1 =	vadd.f32 v4, v1  }
0x15f: {  	v4 =	vld [tilespmem:s19+$0x1CF0]  }
0x160: {  	v1 =	vadd.f32 v2, v1  }
0x161: {  	v2 =	vld [tilespmem:s19+$0x1D30]  }
0x162: {  	v1 =	vadd.f32 v3, v1  }
0x163: {  	v3 =	vld [tilespmem:s19+$0x1D70]  }
0x164: {  	v1 =	vadd.f32 v4, v1  }
0x165: {  	v4 =	vld [tilespmem:s19+$0x1DB0]  }
0x166: {  	v1 =	vadd.f32 v2, v1  }
0x167: {  	v2 =	vld [tilespmem:s19+$0x1DF0]  }
0x168: {  	v1 =	vadd.f32 v3, v1  }
0x169: {  	v3 =	vld [tilespmem:s19+$0x1E30]  }
0x16a: {  	v1 =	vadd.f32 v4, v1  }
0x16b: {  	v4 =	vld [tilespmem:s19+$0x1E70]  }
0x16c: {  	v1 =	vadd.f32 v2, v1  }
0x16d: {  	v2 =	vld [tilespmem:s19+$0x1EB0]  }
0x16e: {  	v1 =	vadd.f32 v3, v1  }
0x16f: {  	v3 =	vld [tilespmem:s19+$0x1EF0]  }
0x170: {  	v1 =	vadd.f32 v4, v1  }
0x171: {  	v4 =	vld [tilespmem:s19+$0x1F30]  }
0x172: {  	v1 =	vadd.f32 v2, v1  }
0x173: {  	v2 =	vld [tilespmem:s19+$0x1F70]  }
0x174: {  	v1 =	vadd.f32 v3, v1  }
0x175: {  	v3 =	vld [tilespmem:s19+$0x1FB0]  }
0x176: {  	v1 =	vadd.f32 v4, v1  }
0x177: {  	v4 =	vld [tilespmem:s19+$0x1FF0]  }
0x178: {  	v1 =	vadd.f32 v2, v1  }
0x179: {  	v2 =	vld [tilespmem:s19+$0x2030]  }
0x17a: {  	v1 =	vadd.f32 v3, v1  }
0x17b: {  	v3 =	vld [tilespmem:s19+$0x2070]  }
0x17c: {  	v1 =	vadd.f32 v4, v1  }
0x17d: {  	v4 =	vld [tilespmem:s19+$0x20B0]  }
0x17e: {  	v1 =	vadd.f32 v2, v1  }
0x17f: {  	v2 =	vld [tilespmem:s19+$0x20F0]  }
0x180: {  	v1 =	vadd.f32 v3, v1  }
0x181: {  	v3 =	vld [tilespmem:s19+$0x2130]  }
0x182: {  	v1 =	vadd.f32 v4, v1  }
0x183: {  	v4 =	vld [tilespmem:s19+$0x2170]  }
0x184: {  	v1 =	vadd.f32 v2, v1  }
0x185: {  	v2 =	vld [tilespmem:s19+$0x21B0]  }
0x186: {  	v1 =	vadd.f32 v3, v1  }
0x187: {  	v3 =	vld [tilespmem:s19+$0x21F0]  }
0x188: {  	v1 =	vadd.f32 v4, v1  }
0x189: {  	v4 =	vld [tilespmem:s19+$0x2230]  }
0x18a: {  	v1 =	vadd.f32 v2, v1  }
0x18b: {  	v2 =	vld [tilespmem:s19+$0x2270]  }
0x18c: {  	v1 =	vadd.f32 v3, v1  }
0x18d: {  	v3 =	vld [tilespmem:s19+$0x22B0]  }
0x18e: {  	v1 =	vadd.f32 v4, v1  }
0x18f: {  	v4 =	vld [tilespmem:s19+$0x22F0]  }
0x190: {  	v1 =	vadd.f32 v2, v1  }
0x191: {  	v2 =	vld [tilespmem:s19+$0x2330]  }
0x192: {  	v1 =	vadd.f32 v3, v1  }
0x193: {  	v3 =	vld [tilespmem:s19+$0x2370]  }
0x194: {  	v1 =	vadd.f32 v4, v1  }
0x195: {  	v4 =	vld [tilespmem:s19+$0x23B0]  }
0x196: {  	v1 =	vadd.f32 v2, v1  }
0x197: {  	v2 =	vld [tilespmem:s19+$0x23F0]  }
0x198: {  	v1 =	vadd.f32 v3, v1  }
0x199: {  	v3 =	vld [tilespmem:s19+$0x2430]  }
0x19a: {  	v1 =	vadd.f32 v4, v1  }
0x19b: {  	v4 =	vld [tilespmem:s19+$0x2470]  }
0x19c: {  	v1 =	vadd.f32 v2, v1  }
0x19d: {  	v2 =	vld [tilespmem:s19+$0x24B0]  }
0x19e: {  	v1 =	vadd.f32 v3, v1;
	_ =	sdelay $0x1  }
0x19f: {  	v3 =	vld [tilespmem:s19+$0x24F0];
	v1 =	vadd.f32 v4, v1;
	_ =	sdelay $0x1  }
0x1a0: {  	v4 =	vadd.f32 v2, v1;
	v1 =	vld [tilespmem:s19+$0x2530];
	_ =	sdelay $0x1  }
0x1a1: {  	v2 =	vld [tilespmem:s19+$0x2570]  }
0x1a2: {  	s18 =	simm.s32 $0x1;
	s17 =	sshll.u32 s14, $0x1;
	v3 =	vadd.f32 v3, v4  }
.LBB2_3:
0x1a3: {  	p0 =	sne.s32 s18, $0xF;
	s20 =	smov.u32 s18;
	s18 =	sadd.s32 $0x1, s18  }
0x1a4: {  	v1 =	vadd.f32 v1, v3  }
0x1a5: {  	s19 =	smul.u32 $0x3200, s20  }
0x1a6: {  	v1 =	vadd.f32 v2, v1  }
0x1a7: {  	s19 =	sshra.s32 s19, $0x2  }
0x1a8: {  	[tilespmem:v0+s16+$0x30 ss:$0x1] =	vst.idx.msk $0xffff, v1  }
0x1a9: {  	v1 =	vld [tilespmem:s19+$0x1900]  }
0x1aa: {  	v2 =	vld [tilespmem:s19+$0x1940];
	_ =	sdelay $0x1  }
0x1ab: {  	v3 =	vld [tilespmem:s19+$0x1980];
	_ =	sdelay $0x1  }
0x1ac: {  	v4 =	vld [tilespmem:s19+$0x19C0]  }
0x1ad: {  	v1 =	vadd.f32 v2, v1  }
0x1ae: {  	v2 =	vld [tilespmem:s19+$0x1A00]  }
0x1af: {  	v1 =	vadd.f32 v3, v1  }
0x1b0: {  	v3 =	vld [tilespmem:s19+$0x1A40]  }
0x1b1: {  	v1 =	vadd.f32 v4, v1  }
0x1b2: {  	v4 =	vld [tilespmem:s19+$0x1A80]  }
0x1b3: {  	v1 =	vadd.f32 v2, v1  }
0x1b4: {  	v2 =	vld [tilespmem:s19+$0x1AC0]  }
0x1b5: {  	v1 =	vadd.f32 v3, v1  }
0x1b6: {  	v3 =	vld [tilespmem:s19+$0x1B00]  }
0x1b7: {  	v1 =	vadd.f32 v4, v1  }
0x1b8: {  	v4 =	vld [tilespmem:s19+$0x1B40]  }
0x1b9: {  	v1 =	vadd.f32 v2, v1  }
0x1ba: {  	v2 =	vld [tilespmem:s19+$0x1B80]  }
0x1bb: {  	v1 =	vadd.f32 v3, v1  }
0x1bc: {  	v3 =	vld [tilespmem:s19+$0x1BC0]  }
0x1bd: {  	v1 =	vadd.f32 v4, v1  }
0x1be: {  	v4 =	vld [tilespmem:s19+$0x1C00]  }
0x1bf: {  	v1 =	vadd.f32 v2, v1  }
0x1c0: {  	v2 =	vld [tilespmem:s19+$0x1C40]  }
0x1c1: {  	v1 =	vadd.f32 v3, v1  }
0x1c2: {  	v3 =	vld [tilespmem:s19+$0x1C80]  }
0x1c3: {  	v1 =	vadd.f32 v4, v1  }
0x1c4: {  	v4 =	vld [tilespmem:s19+$0x1CC0]  }
0x1c5: {  	v1 =	vadd.f32 v2, v1  }
0x1c6: {  	v2 =	vld [tilespmem:s19+$0x1D00]  }
0x1c7: {  	v1 =	vadd.f32 v3, v1  }
0x1c8: {  	v3 =	vld [tilespmem:s19+$0x1D40]  }
0x1c9: {  	v1 =	vadd.f32 v4, v1  }
0x1ca: {  	v4 =	vld [tilespmem:s19+$0x1D80]  }
0x1cb: {  	v1 =	vadd.f32 v2, v1  }
0x1cc: {  	v2 =	vld [tilespmem:s19+$0x1DC0]  }
0x1cd: {  	v1 =	vadd.f32 v3, v1  }
0x1ce: {  	v3 =	vld [tilespmem:s19+$0x1E00]  }
0x1cf: {  	v1 =	vadd.f32 v4, v1  }
0x1d0: {  	v4 =	vld [tilespmem:s19+$0x1E40]  }
0x1d1: {  	v1 =	vadd.f32 v2, v1  }
0x1d2: {  	v2 =	vld [tilespmem:s19+$0x1E80]  }
0x1d3: {  	v1 =	vadd.f32 v3, v1  }
0x1d4: {  	v3 =	vld [tilespmem:s19+$0x1EC0]  }
0x1d5: {  	v1 =	vadd.f32 v4, v1  }
0x1d6: {  	v4 =	vld [tilespmem:s19+$0x1F00]  }
0x1d7: {  	v1 =	vadd.f32 v2, v1  }
0x1d8: {  	v2 =	vld [tilespmem:s19+$0x1F40]  }
0x1d9: {  	v1 =	vadd.f32 v3, v1  }
0x1da: {  	v3 =	vld [tilespmem:s19+$0x1F80]  }
0x1db: {  	v1 =	vadd.f32 v4, v1  }
0x1dc: {  	v4 =	vld [tilespmem:s19+$0x1FC0]  }
0x1dd: {  	v1 =	vadd.f32 v2, v1  }
0x1de: {  	v2 =	vld [tilespmem:s19+$0x2000]  }
0x1df: {  	v1 =	vadd.f32 v3, v1  }
0x1e0: {  	v3 =	vld [tilespmem:s19+$0x2040]  }
0x1e1: {  	v1 =	vadd.f32 v4, v1  }
0x1e2: {  	v4 =	vld [tilespmem:s19+$0x2080]  }
0x1e3: {  	v1 =	vadd.f32 v2, v1  }
0x1e4: {  	v2 =	vld [tilespmem:s19+$0x20C0]  }
0x1e5: {  	v1 =	vadd.f32 v3, v1  }
0x1e6: {  	v3 =	vld [tilespmem:s19+$0x2100]  }
0x1e7: {  	v1 =	vadd.f32 v4, v1  }
0x1e8: {  	v4 =	vld [tilespmem:s19+$0x2140]  }
0x1e9: {  	v1 =	vadd.f32 v2, v1  }
0x1ea: {  	v2 =	vld [tilespmem:s19+$0x2180]  }
0x1eb: {  	v1 =	vadd.f32 v3, v1  }
0x1ec: {  	v3 =	vld [tilespmem:s19+$0x21C0]  }
0x1ed: {  	v1 =	vadd.f32 v4, v1  }
0x1ee: {  	v4 =	vld [tilespmem:s19+$0x2200]  }
0x1ef: {  	v1 =	vadd.f32 v2, v1  }
0x1f0: {  	v2 =	vld [tilespmem:s19+$0x2240]  }
0x1f1: {  	v1 =	vadd.f32 v3, v1  }
0x1f2: {  	v3 =	vld [tilespmem:s19+$0x2280]  }
0x1f3: {  	v1 =	vadd.f32 v4, v1  }
0x1f4: {  	v4 =	vld [tilespmem:s19+$0x22C0]  }
0x1f5: {  	v1 =	vadd.f32 v2, v1  }
0x1f6: {  	v2 =	vld [tilespmem:s19+$0x2300]  }
0x1f7: {  	v1 =	vadd.f32 v3, v1  }
0x1f8: {  	v3 =	vld [tilespmem:s19+$0x2340]  }
0x1f9: {  	v1 =	vadd.f32 v4, v1  }
0x1fa: {  	v4 =	vld [tilespmem:s19+$0x2380]  }
0x1fb: {  	v1 =	vadd.f32 v2, v1  }
0x1fc: {  	v2 =	vld [tilespmem:s19+$0x23C0]  }
0x1fd: {  	v1 =	vadd.f32 v3, v1  }
0x1fe: {  	v3 =	vld [tilespmem:s19+$0x2400]  }
0x1ff: {  	v1 =	vadd.f32 v4, v1  }
0x200: {  	v4 =	vld [tilespmem:s19+$0x2440]  }
0x201: {  	v1 =	vadd.f32 v2, v1  }
0x202: {  	v2 =	vld [tilespmem:s19+$0x2480]  }
0x203: {  	v1 =	vadd.f32 v3, v1  }
0x204: {  	v3 =	vld [tilespmem:s19+$0x24C0]  }
0x205: {  	v1 =	vadd.f32 v4, v1  }
0x206: {  	v4 =	vld [tilespmem:s19+$0x2500]  }
0x207: {  	v1 =	vadd.f32 v2, v1  }
0x208: {  	v2 =	vld [tilespmem:s19+$0x2540]  }
0x209: {  	v1 =	vadd.f32 v3, v1;
	_ =	sdelay $0x1  }
0x20a: {  	v1 =	vadd.f32 v4, v1;
	_ =	sdelay $0x1  }
0x20b: {  	s16 =	sshll.u32 s20, $0x6;
	v1 =	vadd.f32 v2, v1  }
0x20c: {  	s16 =	sand.u32 $0x3FFFFFC0, s16  }
0x20d: {  	[tilespmem:v0+s16+$0x0 ss:$0x1] =	vst.idx.msk $0xffff, v1  }
0x20e: {  	v1 =	vld [tilespmem:s19+$0x1910]  }
0x20f: {  	v2 =	vld [tilespmem:s19+$0x1950];
	_ =	sdelay $0x1  }
0x210: {  	v3 =	vld [tilespmem:s19+$0x1990];
	_ =	sdelay $0x1  }
0x211: {  	v4 =	vld [tilespmem:s19+$0x19D0]  }
0x212: {  	v1 =	vadd.f32 v2, v1  }
0x213: {  	v2 =	vld [tilespmem:s19+$0x1A10]  }
0x214: {  	v1 =	vadd.f32 v3, v1  }
0x215: {  	v3 =	vld [tilespmem:s19+$0x1A50]  }
0x216: {  	v1 =	vadd.f32 v4, v1  }
0x217: {  	v4 =	vld [tilespmem:s19+$0x1A90]  }
0x218: {  	v1 =	vadd.f32 v2, v1  }
0x219: {  	v2 =	vld [tilespmem:s19+$0x1AD0]  }
0x21a: {  	v1 =	vadd.f32 v3, v1  }
0x21b: {  	v3 =	vld [tilespmem:s19+$0x1B10]  }
0x21c: {  	v1 =	vadd.f32 v4, v1  }
0x21d: {  	v4 =	vld [tilespmem:s19+$0x1B50]  }
0x21e: {  	v1 =	vadd.f32 v2, v1  }
0x21f: {  	v2 =	vld [tilespmem:s19+$0x1B90]  }
0x220: {  	v1 =	vadd.f32 v3, v1  }
0x221: {  	v3 =	vld [tilespmem:s19+$0x1BD0]  }
0x222: {  	v1 =	vadd.f32 v4, v1  }
0x223: {  	v4 =	vld [tilespmem:s19+$0x1C10]  }
0x224: {  	v1 =	vadd.f32 v2, v1  }
0x225: {  	v2 =	vld [tilespmem:s19+$0x1C50]  }
0x226: {  	v1 =	vadd.f32 v3, v1  }
0x227: {  	v3 =	vld [tilespmem:s19+$0x1C90]  }
0x228: {  	v1 =	vadd.f32 v4, v1  }
0x229: {  	v4 =	vld [tilespmem:s19+$0x1CD0]  }
0x22a: {  	v1 =	vadd.f32 v2, v1  }
0x22b: {  	v2 =	vld [tilespmem:s19+$0x1D10]  }
0x22c: {  	v1 =	vadd.f32 v3, v1  }
0x22d: {  	v3 =	vld [tilespmem:s19+$0x1D50]  }
0x22e: {  	v1 =	vadd.f32 v4, v1  }
0x22f: {  	v4 =	vld [tilespmem:s19+$0x1D90]  }
0x230: {  	v1 =	vadd.f32 v2, v1  }
0x231: {  	v2 =	vld [tilespmem:s19+$0x1DD0]  }
0x232: {  	v1 =	vadd.f32 v3, v1  }
0x233: {  	v3 =	vld [tilespmem:s19+$0x1E10]  }
0x234: {  	v1 =	vadd.f32 v4, v1  }
0x235: {  	v4 =	vld [tilespmem:s19+$0x1E50]  }
0x236: {  	v1 =	vadd.f32 v2, v1  }
0x237: {  	v2 =	vld [tilespmem:s19+$0x1E90]  }
0x238: {  	v1 =	vadd.f32 v3, v1  }
0x239: {  	v3 =	vld [tilespmem:s19+$0x1ED0]  }
0x23a: {  	v1 =	vadd.f32 v4, v1  }
0x23b: {  	v4 =	vld [tilespmem:s19+$0x1F10]  }
0x23c: {  	v1 =	vadd.f32 v2, v1  }
0x23d: {  	v2 =	vld [tilespmem:s19+$0x1F50]  }
0x23e: {  	v1 =	vadd.f32 v3, v1  }
0x23f: {  	v3 =	vld [tilespmem:s19+$0x1F90]  }
0x240: {  	v1 =	vadd.f32 v4, v1  }
0x241: {  	v4 =	vld [tilespmem:s19+$0x1FD0]  }
0x242: {  	v1 =	vadd.f32 v2, v1  }
0x243: {  	v2 =	vld [tilespmem:s19+$0x2010]  }
0x244: {  	v1 =	vadd.f32 v3, v1  }
0x245: {  	v3 =	vld [tilespmem:s19+$0x2050]  }
0x246: {  	v1 =	vadd.f32 v4, v1  }
0x247: {  	v4 =	vld [tilespmem:s19+$0x2090]  }
0x248: {  	v1 =	vadd.f32 v2, v1  }
0x249: {  	v2 =	vld [tilespmem:s19+$0x20D0]  }
0x24a: {  	v1 =	vadd.f32 v3, v1  }
0x24b: {  	v3 =	vld [tilespmem:s19+$0x2110]  }
0x24c: {  	v1 =	vadd.f32 v4, v1  }
0x24d: {  	v4 =	vld [tilespmem:s19+$0x2150]  }
0x24e: {  	v1 =	vadd.f32 v2, v1  }
0x24f: {  	v2 =	vld [tilespmem:s19+$0x2190]  }
0x250: {  	v1 =	vadd.f32 v3, v1  }
0x251: {  	v3 =	vld [tilespmem:s19+$0x21D0]  }
0x252: {  	v1 =	vadd.f32 v4, v1  }
0x253: {  	v4 =	vld [tilespmem:s19+$0x2210]  }
0x254: {  	v1 =	vadd.f32 v2, v1  }
0x255: {  	v2 =	vld [tilespmem:s19+$0x2250]  }
0x256: {  	v1 =	vadd.f32 v3, v1  }
0x257: {  	v3 =	vld [tilespmem:s19+$0x2290]  }
0x258: {  	v1 =	vadd.f32 v4, v1  }
0x259: {  	v4 =	vld [tilespmem:s19+$0x22D0]  }
0x25a: {  	v1 =	vadd.f32 v2, v1  }
0x25b: {  	v2 =	vld [tilespmem:s19+$0x2310]  }
0x25c: {  	v1 =	vadd.f32 v3, v1  }
0x25d: {  	v3 =	vld [tilespmem:s19+$0x2350]  }
0x25e: {  	v1 =	vadd.f32 v4, v1  }
0x25f: {  	v4 =	vld [tilespmem:s19+$0x2390]  }
0x260: {  	v1 =	vadd.f32 v2, v1  }
0x261: {  	v2 =	vld [tilespmem:s19+$0x23D0]  }
0x262: {  	v1 =	vadd.f32 v3, v1  }
0x263: {  	v3 =	vld [tilespmem:s19+$0x2410]  }
0x264: {  	v1 =	vadd.f32 v4, v1  }
0x265: {  	v4 =	vld [tilespmem:s19+$0x2450]  }
0x266: {  	v1 =	vadd.f32 v2, v1  }
0x267: {  	v2 =	vld [tilespmem:s19+$0x2490]  }
0x268: {  	v1 =	vadd.f32 v3, v1  }
0x269: {  	v3 =	vld [tilespmem:s19+$0x24D0]  }
0x26a: {  	v1 =	vadd.f32 v4, v1  }
0x26b: {  	v4 =	vld [tilespmem:s19+$0x2510]  }
0x26c: {  	v1 =	vadd.f32 v2, v1  }
0x26d: {  	v2 =	vld [tilespmem:s19+$0x2550]  }
0x26e: {  	v1 =	vadd.f32 v3, v1;
	_ =	sdelay $0x1  }
0x26f: {  	v1 =	vadd.f32 v4, v1;
	_ =	sdelay $0x1  }
0x270: {  	v1 =	vadd.f32 v2, v1;
	_ =	sdelay $0x1  }
0x271: {  	[tilespmem:v0+s16+$0x10 ss:$0x1] =	vst.idx.msk $0xffff, v1  }
0x272: {  	v1 =	vld [tilespmem:s19+$0x1920]  }
0x273: {  	v2 =	vld [tilespmem:s19+$0x1960];
	_ =	sdelay $0x1  }
0x274: {  	v3 =	vld [tilespmem:s19+$0x19A0];
	_ =	sdelay $0x1  }
0x275: {  	v4 =	vld [tilespmem:s19+$0x19E0]  }
0x276: {  	v1 =	vadd.f32 v2, v1  }
0x277: {  	v2 =	vld [tilespmem:s19+$0x1A20]  }
0x278: {  	v1 =	vadd.f32 v3, v1  }
0x279: {  	v3 =	vld [tilespmem:s19+$0x1A60]  }
0x27a: {  	v1 =	vadd.f32 v4, v1  }
0x27b: {  	v4 =	vld [tilespmem:s19+$0x1AA0]  }
0x27c: {  	v1 =	vadd.f32 v2, v1  }
0x27d: {  	v2 =	vld [tilespmem:s19+$0x1AE0]  }
0x27e: {  	v1 =	vadd.f32 v3, v1  }
0x27f: {  	v3 =	vld [tilespmem:s19+$0x1B20]  }
0x280: {  	v1 =	vadd.f32 v4, v1  }
0x281: {  	v4 =	vld [tilespmem:s19+$0x1B60]  }
0x282: {  	v1 =	vadd.f32 v2, v1  }
0x283: {  	v2 =	vld [tilespmem:s19+$0x1BA0]  }
0x284: {  	v1 =	vadd.f32 v3, v1  }
0x285: {  	v3 =	vld [tilespmem:s19+$0x1BE0]  }
0x286: {  	v1 =	vadd.f32 v4, v1  }
0x287: {  	v4 =	vld [tilespmem:s19+$0x1C20]  }
0x288: {  	v1 =	vadd.f32 v2, v1  }
0x289: {  	v2 =	vld [tilespmem:s19+$0x1C60]  }
0x28a: {  	v1 =	vadd.f32 v3, v1  }
0x28b: {  	v3 =	vld [tilespmem:s19+$0x1CA0]  }
0x28c: {  	v1 =	vadd.f32 v4, v1  }
0x28d: {  	v4 =	vld [tilespmem:s19+$0x1CE0]  }
0x28e: {  	v1 =	vadd.f32 v2, v1  }
0x28f: {  	v2 =	vld [tilespmem:s19+$0x1D20]  }
0x290: {  	v1 =	vadd.f32 v3, v1  }
0x291: {  	v3 =	vld [tilespmem:s19+$0x1D60]  }
0x292: {  	v1 =	vadd.f32 v4, v1  }
0x293: {  	v4 =	vld [tilespmem:s19+$0x1DA0]  }
0x294: {  	v1 =	vadd.f32 v2, v1  }
0x295: {  	v2 =	vld [tilespmem:s19+$0x1DE0]  }
0x296: {  	v1 =	vadd.f32 v3, v1  }
0x297: {  	v3 =	vld [tilespmem:s19+$0x1E20]  }
0x298: {  	v1 =	vadd.f32 v4, v1  }
0x299: {  	v4 =	vld [tilespmem:s19+$0x1E60]  }
0x29a: {  	v1 =	vadd.f32 v2, v1  }
0x29b: {  	v2 =	vld [tilespmem:s19+$0x1EA0]  }
0x29c: {  	v1 =	vadd.f32 v3, v1  }
0x29d: {  	v3 =	vld [tilespmem:s19+$0x1EE0]  }
0x29e: {  	v1 =	vadd.f32 v4, v1  }
0x29f: {  	v4 =	vld [tilespmem:s19+$0x1F20]  }
0x2a0: {  	v1 =	vadd.f32 v2, v1  }
0x2a1: {  	v2 =	vld [tilespmem:s19+$0x1F60]  }
0x2a2: {  	v1 =	vadd.f32 v3, v1  }
0x2a3: {  	v3 =	vld [tilespmem:s19+$0x1FA0]  }
0x2a4: {  	v1 =	vadd.f32 v4, v1  }
0x2a5: {  	v4 =	vld [tilespmem:s19+$0x1FE0]  }
0x2a6: {  	v1 =	vadd.f32 v2, v1  }
0x2a7: {  	v2 =	vld [tilespmem:s19+$0x2020]  }
0x2a8: {  	v1 =	vadd.f32 v3, v1  }
0x2a9: {  	v3 =	vld [tilespmem:s19+$0x2060]  }
0x2aa: {  	v1 =	vadd.f32 v4, v1  }
0x2ab: {  	v4 =	vld [tilespmem:s19+$0x20A0]  }
0x2ac: {  	v1 =	vadd.f32 v2, v1  }
0x2ad: {  	v2 =	vld [tilespmem:s19+$0x20E0]  }
0x2ae: {  	v1 =	vadd.f32 v3, v1  }
0x2af: {  	v3 =	vld [tilespmem:s19+$0x2120]  }
0x2b0: {  	v1 =	vadd.f32 v4, v1  }
0x2b1: {  	v4 =	vld [tilespmem:s19+$0x2160]  }
0x2b2: {  	v1 =	vadd.f32 v2, v1  }
0x2b3: {  	v2 =	vld [tilespmem:s19+$0x21A0]  }
0x2b4: {  	v1 =	vadd.f32 v3, v1  }
0x2b5: {  	v3 =	vld [tilespmem:s19+$0x21E0]  }
0x2b6: {  	v1 =	vadd.f32 v4, v1  }
0x2b7: {  	v4 =	vld [tilespmem:s19+$0x2220]  }
0x2b8: {  	v1 =	vadd.f32 v2, v1  }
0x2b9: {  	v2 =	vld [tilespmem:s19+$0x2260]  }
0x2ba: {  	v1 =	vadd.f32 v3, v1  }
0x2bb: {  	v3 =	vld [tilespmem:s19+$0x22A0]  }
0x2bc: {  	v1 =	vadd.f32 v4, v1  }
0x2bd: {  	v4 =	vld [tilespmem:s19+$0x22E0]  }
0x2be: {  	v1 =	vadd.f32 v2, v1  }
0x2bf: {  	v2 =	vld [tilespmem:s19+$0x2320]  }
0x2c0: {  	v1 =	vadd.f32 v3, v1  }
0x2c1: {  	v3 =	vld [tilespmem:s19+$0x2360]  }
0x2c2: {  	v1 =	vadd.f32 v4, v1  }
0x2c3: {  	v4 =	vld [tilespmem:s19+$0x23A0]  }
0x2c4: {  	v1 =	vadd.f32 v2, v1  }
0x2c5: {  	v2 =	vld [tilespmem:s19+$0x23E0]  }
0x2c6: {  	v1 =	vadd.f32 v3, v1  }
0x2c7: {  	v3 =	vld [tilespmem:s19+$0x2420]  }
0x2c8: {  	v1 =	vadd.f32 v4, v1  }
0x2c9: {  	v4 =	vld [tilespmem:s19+$0x2460]  }
0x2ca: {  	v1 =	vadd.f32 v2, v1  }
0x2cb: {  	v2 =	vld [tilespmem:s19+$0x24A0]  }
0x2cc: {  	v1 =	vadd.f32 v3, v1  }
0x2cd: {  	v3 =	vld [tilespmem:s19+$0x24E0]  }
0x2ce: {  	v1 =	vadd.f32 v4, v1  }
0x2cf: {  	v4 =	vld [tilespmem:s19+$0x2520]  }
0x2d0: {  	v1 =	vadd.f32 v2, v1  }
0x2d1: {  	v2 =	vld [tilespmem:s19+$0x2560]  }
0x2d2: {  	v1 =	vadd.f32 v3, v1;
	_ =	sdelay $0x1  }
0x2d3: {  	v1 =	vadd.f32 v4, v1;
	_ =	sdelay $0x1  }
0x2d4: {  	v1 =	vadd.f32 v2, v1;
	_ =	sdelay $0x1  }
0x2d5: {  	[tilespmem:v0+s16+$0x20 ss:$0x1] =	vst.idx.msk $0xffff, v1  }
0x2d6: {  	v1 =	vld [tilespmem:s19+$0x1930]  }
0x2d7: {  	v2 =	vld [tilespmem:s19+$0x1970]  }
0x2d8: {  	v3 =	vld [tilespmem:s19+$0x19B0]  }
0x2d9: {  	v4 =	vld [tilespmem:s19+$0x19F0]  }
0x2da: {  	v5 =	vld [tilespmem:s19+$0x1A30]  }
0x2db: {  	v6 =	vld [tilespmem:s19+$0x1A70]  }
0x2dc: {  	v1 =	vadd.f32 v2, v1;
	v2 =	vld [tilespmem:s19+$0x1AB0]  }
0x2dd: {  	v7 =	vld [tilespmem:s19+$0x1AF0]  }
0x2de: {  	v1 =	vadd.f32 v3, v1;
	v3 =	vld [tilespmem:s19+$0x1B30]  }
0x2df: {  	v8 =	vld [tilespmem:s19+$0x1B70]  }
0x2e0: {  	v1 =	vadd.f32 v4, v1;
	v4 =	vld [tilespmem:s19+$0x1BB0]  }
0x2e1: {  	v9 =	vld [tilespmem:s19+$0x1BF0]  }
0x2e2: {  	v1 =	vadd.f32 v5, v1;
	v5 =	vld [tilespmem:s19+$0x1C30]  }
0x2e3: {  	v10 =	vld [tilespmem:s19+$0x1C70]  }
0x2e4: {  	v1 =	vadd.f32 v6, v1;
	v6 =	vld [tilespmem:s19+$0x1CB0]  }
0x2e5: {  	v11 =	vld [tilespmem:s19+$0x1CF0]  }
0x2e6: {  	v1 =	vadd.f32 v2, v1;
	v2 =	vld [tilespmem:s19+$0x1D30]  }
0x2e7: {  	v12 =	vld [tilespmem:s19+$0x1D70]  }
0x2e8: {  	v1 =	vadd.f32 v7, v1;
	v7 =	vld [tilespmem:s19+$0x1DB0]  }
0x2e9: {  	v13 =	vld [tilespmem:s19+$0x1DF0]  }
0x2ea: {  	v1 =	vadd.f32 v3, v1;
	v3 =	vld [tilespmem:s19+$0x1E30]  }
0x2eb: {  	v14 =	vld [tilespmem:s19+$0x1E70]  }
0x2ec: {  	v1 =	vadd.f32 v8, v1;
	v8 =	vld [tilespmem:s19+$0x1EB0]  }
0x2ed: {  	v15 =	vld [tilespmem:s19+$0x1EF0]  }
0x2ee: {  	v1 =	vadd.f32 v4, v1;
	v4 =	vld [tilespmem:s19+$0x1F30]  }
0x2ef: {  	v16 =	vld [tilespmem:s19+$0x1F70]  }
0x2f0: {  	v1 =	vadd.f32 v9, v1;
	v9 =	vld [tilespmem:s19+$0x1FB0]  }
0x2f1: {  	v17 =	vld [tilespmem:s19+$0x1FF0]  }
0x2f2: {  	v1 =	vadd.f32 v5, v1;
	v5 =	vld [tilespmem:s19+$0x2030]  }
0x2f3: {  	v18 =	vld [tilespmem:s19+$0x2070]  }
0x2f4: {  	v1 =	vadd.f32 v10, v1;
	v10 =	vld [tilespmem:s19+$0x20B0]  }
0x2f5: {  	v19 =	vld [tilespmem:s19+$0x20F0]  }
0x2f6: {  	v1 =	vadd.f32 v6, v1;
	v6 =	vld [tilespmem:s19+$0x2130]  }
0x2f7: {  	v20 =	vld [tilespmem:s19+$0x2170]  }
0x2f8: {  	v1 =	vadd.f32 v11, v1;
	v11 =	vld [tilespmem:s19+$0x21B0]  }
0x2f9: {  	v21 =	vld [tilespmem:s19+$0x21F0]  }
0x2fa: {  	v1 =	vadd.f32 v2, v1;
	v22 =	vld [tilespmem:s19+$0x2230]  }
0x2fb: {  	v23 =	vld [tilespmem:s19+$0x2270]  }
0x2fc: {  	v1 =	vadd.f32 v12, v1;
	v12 =	vld [tilespmem:s19+$0x22B0]  }
0x2fd: {  	v24 =	vld [tilespmem:s19+$0x22F0]  }
0x2fe: {  	v1 =	vadd.f32 v7, v1;
	v7 =	vld [tilespmem:s19+$0x2330]  }
0x2ff: {  	v25 =	vld [tilespmem:s19+$0x2370]  }
0x300: {  	v1 =	vadd.f32 v13, v1;
	v13 =	vld [tilespmem:s19+$0x23B0]  }
0x301: {  	v26 =	vld [tilespmem:s19+$0x23F0]  }
0x302: {  	v1 =	vadd.f32 v3, v1;
	v3 =	vld [tilespmem:s19+$0x2430]  }
0x303: {  	v27 =	vld [tilespmem:s19+$0x2470]  }
0x304: {  	v1 =	vadd.f32 v14, v1;
	v14 =	vld [tilespmem:s19+$0x24B0]  }
0x305: {  	v28 =	vld [tilespmem:s19+$0x24F0]  }
0x306: {  	v8 =	vadd.f32 v8, v1;
	v1 =	vld [tilespmem:s19+$0x2530]  }
0x307: {  	v2 =	vld [tilespmem:s19+$0x2570]  }
0x308: {  	v8 =	vadd.f32 v15, v8;
	_ =	sdelay $0x1  }
0x309: {  	v4 =	vadd.f32 v4, v8;
	_ =	sdelay $0x1  }
0x30a: {  	v4 =	vadd.f32 v16, v4;
	_ =	sdelay $0x1  }
0x30b: {  	v4 =	vadd.f32 v9, v4;
	_ =	sdelay $0x1  }
0x30c: {  	v4 =	vadd.f32 v17, v4;
	_ =	sdelay $0x1  }
0x30d: {  	v4 =	vadd.f32 v5, v4;
	_ =	sdelay $0x1  }
0x30e: {  	v4 =	vadd.f32 v18, v4;
	_ =	sdelay $0x1  }
0x30f: {  	v4 =	vadd.f32 v10, v4;
	_ =	sdelay $0x1  }
0x310: {  	v4 =	vadd.f32 v19, v4;
	_ =	sdelay $0x1  }
0x311: {  	v4 =	vadd.f32 v6, v4;
	_ =	sdelay $0x1  }
0x312: {  	v4 =	vadd.f32 v20, v4;
	_ =	sdelay $0x1  }
0x313: {  	v4 =	vadd.f32 v11, v4;
	_ =	sdelay $0x1  }
0x314: {  	v4 =	vadd.f32 v21, v4;
	_ =	sdelay $0x1  }
0x315: {  	v4 =	vadd.f32 v22, v4;
	_ =	sdelay $0x1  }
0x316: {  	v4 =	vadd.f32 v23, v4;
	_ =	sdelay $0x1  }
0x317: {  	v4 =	vadd.f32 v12, v4;
	_ =	sdelay $0x1  }
0x318: {  	v4 =	vadd.f32 v24, v4;
	_ =	sdelay $0x1  }
0x319: {  	v4 =	vadd.f32 v7, v4;
	_ =	sdelay $0x1  }
0x31a: {  	v4 =	vadd.f32 v25, v4;
	_ =	sdelay $0x1  }
0x31b: {  	v4 =	vadd.f32 v13, v4;
	_ =	sdelay $0x1  }
0x31c: {  	v4 =	vadd.f32 v26, v4;
	_ =	sdelay $0x1  }
0x31d: {  	v3 =	vadd.f32 v3, v4;
	_ =	sdelay $0x1  }
.Ltmp0:
0x31e: {  	v3 =	vadd.f32 v27, v3;
	(pc) =	sbr.rel @p0 .LBB2_3-.Ltmp0, $3  }
0x31f: {  	_ = 	snop  }
0x320: {  	v3 =	vadd.f32 v14, v3;
	_ =	sdelay $0x1  }
0x321: {  	v3 =	vadd.f32 v28, v3  }
0x322: {  	_ = 	snop  }
0x323: {  	v1 =	vadd.f32 v1, v3;
	_ =	sdelay $0x1  }
0x324: {  	v1 =	vadd.f32 v2, v1  }
0x325: {  	s17 =	sadd.s32 $0x2, s17;
	s30 =	simm.s32 $0x0  }
0x326: {  	s29 =	sand.u32 $0x6, s17;
	s17 =	smul.u32 $0x3200, s30;
	[tilespmem:v0+s16+$0x30 ss:$0x1] =	vst.idx.msk $0xffff, v1  }
0x327: {  	s16 =	smul.u32 $0xC80, s29;
	_ =	swait.ge [sflag:s10], $0xC800  }
0x328: {  	[sflag:s10] =	ssyncset.done $0x0  }
0x329: {  	s17 =	sshra.s32 s17, $0x2;
	s16 =	sshrl.u32 s16, $0x2;
	[sflag:s10] =	ssyncadd.s32 $0xFFFF3800  }
0x32a: {  	[tilespmem:s9], [sflag:$0x1] =	stream.indirect.gather [hbm4b:s3+s8], $0x40, s16, s8, $0xb8;
	[tilespmem:$0x1C900] =	vst v63  }
0x32b: {  	v0 =	vld [tilespmem:s17+$0xE100]  }
0x32c: {  	v1 =	vld [tilespmem:s17+$0xE140];
	_ =	sdelay $0x1  }
0x32d: {  	v2 =	vld [tilespmem:s17+$0xE180];
	_ =	sdelay $0x1  }
0x32e: {  	v3 =	vld [tilespmem:s17+$0xE1C0]  }
0x32f: {  	v0 =	vadd.f32 v1, v0  }
0x330: {  	v1 =	vld [tilespmem:s17+$0xE200]  }
0x331: {  	v0 =	vadd.f32 v2, v0  }
0x332: {  	v2 =	vld [tilespmem:s17+$0xE240]  }
0x333: {  	v0 =	vadd.f32 v3, v0  }
0x334: {  	v3 =	vld [tilespmem:s17+$0xE280]  }
0x335: {  	v0 =	vadd.f32 v1, v0  }
0x336: {  	v1 =	vld [tilespmem:s17+$0xE2C0]  }
0x337: {  	v0 =	vadd.f32 v2, v0  }
0x338: {  	v2 =	vld [tilespmem:s17+$0xE300]  }
0x339: {  	v0 =	vadd.f32 v3, v0  }
0x33a: {  	v3 =	vld [tilespmem:s17+$0xE340]  }
0x33b: {  	v0 =	vadd.f32 v1, v0  }
0x33c: {  	v1 =	vld [tilespmem:s17+$0xE380]  }
0x33d: {  	v0 =	vadd.f32 v2, v0  }
0x33e: {  	v2 =	vld [tilespmem:s17+$0xE3C0]  }
0x33f: {  	v0 =	vadd.f32 v3, v0  }
0x340: {  	v3 =	vld [tilespmem:s17+$0xE400]  }
0x341: {  	v0 =	vadd.f32 v1, v0  }
0x342: {  	v1 =	vld [tilespmem:s17+$0xE440]  }
0x343: {  	v0 =	vadd.f32 v2, v0  }
0x344: {  	v2 =	vld [tilespmem:s17+$0xE480]  }
0x345: {  	v0 =	vadd.f32 v3, v0  }
0x346: {  	v3 =	vld [tilespmem:s17+$0xE4C0]  }
0x347: {  	v0 =	vadd.f32 v1, v0  }
0x348: {  	v1 =	vld [tilespmem:s17+$0xE500]  }
0x349: {  	v0 =	vadd.f32 v2, v0  }
0x34a: {  	v2 =	vld [tilespmem:s17+$0xE540]  }
0x34b: {  	v0 =	vadd.f32 v3, v0  }
0x34c: {  	v3 =	vld [tilespmem:s17+$0xE580]  }
0x34d: {  	v0 =	vadd.f32 v1, v0  }
0x34e: {  	v1 =	vld [tilespmem:s17+$0xE5C0]  }
0x34f: {  	v0 =	vadd.f32 v2, v0  }
0x350: {  	v2 =	vld [tilespmem:s17+$0xE600]  }
0x351: {  	v0 =	vadd.f32 v3, v0  }
0x352: {  	v3 =	vld [tilespmem:s17+$0xE640]  }
0x353: {  	v0 =	vadd.f32 v1, v0  }
0x354: {  	v1 =	vld [tilespmem:s17+$0xE680]  }
0x355: {  	v0 =	vadd.f32 v2, v0  }
0x356: {  	v2 =	vld [tilespmem:s17+$0xE6C0]  }
0x357: {  	v0 =	vadd.f32 v3, v0  }
0x358: {  	v3 =	vld [tilespmem:s17+$0xE700]  }
0x359: {  	v0 =	vadd.f32 v1, v0  }
0x35a: {  	v1 =	vld [tilespmem:s17+$0xE740]  }
0x35b: {  	v0 =	vadd.f32 v2, v0  }
0x35c: {  	v2 =	vld [tilespmem:s17+$0xE780]  }
0x35d: {  	v0 =	vadd.f32 v3, v0  }
0x35e: {  	v3 =	vld [tilespmem:s17+$0xE7C0]  }
0x35f: {  	v0 =	vadd.f32 v1, v0  }
0x360: {  	v1 =	vld [tilespmem:s17+$0xE800]  }
0x361: {  	v0 =	vadd.f32 v2, v0  }
0x362: {  	v2 =	vld [tilespmem:s17+$0xE840]  }
0x363: {  	v0 =	vadd.f32 v3, v0  }
0x364: {  	v3 =	vld [tilespmem:s17+$0xE880]  }
0x365: {  	v0 =	vadd.f32 v1, v0  }
0x366: {  	v1 =	vld [tilespmem:s17+$0xE8C0]  }
0x367: {  	v0 =	vadd.f32 v2, v0  }
0x368: {  	v2 =	vld [tilespmem:s17+$0xE900]  }
0x369: {  	v0 =	vadd.f32 v3, v0  }
0x36a: {  	v3 =	vld [tilespmem:s17+$0xE940]  }
0x36b: {  	v0 =	vadd.f32 v1, v0  }
0x36c: {  	v1 =	vld [tilespmem:s17+$0xE980]  }
0x36d: {  	v0 =	vadd.f32 v2, v0  }
0x36e: {  	v2 =	vld [tilespmem:s17+$0xE9C0]  }
0x36f: {  	v0 =	vadd.f32 v3, v0  }
0x370: {  	v3 =	vld [tilespmem:s17+$0xEA00]  }
0x371: {  	v0 =	vadd.f32 v1, v0  }
0x372: {  	v1 =	vld [tilespmem:s17+$0xEA40]  }
0x373: {  	v0 =	vadd.f32 v2, v0  }
0x374: {  	v2 =	vld [tilespmem:s17+$0xEA80]  }
0x375: {  	v0 =	vadd.f32 v3, v0  }
0x376: {  	v3 =	vld [tilespmem:s17+$0xEAC0]  }
0x377: {  	v0 =	vadd.f32 v1, v0  }
0x378: {  	v1 =	vld [tilespmem:s17+$0xEB00]  }
0x379: {  	v0 =	vadd.f32 v2, v0  }
0x37a: {  	v2 =	vld [tilespmem:s17+$0xEB40]  }
0x37b: {  	v0 =	vadd.f32 v3, v0  }
0x37c: {  	v3 =	vld [tilespmem:s17+$0xEB80]  }
0x37d: {  	v0 =	vadd.f32 v1, v0  }
0x37e: {  	v1 =	vld [tilespmem:s17+$0xEBC0]  }
0x37f: {  	v0 =	vadd.f32 v2, v0  }
0x380: {  	v2 =	vld [tilespmem:s17+$0xEC00]  }
0x381: {  	v0 =	vadd.f32 v3, v0  }
0x382: {  	v3 =	vld [tilespmem:s17+$0xEC40]  }
0x383: {  	v0 =	vadd.f32 v1, v0  }
0x384: {  	v1 =	vld [tilespmem:s17+$0xEC80]  }
0x385: {  	v0 =	vadd.f32 v2, v0  }
0x386: {  	v2 =	vld [tilespmem:s17+$0xECC0]  }
0x387: {  	v0 =	vadd.f32 v3, v0  }
0x388: {  	v3 =	vld [tilespmem:s17+$0xED00]  }
0x389: {  	s15 =	sshll.u32 s15, $0xA;
	v0 =	vadd.f32 v1, v0  }
0x38a: {  	s15 =	sand.u32 $0x3FFFFC00, s15;
	v1 =	vld [tilespmem:s17+$0xED40]  }
0x38b: {  	s15 =	sadd.s32 $0x1A900, s15;
	v2 =	vadd.f32 v2, v0  }
0x38c: {  	v0 =	vmov s15  }
0x38d: {  	v2 =	vadd.f32 v3, v2;
	_ =	sdelay $0x1  }
0x38e: {  	s31 =	simm.s32 $0x0;
	v1 =	vadd.f32 v1, v2  }
0x38f: {  	s15 =	sand.u32 $0x3FFFFFC0, s31  }
0x390: {  	[tilespmem:v0+s15+$0x0 ss:$0x1] =	vst.idx.msk $0xffff, v1  }
0x391: {  	v1 =	vld [tilespmem:s17+$0xE110]  }
0x392: {  	v2 =	vld [tilespmem:s17+$0xE150];
	_ =	sdelay $0x1  }
0x393: {  	v3 =	vld [tilespmem:s17+$0xE190];
	_ =	sdelay $0x1  }
0x394: {  	v4 =	vld [tilespmem:s17+$0xE1D0]  }
0x395: {  	v1 =	vadd.f32 v2, v1  }
0x396: {  	v2 =	vld [tilespmem:s17+$0xE210]  }
0x397: {  	v1 =	vadd.f32 v3, v1  }
0x398: {  	v3 =	vld [tilespmem:s17+$0xE250]  }
0x399: {  	v1 =	vadd.f32 v4, v1  }
0x39a: {  	v4 =	vld [tilespmem:s17+$0xE290]  }
0x39b: {  	v1 =	vadd.f32 v2, v1  }
0x39c: {  	v2 =	vld [tilespmem:s17+$0xE2D0]  }
0x39d: {  	v1 =	vadd.f32 v3, v1  }
0x39e: {  	v3 =	vld [tilespmem:s17+$0xE310]  }
0x39f: {  	v1 =	vadd.f32 v4, v1  }
0x3a0: {  	v4 =	vld [tilespmem:s17+$0xE350]  }
0x3a1: {  	v1 =	vadd.f32 v2, v1  }
0x3a2: {  	v2 =	vld [tilespmem:s17+$0xE390]  }
0x3a3: {  	v1 =	vadd.f32 v3, v1  }
0x3a4: {  	v3 =	vld [tilespmem:s17+$0xE3D0]  }
0x3a5: {  	v1 =	vadd.f32 v4, v1  }
0x3a6: {  	v4 =	vld [tilespmem:s17+$0xE410]  }
0x3a7: {  	v1 =	vadd.f32 v2, v1  }
0x3a8: {  	v2 =	vld [tilespmem:s17+$0xE450]  }
0x3a9: {  	v1 =	vadd.f32 v3, v1  }
0x3aa: {  	v3 =	vld [tilespmem:s17+$0xE490]  }
0x3ab: {  	v1 =	vadd.f32 v4, v1  }
0x3ac: {  	v4 =	vld [tilespmem:s17+$0xE4D0]  }
0x3ad: {  	v1 =	vadd.f32 v2, v1  }
0x3ae: {  	v2 =	vld [tilespmem:s17+$0xE510]  }
0x3af: {  	v1 =	vadd.f32 v3, v1  }
0x3b0: {  	v3 =	vld [tilespmem:s17+$0xE550]  }
0x3b1: {  	v1 =	vadd.f32 v4, v1  }
0x3b2: {  	v4 =	vld [tilespmem:s17+$0xE590]  }
0x3b3: {  	v1 =	vadd.f32 v2, v1  }
0x3b4: {  	v2 =	vld [tilespmem:s17+$0xE5D0]  }
0x3b5: {  	v1 =	vadd.f32 v3, v1  }
0x3b6: {  	v3 =	vld [tilespmem:s17+$0xE610]  }
0x3b7: {  	v1 =	vadd.f32 v4, v1  }
0x3b8: {  	v4 =	vld [tilespmem:s17+$0xE650]  }
0x3b9: {  	v1 =	vadd.f32 v2, v1  }
0x3ba: {  	v2 =	vld [tilespmem:s17+$0xE690]  }
0x3bb: {  	v1 =	vadd.f32 v3, v1  }
0x3bc: {  	v3 =	vld [tilespmem:s17+$0xE6D0]  }
0x3bd: {  	v1 =	vadd.f32 v4, v1  }
0x3be: {  	v4 =	vld [tilespmem:s17+$0xE710]  }
0x3bf: {  	v1 =	vadd.f32 v2, v1  }
0x3c0: {  	v2 =	vld [tilespmem:s17+$0xE750]  }
0x3c1: {  	v1 =	vadd.f32 v3, v1  }
0x3c2: {  	v3 =	vld [tilespmem:s17+$0xE790]  }
0x3c3: {  	v1 =	vadd.f32 v4, v1  }
0x3c4: {  	v4 =	vld [tilespmem:s17+$0xE7D0]  }
0x3c5: {  	v1 =	vadd.f32 v2, v1  }
0x3c6: {  	v2 =	vld [tilespmem:s17+$0xE810]  }
0x3c7: {  	v1 =	vadd.f32 v3, v1  }
0x3c8: {  	v3 =	vld [tilespmem:s17+$0xE850]  }
0x3c9: {  	v1 =	vadd.f32 v4, v1  }
0x3ca: {  	v4 =	vld [tilespmem:s17+$0xE890]  }
0x3cb: {  	v1 =	vadd.f32 v2, v1  }
0x3cc: {  	v2 =	vld [tilespmem:s17+$0xE8D0]  }
0x3cd: {  	v1 =	vadd.f32 v3, v1  }
0x3ce: {  	v3 =	vld [tilespmem:s17+$0xE910]  }
0x3cf: {  	v1 =	vadd.f32 v4, v1  }
0x3d0: {  	v4 =	vld [tilespmem:s17+$0xE950]  }
0x3d1: {  	v1 =	vadd.f32 v2, v1  }
0x3d2: {  	v2 =	vld [tilespmem:s17+$0xE990]  }
0x3d3: {  	v1 =	vadd.f32 v3, v1  }
0x3d4: {  	v3 =	vld [tilespmem:s17+$0xE9D0]  }
0x3d5: {  	v1 =	vadd.f32 v4, v1  }
0x3d6: {  	v4 =	vld [tilespmem:s17+$0xEA10]  }
0x3d7: {  	v1 =	vadd.f32 v2, v1  }
0x3d8: {  	v2 =	vld [tilespmem:s17+$0xEA50]  }
0x3d9: {  	v1 =	vadd.f32 v3, v1  }
0x3da: {  	v3 =	vld [tilespmem:s17+$0xEA90]  }
0x3db: {  	v1 =	vadd.f32 v4, v1  }
0x3dc: {  	v4 =	vld [tilespmem:s17+$0xEAD0]  }
0x3dd: {  	v1 =	vadd.f32 v2, v1  }
0x3de: {  	v2 =	vld [tilespmem:s17+$0xEB10]  }
0x3df: {  	v1 =	vadd.f32 v3, v1  }
0x3e0: {  	v3 =	vld [tilespmem:s17+$0xEB50]  }
0x3e1: {  	v1 =	vadd.f32 v4, v1  }
0x3e2: {  	v4 =	vld [tilespmem:s17+$0xEB90]  }
0x3e3: {  	v1 =	vadd.f32 v2, v1  }
0x3e4: {  	v2 =	vld [tilespmem:s17+$0xEBD0]  }
0x3e5: {  	v1 =	vadd.f32 v3, v1  }
0x3e6: {  	v3 =	vld [tilespmem:s17+$0xEC10]  }
0x3e7: {  	v1 =	vadd.f32 v4, v1  }
0x3e8: {  	v4 =	vld [tilespmem:s17+$0xEC50]  }
0x3e9: {  	v1 =	vadd.f32 v2, v1  }
0x3ea: {  	v2 =	vld [tilespmem:s17+$0xEC90]  }
0x3eb: {  	v1 =	vadd.f32 v3, v1  }
0x3ec: {  	v3 =	vld [tilespmem:s17+$0xECD0]  }
0x3ed: {  	v1 =	vadd.f32 v4, v1  }
0x3ee: {  	v4 =	vld [tilespmem:s17+$0xED10]  }
0x3ef: {  	v1 =	vadd.f32 v2, v1  }
0x3f0: {  	v2 =	vld [tilespmem:s17+$0xED50]  }
0x3f1: {  	v1 =	vadd.f32 v3, v1;
	_ =	sdelay $0x1  }
0x3f2: {  	v1 =	vadd.f32 v4, v1;
	_ =	sdelay $0x1  }
0x3f3: {  	v1 =	vadd.f32 v2, v1;
	_ =	sdelay $0x1  }
0x3f4: {  	[tilespmem:v0+s15+$0x10 ss:$0x1] =	vst.idx.msk $0xffff, v1  }
0x3f5: {  	v1 =	vld [tilespmem:s17+$0xE120]  }
0x3f6: {  	v2 =	vld [tilespmem:s17+$0xE160];
	_ =	sdelay $0x1  }
0x3f7: {  	v3 =	vld [tilespmem:s17+$0xE1A0];
	_ =	sdelay $0x1  }
0x3f8: {  	v4 =	vld [tilespmem:s17+$0xE1E0]  }
0x3f9: {  	v1 =	vadd.f32 v2, v1  }
0x3fa: {  	v2 =	vld [tilespmem:s17+$0xE220]  }
0x3fb: {  	v1 =	vadd.f32 v3, v1  }
0x3fc: {  	v3 =	vld [tilespmem:s17+$0xE260]  }
0x3fd: {  	v1 =	vadd.f32 v4, v1  }
0x3fe: {  	v4 =	vld [tilespmem:s17+$0xE2A0]  }
0x3ff: {  	v1 =	vadd.f32 v2, v1  }
0x400: {  	v2 =	vld [tilespmem:s17+$0xE2E0]  }
0x401: {  	v1 =	vadd.f32 v3, v1  }
0x402: {  	v3 =	vld [tilespmem:s17+$0xE320]  }
0x403: {  	v1 =	vadd.f32 v4, v1  }
0x404: {  	v4 =	vld [tilespmem:s17+$0xE360]  }
0x405: {  	v1 =	vadd.f32 v2, v1  }
0x406: {  	v2 =	vld [tilespmem:s17+$0xE3A0]  }
0x407: {  	v1 =	vadd.f32 v3, v1  }
0x408: {  	v3 =	vld [tilespmem:s17+$0xE3E0]  }
0x409: {  	v1 =	vadd.f32 v4, v1  }
0x40a: {  	v4 =	vld [tilespmem:s17+$0xE420]  }
0x40b: {  	v1 =	vadd.f32 v2, v1  }
0x40c: {  	v2 =	vld [tilespmem:s17+$0xE460]  }
0x40d: {  	v1 =	vadd.f32 v3, v1  }
0x40e: {  	v3 =	vld [tilespmem:s17+$0xE4A0]  }
0x40f: {  	v1 =	vadd.f32 v4, v1  }
0x410: {  	v4 =	vld [tilespmem:s17+$0xE4E0]  }
0x411: {  	v1 =	vadd.f32 v2, v1  }
0x412: {  	v2 =	vld [tilespmem:s17+$0xE520]  }
0x413: {  	v1 =	vadd.f32 v3, v1  }
0x414: {  	v3 =	vld [tilespmem:s17+$0xE560]  }
0x415: {  	v1 =	vadd.f32 v4, v1  }
0x416: {  	v4 =	vld [tilespmem:s17+$0xE5A0]  }
0x417: {  	v1 =	vadd.f32 v2, v1  }
0x418: {  	v2 =	vld [tilespmem:s17+$0xE5E0]  }
0x419: {  	v1 =	vadd.f32 v3, v1  }
0x41a: {  	v3 =	vld [tilespmem:s17+$0xE620]  }
0x41b: {  	v1 =	vadd.f32 v4, v1  }
0x41c: {  	v4 =	vld [tilespmem:s17+$0xE660]  }
0x41d: {  	v1 =	vadd.f32 v2, v1  }
0x41e: {  	v2 =	vld [tilespmem:s17+$0xE6A0]  }
0x41f: {  	v1 =	vadd.f32 v3, v1  }
0x420: {  	v3 =	vld [tilespmem:s17+$0xE6E0]  }
0x421: {  	v1 =	vadd.f32 v4, v1  }
0x422: {  	v4 =	vld [tilespmem:s17+$0xE720]  }
0x423: {  	v1 =	vadd.f32 v2, v1  }
0x424: {  	v2 =	vld [tilespmem:s17+$0xE760]  }
0x425: {  	v1 =	vadd.f32 v3, v1  }
0x426: {  	v3 =	vld [tilespmem:s17+$0xE7A0]  }
0x427: {  	v1 =	vadd.f32 v4, v1  }
0x428: {  	v4 =	vld [tilespmem:s17+$0xE7E0]  }
0x429: {  	v1 =	vadd.f32 v2, v1  }
0x42a: {  	v2 =	vld [tilespmem:s17+$0xE820]  }
0x42b: {  	v1 =	vadd.f32 v3, v1  }
0x42c: {  	v3 =	vld [tilespmem:s17+$0xE860]  }
0x42d: {  	v1 =	vadd.f32 v4, v1  }
0x42e: {  	v4 =	vld [tilespmem:s17+$0xE8A0]  }
0x42f: {  	v1 =	vadd.f32 v2, v1  }
0x430: {  	v2 =	vld [tilespmem:s17+$0xE8E0]  }
0x431: {  	v1 =	vadd.f32 v3, v1  }
0x432: {  	v3 =	vld [tilespmem:s17+$0xE920]  }
0x433: {  	v1 =	vadd.f32 v4, v1  }
0x434: {  	v4 =	vld [tilespmem:s17+$0xE960]  }
0x435: {  	v1 =	vadd.f32 v2, v1  }
0x436: {  	v2 =	vld [tilespmem:s17+$0xE9A0]  }
0x437: {  	v1 =	vadd.f32 v3, v1  }
0x438: {  	v3 =	vld [tilespmem:s17+$0xE9E0]  }
0x439: {  	v1 =	vadd.f32 v4, v1  }
0x43a: {  	v4 =	vld [tilespmem:s17+$0xEA20]  }
0x43b: {  	v1 =	vadd.f32 v2, v1  }
0x43c: {  	v2 =	vld [tilespmem:s17+$0xEA60]  }
0x43d: {  	v1 =	vadd.f32 v3, v1  }
0x43e: {  	v3 =	vld [tilespmem:s17+$0xEAA0]  }
0x43f: {  	v1 =	vadd.f32 v4, v1  }
0x440: {  	v4 =	vld [tilespmem:s17+$0xEAE0]  }
0x441: {  	v1 =	vadd.f32 v2, v1  }
0x442: {  	v2 =	vld [tilespmem:s17+$0xEB20]  }
0x443: {  	v1 =	vadd.f32 v3, v1  }
0x444: {  	v3 =	vld [tilespmem:s17+$0xEB60]  }
0x445: {  	v1 =	vadd.f32 v4, v1  }
0x446: {  	v4 =	vld [tilespmem:s17+$0xEBA0]  }
0x447: {  	v1 =	vadd.f32 v2, v1  }
0x448: {  	v2 =	vld [tilespmem:s17+$0xEBE0]  }
0x449: {  	v1 =	vadd.f32 v3, v1  }
0x44a: {  	v3 =	vld [tilespmem:s17+$0xEC20]  }
0x44b: {  	v1 =	vadd.f32 v4, v1  }
0x44c: {  	v4 =	vld [tilespmem:s17+$0xEC60]  }
0x44d: {  	v1 =	vadd.f32 v2, v1  }
0x44e: {  	v2 =	vld [tilespmem:s17+$0xECA0]  }
0x44f: {  	v1 =	vadd.f32 v3, v1  }
0x450: {  	v3 =	vld [tilespmem:s17+$0xECE0]  }
0x451: {  	v1 =	vadd.f32 v4, v1  }
0x452: {  	v4 =	vld [tilespmem:s17+$0xED20]  }
0x453: {  	v1 =	vadd.f32 v2, v1  }
0x454: {  	v2 =	vld [tilespmem:s17+$0xED60]  }
0x455: {  	v1 =	vadd.f32 v3, v1;
	_ =	sdelay $0x1  }
0x456: {  	v1 =	vadd.f32 v4, v1;
	_ =	sdelay $0x1  }
0x457: {  	v1 =	vadd.f32 v2, v1;
	_ =	sdelay $0x1  }
0x458: {  	[tilespmem:v0+s15+$0x20 ss:$0x1] =	vst.idx.msk $0xffff, v1  }
0x459: {  	v1 =	vld [tilespmem:s17+$0xE130]  }
0x45a: {  	v2 =	vld [tilespmem:s17+$0xE170];
	_ =	sdelay $0x1  }
0x45b: {  	v3 =	vld [tilespmem:s17+$0xE1B0];
	_ =	sdelay $0x1  }
0x45c: {  	v4 =	vld [tilespmem:s17+$0xE1F0]  }
0x45d: {  	v1 =	vadd.f32 v2, v1  }
0x45e: {  	v2 =	vld [tilespmem:s17+$0xE230]  }
0x45f: {  	v1 =	vadd.f32 v3, v1  }
0x460: {  	v3 =	vld [tilespmem:s17+$0xE270]  }
0x461: {  	v1 =	vadd.f32 v4, v1  }
0x462: {  	v4 =	vld [tilespmem:s17+$0xE2B0]  }
0x463: {  	v1 =	vadd.f32 v2, v1  }
0x464: {  	v2 =	vld [tilespmem:s17+$0xE2F0]  }
0x465: {  	v1 =	vadd.f32 v3, v1  }
0x466: {  	v3 =	vld [tilespmem:s17+$0xE330]  }
0x467: {  	v1 =	vadd.f32 v4, v1  }
0x468: {  	v4 =	vld [tilespmem:s17+$0xE370]  }
0x469: {  	v1 =	vadd.f32 v2, v1  }
0x46a: {  	v2 =	vld [tilespmem:s17+$0xE3B0]  }
0x46b: {  	v1 =	vadd.f32 v3, v1  }
0x46c: {  	v3 =	vld [tilespmem:s17+$0xE3F0]  }
0x46d: {  	v1 =	vadd.f32 v4, v1  }
0x46e: {  	v4 =	vld [tilespmem:s17+$0xE430]  }
0x46f: {  	v1 =	vadd.f32 v2, v1  }
0x470: {  	v2 =	vld [tilespmem:s17+$0xE470]  }
0x471: {  	v1 =	vadd.f32 v3, v1  }
0x472: {  	v3 =	vld [tilespmem:s17+$0xE4B0]  }
0x473: {  	v1 =	vadd.f32 v4, v1  }
0x474: {  	v4 =	vld [tilespmem:s17+$0xE4F0]  }
0x475: {  	v1 =	vadd.f32 v2, v1  }
0x476: {  	v2 =	vld [tilespmem:s17+$0xE530]  }
0x477: {  	v1 =	vadd.f32 v3, v1  }
0x478: {  	v3 =	vld [tilespmem:s17+$0xE570]  }
0x479: {  	v1 =	vadd.f32 v4, v1  }
0x47a: {  	v4 =	vld [tilespmem:s17+$0xE5B0]  }
0x47b: {  	v1 =	vadd.f32 v2, v1  }
0x47c: {  	v2 =	vld [tilespmem:s17+$0xE5F0]  }
0x47d: {  	v1 =	vadd.f32 v3, v1  }
0x47e: {  	v3 =	vld [tilespmem:s17+$0xE630]  }
0x47f: {  	v1 =	vadd.f32 v4, v1  }
0x480: {  	v4 =	vld [tilespmem:s17+$0xE670]  }
0x481: {  	v1 =	vadd.f32 v2, v1  }
0x482: {  	v2 =	vld [tilespmem:s17+$0xE6B0]  }
0x483: {  	v1 =	vadd.f32 v3, v1  }
0x484: {  	v3 =	vld [tilespmem:s17+$0xE6F0]  }
0x485: {  	v1 =	vadd.f32 v4, v1  }
0x486: {  	v4 =	vld [tilespmem:s17+$0xE730]  }
0x487: {  	v1 =	vadd.f32 v2, v1  }
0x488: {  	v2 =	vld [tilespmem:s17+$0xE770]  }
0x489: {  	v1 =	vadd.f32 v3, v1  }
0x48a: {  	v3 =	vld [tilespmem:s17+$0xE7B0]  }
0x48b: {  	v1 =	vadd.f32 v4, v1  }
0x48c: {  	v4 =	vld [tilespmem:s17+$0xE7F0]  }
0x48d: {  	v1 =	vadd.f32 v2, v1  }
0x48e: {  	v2 =	vld [tilespmem:s17+$0xE830]  }
0x48f: {  	v1 =	vadd.f32 v3, v1  }
0x490: {  	v3 =	vld [tilespmem:s17+$0xE870]  }
0x491: {  	v1 =	vadd.f32 v4, v1  }
0x492: {  	v4 =	vld [tilespmem:s17+$0xE8B0]  }
0x493: {  	v1 =	vadd.f32 v2, v1  }
0x494: {  	v2 =	vld [tilespmem:s17+$0xE8F0]  }
0x495: {  	v1 =	vadd.f32 v3, v1  }
0x496: {  	v3 =	vld [tilespmem:s17+$0xE930]  }
0x497: {  	v1 =	vadd.f32 v4, v1  }
0x498: {  	v4 =	vld [tilespmem:s17+$0xE970]  }
0x499: {  	v1 =	vadd.f32 v2, v1  }
0x49a: {  	v2 =	vld [tilespmem:s17+$0xE9B0]  }
0x49b: {  	v1 =	vadd.f32 v3, v1  }
0x49c: {  	v3 =	vld [tilespmem:s17+$0xE9F0]  }
0x49d: {  	v1 =	vadd.f32 v4, v1  }
0x49e: {  	v4 =	vld [tilespmem:s17+$0xEA30]  }
0x49f: {  	v1 =	vadd.f32 v2, v1  }
0x4a0: {  	v2 =	vld [tilespmem:s17+$0xEA70]  }
0x4a1: {  	v1 =	vadd.f32 v3, v1  }
0x4a2: {  	v3 =	vld [tilespmem:s17+$0xEAB0]  }
0x4a3: {  	v1 =	vadd.f32 v4, v1  }
0x4a4: {  	v4 =	vld [tilespmem:s17+$0xEAF0]  }
0x4a5: {  	v1 =	vadd.f32 v2, v1  }
0x4a6: {  	v2 =	vld [tilespmem:s17+$0xEB30]  }
0x4a7: {  	v1 =	vadd.f32 v3, v1  }
0x4a8: {  	v3 =	vld [tilespmem:s17+$0xEB70]  }
0x4a9: {  	v1 =	vadd.f32 v4, v1  }
0x4aa: {  	v4 =	vld [tilespmem:s17+$0xEBB0]  }
0x4ab: {  	v1 =	vadd.f32 v2, v1  }
0x4ac: {  	v2 =	vld [tilespmem:s17+$0xEBF0]  }
0x4ad: {  	v1 =	vadd.f32 v3, v1  }
0x4ae: {  	v3 =	vld [tilespmem:s17+$0xEC30]  }
0x4af: {  	v1 =	vadd.f32 v4, v1  }
0x4b0: {  	v4 =	vld [tilespmem:s17+$0xEC70]  }
0x4b1: {  	v1 =	vadd.f32 v2, v1  }
0x4b2: {  	v2 =	vld [tilespmem:s17+$0xECB0]  }
0x4b3: {  	v1 =	vadd.f32 v3, v1;
	_ =	sdelay $0x1  }
0x4b4: {  	v3 =	vld [tilespmem:s17+$0xECF0];
	v1 =	vadd.f32 v4, v1;
	_ =	sdelay $0x1  }
0x4b5: {  	v4 =	vadd.f32 v2, v1;
	v2 =	vld [tilespmem:s17+$0xED30];
	_ =	sdelay $0x1  }
0x4b6: {  	v1 =	vld [tilespmem:s17+$0xED70]  }
0x4b7: {  	s16 =	simm.s32 $0x1;
	v3 =	vadd.f32 v3, v4  }
.LBB2_5:
0x4b8: {  	p0 =	sne.s32 s16, $0xF;
	s18 =	smov.u32 s16;
	s16 =	sadd.s32 $0x1, s16  }
0x4b9: {  	v2 =	vadd.f32 v2, v3  }
0x4ba: {  	s17 =	smul.u32 $0x3200, s18  }
0x4bb: {  	v1 =	vadd.f32 v1, v2  }
0x4bc: {  	s17 =	sshra.s32 s17, $0x2  }
0x4bd: {  	[tilespmem:v0+s15+$0x30 ss:$0x1] =	vst.idx.msk $0xffff, v1  }
0x4be: {  	v1 =	vld [tilespmem:s17+$0xE100]  }
0x4bf: {  	v2 =	vld [tilespmem:s17+$0xE140];
	_ =	sdelay $0x1  }
0x4c0: {  	v3 =	vld [tilespmem:s17+$0xE180];
	_ =	sdelay $0x1  }
0x4c1: {  	v4 =	vld [tilespmem:s17+$0xE1C0]  }
0x4c2: {  	v1 =	vadd.f32 v2, v1  }
0x4c3: {  	v2 =	vld [tilespmem:s17+$0xE200]  }
0x4c4: {  	v1 =	vadd.f32 v3, v1  }
0x4c5: {  	v3 =	vld [tilespmem:s17+$0xE240]  }
0x4c6: {  	v1 =	vadd.f32 v4, v1  }
0x4c7: {  	v4 =	vld [tilespmem:s17+$0xE280]  }
0x4c8: {  	v1 =	vadd.f32 v2, v1  }
0x4c9: {  	v2 =	vld [tilespmem:s17+$0xE2C0]  }
0x4ca: {  	v1 =	vadd.f32 v3, v1  }
0x4cb: {  	v3 =	vld [tilespmem:s17+$0xE300]  }
0x4cc: {  	v1 =	vadd.f32 v4, v1  }
0x4cd: {  	v4 =	vld [tilespmem:s17+$0xE340]  }
0x4ce: {  	v1 =	vadd.f32 v2, v1  }
0x4cf: {  	v2 =	vld [tilespmem:s17+$0xE380]  }
0x4d0: {  	v1 =	vadd.f32 v3, v1  }
0x4d1: {  	v3 =	vld [tilespmem:s17+$0xE3C0]  }
0x4d2: {  	v1 =	vadd.f32 v4, v1  }
0x4d3: {  	v4 =	vld [tilespmem:s17+$0xE400]  }
0x4d4: {  	v1 =	vadd.f32 v2, v1  }
0x4d5: {  	v2 =	vld [tilespmem:s17+$0xE440]  }
0x4d6: {  	v1 =	vadd.f32 v3, v1  }
0x4d7: {  	v3 =	vld [tilespmem:s17+$0xE480]  }
0x4d8: {  	v1 =	vadd.f32 v4, v1  }
0x4d9: {  	v4 =	vld [tilespmem:s17+$0xE4C0]  }
0x4da: {  	v1 =	vadd.f32 v2, v1  }
0x4db: {  	v2 =	vld [tilespmem:s17+$0xE500]  }
0x4dc: {  	v1 =	vadd.f32 v3, v1  }
0x4dd: {  	v3 =	vld [tilespmem:s17+$0xE540]  }
0x4de: {  	v1 =	vadd.f32 v4, v1  }
0x4df: {  	v4 =	vld [tilespmem:s17+$0xE580]  }
0x4e0: {  	v1 =	vadd.f32 v2, v1  }
0x4e1: {  	v2 =	vld [tilespmem:s17+$0xE5C0]  }
0x4e2: {  	v1 =	vadd.f32 v3, v1  }
0x4e3: {  	v3 =	vld [tilespmem:s17+$0xE600]  }
0x4e4: {  	v1 =	vadd.f32 v4, v1  }
0x4e5: {  	v4 =	vld [tilespmem:s17+$0xE640]  }
0x4e6: {  	v1 =	vadd.f32 v2, v1  }
0x4e7: {  	v2 =	vld [tilespmem:s17+$0xE680]  }
0x4e8: {  	v1 =	vadd.f32 v3, v1  }
0x4e9: {  	v3 =	vld [tilespmem:s17+$0xE6C0]  }
0x4ea: {  	v1 =	vadd.f32 v4, v1  }
0x4eb: {  	v4 =	vld [tilespmem:s17+$0xE700]  }
0x4ec: {  	v1 =	vadd.f32 v2, v1  }
0x4ed: {  	v2 =	vld [tilespmem:s17+$0xE740]  }
0x4ee: {  	v1 =	vadd.f32 v3, v1  }
0x4ef: {  	v3 =	vld [tilespmem:s17+$0xE780]  }
0x4f0: {  	v1 =	vadd.f32 v4, v1  }
0x4f1: {  	v4 =	vld [tilespmem:s17+$0xE7C0]  }
0x4f2: {  	v1 =	vadd.f32 v2, v1  }
0x4f3: {  	v2 =	vld [tilespmem:s17+$0xE800]  }
0x4f4: {  	v1 =	vadd.f32 v3, v1  }
0x4f5: {  	v3 =	vld [tilespmem:s17+$0xE840]  }
0x4f6: {  	v1 =	vadd.f32 v4, v1  }
0x4f7: {  	v4 =	vld [tilespmem:s17+$0xE880]  }
0x4f8: {  	v1 =	vadd.f32 v2, v1  }
0x4f9: {  	v2 =	vld [tilespmem:s17+$0xE8C0]  }
0x4fa: {  	v1 =	vadd.f32 v3, v1  }
0x4fb: {  	v3 =	vld [tilespmem:s17+$0xE900]  }
0x4fc: {  	v1 =	vadd.f32 v4, v1  }
0x4fd: {  	v4 =	vld [tilespmem:s17+$0xE940]  }
0x4fe: {  	v1 =	vadd.f32 v2, v1  }
0x4ff: {  	v2 =	vld [tilespmem:s17+$0xE980]  }
0x500: {  	v1 =	vadd.f32 v3, v1  }
0x501: {  	v3 =	vld [tilespmem:s17+$0xE9C0]  }
0x502: {  	v1 =	vadd.f32 v4, v1  }
0x503: {  	v4 =	vld [tilespmem:s17+$0xEA00]  }
0x504: {  	v1 =	vadd.f32 v2, v1  }
0x505: {  	v2 =	vld [tilespmem:s17+$0xEA40]  }
0x506: {  	v1 =	vadd.f32 v3, v1  }
0x507: {  	v3 =	vld [tilespmem:s17+$0xEA80]  }
0x508: {  	v1 =	vadd.f32 v4, v1  }
0x509: {  	v4 =	vld [tilespmem:s17+$0xEAC0]  }
0x50a: {  	v1 =	vadd.f32 v2, v1  }
0x50b: {  	v2 =	vld [tilespmem:s17+$0xEB00]  }
0x50c: {  	v1 =	vadd.f32 v3, v1  }
0x50d: {  	v3 =	vld [tilespmem:s17+$0xEB40]  }
0x50e: {  	v1 =	vadd.f32 v4, v1  }
0x50f: {  	v4 =	vld [tilespmem:s17+$0xEB80]  }
0x510: {  	v1 =	vadd.f32 v2, v1  }
0x511: {  	v2 =	vld [tilespmem:s17+$0xEBC0]  }
0x512: {  	v1 =	vadd.f32 v3, v1  }
0x513: {  	v3 =	vld [tilespmem:s17+$0xEC00]  }
0x514: {  	v1 =	vadd.f32 v4, v1  }
0x515: {  	v4 =	vld [tilespmem:s17+$0xEC40]  }
0x516: {  	v1 =	vadd.f32 v2, v1  }
0x517: {  	v2 =	vld [tilespmem:s17+$0xEC80]  }
0x518: {  	v1 =	vadd.f32 v3, v1  }
0x519: {  	v3 =	vld [tilespmem:s17+$0xECC0]  }
0x51a: {  	v1 =	vadd.f32 v4, v1  }
0x51b: {  	v4 =	vld [tilespmem:s17+$0xED00]  }
0x51c: {  	v1 =	vadd.f32 v2, v1  }
0x51d: {  	v2 =	vld [tilespmem:s17+$0xED40]  }
0x51e: {  	v1 =	vadd.f32 v3, v1;
	_ =	sdelay $0x1  }
0x51f: {  	v1 =	vadd.f32 v4, v1;
	_ =	sdelay $0x1  }
0x520: {  	s15 =	sshll.u32 s18, $0x6;
	v1 =	vadd.f32 v2, v1  }
0x521: {  	s15 =	sand.u32 $0x3FFFFFC0, s15  }
0x522: {  	[tilespmem:v0+s15+$0x0 ss:$0x1] =	vst.idx.msk $0xffff, v1  }
0x523: {  	v1 =	vld [tilespmem:s17+$0xE110]  }
0x524: {  	v2 =	vld [tilespmem:s17+$0xE150];
	_ =	sdelay $0x1  }
0x525: {  	v3 =	vld [tilespmem:s17+$0xE190];
	_ =	sdelay $0x1  }
0x526: {  	v4 =	vld [tilespmem:s17+$0xE1D0]  }
0x527: {  	v1 =	vadd.f32 v2, v1  }
0x528: {  	v2 =	vld [tilespmem:s17+$0xE210]  }
0x529: {  	v1 =	vadd.f32 v3, v1  }
0x52a: {  	v3 =	vld [tilespmem:s17+$0xE250]  }
0x52b: {  	v1 =	vadd.f32 v4, v1  }
0x52c: {  	v4 =	vld [tilespmem:s17+$0xE290]  }
0x52d: {  	v1 =	vadd.f32 v2, v1  }
0x52e: {  	v2 =	vld [tilespmem:s17+$0xE2D0]  }
0x52f: {  	v1 =	vadd.f32 v3, v1  }
0x530: {  	v3 =	vld [tilespmem:s17+$0xE310]  }
0x531: {  	v1 =	vadd.f32 v4, v1  }
0x532: {  	v4 =	vld [tilespmem:s17+$0xE350]  }
0x533: {  	v1 =	vadd.f32 v2, v1  }
0x534: {  	v2 =	vld [tilespmem:s17+$0xE390]  }
0x535: {  	v1 =	vadd.f32 v3, v1  }
0x536: {  	v3 =	vld [tilespmem:s17+$0xE3D0]  }
0x537: {  	v1 =	vadd.f32 v4, v1  }
0x538: {  	v4 =	vld [tilespmem:s17+$0xE410]  }
0x539: {  	v1 =	vadd.f32 v2, v1  }
0x53a: {  	v2 =	vld [tilespmem:s17+$0xE450]  }
0x53b: {  	v1 =	vadd.f32 v3, v1  }
0x53c: {  	v3 =	vld [tilespmem:s17+$0xE490]  }
0x53d: {  	v1 =	vadd.f32 v4, v1  }
0x53e: {  	v4 =	vld [tilespmem:s17+$0xE4D0]  }
0x53f: {  	v1 =	vadd.f32 v2, v1  }
0x540: {  	v2 =	vld [tilespmem:s17+$0xE510]  }
0x541: {  	v1 =	vadd.f32 v3, v1  }
0x542: {  	v3 =	vld [tilespmem:s17+$0xE550]  }
0x543: {  	v1 =	vadd.f32 v4, v1  }
0x544: {  	v4 =	vld [tilespmem:s17+$0xE590]  }
0x545: {  	v1 =	vadd.f32 v2, v1  }
0x546: {  	v2 =	vld [tilespmem:s17+$0xE5D0]  }
0x547: {  	v1 =	vadd.f32 v3, v1  }
0x548: {  	v3 =	vld [tilespmem:s17+$0xE610]  }
0x549: {  	v1 =	vadd.f32 v4, v1  }
0x54a: {  	v4 =	vld [tilespmem:s17+$0xE650]  }
0x54b: {  	v1 =	vadd.f32 v2, v1  }
0x54c: {  	v2 =	vld [tilespmem:s17+$0xE690]  }
0x54d: {  	v1 =	vadd.f32 v3, v1  }
0x54e: {  	v3 =	vld [tilespmem:s17+$0xE6D0]  }
0x54f: {  	v1 =	vadd.f32 v4, v1  }
0x550: {  	v4 =	vld [tilespmem:s17+$0xE710]  }
0x551: {  	v1 =	vadd.f32 v2, v1  }
0x552: {  	v2 =	vld [tilespmem:s17+$0xE750]  }
0x553: {  	v1 =	vadd.f32 v3, v1  }
0x554: {  	v3 =	vld [tilespmem:s17+$0xE790]  }
0x555: {  	v1 =	vadd.f32 v4, v1  }
0x556: {  	v4 =	vld [tilespmem:s17+$0xE7D0]  }
0x557: {  	v1 =	vadd.f32 v2, v1  }
0x558: {  	v2 =	vld [tilespmem:s17+$0xE810]  }
0x559: {  	v1 =	vadd.f32 v3, v1  }
0x55a: {  	v3 =	vld [tilespmem:s17+$0xE850]  }
0x55b: {  	v1 =	vadd.f32 v4, v1  }
0x55c: {  	v4 =	vld [tilespmem:s17+$0xE890]  }
0x55d: {  	v1 =	vadd.f32 v2, v1  }
0x55e: {  	v2 =	vld [tilespmem:s17+$0xE8D0]  }
0x55f: {  	v1 =	vadd.f32 v3, v1  }
0x560: {  	v3 =	vld [tilespmem:s17+$0xE910]  }
0x561: {  	v1 =	vadd.f32 v4, v1  }
0x562: {  	v4 =	vld [tilespmem:s17+$0xE950]  }
0x563: {  	v1 =	vadd.f32 v2, v1  }
0x564: {  	v2 =	vld [tilespmem:s17+$0xE990]  }
0x565: {  	v1 =	vadd.f32 v3, v1  }
0x566: {  	v3 =	vld [tilespmem:s17+$0xE9D0]  }
0x567: {  	v1 =	vadd.f32 v4, v1  }
0x568: {  	v4 =	vld [tilespmem:s17+$0xEA10]  }
0x569: {  	v1 =	vadd.f32 v2, v1  }
0x56a: {  	v2 =	vld [tilespmem:s17+$0xEA50]  }
0x56b: {  	v1 =	vadd.f32 v3, v1  }
0x56c: {  	v3 =	vld [tilespmem:s17+$0xEA90]  }
0x56d: {  	v1 =	vadd.f32 v4, v1  }
0x56e: {  	v4 =	vld [tilespmem:s17+$0xEAD0]  }
0x56f: {  	v1 =	vadd.f32 v2, v1  }
0x570: {  	v2 =	vld [tilespmem:s17+$0xEB10]  }
0x571: {  	v1 =	vadd.f32 v3, v1  }
0x572: {  	v3 =	vld [tilespmem:s17+$0xEB50]  }
0x573: {  	v1 =	vadd.f32 v4, v1  }
0x574: {  	v4 =	vld [tilespmem:s17+$0xEB90]  }
0x575: {  	v1 =	vadd.f32 v2, v1  }
0x576: {  	v2 =	vld [tilespmem:s17+$0xEBD0]  }
0x577: {  	v1 =	vadd.f32 v3, v1  }
0x578: {  	v3 =	vld [tilespmem:s17+$0xEC10]  }
0x579: {  	v1 =	vadd.f32 v4, v1  }
0x57a: {  	v4 =	vld [tilespmem:s17+$0xEC50]  }
0x57b: {  	v1 =	vadd.f32 v2, v1  }
0x57c: {  	v2 =	vld [tilespmem:s17+$0xEC90]  }
0x57d: {  	v1 =	vadd.f32 v3, v1  }
0x57e: {  	v3 =	vld [tilespmem:s17+$0xECD0]  }
0x57f: {  	v1 =	vadd.f32 v4, v1  }
0x580: {  	v4 =	vld [tilespmem:s17+$0xED10]  }
0x581: {  	v1 =	vadd.f32 v2, v1  }
0x582: {  	v2 =	vld [tilespmem:s17+$0xED50]  }
0x583: {  	v1 =	vadd.f32 v3, v1;
	_ =	sdelay $0x1  }
0x584: {  	v1 =	vadd.f32 v4, v1;
	_ =	sdelay $0x1  }
0x585: {  	v1 =	vadd.f32 v2, v1;
	_ =	sdelay $0x1  }
0x586: {  	[tilespmem:v0+s15+$0x10 ss:$0x1] =	vst.idx.msk $0xffff, v1  }
0x587: {  	v1 =	vld [tilespmem:s17+$0xE120]  }
0x588: {  	v2 =	vld [tilespmem:s17+$0xE160];
	_ =	sdelay $0x1  }
0x589: {  	v3 =	vld [tilespmem:s17+$0xE1A0];
	_ =	sdelay $0x1  }
0x58a: {  	v4 =	vld [tilespmem:s17+$0xE1E0]  }
0x58b: {  	v1 =	vadd.f32 v2, v1  }
0x58c: {  	v2 =	vld [tilespmem:s17+$0xE220]  }
0x58d: {  	v1 =	vadd.f32 v3, v1  }
0x58e: {  	v3 =	vld [tilespmem:s17+$0xE260]  }
0x58f: {  	v1 =	vadd.f32 v4, v1  }
0x590: {  	v4 =	vld [tilespmem:s17+$0xE2A0]  }
0x591: {  	v1 =	vadd.f32 v2, v1  }
0x592: {  	v2 =	vld [tilespmem:s17+$0xE2E0]  }
0x593: {  	v1 =	vadd.f32 v3, v1  }
0x594: {  	v3 =	vld [tilespmem:s17+$0xE320]  }
0x595: {  	v1 =	vadd.f32 v4, v1  }
0x596: {  	v4 =	vld [tilespmem:s17+$0xE360]  }
0x597: {  	v1 =	vadd.f32 v2, v1  }
0x598: {  	v2 =	vld [tilespmem:s17+$0xE3A0]  }
0x599: {  	v1 =	vadd.f32 v3, v1  }
0x59a: {  	v3 =	vld [tilespmem:s17+$0xE3E0]  }
0x59b: {  	v1 =	vadd.f32 v4, v1  }
0x59c: {  	v4 =	vld [tilespmem:s17+$0xE420]  }
0x59d: {  	v1 =	vadd.f32 v2, v1  }
0x59e: {  	v2 =	vld [tilespmem:s17+$0xE460]  }
0x59f: {  	v1 =	vadd.f32 v3, v1  }
0x5a0: {  	v3 =	vld [tilespmem:s17+$0xE4A0]  }
0x5a1: {  	v1 =	vadd.f32 v4, v1  }
0x5a2: {  	v4 =	vld [tilespmem:s17+$0xE4E0]  }
0x5a3: {  	v1 =	vadd.f32 v2, v1  }
0x5a4: {  	v2 =	vld [tilespmem:s17+$0xE520]  }
0x5a5: {  	v1 =	vadd.f32 v3, v1  }
0x5a6: {  	v3 =	vld [tilespmem:s17+$0xE560]  }
0x5a7: {  	v1 =	vadd.f32 v4, v1  }
0x5a8: {  	v4 =	vld [tilespmem:s17+$0xE5A0]  }
0x5a9: {  	v1 =	vadd.f32 v2, v1  }
0x5aa: {  	v2 =	vld [tilespmem:s17+$0xE5E0]  }
0x5ab: {  	v1 =	vadd.f32 v3, v1  }
0x5ac: {  	v3 =	vld [tilespmem:s17+$0xE620]  }
0x5ad: {  	v1 =	vadd.f32 v4, v1  }
0x5ae: {  	v4 =	vld [tilespmem:s17+$0xE660]  }
0x5af: {  	v1 =	vadd.f32 v2, v1  }
0x5b0: {  	v2 =	vld [tilespmem:s17+$0xE6A0]  }
0x5b1: {  	v1 =	vadd.f32 v3, v1  }
0x5b2: {  	v3 =	vld [tilespmem:s17+$0xE6E0]  }
0x5b3: {  	v1 =	vadd.f32 v4, v1  }
0x5b4: {  	v4 =	vld [tilespmem:s17+$0xE720]  }
0x5b5: {  	v1 =	vadd.f32 v2, v1  }
0x5b6: {  	v2 =	vld [tilespmem:s17+$0xE760]  }
0x5b7: {  	v1 =	vadd.f32 v3, v1  }
0x5b8: {  	v3 =	vld [tilespmem:s17+$0xE7A0]  }
0x5b9: {  	v1 =	vadd.f32 v4, v1  }
0x5ba: {  	v4 =	vld [tilespmem:s17+$0xE7E0]  }
0x5bb: {  	v1 =	vadd.f32 v2, v1  }
0x5bc: {  	v2 =	vld [tilespmem:s17+$0xE820]  }
0x5bd: {  	v1 =	vadd.f32 v3, v1  }
0x5be: {  	v3 =	vld [tilespmem:s17+$0xE860]  }
0x5bf: {  	v1 =	vadd.f32 v4, v1  }
0x5c0: {  	v4 =	vld [tilespmem:s17+$0xE8A0]  }
0x5c1: {  	v1 =	vadd.f32 v2, v1  }
0x5c2: {  	v2 =	vld [tilespmem:s17+$0xE8E0]  }
0x5c3: {  	v1 =	vadd.f32 v3, v1  }
0x5c4: {  	v3 =	vld [tilespmem:s17+$0xE920]  }
0x5c5: {  	v1 =	vadd.f32 v4, v1  }
0x5c6: {  	v4 =	vld [tilespmem:s17+$0xE960]  }
0x5c7: {  	v1 =	vadd.f32 v2, v1  }
0x5c8: {  	v2 =	vld [tilespmem:s17+$0xE9A0]  }
0x5c9: {  	v1 =	vadd.f32 v3, v1  }
0x5ca: {  	v3 =	vld [tilespmem:s17+$0xE9E0]  }
0x5cb: {  	v1 =	vadd.f32 v4, v1  }
0x5cc: {  	v4 =	vld [tilespmem:s17+$0xEA20]  }
0x5cd: {  	v1 =	vadd.f32 v2, v1  }
0x5ce: {  	v2 =	vld [tilespmem:s17+$0xEA60]  }
0x5cf: {  	v1 =	vadd.f32 v3, v1  }
0x5d0: {  	v3 =	vld [tilespmem:s17+$0xEAA0]  }
0x5d1: {  	v1 =	vadd.f32 v4, v1  }
0x5d2: {  	v4 =	vld [tilespmem:s17+$0xEAE0]  }
0x5d3: {  	v1 =	vadd.f32 v2, v1  }
0x5d4: {  	v2 =	vld [tilespmem:s17+$0xEB20]  }
0x5d5: {  	v1 =	vadd.f32 v3, v1  }
0x5d6: {  	v3 =	vld [tilespmem:s17+$0xEB60]  }
0x5d7: {  	v1 =	vadd.f32 v4, v1  }
0x5d8: {  	v4 =	vld [tilespmem:s17+$0xEBA0]  }
0x5d9: {  	v1 =	vadd.f32 v2, v1  }
0x5da: {  	v2 =	vld [tilespmem:s17+$0xEBE0]  }
0x5db: {  	v1 =	vadd.f32 v3, v1  }
0x5dc: {  	v3 =	vld [tilespmem:s17+$0xEC20]  }
0x5dd: {  	v1 =	vadd.f32 v4, v1  }
0x5de: {  	v4 =	vld [tilespmem:s17+$0xEC60]  }
0x5df: {  	v1 =	vadd.f32 v2, v1  }
0x5e0: {  	v2 =	vld [tilespmem:s17+$0xECA0]  }
0x5e1: {  	v1 =	vadd.f32 v3, v1  }
0x5e2: {  	v3 =	vld [tilespmem:s17+$0xECE0]  }
0x5e3: {  	v1 =	vadd.f32 v4, v1  }
0x5e4: {  	v4 =	vld [tilespmem:s17+$0xED20]  }
0x5e5: {  	v1 =	vadd.f32 v2, v1  }
0x5e6: {  	v2 =	vld [tilespmem:s17+$0xED60]  }
0x5e7: {  	v1 =	vadd.f32 v3, v1;
	_ =	sdelay $0x1  }
0x5e8: {  	v1 =	vadd.f32 v4, v1;
	_ =	sdelay $0x1  }
0x5e9: {  	v1 =	vadd.f32 v2, v1;
	_ =	sdelay $0x1  }
0x5ea: {  	[tilespmem:v0+s15+$0x20 ss:$0x1] =	vst.idx.msk $0xffff, v1  }
0x5eb: {  	v1 =	vld [tilespmem:s17+$0xE130]  }
0x5ec: {  	v2 =	vld [tilespmem:s17+$0xE170]  }
0x5ed: {  	v3 =	vld [tilespmem:s17+$0xE1B0]  }
0x5ee: {  	v4 =	vld [tilespmem:s17+$0xE1F0]  }
0x5ef: {  	v5 =	vld [tilespmem:s17+$0xE230]  }
0x5f0: {  	v6 =	vld [tilespmem:s17+$0xE270]  }
0x5f1: {  	v1 =	vadd.f32 v2, v1;
	v2 =	vld [tilespmem:s17+$0xE2B0]  }
0x5f2: {  	v7 =	vld [tilespmem:s17+$0xE2F0]  }
0x5f3: {  	v1 =	vadd.f32 v3, v1;
	v3 =	vld [tilespmem:s17+$0xE330]  }
0x5f4: {  	v8 =	vld [tilespmem:s17+$0xE370]  }
0x5f5: {  	v1 =	vadd.f32 v4, v1;
	v4 =	vld [tilespmem:s17+$0xE3B0]  }
0x5f6: {  	v9 =	vld [tilespmem:s17+$0xE3F0]  }
0x5f7: {  	v1 =	vadd.f32 v5, v1;
	v5 =	vld [tilespmem:s17+$0xE430]  }
0x5f8: {  	v10 =	vld [tilespmem:s17+$0xE470]  }
0x5f9: {  	v1 =	vadd.f32 v6, v1;
	v6 =	vld [tilespmem:s17+$0xE4B0]  }
0x5fa: {  	v11 =	vld [tilespmem:s17+$0xE4F0]  }
0x5fb: {  	v1 =	vadd.f32 v2, v1;
	v2 =	vld [tilespmem:s17+$0xE530]  }
0x5fc: {  	v12 =	vld [tilespmem:s17+$0xE570]  }
0x5fd: {  	v1 =	vadd.f32 v7, v1;
	v7 =	vld [tilespmem:s17+$0xE5B0]  }
0x5fe: {  	v13 =	vld [tilespmem:s17+$0xE5F0]  }
0x5ff: {  	v1 =	vadd.f32 v3, v1;
	v3 =	vld [tilespmem:s17+$0xE630]  }
0x600: {  	v14 =	vld [tilespmem:s17+$0xE670]  }
0x601: {  	v1 =	vadd.f32 v8, v1;
	v8 =	vld [tilespmem:s17+$0xE6B0]  }
0x602: {  	v15 =	vld [tilespmem:s17+$0xE6F0]  }
0x603: {  	v1 =	vadd.f32 v4, v1;
	v4 =	vld [tilespmem:s17+$0xE730]  }
0x604: {  	v16 =	vld [tilespmem:s17+$0xE770]  }
0x605: {  	v1 =	vadd.f32 v9, v1;
	v9 =	vld [tilespmem:s17+$0xE7B0]  }
0x606: {  	v17 =	vld [tilespmem:s17+$0xE7F0]  }
0x607: {  	v1 =	vadd.f32 v5, v1;
	v5 =	vld [tilespmem:s17+$0xE830]  }
0x608: {  	v18 =	vld [tilespmem:s17+$0xE870]  }
0x609: {  	v1 =	vadd.f32 v10, v1;
	v10 =	vld [tilespmem:s17+$0xE8B0]  }
0x60a: {  	v19 =	vld [tilespmem:s17+$0xE8F0]  }
0x60b: {  	v1 =	vadd.f32 v6, v1;
	v6 =	vld [tilespmem:s17+$0xE930]  }
0x60c: {  	v20 =	vld [tilespmem:s17+$0xE970]  }
0x60d: {  	v1 =	vadd.f32 v11, v1;
	v11 =	vld [tilespmem:s17+$0xE9B0]  }
0x60e: {  	v21 =	vld [tilespmem:s17+$0xE9F0]  }
0x60f: {  	v1 =	vadd.f32 v2, v1;
	v22 =	vld [tilespmem:s17+$0xEA30]  }
0x610: {  	v23 =	vld [tilespmem:s17+$0xEA70]  }
0x611: {  	v1 =	vadd.f32 v12, v1;
	v12 =	vld [tilespmem:s17+$0xEAB0]  }
0x612: {  	v24 =	vld [tilespmem:s17+$0xEAF0]  }
0x613: {  	v1 =	vadd.f32 v7, v1;
	v7 =	vld [tilespmem:s17+$0xEB30]  }
0x614: {  	v25 =	vld [tilespmem:s17+$0xEB70]  }
0x615: {  	v1 =	vadd.f32 v13, v1;
	v13 =	vld [tilespmem:s17+$0xEBB0]  }
0x616: {  	v26 =	vld [tilespmem:s17+$0xEBF0]  }
0x617: {  	v1 =	vadd.f32 v3, v1;
	v3 =	vld [tilespmem:s17+$0xEC30]  }
0x618: {  	v27 =	vld [tilespmem:s17+$0xEC70]  }
0x619: {  	v1 =	vadd.f32 v14, v1;
	v14 =	vld [tilespmem:s17+$0xECB0]  }
0x61a: {  	v28 =	vld [tilespmem:s17+$0xECF0]  }
0x61b: {  	v8 =	vadd.f32 v8, v1;
	v2 =	vld [tilespmem:s17+$0xED30]  }
0x61c: {  	v1 =	vld [tilespmem:s17+$0xED70]  }
0x61d: {  	v8 =	vadd.f32 v15, v8;
	_ =	sdelay $0x1  }
0x61e: {  	v4 =	vadd.f32 v4, v8;
	_ =	sdelay $0x1  }
0x61f: {  	v4 =	vadd.f32 v16, v4;
	_ =	sdelay $0x1  }
0x620: {  	v4 =	vadd.f32 v9, v4;
	_ =	sdelay $0x1  }
0x621: {  	v4 =	vadd.f32 v17, v4;
	_ =	sdelay $0x1  }
0x622: {  	v4 =	vadd.f32 v5, v4;
	_ =	sdelay $0x1  }
0x623: {  	v4 =	vadd.f32 v18, v4;
	_ =	sdelay $0x1  }
0x624: {  	v4 =	vadd.f32 v10, v4;
	_ =	sdelay $0x1  }
0x625: {  	v4 =	vadd.f32 v19, v4;
	_ =	sdelay $0x1  }
0x626: {  	v4 =	vadd.f32 v6, v4;
	_ =	sdelay $0x1  }
0x627: {  	v4 =	vadd.f32 v20, v4;
	_ =	sdelay $0x1  }
0x628: {  	v4 =	vadd.f32 v11, v4;
	_ =	sdelay $0x1  }
0x629: {  	v4 =	vadd.f32 v21, v4;
	_ =	sdelay $0x1  }
0x62a: {  	v4 =	vadd.f32 v22, v4;
	_ =	sdelay $0x1  }
0x62b: {  	v4 =	vadd.f32 v23, v4;
	_ =	sdelay $0x1  }
0x62c: {  	v4 =	vadd.f32 v12, v4;
	_ =	sdelay $0x1  }
0x62d: {  	v4 =	vadd.f32 v24, v4;
	_ =	sdelay $0x1  }
0x62e: {  	v4 =	vadd.f32 v7, v4;
	_ =	sdelay $0x1  }
0x62f: {  	v4 =	vadd.f32 v25, v4;
	_ =	sdelay $0x1  }
0x630: {  	v4 =	vadd.f32 v13, v4;
	_ =	sdelay $0x1  }
0x631: {  	v4 =	vadd.f32 v26, v4;
	_ =	sdelay $0x1  }
0x632: {  	v3 =	vadd.f32 v3, v4;
	_ =	sdelay $0x1  }
.Ltmp1:
0x633: {  	v3 =	vadd.f32 v27, v3;
	(pc) =	sbr.rel @p0 .LBB2_5-.Ltmp1, $3  }
0x634: {  	_ = 	snop  }
0x635: {  	v3 =	vadd.f32 v14, v3;
	_ =	sdelay $0x1  }
0x636: {  	v3 =	vadd.f32 v28, v3  }
0x637: {  	s14 =	sadd.s32 $0x1, s14  }
0x638: {  	p0 =	sne.s32 s14, $0x4  }
.Ltmp2:
0x639: {  	v2 =	vadd.f32 v2, v3;
	(pc) =	sbr.rel @p0 .LBB2_2-.Ltmp2, $3  }
0x63a: {  	_ = 	snop  }
0x63b: {  	v1 =	vadd.f32 v1, v2;
	_ =	sdelay $0x1  }
0x63c: {  	[tilespmem:v0+s15+$0x30 ss:$0x1] =	vst.idx.msk $0xffff, v1  }
0x63d: {  	_ =	swait.ge [sflag:s10], $0xC800;
	s13 =	sadd.s32 $0x1, s13  }
0x63e: {  	[sflag:s10] =	ssyncset.done $0x0;
	p0 =	sne.s32 s13, s6  }
.Ltmp3:
0x63f: {  	[sflag:s10] =	ssyncadd.s32 $0xFFFF3800;
	(pc) =	sbr.rel @p0 .LBB2_1-.Ltmp3, $4  }
0x640: {  	[hbm4b:s5+s2] =	stream.linear.scatter [tilespmem:s12], [sflag:$0x2], $0x2000, $0x38;
	[tilespmem:$0x1C900] =	vst v63  }
0x641: {  	_ =	swait.ge [sflag:s7], $0x2000  }
0x642: {  	[sflag:s7] =	ssyncset.done $0x0  }
0x643: {  	[sflag:s7] =	ssyncadd.s32 $0xFFFFE000  }
0x644: {  	_ =	sfence.sel $0x180000  }
0x645: {  	[bflag:$0x0] =	sbarrier.arrive $0xFFFF  }
0x646: {  	p0 =	sne.s32 s0, $0x0;
	_ =	strace $0x9000004A  }
0x647: {  	s0 =	sadd.s32 @!p0 $0x100000, s1;
	[bflag:$0x2] =	sbarrier.arrive $0xFFFF  }
0x648: {  	[sflag:s0] =	ssyncadd.tile.s32 @!p0 $0x1;
	_ =	shalt  }
.Lfunc_end2:
_tile_overlayer_lowered:
.L_overlay_start_2:
0x649: {  	(tag) =	ssettag $0x2  }
0x64a: {  	s0 =	rddreg [dreg:$0x0];
	s2 =	stileid.u32  }
0x64b: {  	s1 =	rddreg [dreg:$0x1];
	p0 =	sne.s32 s2, $0x0  }
0x64c: {  	s3 =	rddreg [dreg:$0x2];
	[bflag:$0x3] =	sbarrier.arrive $0xFFFF;
	s2 =	simm.s32 @!p0 $0x1C02  }
0x64d: {  	[timem:s3], [sflag:s2] =	dma.local @!p0 [hbm:s0], s1  }
0x64e: {  	s0 =	simm.s32 @!p0 $0x2  }
0x64f: {  	_ =	swait.ge @!p0 [sflag:s0], s1  }
0x650: {  	s1 =	ssub.s32 @!p0 $0x0, s1;
	[sflag:s0] =	ssyncset.done @!p0 $0x0  }
0x651: {  	[sflag:s0] =	ssyncadd.s32 @!p0 s1  }
0x652: {  	[bflag:$0x3] =	sbarrier.arrive $0xFFFF  }
0x653: {  	_ =	shalt  }

</sc_bundles>
